<compile_context>
chip_gen: v7x
topology: tpu7x:2x2x1
jax: 0.10.2.dev20260603
libtpu: 0.0.44.dev20260713+nightly
codegen_flags: <defaults>
</compile_context>

<pallas_src>
import functools
import math

import jax
import jax.numpy as jnp
import numpy as np
from jax import lax
from jax.experimental import pallas as pl
from jax.experimental.pallas import tpu as pltpu
from jax.experimental.pallas import tpu_sc as plsc

VOCAB = 100000
HIDDEN = 1024
ROT = 128
BASE_LEN = 2048
STAGE1 = 4096
MAXLEN = 8192
THETA = 10000.0
SCALE = math.sqrt(HIDDEN)

NC = 2
NS = 16
L = 16
NW = NC * NS
FHALF = ROT // 2

CHUNK = 32
NBUF = 3


def _find_correction_dim(num_rotations, dim, base, max_pos):
    return (dim * math.log(max_pos / (num_rotations * 2.0 * math.pi))) / (
        2.0 * math.log(base))


def _yarn_scale_np(inv_freq, scale, orig_len, beta_fast=32.0, beta_slow=1.0):
    dim_half = inv_freq.shape[0]
    low = max(math.floor(_find_correction_dim(beta_fast, ROT, THETA, orig_len)), 0)
    high = min(math.ceil(_find_correction_dim(beta_slow, ROT, THETA, orig_len)),
               dim_half - 1)
    ramp = np.clip(
        (np.arange(dim_half, dtype=np.float32) - low) / max(high - low, 1e-3),
        0.0, 1.0).astype(np.float32)
    extrap_mask = (1.0 - ramp).astype(np.float32)
    inv_freq_interp = (inv_freq / np.float32(scale)).astype(np.float32)
    return (inv_freq_interp * (1.0 - extrap_mask)
            + inv_freq * extrap_mask).astype(np.float32)


def _inv_freq_np(target_len):
    inv_freq = (1.0 / (np.float32(THETA) ** (
        np.arange(0, ROT, 2, dtype=np.float32) / np.float32(ROT)))).astype(
            np.float32)
    if target_len > BASE_LEN:
        inv_freq = _yarn_scale_np(inv_freq, float(STAGE1) / float(BASE_LEN),
                                  BASE_LEN)
    if target_len > STAGE1:
        inv_freq = _yarn_scale_np(inv_freq, float(MAXLEN) / float(STAGE1),
                                  STAGE1)
    return inv_freq


def _freqs_tc(invf, seq_len):
    blk = 512

    def body(invf_ref, out_ref):
        pid = pl.program_id(0)
        t = (pid * blk + lax.broadcasted_iota(jnp.int32, (blk, FHALF), 0)
             ).astype(jnp.float32)
        out_ref[...] = t * invf_ref[...]

    return pl.pallas_call(
        body,
        grid=(seq_len // blk,),
        in_specs=[pl.BlockSpec((1, FHALF), lambda i: (0, 0))],
        out_specs=pl.BlockSpec((blk, FHALF), lambda i: (i, 0)),
        out_shape=jax.ShapeDtypeStruct((seq_len, FHALF), jnp.float32),
    )(invf.reshape(1, FHALF))


def _make_sc_call(batch, seq_len):
    n_tok = batch * seq_len
    assert n_tok % NW == 0
    tok_per_w = n_tok // NW
    spans_per_row = seq_len // tok_per_w
    assert tok_per_w % CHUNK == 0
    n_chunks = tok_per_w // CHUNK

    mesh = plsc.VectorSubcoreMesh(core_axis_name="c", subcore_axis_name="s")

    @functools.partial(
        pl.kernel,
        mesh=mesh,
        out_type=jax.ShapeDtypeStruct((batch, seq_len, HIDDEN), jnp.float32),
        scratch_types=[
            pltpu.VMEM((tok_per_w,), jnp.int32),
            pltpu.VMEM((CHUNK, HIDDEN), jnp.float32),
            pltpu.VMEM((CHUNK, HIDDEN), jnp.float32),
            pltpu.VMEM((CHUNK, HIDDEN), jnp.float32),
            pltpu.SemaphoreType.DMA,
            pltpu.SemaphoreType.DMA,
            pltpu.SemaphoreType.DMA,
            pltpu.SemaphoreType.DMA,
            pltpu.SemaphoreType.DMA,
            pltpu.SemaphoreType.DMA,
        ],
    )
    def sc_call(ids_hbm, table_hbm, x_hbm,
                idx_all, rows0, rows1, rows2,
                gsem0, gsem1, gsem2, ssem0, ssem1, ssem2):
        wid = lax.axis_index("s") * NC + lax.axis_index("c")
        rows = (rows0, rows1, rows2)
        gsem = (gsem0, gsem1, gsem2)
        ssem = (ssem0, ssem1, ssem2)
        bidx = wid // spans_per_row
        soff = (wid % spans_per_row) * tok_per_w

        pltpu.sync_copy(ids_hbm.at[bidx, pl.ds(soff, tok_per_w)], idx_all)

        sizes = [8, 24] + [CHUNK] * (tok_per_w // CHUNK - 2) + [16, 8, 8]
        assert sum(sizes) == tok_per_w and all(s % 8 == 0 for s in sizes)
        offs = [0]
        for s in sizes[:-1]:
            offs.append(offs[-1] + s)
        n_ch = len(sizes)

        def gather(k, b):
            return pltpu.async_copy(
                table_hbm.at[idx_all.at[pl.ds(offs[k], sizes[k])]],
                rows[b].at[pl.ds(0, sizes[k])], gsem[b])

        def wait_gather(k, b):
            pltpu.make_async_copy(
                table_hbm.at[idx_all.at[pl.ds(offs[k], sizes[k])]],
                rows[b].at[pl.ds(0, sizes[k])], gsem[b]).wait()

        def scatter(k, b):
            return pltpu.async_copy(
                rows[b].at[pl.ds(0, sizes[k])],
                x_hbm.at[bidx, pl.ds(soff + offs[k], sizes[k])],
                ssem[b])

        def wait_scatter(k, b):
            pltpu.make_async_copy(
                rows[b].at[pl.ds(0, sizes[k])],
                x_hbm.at[bidx, pl.ds(soff + offs[k], sizes[k])],
                ssem[b]).wait()

        def scale_rows(rv, n):
            def row(r, c2):
                def vec(j, c3):
                    sl = pl.ds(j * L, L)
                    rv[r, sl] = rv[r, sl] * SCALE
                    return c3
                lax.fori_loop(0, HIDDEN // L, vec, None, unroll=8)
                return c2
            lax.fori_loop(0, n, row, None)

        gather(0, 0)
        gather(1, 1)
        for k in range(n_ch):
            b = k % NBUF
            wait_gather(k, b)
            nxt = k + 2
            if nxt < n_ch:
                nb = nxt % NBUF
                if nxt - NBUF >= 0:
                    wait_scatter(nxt - NBUF, nb)
                gather(nxt, nb)
            scale_rows(rows[b], sizes[k])
            scatter(k, b)
        for k in range(n_ch - NBUF, n_ch):
            wait_scatter(k, k % NBUF)

    return sc_call


def kernel(input_ids, token_embed_weight):
    batch, seq_len = input_ids.shape
    invf = jnp.asarray(_inv_freq_np(seq_len))
    sc_call = _make_sc_call(batch, seq_len)
    x = sc_call(input_ids, token_embed_weight)
    freqs = _freqs_tc(invf, seq_len)
    return x, freqs

# --- scband reference (transcript-rebuilt; emitter-appended) ---
"""Pipeline reference for scband-embeddings-10445360464498 (READ-ONLY COPY).

The authoritative reference and input builder live on the scoring server;
editing this copy changes nothing except your own understanding.
"""

import jax, jax.numpy as jnp
import numpy as np
import math

VOCAB = 100000
HIDDEN = 1024
ROT = 128
BASE_LEN = 2048
STAGE1 = 4096
MAXLEN = 8192
THETA = 10000.0
BATCH = 4
SEQ = 4096


def rotary_base_freqs(seq_len):
    # RotaryEmbedding(rotary_dim): inv_freq over even dims, outer with positions
    inv_freq = 1.0 / (THETA ** (jnp.arange(0, ROT, 2, dtype=jnp.float32) / ROT))
    t = jnp.arange(seq_len, dtype=jnp.float32)
    return jnp.outer(t, inv_freq)  # [seq_len, ROT//2]


def _find_correction_dim(num_rotations, dim, base, max_pos):
    return (dim * math.log(max_pos / (num_rotations * 2.0 * math.pi))) / (2.0 * math.log(base))


def _yarn_scale(inv_freq, scale, orig_len, beta_fast=32.0, beta_slow=1.0):
    # NTK-by-parts interpolation (YaRN) applied to a single stage
    dim_half = inv_freq.shape[0]
    low = max(math.floor(_find_correction_dim(beta_fast, ROT, THETA, orig_len)), 0)
    high = min(math.ceil(_find_correction_dim(beta_slow, ROT, THETA, orig_len)), dim_half - 1)
    ramp = jnp.clip((jnp.arange(dim_half, dtype=jnp.float32) - low) / max(high - low, 1e-3), 0.0, 1.0)
    extrap_mask = 1.0 - ramp
    inv_freq_interp = inv_freq / scale
    return inv_freq_interp * (1.0 - extrap_mask) + inv_freq * extrap_mask


def apply_yarn_rotary(base_freqs, target_len, stage1_len, max_seq_len):
    # two-stage decoupled YaRN: stage1 scales base->stage1, stage2 scales stage1->max
    base_len = base_freqs.shape[0]
    inv_freq = base_freqs[1]  # row at position 1 == inv_freq
    if target_len > base_len:
        inv_freq = _yarn_scale(inv_freq, float(stage1_len) / float(base_len), base_len)
    if target_len > stage1_len:
        inv_freq = _yarn_scale(inv_freq, float(max_seq_len) / float(stage1_len), stage1_len)
    t = jnp.arange(target_len, dtype=jnp.float32)
    return jnp.outer(t, inv_freq)  # [target_len, ROT//2]


def setup_inputs(seed: int = 0) -> dict:
    key = jax.random.key(seed)
    k1, k2 = jax.random.split(key)
    input_ids = jax.random.randint(k1, (BATCH, SEQ), 0, VOCAB, dtype=jnp.int32)
    token_embed_weight = jax.random.normal(k2, (VOCAB, HIDDEN), dtype=jnp.float32) * 0.02
    return {"input_ids": input_ids, "token_embed_weight": token_embed_weight}


def reference(input_ids, token_embed_weight):
    # embedding gather (SparseCore-friendly) + scale
    x = jnp.take(token_embed_weight, input_ids, axis=0) * math.sqrt(HIDDEN)
    seq_len = input_ids.shape[1]
    base_freqs = rotary_base_freqs(BASE_LEN)
    freqs = apply_yarn_rotary(base_freqs, seq_len, STAGE1, MAXLEN)
    # dropout in eval mode == identity
    return (x, freqs)

if __name__ == "__main__":
    import jax
    _d = setup_inputs()
    print(jax.jit(kernel)(*tuple(_d.values())))

</pallas_src>

<mosaic_0001>
#map = affine_map<(d0, d1) -> (0, 0)>
#map1 = affine_map<(d0, d1) -> (0, 0, 0)>
module attributes {stable_mosaic.version = 14 : i64} {
  func.func @sc_call(%arg0: i32, %arg1: i32, %arg2: memref<4x4096xi32, #tpu.memory_space<hbm>>, %arg3: memref<100000x1024xf32, #tpu.memory_space<hbm>>, %arg4: memref<4x4096x1024xf32, #tpu.memory_space<hbm>>, %arg5: memref<512xi32, #tpu.memory_space<vmem>>, %arg6: memref<32x1024xf32, #tpu.memory_space<vmem>>, %arg7: memref<32x1024xf32, #tpu.memory_space<vmem>>, %arg8: memref<32x1024xf32, #tpu.memory_space<vmem>>, %arg9: memref<!tpu.dma_semaphore, #tpu.memory_space<semaphore_mem>>, %arg10: memref<!tpu.dma_semaphore, #tpu.memory_space<semaphore_mem>>, %arg11: memref<!tpu.dma_semaphore, #tpu.memory_space<semaphore_mem>>, %arg12: memref<!tpu.dma_semaphore, #tpu.memory_space<semaphore_mem>>, %arg13: memref<!tpu.dma_semaphore, #tpu.memory_space<semaphore_mem>>, %arg14: memref<!tpu.dma_semaphore, #tpu.memory_space<semaphore_mem>>) attributes {dimension_semantics = [#tpu.dimension_semantics<core_parallel>, #tpu.dimension_semantics<subcore_parallel>], iteration_bounds = array<i64: 2, 16>, scalar_prefetch = 0 : i64, scratch_operands = 10 : i64, tpu.core_type = #tpu.core_type<sc_vector_subcore>, window_params = [{transform_indices = #map}, {transform_indices = #map}, {transform_indices = #map1}]} {
    %mul3A = arith.constant 2 : i32
    %mul3A_0 = arith.muli %arg1, %mul3A : i32
    %add3A = arith.addi %mul3A_0, %arg0 : i32
    %jit3A = arith.constant 8 : i32
    %div3A = arith.divsi %add3A, %jit3A : i32
    %sign3A = arith.constant 0 : i32
    %sign3A_1 = arith.cmpi sgt, %add3A, %sign3A : i32
    %sign3A_2 = arith.extui %sign3A_1 : i1 to i32
    %sign3A_3 = arith.constant 0 : i32
    %sign3A_4 = arith.cmpi slt, %add3A, %sign3A_3 : i32
    %sign3A_5 = arith.extui %sign3A_4 : i1 to i32
    %sign3A_6 = arith.subi %sign3A_2, %sign3A_5 : i32
    %sign3A_7 = arith.constant 0 : i32
    %sign3A_8 = arith.cmpi sgt, %jit3A, %sign3A_7 : i32
    %sign3A_9 = arith.extui %sign3A_8 : i1 to i32
    %sign3A_10 = arith.constant 0 : i32
    %sign3A_11 = arith.cmpi slt, %jit3A, %sign3A_10 : i32
    %sign3A_12 = arith.extui %sign3A_11 : i1 to i32
    %sign3A_13 = arith.subi %sign3A_9, %sign3A_12 : i32
    %ne3A = arith.cmpi ne, %sign3A_6, %sign3A_13 : i32
    %rem3A = arith.remsi %add3A, %jit3A : i32
    %ne3A_14 = arith.constant 0 : i32
    %ne3A_15 = arith.cmpi ne, %rem3A, %ne3A_14 : i32
    %and3A = arith.andi %ne3A, %ne3A_15 : i1
    %sub3A = arith.constant 1 : i32
    %sub3A_16 = arith.subi %div3A, %sub3A : i32
    %select_n3A = arith.select %and3A, %sub3A_16, %div3A : i32
    %jit3A_17 = arith.constant 8 : i32
    %eq3A = arith.constant 0 : i32
    %eq3A_18 = arith.cmpi eq, %jit3A_17, %eq3A : i32
    %jit3A_19 = arith.constant 1 : i32
    %select_n3A_20 = arith.select %eq3A_18, %jit3A_19, %jit3A_17 : i32
    %rem3A_21 = arith.remsi %add3A, %select_n3A_20 : i32
    %ne3A_22 = arith.constant 0 : i32
    %ne3A_23 = arith.cmpi ne, %rem3A_21, %ne3A_22 : i32
    %lt3A = arith.constant 0 : i32
    %lt3A_24 = arith.cmpi slt, %rem3A_21, %lt3A : i32
    %lt3A_25 = arith.constant 0 : i32
    %lt3A_26 = arith.cmpi slt, %select_n3A_20, %lt3A_25 : i32
    %ne3A_27 = arith.xori %lt3A_24, %lt3A_26 : i1
    %and3A_28 = arith.andi %ne3A_27, %ne3A_23 : i1
    %add3A_29 = arith.addi %rem3A_21, %select_n3A_20 : i32
    %select_n3A_30 = arith.select %and3A_28, %add3A_29, %rem3A_21 : i32
    %mul3A_31 = arith.constant 512 : i32
    %mul3A_32 = arith.muli %select_n3A_30, %mul3A_31 : i32
    "tpu.region"() ({
      %run_scoped3A = tpu.sem_alloc : memref<!tpu.dma_semaphore, #tpu.memory_space<semaphore_mem>>
      %dma_start3A_961 = tpu.memref_slice %arg2[%select_n3A, %mul3A_32] : memref<4x4096xi32, #tpu.memory_space<hbm>> -> memref<1x512xi32, #tpu.memory_space<hbm>>
      %dma_start3A_962 = tpu.memref_squeeze %dma_start3A_961 : memref<1x512xi32, #tpu.memory_space<hbm>> -> memref<512xi32, #tpu.memory_space<hbm>>
      %dma_start3A_963 = tpu.memref_slice %arg2[%select_n3A, %mul3A_32] : memref<4x4096xi32, #tpu.memory_space<hbm>> -> memref<1x512xi32, #tpu.memory_space<hbm>>
      %dma_start3A_964 = tpu.memref_squeeze %dma_start3A_963 : memref<1x512xi32, #tpu.memory_space<hbm>> -> memref<512xi32, #tpu.memory_space<hbm>>
      tpu.enqueue_dma source(%dma_start3A_964 : memref<512xi32, #tpu.memory_space<hbm>>) target(%arg5 : memref<512xi32, #tpu.memory_space<vmem>>) target_semaphore(%run_scoped3A : memref<!tpu.dma_semaphore, #tpu.memory_space<semaphore_mem>>)
      %dma_wait3A_965 = tpu.memref_slice %arg2[%select_n3A, %mul3A_32] : memref<4x4096xi32, #tpu.memory_space<hbm>> -> memref<1x512xi32, #tpu.memory_space<hbm>>
      %dma_wait3A_966 = tpu.memref_squeeze %dma_wait3A_965 : memref<1x512xi32, #tpu.memory_space<hbm>> -> memref<512xi32, #tpu.memory_space<hbm>>
      %dma_wait3A_967 = tpu.memref_slice %arg2[%select_n3A, %mul3A_32] : memref<4x4096xi32, #tpu.memory_space<hbm>> -> memref<1x512xi32, #tpu.memory_space<hbm>>
      %dma_wait3A_968 = tpu.memref_squeeze %dma_wait3A_967 : memref<1x512xi32, #tpu.memory_space<hbm>> -> memref<512xi32, #tpu.memory_space<hbm>>
      tpu.wait_dma2 semaphore(%run_scoped3A : memref<!tpu.dma_semaphore, #tpu.memory_space<semaphore_mem>>) src(%dma_wait3A_968 : memref<512xi32, #tpu.memory_space<hbm>>) dst(%arg5 : memref<512xi32, #tpu.memory_space<vmem>>)
      tpu.yield
    }) : () -> ()
    %dma_start3A = arith.constant 0 : i32
    %dma_start3A_33 = arith.constant 0 : i32
    %dma_start3A_34 = tpu.memref_slice %arg6[%dma_start3A, %dma_start3A_33] : memref<32x1024xf32, #tpu.memory_space<vmem>> -> memref<8x1024xf32, #tpu.memory_space<vmem>>
    %dma_start3A_35 = arith.constant 0 : i32
    %dma_start3A_36 = tpu.memref_slice %arg5[%dma_start3A_35] : memref<512xi32, #tpu.memory_space<vmem>> -> memref<8xi32, #tpu.memory_space<vmem>>
    %dma_start3A_37 = arith.constant 0 : i32
    %dma_start3A_38 = arith.constant 0 : i32
    %dma_start3A_39 = tpu.memref_slice %arg3[%dma_start3A_37, %dma_start3A_38] : memref<100000x1024xf32, #tpu.memory_space<hbm>> -> memref<100000x1024xf32, #tpu.memory_space<hbm>>
    tpu.enqueue_indirect_dma source(%dma_start3A_39 : memref<100000x1024xf32, #tpu.memory_space<hbm>>) target(%dma_start3A_34 : memref<8x1024xf32, #tpu.memory_space<vmem>>) offsets(%dma_start3A_36 : memref<8xi32, #tpu.memory_space<vmem>>) semaphore(%arg9 : memref<!tpu.dma_semaphore, #tpu.memory_space<semaphore_mem>>)
    %dma_start3A_40 = arith.constant 0 : i32
    %dma_start3A_41 = arith.constant 0 : i32
    %dma_start3A_42 = tpu.memref_slice %arg7[%dma_start3A_40, %dma_start3A_41] : memref<32x1024xf32, #tpu.memory_space<vmem>> -> memref<24x1024xf32, #tpu.memory_space<vmem>>
    %dma_start3A_43 = arith.constant 8 : i32
    %dma_start3A_44 = tpu.memref_slice %arg5[%dma_start3A_43] : memref<512xi32, #tpu.memory_space<vmem>> -> memref<24xi32, #tpu.memory_space<vmem>>
    %dma_start3A_45 = arith.constant 0 : i32
    %dma_start3A_46 = arith.constant 0 : i32
    %dma_start3A_47 = tpu.memref_slice %arg3[%dma_start3A_45, %dma_start3A_46] : memref<100000x1024xf32, #tpu.memory_space<hbm>> -> memref<100000x1024xf32, #tpu.memory_space<hbm>>
    tpu.enqueue_indirect_dma source(%dma_start3A_47 : memref<100000x1024xf32, #tpu.memory_space<hbm>>) target(%dma_start3A_42 : memref<24x1024xf32, #tpu.memory_space<vmem>>) offsets(%dma_start3A_44 : memref<24xi32, #tpu.memory_space<vmem>>) semaphore(%arg10 : memref<!tpu.dma_semaphore, #tpu.memory_space<semaphore_mem>>)
    %dma_wait3A = arith.constant 0 : i32
    %dma_wait3A_48 = arith.constant 0 : i32
    %dma_wait3A_49 = tpu.memref_slice %arg6[%dma_wait3A, %dma_wait3A_48] : memref<32x1024xf32, #tpu.memory_space<vmem>> -> memref<8x1024xf32, #tpu.memory_space<vmem>>
    %dma_wait3A_50 = arith.constant 0 : i32
    %dma_wait3A_51 = tpu.memref_slice %arg5[%dma_wait3A_50] : memref<512xi32, #tpu.memory_space<vmem>> -> memref<8xi32, #tpu.memory_space<vmem>>
    %dma_wait3A_52 = arith.constant 0 : i32
    %dma_wait3A_53 = arith.constant 0 : i32
    %dma_wait3A_54 = tpu.memref_slice %arg3[%dma_wait3A_52, %dma_wait3A_53] : memref<100000x1024xf32, #tpu.memory_space<hbm>> -> memref<100000x1024xf32, #tpu.memory_space<hbm>>
    tpu.wait_indirect_dma semaphore(%arg9 : memref<!tpu.dma_semaphore, #tpu.memory_space<semaphore_mem>>) src(%dma_wait3A_54 : memref<100000x1024xf32, #tpu.memory_space<hbm>>) dst(%dma_wait3A_49 : memref<8x1024xf32, #tpu.memory_space<vmem>>)
    %dma_start3A_55 = arith.constant 0 : i32
    %dma_start3A_56 = arith.constant 0 : i32
    %dma_start3A_57 = tpu.memref_slice %arg8[%dma_start3A_55, %dma_start3A_56] : memref<32x1024xf32, #tpu.memory_space<vmem>> -> memref<32x1024xf32, #tpu.memory_space<vmem>>
    %dma_start3A_58 = arith.constant 32 : i32
    %dma_start3A_59 = tpu.memref_slice %arg5[%dma_start3A_58] : memref<512xi32, #tpu.memory_space<vmem>> -> memref<32xi32, #tpu.memory_space<vmem>>
    %dma_start3A_60 = arith.constant 0 : i32
    %dma_start3A_61 = arith.constant 0 : i32
    %dma_start3A_62 = tpu.memref_slice %arg3[%dma_start3A_60, %dma_start3A_61] : memref<100000x1024xf32, #tpu.memory_space<hbm>> -> memref<100000x1024xf32, #tpu.memory_space<hbm>>
    tpu.enqueue_indirect_dma source(%dma_start3A_62 : memref<100000x1024xf32, #tpu.memory_space<hbm>>) target(%dma_start3A_57 : memref<32x1024xf32, #tpu.memory_space<vmem>>) offsets(%dma_start3A_59 : memref<32xi32, #tpu.memory_space<vmem>>) semaphore(%arg11 : memref<!tpu.dma_semaphore, #tpu.memory_space<semaphore_mem>>)
    %scan3A = arith.constant 0 : i32
    %scan3A_63 = arith.constant 8 : i32
    %scan3A_64 = arith.addi %scan3A, %scan3A_63 : i32
    %scan3A_65 = arith.constant 1 : i32
    scf.for %scan3A_961 = %scan3A to %scan3A_64 step %scan3A_65  : i32 {
      %scan3A_962 = arith.constant 0 : i32
      %scan3A_963 = arith.constant 64 : i32
      %scan3A_964 = arith.addi %scan3A_962, %scan3A_963 : i32
      %scan3A_965 = arith.constant 8 : i32
      scf.for %scan3A_967 = %scan3A_962 to %scan3A_964 step %scan3A_965  : i32 {
        %mul3A_968 = arith.constant 16 : i32
        %mul3A_969 = arith.muli %scan3A_967, %mul3A_968 : i32
        %get3A = arith.index_cast %scan3A_961 : i32 to index
        %get3A_970 = arith.index_cast %mul3A_969 : i32 to index
        %get3A_971 = tpu.vector_load %arg6[%get3A, %get3A_970] {strides = array<i32>} : memref<32x1024xf32, #tpu.memory_space<vmem>>, vector<1x16xf32>,
        %get3A_972 = vector.shape_cast %get3A_971 : vector<1x16xf32> to vector<16xf32>
        %mul3A_973 = arith.constant 3.200000e+01 : f32
        %mul3A_974 = vector.broadcast %mul3A_973 : f32 to vector<16xf32>
        %mul3A_975 = arith.mulf %get3A_972, %mul3A_974 : vector<16xf32>
        %swap3A = arith.index_cast %scan3A_961 : i32 to index
        %swap3A_976 = arith.index_cast %mul3A_969 : i32 to index
        %swap3A_977 = tpu.vector_load %arg6[%swap3A, %swap3A_976] {strides = array<i32>} : memref<32x1024xf32, #tpu.memory_space<vmem>>, vector<1x16xf32>,
        %swap3A_978 = vector.shape_cast %swap3A_977 : vector<1x16xf32> to vector<16xf32>
        %swap3A_979 = vector.shape_cast %mul3A_975 : vector<16xf32> to vector<1x16xf32>
        tpu.vector_store %arg6[%swap3A, %swap3A_976], %swap3A_979 {strides = array<i32>} : memref<32x1024xf32, #tpu.memory_space<vmem>>, vector<1x16xf32>,
        %scan3A_980 = arith.constant 1 : i32
        %scan3A_981 = arith.addi %scan3A_967, %scan3A_980 : i32
        %mul3A_982 = arith.constant 16 : i32
        %mul3A_983 = arith.muli %scan3A_981, %mul3A_982 : i32
        %get3A_984 = arith.index_cast %scan3A_961 : i32 to index
        %get3A_985 = arith.index_cast %mul3A_983 : i32 to index
        %get3A_986 = tpu.vector_load %arg6[%get3A_984, %get3A_985] {strides = array<i32>} : memref<32x1024xf32, #tpu.memory_space<vmem>>, vector<1x16xf32>,
        %get3A_987 = vector.shape_cast %get3A_986 : vector<1x16xf32> to vector<16xf32>
        %mul3A_988 = arith.constant 3.200000e+01 : f32
        %mul3A_989 = vector.broadcast %mul3A_988 : f32 to vector<16xf32>
        %mul3A_990 = arith.mulf %get3A_987, %mul3A_989 : vector<16xf32>
        %swap3A_991 = arith.index_cast %scan3A_961 : i32 to index
        %swap3A_992 = arith.index_cast %mul3A_983 : i32 to index
        %swap3A_993 = tpu.vector_load %arg6[%swap3A_991, %swap3A_992] {strides = array<i32>} : memref<32x1024xf32, #tpu.memory_space<vmem>>, vector<1x16xf32>,
        %swap3A_994 = vector.shape_cast %swap3A_993 : vector<1x16xf32> to vector<16xf32>
        %swap3A_995 = vector.shape_cast %mul3A_990 : vector<16xf32> to vector<1x16xf32>
        tpu.vector_store %arg6[%swap3A_991, %swap3A_992], %swap3A_995 {strides = array<i32>} : memref<32x1024xf32, #tpu.memory_space<vmem>>, vector<1x16xf32>,
        %scan3A_996 = arith.constant 2 : i32
        %scan3A_997 = arith.addi %scan3A_967, %scan3A_996 : i32
        %mul3A_998 = arith.constant 16 : i32
        %mul3A_999 = arith.muli %scan3A_997, %mul3A_998 : i32
        %get3A_1000 = arith.index_cast %scan3A_961 : i32 to index
        %get3A_1001 = arith.index_cast %mul3A_999 : i32 to index
        %get3A_1002 = tpu.vector_load %arg6[%get3A_1000, %get3A_1001] {strides = array<i32>} : memref<32x1024xf32, #tpu.memory_space<vmem>>, vector<1x16xf32>,
        %get3A_1003 = vector.shape_cast %get3A_1002 : vector<1x16xf32> to vector<16xf32>
        %mul3A_1004 = arith.constant 3.200000e+01 : f32
        %mul3A_1005 = vector.broadcast %mul3A_1004 : f32 to vector<16xf32>
        %mul3A_1006 = arith.mulf %get3A_1003, %mul3A_1005 : vector<16xf32>
        %swap3A_1007 = arith.index_cast %scan3A_961 : i32 to index
        %swap3A_1008 = arith.index_cast %mul3A_999 : i32 to index
        %swap3A_1009 = tpu.vector_load %arg6[%swap3A_1007, %swap3A_1008] {strides = array<i32>} : memref<32x1024xf32, #tpu.memory_space<vmem>>, vector<1x16xf32>,
        %swap3A_1010 = vector.shape_cast %swap3A_1009 : vector<1x16xf32> to vector<16xf32>
        %swap3A_1011 = vector.shape_cast %mul3A_1006 : vector<16xf32> to vector<1x16xf32>
        tpu.vector_store %arg6[%swap3A_1007, %swap3A_1008], %swap3A_1011 {strides = array<i32>} : memref<32x1024xf32, #tpu.memory_space<vmem>>, vector<1x16xf32>,
        %scan3A_1012 = arith.constant 3 : i32
        %scan3A_1013 = arith.addi %scan3A_967, %scan3A_1012 : i32
        %mul3A_1014 = arith.constant 16 : i32
        %mul3A_1015 = arith.muli %scan3A_1013, %mul3A_1014 : i32
        %get3A_1016 = arith.index_cast %scan3A_961 : i32 to index
        %get3A_1017 = arith.index_cast %mul3A_1015 : i32 to index
        %get3A_1018 = tpu.vector_load %arg6[%get3A_1016, %get3A_1017] {strides = array<i32>} : memref<32x1024xf32, #tpu.memory_space<vmem>>, vector<1x16xf32>,
        %get3A_1019 = vector.shape_cast %get3A_1018 : vector<1x16xf32> to vector<16xf32>
        %mul3A_1020 = arith.constant 3.200000e+01 : f32
        %mul3A_1021 = vector.broadcast %mul3A_1020 : f32 to vector<16xf32>
        %mul3A_1022 = arith.mulf %get3A_1019, %mul3A_1021 : vector<16xf32>
        %swap3A_1023 = arith.index_cast %scan3A_961 : i32 to index
        %swap3A_1024 = arith.index_cast %mul3A_1015 : i32 to index
        %swap3A_1025 = tpu.vector_load %arg6[%swap3A_1023, %swap3A_1024] {strides = array<i32>} : memref<32x1024xf32, #tpu.memory_space<vmem>>, vector<1x16xf32>,
        %swap3A_1026 = vector.shape_cast %swap3A_1025 : vector<1x16xf32> to vector<16xf32>
        %swap3A_1027 = vector.shape_cast %mul3A_1022 : vector<16xf32> to vector<1x16xf32>
        tpu.vector_store %arg6[%swap3A_1023, %swap3A_1024], %swap3A_1027 {strides = array<i32>} : memref<32x1024xf32, #tpu.memory_space<vmem>>, vector<1x16xf32>,
        %scan3A_1028 = arith.constant 4 : i32
        %scan3A_1029 = arith.addi %scan3A_967, %scan3A_1028 : i32
        %mul3A_1030 = arith.constant 16 : i32
        %mul3A_1031 = arith.muli %scan3A_1029, %mul3A_1030 : i32
        %get3A_1032 = arith.index_cast %scan3A_961 : i32 to index
        %get3A_1033 = arith.index_cast %mul3A_1031 : i32 to index
        %get3A_1034 = tpu.vector_load %arg6[%get3A_1032, %get3A_1033] {strides = array<i32>} : memref<32x1024xf32, #tpu.memory_space<vmem>>, vector<1x16xf32>,
        %get3A_1035 = vector.shape_cast %get3A_1034 : vector<1x16xf32> to vector<16xf32>
        %mul3A_1036 = arith.constant 3.200000e+01 : f32
        %mul3A_1037 = vector.broadcast %mul3A_1036 : f32 to vector<16xf32>
        %mul3A_1038 = arith.mulf %get3A_1035, %mul3A_1037 : vector<16xf32>
        %swap3A_1039 = arith.index_cast %scan3A_961 : i32 to index
        %swap3A_1040 = arith.index_cast %mul3A_1031 : i32 to index
        %swap3A_1041 = tpu.vector_load %arg6[%swap3A_1039, %swap3A_1040] {strides = array<i32>} : memref<32x1024xf32, #tpu.memory_space<vmem>>, vector<1x16xf32>,
        %swap3A_1042 = vector.shape_cast %swap3A_1041 : vector<1x16xf32> to vector<16xf32>
        %swap3A_1043 = vector.shape_cast %mul3A_1038 : vector<16xf32> to vector<1x16xf32>
        tpu.vector_store %arg6[%swap3A_1039, %swap3A_1040], %swap3A_1043 {strides = array<i32>} : memref<32x1024xf32, #tpu.memory_space<vmem>>, vector<1x16xf32>,
        %scan3A_1044 = arith.constant 5 : i32
        %scan3A_1045 = arith.addi %scan3A_967, %scan3A_1044 : i32
        %mul3A_1046 = arith.constant 16 : i32
        %mul3A_1047 = arith.muli %scan3A_1045, %mul3A_1046 : i32
        %get3A_1048 = arith.index_cast %scan3A_961 : i32 to index
        %get3A_1049 = arith.index_cast %mul3A_1047 : i32 to index
        %get3A_1050 = tpu.vector_load %arg6[%get3A_1048, %get3A_1049] {strides = array<i32>} : memref<32x1024xf32, #tpu.memory_space<vmem>>, vector<1x16xf32>,
        %get3A_1051 = vector.shape_cast %get3A_1050 : vector<1x16xf32> to vector<16xf32>
        %mul3A_1052 = arith.constant 3.200000e+01 : f32
        %mul3A_1053 = vector.broadcast %mul3A_1052 : f32 to vector<16xf32>
        %mul3A_1054 = arith.mulf %get3A_1051, %mul3A_1053 : vector<16xf32>
        %swap3A_1055 = arith.index_cast %scan3A_961 : i32 to index
        %swap3A_1056 = arith.index_cast %mul3A_1047 : i32 to index
        %swap3A_1057 = tpu.vector_load %arg6[%swap3A_1055, %swap3A_1056] {strides = array<i32>} : memref<32x1024xf32, #tpu.memory_space<vmem>>, vector<1x16xf32>,
        %swap3A_1058 = vector.shape_cast %swap3A_1057 : vector<1x16xf32> to vector<16xf32>
        %swap3A_1059 = vector.shape_cast %mul3A_1054 : vector<16xf32> to vector<1x16xf32>
        tpu.vector_store %arg6[%swap3A_1055, %swap3A_1056], %swap3A_1059 {strides = array<i32>} : memref<32x1024xf32, #tpu.memory_space<vmem>>, vector<1x16xf32>,
        %scan3A_1060 = arith.constant 6 : i32
        %scan3A_1061 = arith.addi %scan3A_967, %scan3A_1060 : i32
        %mul3A_1062 = arith.constant 16 : i32
        %mul3A_1063 = arith.muli %scan3A_1061, %mul3A_1062 : i32
        %get3A_1064 = arith.index_cast %scan3A_961 : i32 to index
        %get3A_1065 = arith.index_cast %mul3A_1063 : i32 to index
        %get3A_1066 = tpu.vector_load %arg6[%get3A_1064, %get3A_1065] {strides = array<i32>} : memref<32x1024xf32, #tpu.memory_space<vmem>>, vector<1x16xf32>,
        %get3A_1067 = vector.shape_cast %get3A_1066 : vector<1x16xf32> to vector<16xf32>
        %mul3A_1068 = arith.constant 3.200000e+01 : f32
        %mul3A_1069 = vector.broadcast %mul3A_1068 : f32 to vector<16xf32>
        %mul3A_1070 = arith.mulf %get3A_1067, %mul3A_1069 : vector<16xf32>
        %swap3A_1071 = arith.index_cast %scan3A_961 : i32 to index
        %swap3A_1072 = arith.index_cast %mul3A_1063 : i32 to index
        %swap3A_1073 = tpu.vector_load %arg6[%swap3A_1071, %swap3A_1072] {strides = array<i32>} : memref<32x1024xf32, #tpu.memory_space<vmem>>, vector<1x16xf32>,
        %swap3A_1074 = vector.shape_cast %swap3A_1073 : vector<1x16xf32> to vector<16xf32>
        %swap3A_1075 = vector.shape_cast %mul3A_1070 : vector<16xf32> to vector<1x16xf32>
        tpu.vector_store %arg6[%swap3A_1071, %swap3A_1072], %swap3A_1075 {strides = array<i32>} : memref<32x1024xf32, #tpu.memory_space<vmem>>, vector<1x16xf32>,
        %scan3A_1076 = arith.constant 7 : i32
        %scan3A_1077 = arith.addi %scan3A_967, %scan3A_1076 : i32
        %mul3A_1078 = arith.constant 16 : i32
        %mul3A_1079 = arith.muli %scan3A_1077, %mul3A_1078 : i32
        %get3A_1080 = arith.index_cast %scan3A_961 : i32 to index
        %get3A_1081 = arith.index_cast %mul3A_1079 : i32 to index
        %get3A_1082 = tpu.vector_load %arg6[%get3A_1080, %get3A_1081] {strides = array<i32>} : memref<32x1024xf32, #tpu.memory_space<vmem>>, vector<1x16xf32>,
        %get3A_1083 = vector.shape_cast %get3A_1082 : vector<1x16xf32> to vector<16xf32>
        %mul3A_1084 = arith.constant 3.200000e+01 : f32
        %mul3A_1085 = vector.broadcast %mul3A_1084 : f32 to vector<16xf32>
        %mul3A_1086 = arith.mulf %get3A_1083, %mul3A_1085 : vector<16xf32>
        %swap3A_1087 = arith.index_cast %scan3A_961 : i32 to index
        %swap3A_1088 = arith.index_cast %mul3A_1079 : i32 to index
        %swap3A_1089 = tpu.vector_load %arg6[%swap3A_1087, %swap3A_1088] {strides = array<i32>} : memref<32x1024xf32, #tpu.memory_space<vmem>>, vector<1x16xf32>,
        %swap3A_1090 = vector.shape_cast %swap3A_1089 : vector<1x16xf32> to vector<16xf32>
        %swap3A_1091 = vector.shape_cast %mul3A_1086 : vector<16xf32> to vector<1x16xf32>
        tpu.vector_store %arg6[%swap3A_1087, %swap3A_1088], %swap3A_1091 {strides = array<i32>} : memref<32x1024xf32, #tpu.memory_space<vmem>>, vector<1x16xf32>,
      }
      %scan3A_966 = arith.constant 64 : i32
    }
    %scan3A_66 = arith.constant 8 : i32
    %add3A_67 = arith.constant 0 : i32
    %add3A_68 = arith.addi %mul3A_32, %add3A_67 : i32
    %dma_start3A_69 = arith.constant 0 : i32
    %dma_start3A_70 = arith.constant 0 : i32
    %dma_start3A_71 = tpu.memref_slice %arg6[%dma_start3A_69, %dma_start3A_70] : memref<32x1024xf32, #tpu.memory_space<vmem>> -> memref<8x1024xf32, #tpu.memory_space<vmem>>
    %dma_start3A_72 = arith.constant 0 : i32
    %dma_start3A_73 = tpu.memref_slice %arg4[%select_n3A, %add3A_68, %dma_start3A_72] : memref<4x4096x1024xf32, #tpu.memory_space<hbm>> -> memref<1x8x1024xf32, #tpu.memory_space<hbm>>
    %dma_start3A_74 = tpu.memref_squeeze %dma_start3A_73 : memref<1x8x1024xf32, #tpu.memory_space<hbm>> -> memref<8x1024xf32, #tpu.memory_space<hbm>>
    %dma_start3A_75 = arith.constant 0 : i32
    %dma_start3A_76 = tpu.memref_slice %arg4[%select_n3A, %add3A_68, %dma_start3A_75] : memref<4x4096x1024xf32, #tpu.memory_space<hbm>> -> memref<1x8x1024xf32, #tpu.memory_space<hbm>>
    %dma_start3A_77 = tpu.memref_squeeze %dma_start3A_76 : memref<1x8x1024xf32, #tpu.memory_space<hbm>> -> memref<8x1024xf32, #tpu.memory_space<hbm>>
    %dma_start3A_78 = arith.constant 0 : i32
    %dma_start3A_79 = arith.constant 0 : i32
    %dma_start3A_80 = tpu.memref_slice %arg6[%dma_start3A_78, %dma_start3A_79] : memref<32x1024xf32, #tpu.memory_space<vmem>> -> memref<8x1024xf32, #tpu.memory_space<vmem>>
    tpu.enqueue_dma source(%dma_start3A_80 : memref<8x1024xf32, #tpu.memory_space<vmem>>) target(%dma_start3A_77 : memref<8x1024xf32, #tpu.memory_space<hbm>>) target_semaphore(%arg12 : memref<!tpu.dma_semaphore, #tpu.memory_space<semaphore_mem>>)
    %dma_wait3A_81 = arith.constant 0 : i32
    %dma_wait3A_82 = arith.constant 0 : i32
    %dma_wait3A_83 = tpu.memref_slice %arg7[%dma_wait3A_81, %dma_wait3A_82] : memref<32x1024xf32, #tpu.memory_space<vmem>> -> memref<24x1024xf32, #tpu.memory_space<vmem>>
    %dma_wait3A_84 = arith.constant 8 : i32
    %dma_wait3A_85 = tpu.memref_slice %arg5[%dma_wait3A_84] : memref<512xi32, #tpu.memory_space<vmem>> -> memref<24xi32, #tpu.memory_space<vmem>>
    %dma_wait3A_86 = arith.constant 0 : i32
    %dma_wait3A_87 = arith.constant 0 : i32
    %dma_wait3A_88 = tpu.memref_slice %arg3[%dma_wait3A_86, %dma_wait3A_87] : memref<100000x1024xf32, #tpu.memory_space<hbm>> -> memref<100000x1024xf32, #tpu.memory_space<hbm>>
    tpu.wait_indirect_dma semaphore(%arg10 : memref<!tpu.dma_semaphore, #tpu.memory_space<semaphore_mem>>) src(%dma_wait3A_88 : memref<100000x1024xf32, #tpu.memory_space<hbm>>) dst(%dma_wait3A_83 : memref<24x1024xf32, #tpu.memory_space<vmem>>)
    %add3A_89 = arith.constant 0 : i32
    %add3A_90 = arith.addi %mul3A_32, %add3A_89 : i32
    %dma_wait3A_91 = arith.constant 0 : i32
    %dma_wait3A_92 = arith.constant 0 : i32
    %dma_wait3A_93 = tpu.memref_slice %arg6[%dma_wait3A_91, %dma_wait3A_92] : memref<32x1024xf32, #tpu.memory_space<vmem>> -> memref<8x1024xf32, #tpu.memory_space<vmem>>
    %dma_wait3A_94 = arith.constant 0 : i32
    %dma_wait3A_95 = tpu.memref_slice %arg4[%select_n3A, %add3A_90, %dma_wait3A_94] : memref<4x4096x1024xf32, #tpu.memory_space<hbm>> -> memref<1x8x1024xf32, #tpu.memory_space<hbm>>
    %dma_wait3A_96 = tpu.memref_squeeze %dma_wait3A_95 : memref<1x8x1024xf32, #tpu.memory_space<hbm>> -> memref<8x1024xf32, #tpu.memory_space<hbm>>
    %dma_wait3A_97 = arith.constant 0 : i32
    %dma_wait3A_98 = tpu.memref_slice %arg4[%select_n3A, %add3A_90, %dma_wait3A_97] : memref<4x4096x1024xf32, #tpu.memory_space<hbm>> -> memref<1x8x1024xf32, #tpu.memory_space<hbm>>
    %dma_wait3A_99 = tpu.memref_squeeze %dma_wait3A_98 : memref<1x8x1024xf32, #tpu.memory_space<hbm>> -> memref<8x1024xf32, #tpu.memory_space<hbm>>
    %dma_wait3A_100 = arith.constant 0 : i32
    %dma_wait3A_101 = arith.constant 0 : i32
    %dma_wait3A_102 = tpu.memref_slice %arg6[%dma_wait3A_100, %dma_wait3A_101] : memref<32x1024xf32, #tpu.memory_space<vmem>> -> memref<8x1024xf32, #tpu.memory_space<vmem>>
    tpu.wait_dma2 semaphore(%arg12 : memref<!tpu.dma_semaphore, #tpu.memory_space<semaphore_mem>>) src(%dma_wait3A_102 : memref<8x1024xf32, #tpu.memory_space<vmem>>) dst(%dma_wait3A_99 : memref<8x1024xf32, #tpu.memory_space<hbm>>)
    %dma_start3A_103 = arith.constant 0 : i32
    %dma_start3A_104 = arith.constant 0 : i32
    %dma_start3A_105 = tpu.memref_slice %arg6[%dma_start3A_103, %dma_start3A_104] : memref<32x1024xf32, #tpu.memory_space<vmem>> -> memref<32x1024xf32, #tpu.memory_space<vmem>>
    %dma_start3A_106 = arith.constant 64 : i32
    %dma_start3A_107 = tpu.memref_slice %arg5[%dma_start3A_106] : memref<512xi32, #tpu.memory_space<vmem>> -> memref<32xi32, #tpu.memory_space<vmem>>
    %dma_start3A_108 = arith.constant 0 : i32
    %dma_start3A_109 = arith.constant 0 : i32
    %dma_start3A_110 = tpu.memref_slice %arg3[%dma_start3A_108, %dma_start3A_109] : memref<100000x1024xf32, #tpu.memory_space<hbm>> -> memref<100000x1024xf32, #tpu.memory_space<hbm>>
    tpu.enqueue_indirect_dma source(%dma_start3A_110 : memref<100000x1024xf32, #tpu.memory_space<hbm>>) target(%dma_start3A_105 : memref<32x1024xf32, #tpu.memory_space<vmem>>) offsets(%dma_start3A_107 : memref<32xi32, #tpu.memory_space<vmem>>) semaphore(%arg9 : memref<!tpu.dma_semaphore, #tpu.memory_space<semaphore_mem>>)
    %scan3A_111 = arith.constant 0 : i32
    %scan3A_112 = arith.constant 24 : i32
    %scan3A_113 = arith.addi %scan3A_111, %scan3A_112 : i32
    %scan3A_114 = arith.constant 1 : i32
    scf.for %scan3A_961 = %scan3A_111 to %scan3A_113 step %scan3A_114  : i32 {
      %scan3A_962 = arith.constant 0 : i32
      %scan3A_963 = arith.constant 64 : i32
      %scan3A_964 = arith.addi %scan3A_962, %scan3A_963 : i32
      %scan3A_965 = arith.constant 8 : i32
      scf.for %scan3A_967 = %scan3A_962 to %scan3A_964 step %scan3A_965  : i32 {
        %mul3A_968 = arith.constant 16 : i32
        %mul3A_969 = arith.muli %scan3A_967, %mul3A_968 : i32
        %get3A = arith.index_cast %scan3A_961 : i32 to index
        %get3A_970 = arith.index_cast %mul3A_969 : i32 to index
        %get3A_971 = tpu.vector_load %arg7[%get3A, %get3A_970] {strides = array<i32>} : memref<32x1024xf32, #tpu.memory_space<vmem>>, vector<1x16xf32>,
        %get3A_972 = vector.shape_cast %get3A_971 : vector<1x16xf32> to vector<16xf32>
        %mul3A_973 = arith.constant 3.200000e+01 : f32
        %mul3A_974 = vector.broadcast %mul3A_973 : f32 to vector<16xf32>
        %mul3A_975 = arith.mulf %get3A_972, %mul3A_974 : vector<16xf32>
        %swap3A = arith.index_cast %scan3A_961 : i32 to index
        %swap3A_976 = arith.index_cast %mul3A_969 : i32 to index
        %swap3A_977 = tpu.vector_load %arg7[%swap3A, %swap3A_976] {strides = array<i32>} : memref<32x1024xf32, #tpu.memory_space<vmem>>, vector<1x16xf32>,
        %swap3A_978 = vector.shape_cast %swap3A_977 : vector<1x16xf32> to vector<16xf32>
        %swap3A_979 = vector.shape_cast %mul3A_975 : vector<16xf32> to vector<1x16xf32>
        tpu.vector_store %arg7[%swap3A, %swap3A_976], %swap3A_979 {strides = array<i32>} : memref<32x1024xf32, #tpu.memory_space<vmem>>, vector<1x16xf32>,
        %scan3A_980 = arith.constant 1 : i32
        %scan3A_981 = arith.addi %scan3A_967, %scan3A_980 : i32
        %mul3A_982 = arith.constant 16 : i32
        %mul3A_983 = arith.muli %scan3A_981, %mul3A_982 : i32
        %get3A_984 = arith.index_cast %scan3A_961 : i32 to index
        %get3A_985 = arith.index_cast %mul3A_983 : i32 to index
        %get3A_986 = tpu.vector_load %arg7[%get3A_984, %get3A_985] {strides = array<i32>} : memref<32x1024xf32, #tpu.memory_space<vmem>>, vector<1x16xf32>,
        %get3A_987 = vector.shape_cast %get3A_986 : vector<1x16xf32> to vector<16xf32>
        %mul3A_988 = arith.constant 3.200000e+01 : f32
        %mul3A_989 = vector.broadcast %mul3A_988 : f32 to vector<16xf32>
        %mul3A_990 = arith.mulf %get3A_987, %mul3A_989 : vector<16xf32>
        %swap3A_991 = arith.index_cast %scan3A_961 : i32 to index
        %swap3A_992 = arith.index_cast %mul3A_983 : i32 to index
        %swap3A_993 = tpu.vector_load %arg7[%swap3A_991, %swap3A_992] {strides = array<i32>} : memref<32x1024xf32, #tpu.memory_space<vmem>>, vector<1x16xf32>,
        %swap3A_994 = vector.shape_cast %swap3A_993 : vector<1x16xf32> to vector<16xf32>
        %swap3A_995 = vector.shape_cast %mul3A_990 : vector<16xf32> to vector<1x16xf32>
        tpu.vector_store %arg7[%swap3A_991, %swap3A_992], %swap3A_995 {strides = array<i32>} : memref<32x1024xf32, #tpu.memory_space<vmem>>, vector<1x16xf32>,
        %scan3A_996 = arith.constant 2 : i32
        %scan3A_997 = arith.addi %scan3A_967, %scan3A_996 : i32
        %mul3A_998 = arith.constant 16 : i32
        %mul3A_999 = arith.muli %scan3A_997, %mul3A_998 : i32
        %get3A_1000 = arith.index_cast %scan3A_961 : i32 to index
        %get3A_1001 = arith.index_cast %mul3A_999 : i32 to index
        %get3A_1002 = tpu.vector_load %arg7[%get3A_1000, %get3A_1001] {strides = array<i32>} : memref<32x1024xf32, #tpu.memory_space<vmem>>, vector<1x16xf32>,
        %get3A_1003 = vector.shape_cast %get3A_1002 : vector<1x16xf32> to vector<16xf32>
        %mul3A_1004 = arith.constant 3.200000e+01 : f32
        %mul3A_1005 = vector.broadcast %mul3A_1004 : f32 to vector<16xf32>
        %mul3A_1006 = arith.mulf %get3A_1003, %mul3A_1005 : vector<16xf32>
        %swap3A_1007 = arith.index_cast %scan3A_961 : i32 to index
        %swap3A_1008 = arith.index_cast %mul3A_999 : i32 to index
        %swap3A_1009 = tpu.vector_load %arg7[%swap3A_1007, %swap3A_1008] {strides = array<i32>} : memref<32x1024xf32, #tpu.memory_space<vmem>>, vector<1x16xf32>,
        %swap3A_1010 = vector.shape_cast %swap3A_1009 : vector<1x16xf32> to vector<16xf32>
        %swap3A_1011 = vector.shape_cast %mul3A_1006 : vector<16xf32> to vector<1x16xf32>
        tpu.vector_store %arg7[%swap3A_1007, %swap3A_1008], %swap3A_1011 {strides = array<i32>} : memref<32x1024xf32, #tpu.memory_space<vmem>>, vector<1x16xf32>,
        %scan3A_1012 = arith.constant 3 : i32
        %scan3A_1013 = arith.addi %scan3A_967, %scan3A_1012 : i32
        %mul3A_1014 = arith.constant 16 : i32
        %mul3A_1015 = arith.muli %scan3A_1013, %mul3A_1014 : i32
        %get3A_1016 = arith.index_cast %scan3A_961 : i32 to index
        %get3A_1017 = arith.index_cast %mul3A_1015 : i32 to index
        %get3A_1018 = tpu.vector_load %arg7[%get3A_1016, %get3A_1017] {strides = array<i32>} : memref<32x1024xf32, #tpu.memory_space<vmem>>, vector<1x16xf32>,
        %get3A_1019 = vector.shape_cast %get3A_1018 : vector<1x16xf32> to vector<16xf32>
        %mul3A_1020 = arith.constant 3.200000e+01 : f32
        %mul3A_1021 = vector.broadcast %mul3A_1020 : f32 to vector<16xf32>
        %mul3A_1022 = arith.mulf %get3A_1019, %mul3A_1021 : vector<16xf32>
        %swap3A_1023 = arith.index_cast %scan3A_961 : i32 to index
        %swap3A_1024 = arith.index_cast %mul3A_1015 : i32 to index
        %swap3A_1025 = tpu.vector_load %arg7[%swap3A_1023, %swap3A_1024] {strides = array<i32>} : memref<32x1024xf32, #tpu.memory_space<vmem>>, vector<1x16xf32>,
        %swap3A_1026 = vector.shape_cast %swap3A_1025 : vector<1x16xf32> to vector<16xf32>
        %swap3A_1027 = vector.shape_cast %mul3A_1022 : vector<16xf32> to vector<1x16xf32>
        tpu.vector_store %arg7[%swap3A_1023, %swap3A_1024], %swap3A_1027 {strides = array<i32>} : memref<32x1024xf32, #tpu.memory_space<vmem>>, vector<1x16xf32>,
        %scan3A_1028 = arith.constant 4 : i32
        %scan3A_1029 = arith.addi %scan3A_967, %scan3A_1028 : i32
        %mul3A_1030 = arith.constant 16 : i32
        %mul3A_1031 = arith.muli %scan3A_1029, %mul3A_1030 : i32
        %get3A_1032 = arith.index_cast %scan3A_961 : i32 to index
        %get3A_1033 = arith.index_cast %mul3A_1031 : i32 to index
        %get3A_1034 = tpu.vector_load %arg7[%get3A_1032, %get3A_1033] {strides = array<i32>} : memref<32x1024xf32, #tpu.memory_space<vmem>>, vector<1x16xf32>,
        %get3A_1035 = vector.shape_cast %get3A_1034 : vector<1x16xf32> to vector<16xf32>
        %mul3A_1036 = arith.constant 3.200000e+01 : f32
        %mul3A_1037 = vector.broadcast %mul3A_1036 : f32 to vector<16xf32>
        %mul3A_1038 = arith.mulf %get3A_1035, %mul3A_1037 : vector<16xf32>
        %swap3A_1039 = arith.index_cast %scan3A_961 : i32 to index
        %swap3A_1040 = arith.index_cast %mul3A_1031 : i32 to index
        %swap3A_1041 = tpu.vector_load %arg7[%swap3A_1039, %swap3A_1040] {strides = array<i32>} : memref<32x1024xf32, #tpu.memory_space<vmem>>, vector<1x16xf32>,
        %swap3A_1042 = vector.shape_cast %swap3A_1041 : vector<1x16xf32> to vector<16xf32>
        %swap3A_1043 = vector.shape_cast %mul3A_1038 : vector<16xf32> to vector<1x16xf32>
        tpu.vector_store %arg7[%swap3A_1039, %swap3A_1040], %swap3A_1043 {strides = array<i32>} : memref<32x1024xf32, #tpu.memory_space<vmem>>, vector<1x16xf32>,
        %scan3A_1044 = arith.constant 5 : i32
        %scan3A_1045 = arith.addi %scan3A_967, %scan3A_1044 : i32
        %mul3A_1046 = arith.constant 16 : i32
        %mul3A_1047 = arith.muli %scan3A_1045, %mul3A_1046 : i32
        %get3A_1048 = arith.index_cast %scan3A_961 : i32 to index
        %get3A_1049 = arith.index_cast %mul3A_1047 : i32 to index
        %get3A_1050 = tpu.vector_load %arg7[%get3A_1048, %get3A_1049] {strides = array<i32>} : memref<32x1024xf32, #tpu.memory_space<vmem>>, vector<1x16xf32>,
        %get3A_1051 = vector.shape_cast %get3A_1050 : vector<1x16xf32> to vector<16xf32>
        %mul3A_1052 = arith.constant 3.200000e+01 : f32
        %mul3A_1053 = vector.broadcast %mul3A_1052 : f32 to vector<16xf32>
        %mul3A_1054 = arith.mulf %get3A_1051, %mul3A_1053 : vector<16xf32>
        %swap3A_1055 = arith.index_cast %scan3A_961 : i32 to index
        %swap3A_1056 = arith.index_cast %mul3A_1047 : i32 to index
        %swap3A_1057 = tpu.vector_load %arg7[%swap3A_1055, %swap3A_1056] {strides = array<i32>} : memref<32x1024xf32, #tpu.memory_space<vmem>>, vector<1x16xf32>,
        %swap3A_1058 = vector.shape_cast %swap3A_1057 : vector<1x16xf32> to vector<16xf32>
        %swap3A_1059 = vector.shape_cast %mul3A_1054 : vector<16xf32> to vector<1x16xf32>
        tpu.vector_store %arg7[%swap3A_1055, %swap3A_1056], %swap3A_1059 {strides = array<i32>} : memref<32x1024xf32, #tpu.memory_space<vmem>>, vector<1x16xf32>,
        %scan3A_1060 = arith.constant 6 : i32
        %scan3A_1061 = arith.addi %scan3A_967, %scan3A_1060 : i32
        %mul3A_1062 = arith.constant 16 : i32
        %mul3A_1063 = arith.muli %scan3A_1061, %mul3A_1062 : i32
        %get3A_1064 = arith.index_cast %scan3A_961 : i32 to index
        %get3A_1065 = arith.index_cast %mul3A_1063 : i32 to index
        %get3A_1066 = tpu.vector_load %arg7[%get3A_1064, %get3A_1065] {strides = array<i32>} : memref<32x1024xf32, #tpu.memory_space<vmem>>, vector<1x16xf32>,
        %get3A_1067 = vector.shape_cast %get3A_1066 : vector<1x16xf32> to vector<16xf32>
        %mul3A_1068 = arith.constant 3.200000e+01 : f32
        %mul3A_1069 = vector.broadcast %mul3A_1068 : f32 to vector<16xf32>
        %mul3A_1070 = arith.mulf %get3A_1067, %mul3A_1069 : vector<16xf32>
        %swap3A_1071 = arith.index_cast %scan3A_961 : i32 to index
        %swap3A_1072 = arith.index_cast %mul3A_1063 : i32 to index
        %swap3A_1073 = tpu.vector_load %arg7[%swap3A_1071, %swap3A_1072] {strides = array<i32>} : memref<32x1024xf32, #tpu.memory_space<vmem>>, vector<1x16xf32>,
        %swap3A_1074 = vector.shape_cast %swap3A_1073 : vector<1x16xf32> to vector<16xf32>
        %swap3A_1075 = vector.shape_cast %mul3A_1070 : vector<16xf32> to vector<1x16xf32>
        tpu.vector_store %arg7[%swap3A_1071, %swap3A_1072], %swap3A_1075 {strides = array<i32>} : memref<32x1024xf32, #tpu.memory_space<vmem>>, vector<1x16xf32>,
        %scan3A_1076 = arith.constant 7 : i32
        %scan3A_1077 = arith.addi %scan3A_967, %scan3A_1076 : i32
        %mul3A_1078 = arith.constant 16 : i32
        %mul3A_1079 = arith.muli %scan3A_1077, %mul3A_1078 : i32
        %get3A_1080 = arith.index_cast %scan3A_961 : i32 to index
        %get3A_1081 = arith.index_cast %mul3A_1079 : i32 to index
        %get3A_1082 = tpu.vector_load %arg7[%get3A_1080, %get3A_1081] {strides = array<i32>} : memref<32x1024xf32, #tpu.memory_space<vmem>>, vector<1x16xf32>,
        %get3A_1083 = vector.shape_cast %get3A_1082 : vector<1x16xf32> to vector<16xf32>
        %mul3A_1084 = arith.constant 3.200000e+01 : f32
        %mul3A_1085 = vector.broadcast %mul3A_1084 : f32 to vector<16xf32>
        %mul3A_1086 = arith.mulf %get3A_1083, %mul3A_1085 : vector<16xf32>
        %swap3A_1087 = arith.index_cast %scan3A_961 : i32 to index
        %swap3A_1088 = arith.index_cast %mul3A_1079 : i32 to index
        %swap3A_1089 = tpu.vector_load %arg7[%swap3A_1087, %swap3A_1088] {strides = array<i32>} : memref<32x1024xf32, #tpu.memory_space<vmem>>, vector<1x16xf32>,
        %swap3A_1090 = vector.shape_cast %swap3A_1089 : vector<1x16xf32> to vector<16xf32>
        %swap3A_1091 = vector.shape_cast %mul3A_1086 : vector<16xf32> to vector<1x16xf32>
        tpu.vector_store %arg7[%swap3A_1087, %swap3A_1088], %swap3A_1091 {strides = array<i32>} : memref<32x1024xf32, #tpu.memory_space<vmem>>, vector<1x16xf32>,
      }
      %scan3A_966 = arith.constant 64 : i32
    }
    %scan3A_115 = arith.constant 24 : i32
    %add3A_116 = arith.constant 8 : i32
    %add3A_117 = arith.addi %mul3A_32, %add3A_116 : i32
    %dma_start3A_118 = arith.constant 0 : i32
    %dma_start3A_119 = arith.constant 0 : i32
    %dma_start3A_120 = tpu.memref_slice %arg7[%dma_start3A_118, %dma_start3A_119] : memref<32x1024xf32, #tpu.memory_space<vmem>> -> memref<24x1024xf32, #tpu.memory_space<vmem>>
    %dma_start3A_121 = arith.constant 0 : i32
    %dma_start3A_122 = tpu.memref_slice %arg4[%select_n3A, %add3A_117, %dma_start3A_121] : memref<4x4096x1024xf32, #tpu.memory_space<hbm>> -> memref<1x24x1024xf32, #tpu.memory_space<hbm>>
    %dma_start3A_123 = tpu.memref_squeeze %dma_start3A_122 : memref<1x24x1024xf32, #tpu.memory_space<hbm>> -> memref<24x1024xf32, #tpu.memory_space<hbm>>
    %dma_start3A_124 = arith.constant 0 : i32
    %dma_start3A_125 = tpu.memref_slice %arg4[%select_n3A, %add3A_117, %dma_start3A_124] : memref<4x4096x1024xf32, #tpu.memory_space<hbm>> -> memref<1x24x1024xf32, #tpu.memory_space<hbm>>
    %dma_start3A_126 = tpu.memref_squeeze %dma_start3A_125 : memref<1x24x1024xf32, #tpu.memory_space<hbm>> -> memref<24x1024xf32, #tpu.memory_space<hbm>>
    %dma_start3A_127 = arith.constant 0 : i32
    %dma_start3A_128 = arith.constant 0 : i32
    %dma_start3A_129 = tpu.memref_slice %arg7[%dma_start3A_127, %dma_start3A_128] : memref<32x1024xf32, #tpu.memory_space<vmem>> -> memref<24x1024xf32, #tpu.memory_space<vmem>>
    tpu.enqueue_dma source(%dma_start3A_129 : memref<24x1024xf32, #tpu.memory_space<vmem>>) target(%dma_start3A_126 : memref<24x1024xf32, #tpu.memory_space<hbm>>) target_semaphore(%arg13 : memref<!tpu.dma_semaphore, #tpu.memory_space<semaphore_mem>>)
    %dma_wait3A_130 = arith.constant 0 : i32
    %dma_wait3A_131 = arith.constant 0 : i32
    %dma_wait3A_132 = tpu.memref_slice %arg8[%dma_wait3A_130, %dma_wait3A_131] : memref<32x1024xf32, #tpu.memory_space<vmem>> -> memref<32x1024xf32, #tpu.memory_space<vmem>>
    %dma_wait3A_133 = arith.constant 32 : i32
    %dma_wait3A_134 = tpu.memref_slice %arg5[%dma_wait3A_133] : memref<512xi32, #tpu.memory_space<vmem>> -> memref<32xi32, #tpu.memory_space<vmem>>
    %dma_wait3A_135 = arith.constant 0 : i32
    %dma_wait3A_136 = arith.constant 0 : i32
    %dma_wait3A_137 = tpu.memref_slice %arg3[%dma_wait3A_135, %dma_wait3A_136] : memref<100000x1024xf32, #tpu.memory_space<hbm>> -> memref<100000x1024xf32, #tpu.memory_space<hbm>>
    tpu.wait_indirect_dma semaphore(%arg11 : memref<!tpu.dma_semaphore, #tpu.memory_space<semaphore_mem>>) src(%dma_wait3A_137 : memref<100000x1024xf32, #tpu.memory_space<hbm>>) dst(%dma_wait3A_132 : memref<32x1024xf32, #tpu.memory_space<vmem>>)
    %add3A_138 = arith.constant 8 : i32
    %add3A_139 = arith.addi %mul3A_32, %add3A_138 : i32
    %dma_wait3A_140 = arith.constant 0 : i32
    %dma_wait3A_141 = arith.constant 0 : i32
    %dma_wait3A_142 = tpu.memref_slice %arg7[%dma_wait3A_140, %dma_wait3A_141] : memref<32x1024xf32, #tpu.memory_space<vmem>> -> memref<24x1024xf32, #tpu.memory_space<vmem>>
    %dma_wait3A_143 = arith.constant 0 : i32
    %dma_wait3A_144 = tpu.memref_slice %arg4[%select_n3A, %add3A_139, %dma_wait3A_143] : memref<4x4096x1024xf32, #tpu.memory_space<hbm>> -> memref<1x24x1024xf32, #tpu.memory_space<hbm>>
    %dma_wait3A_145 = tpu.memref_squeeze %dma_wait3A_144 : memref<1x24x1024xf32, #tpu.memory_space<hbm>> -> memref<24x1024xf32, #tpu.memory_space<hbm>>
    %dma_wait3A_146 = arith.constant 0 : i32
    %dma_wait3A_147 = tpu.memref_slice %arg4[%select_n3A, %add3A_139, %dma_wait3A_146] : memref<4x4096x1024xf32, #tpu.memory_space<hbm>> -> memref<1x24x1024xf32, #tpu.memory_space<hbm>>
    %dma_wait3A_148 = tpu.memref_squeeze %dma_wait3A_147 : memref<1x24x1024xf32, #tpu.memory_space<hbm>> -> memref<24x1024xf32, #tpu.memory_space<hbm>>
    %dma_wait3A_149 = arith.constant 0 : i32
    %dma_wait3A_150 = arith.constant 0 : i32
    %dma_wait3A_151 = tpu.memref_slice %arg7[%dma_wait3A_149, %dma_wait3A_150] : memref<32x1024xf32, #tpu.memory_space<vmem>> -> memref<24x1024xf32, #tpu.memory_space<vmem>>
    tpu.wait_dma2 semaphore(%arg13 : memref<!tpu.dma_semaphore, #tpu.memory_space<semaphore_mem>>) src(%dma_wait3A_151 : memref<24x1024xf32, #tpu.memory_space<vmem>>) dst(%dma_wait3A_148 : memref<24x1024xf32, #tpu.memory_space<hbm>>)
    %dma_start3A_152 = arith.constant 0 : i32
    %dma_start3A_153 = arith.constant 0 : i32
    %dma_start3A_154 = tpu.memref_slice %arg7[%dma_start3A_152, %dma_start3A_153] : memref<32x1024xf32, #tpu.memory_space<vmem>> -> memref<32x1024xf32, #tpu.memory_space<vmem>>
    %dma_start3A_155 = arith.constant 96 : i32
    %dma_start3A_156 = tpu.memref_slice %arg5[%dma_start3A_155] : memref<512xi32, #tpu.memory_space<vmem>> -> memref<32xi32, #tpu.memory_space<vmem>>
    %dma_start3A_157 = arith.constant 0 : i32
    %dma_start3A_158 = arith.constant 0 : i32
    %dma_start3A_159 = tpu.memref_slice %arg3[%dma_start3A_157, %dma_start3A_158] : memref<100000x1024xf32, #tpu.memory_space<hbm>> -> memref<100000x1024xf32, #tpu.memory_space<hbm>>
    tpu.enqueue_indirect_dma source(%dma_start3A_159 : memref<100000x1024xf32, #tpu.memory_space<hbm>>) target(%dma_start3A_154 : memref<32x1024xf32, #tpu.memory_space<vmem>>) offsets(%dma_start3A_156 : memref<32xi32, #tpu.memory_space<vmem>>) semaphore(%arg10 : memref<!tpu.dma_semaphore, #tpu.memory_space<semaphore_mem>>)
    %scan3A_160 = arith.constant 0 : i32
    %scan3A_161 = arith.constant 32 : i32
    %scan3A_162 = arith.addi %scan3A_160, %scan3A_161 : i32
    %scan3A_163 = arith.constant 1 : i32
    scf.for %scan3A_961 = %scan3A_160 to %scan3A_162 step %scan3A_163  : i32 {
      %scan3A_962 = arith.constant 0 : i32
      %scan3A_963 = arith.constant 64 : i32
      %scan3A_964 = arith.addi %scan3A_962, %scan3A_963 : i32
      %scan3A_965 = arith.constant 8 : i32
      scf.for %scan3A_967 = %scan3A_962 to %scan3A_964 step %scan3A_965  : i32 {
        %mul3A_968 = arith.constant 16 : i32
        %mul3A_969 = arith.muli %scan3A_967, %mul3A_968 : i32
        %get3A = arith.index_cast %scan3A_961 : i32 to index
        %get3A_970 = arith.index_cast %mul3A_969 : i32 to index
        %get3A_971 = tpu.vector_load %arg8[%get3A, %get3A_970] {strides = array<i32>} : memref<32x1024xf32, #tpu.memory_space<vmem>>, vector<1x16xf32>,
        %get3A_972 = vector.shape_cast %get3A_971 : vector<1x16xf32> to vector<16xf32>
        %mul3A_973 = arith.constant 3.200000e+01 : f32
        %mul3A_974 = vector.broadcast %mul3A_973 : f32 to vector<16xf32>
        %mul3A_975 = arith.mulf %get3A_972, %mul3A_974 : vector<16xf32>
        %swap3A = arith.index_cast %scan3A_961 : i32 to index
        %swap3A_976 = arith.index_cast %mul3A_969 : i32 to index
        %swap3A_977 = tpu.vector_load %arg8[%swap3A, %swap3A_976] {strides = array<i32>} : memref<32x1024xf32, #tpu.memory_space<vmem>>, vector<1x16xf32>,
        %swap3A_978 = vector.shape_cast %swap3A_977 : vector<1x16xf32> to vector<16xf32>
        %swap3A_979 = vector.shape_cast %mul3A_975 : vector<16xf32> to vector<1x16xf32>
        tpu.vector_store %arg8[%swap3A, %swap3A_976], %swap3A_979 {strides = array<i32>} : memref<32x1024xf32, #tpu.memory_space<vmem>>, vector<1x16xf32>,
        %scan3A_980 = arith.constant 1 : i32
        %scan3A_981 = arith.addi %scan3A_967, %scan3A_980 : i32
        %mul3A_982 = arith.constant 16 : i32
        %mul3A_983 = arith.muli %scan3A_981, %mul3A_982 : i32
        %get3A_984 = arith.index_cast %scan3A_961 : i32 to index
        %get3A_985 = arith.index_cast %mul3A_983 : i32 to index
        %get3A_986 = tpu.vector_load %arg8[%get3A_984, %get3A_985] {strides = array<i32>} : memref<32x1024xf32, #tpu.memory_space<vmem>>, vector<1x16xf32>,
        %get3A_987 = vector.shape_cast %get3A_986 : vector<1x16xf32> to vector<16xf32>
        %mul3A_988 = arith.constant 3.200000e+01 : f32
        %mul3A_989 = vector.broadcast %mul3A_988 : f32 to vector<16xf32>
        %mul3A_990 = arith.mulf %get3A_987, %mul3A_989 : vector<16xf32>
        %swap3A_991 = arith.index_cast %scan3A_961 : i32 to index
        %swap3A_992 = arith.index_cast %mul3A_983 : i32 to index
        %swap3A_993 = tpu.vector_load %arg8[%swap3A_991, %swap3A_992] {strides = array<i32>} : memref<32x1024xf32, #tpu.memory_space<vmem>>, vector<1x16xf32>,
        %swap3A_994 = vector.shape_cast %swap3A_993 : vector<1x16xf32> to vector<16xf32>
        %swap3A_995 = vector.shape_cast %mul3A_990 : vector<16xf32> to vector<1x16xf32>
        tpu.vector_store %arg8[%swap3A_991, %swap3A_992], %swap3A_995 {strides = array<i32>} : memref<32x1024xf32, #tpu.memory_space<vmem>>, vector<1x16xf32>,
        %scan3A_996 = arith.constant 2 : i32
        %scan3A_997 = arith.addi %scan3A_967, %scan3A_996 : i32
        %mul3A_998 = arith.constant 16 : i32
        %mul3A_999 = arith.muli %scan3A_997, %mul3A_998 : i32
        %get3A_1000 = arith.index_cast %scan3A_961 : i32 to index
        %get3A_1001 = arith.index_cast %mul3A_999 : i32 to index
        %get3A_1002 = tpu.vector_load %arg8[%get3A_1000, %get3A_1001] {strides = array<i32>} : memref<32x1024xf32, #tpu.memory_space<vmem>>, vector<1x16xf32>,
        %get3A_1003 = vector.shape_cast %get3A_1002 : vector<1x16xf32> to vector<16xf32>
        %mul3A_1004 = arith.constant 3.200000e+01 : f32
        %mul3A_1005 = vector.broadcast %mul3A_1004 : f32 to vector<16xf32>
        %mul3A_1006 = arith.mulf %get3A_1003, %mul3A_1005 : vector<16xf32>
        %swap3A_1007 = arith.index_cast %scan3A_961 : i32 to index
        %swap3A_1008 = arith.index_cast %mul3A_999 : i32 to index
        %swap3A_1009 = tpu.vector_load %arg8[%swap3A_1007, %swap3A_1008] {strides = array<i32>} : memref<32x1024xf32, #tpu.memory_space<vmem>>, vector<1x16xf32>,
        %swap3A_1010 = vector.shape_cast %swap3A_1009 : vector<1x16xf32> to vector<16xf32>
        %swap3A_1011 = vector.shape_cast %mul3A_1006 : vector<16xf32> to vector<1x16xf32>
        tpu.vector_store %arg8[%swap3A_1007, %swap3A_1008], %swap3A_1011 {strides = array<i32>} : memref<32x1024xf32, #tpu.memory_space<vmem>>, vector<1x16xf32>,
        %scan3A_1012 = arith.constant 3 : i32
        %scan3A_1013 = arith.addi %scan3A_967, %scan3A_1012 : i32
        %mul3A_1014 = arith.constant 16 : i32
        %mul3A_1015 = arith.muli %scan3A_1013, %mul3A_1014 : i32
        %get3A_1016 = arith.index_cast %scan3A_961 : i32 to index
        %get3A_1017 = arith.index_cast %mul3A_1015 : i32 to index
        %get3A_1018 = tpu.vector_load %arg8[%get3A_1016, %get3A_1017] {strides = array<i32>} : memref<32x1024xf32, #tpu.memory_space<vmem>>, vector<1x16xf32>,
        %get3A_1019 = vector.shape_cast %get3A_1018 : vector<1x16xf32> to vector<16xf32>
        %mul3A_1020 = arith.constant 3.200000e+01 : f32
        %mul3A_1021 = vector.broadcast %mul3A_1020 : f32 to vector<16xf32>
        %mul3A_1022 = arith.mulf %get3A_1019, %mul3A_1021 : vector<16xf32>
        %swap3A_1023 = arith.index_cast %scan3A_961 : i32 to index
        %swap3A_1024 = arith.index_cast %mul3A_1015 : i32 to index
        %swap3A_1025 = tpu.vector_load %arg8[%swap3A_1023, %swap3A_1024] {strides = array<i32>} : memref<32x1024xf32, #tpu.memory_space<vmem>>, vector<1x16xf32>,
        %swap3A_1026 = vector.shape_cast %swap3A_1025 : vector<1x16xf32> to vector<16xf32>
        %swap3A_1027 = vector.shape_cast %mul3A_1022 : vector<16xf32> to vector<1x16xf32>
        tpu.vector_store %arg8[%swap3A_1023, %swap3A_1024], %swap3A_1027 {strides = array<i32>} : memref<32x1024xf32, #tpu.memory_space<vmem>>, vector<1x16xf32>,
        %scan3A_1028 = arith.constant 4 : i32
        %scan3A_1029 = arith.addi %scan3A_967, %scan3A_1028 : i32
        %mul3A_1030 = arith.constant 16 : i32
        %mul3A_1031 = arith.muli %scan3A_1029, %mul3A_1030 : i32
        %get3A_1032 = arith.index_cast %scan3A_961 : i32 to index
        %get3A_1033 = arith.index_cast %mul3A_1031 : i32 to index
        %get3A_1034 = tpu.vector_load %arg8[%get3A_1032, %get3A_1033] {strides = array<i32>} : memref<32x1024xf32, #tpu.memory_space<vmem>>, vector<1x16xf32>,
        %get3A_1035 = vector.shape_cast %get3A_1034 : vector<1x16xf32> to vector<16xf32>
        %mul3A_1036 = arith.constant 3.200000e+01 : f32
        %mul3A_1037 = vector.broadcast %mul3A_1036 : f32 to vector<16xf32>
        %mul3A_1038 = arith.mulf %get3A_1035, %mul3A_1037 : vector<16xf32>
        %swap3A_1039 = arith.index_cast %scan3A_961 : i32 to index
        %swap3A_1040 = arith.index_cast %mul3A_1031 : i32 to index
        %swap3A_1041 = tpu.vector_load %arg8[%swap3A_1039, %swap3A_1040] {strides = array<i32>} : memref<32x1024xf32, #tpu.memory_space<vmem>>, vector<1x16xf32>,
        %swap3A_1042 = vector.shape_cast %swap3A_1041 : vector<1x16xf32> to vector<16xf32>
        %swap3A_1043 = vector.shape_cast %mul3A_1038 : vector<16xf32> to vector<1x16xf32>
        tpu.vector_store %arg8[%swap3A_1039, %swap3A_1040], %swap3A_1043 {strides = array<i32>} : memref<32x1024xf32, #tpu.memory_space<vmem>>, vector<1x16xf32>,
        %scan3A_1044 = arith.constant 5 : i32
        %scan3A_1045 = arith.addi %scan3A_967, %scan3A_1044 : i32
        %mul3A_1046 = arith.constant 16 : i32
        %mul3A_1047 = arith.muli %scan3A_1045, %mul3A_1046 : i32
        %get3A_1048 = arith.index_cast %scan3A_961 : i32 to index
        %get3A_1049 = arith.index_cast %mul3A_1047 : i32 to index
        %get3A_1050 = tpu.vector_load %arg8[%get3A_1048, %get3A_1049] {strides = array<i32>} : memref<32x1024xf32, #tpu.memory_space<vmem>>, vector<1x16xf32>,
        %get3A_1051 = vector.shape_cast %get3A_1050 : vector<1x16xf32> to vector<16xf32>
        %mul3A_1052 = arith.constant 3.200000e+01 : f32
        %mul3A_1053 = vector.broadcast %mul3A_1052 : f32 to vector<16xf32>
        %mul3A_1054 = arith.mulf %get3A_1051, %mul3A_1053 : vector<16xf32>
        %swap3A_1055 = arith.index_cast %scan3A_961 : i32 to index
        %swap3A_1056 = arith.index_cast %mul3A_1047 : i32 to index
        %swap3A_1057 = tpu.vector_load %arg8[%swap3A_1055, %swap3A_1056] {strides = array<i32>} : memref<32x1024xf32, #tpu.memory_space<vmem>>, vector<1x16xf32>,
        %swap3A_1058 = vector.shape_cast %swap3A_1057 : vector<1x16xf32> to vector<16xf32>
        %swap3A_1059 = vector.shape_cast %mul3A_1054 : vector<16xf32> to vector<1x16xf32>
        tpu.vector_store %arg8[%swap3A_1055, %swap3A_1056], %swap3A_1059 {strides = array<i32>} : memref<32x1024xf32, #tpu.memory_space<vmem>>, vector<1x16xf32>,
        %scan3A_1060 = arith.constant 6 : i32
        %scan3A_1061 = arith.addi %scan3A_967, %scan3A_1060 : i32
        %mul3A_1062 = arith.constant 16 : i32
        %mul3A_1063 = arith.muli %scan3A_1061, %mul3A_1062 : i32
        %get3A_1064 = arith.index_cast %scan3A_961 : i32 to index
        %get3A_1065 = arith.index_cast %mul3A_1063 : i32 to index
        %get3A_1066 = tpu.vector_load %arg8[%get3A_1064, %get3A_1065] {strides = array<i32>} : memref<32x1024xf32, #tpu.memory_space<vmem>>, vector<1x16xf32>,
        %get3A_1067 = vector.shape_cast %get3A_1066 : vector<1x16xf32> to vector<16xf32>
        %mul3A_1068 = arith.constant 3.200000e+01 : f32
        %mul3A_1069 = vector.broadcast %mul3A_1068 : f32 to vector<16xf32>
        %mul3A_1070 = arith.mulf %get3A_1067, %mul3A_1069 : vector<16xf32>
        %swap3A_1071 = arith.index_cast %scan3A_961 : i32 to index
        %swap3A_1072 = arith.index_cast %mul3A_1063 : i32 to index
        %swap3A_1073 = tpu.vector_load %arg8[%swap3A_1071, %swap3A_1072] {strides = array<i32>} : memref<32x1024xf32, #tpu.memory_space<vmem>>, vector<1x16xf32>,
        %swap3A_1074 = vector.shape_cast %swap3A_1073 : vector<1x16xf32> to vector<16xf32>
        %swap3A_1075 = vector.shape_cast %mul3A_1070 : vector<16xf32> to vector<1x16xf32>
        tpu.vector_store %arg8[%swap3A_1071, %swap3A_1072], %swap3A_1075 {strides = array<i32>} : memref<32x1024xf32, #tpu.memory_space<vmem>>, vector<1x16xf32>,
        %scan3A_1076 = arith.constant 7 : i32
        %scan3A_1077 = arith.addi %scan3A_967, %scan3A_1076 : i32
        %mul3A_1078 = arith.constant 16 : i32
        %mul3A_1079 = arith.muli %scan3A_1077, %mul3A_1078 : i32
        %get3A_1080 = arith.index_cast %scan3A_961 : i32 to index
        %get3A_1081 = arith.index_cast %mul3A_1079 : i32 to index
        %get3A_1082 = tpu.vector_load %arg8[%get3A_1080, %get3A_1081] {strides = array<i32>} : memref<32x1024xf32, #tpu.memory_space<vmem>>, vector<1x16xf32>,
        %get3A_1083 = vector.shape_cast %get3A_1082 : vector<1x16xf32> to vector<16xf32>
        %mul3A_1084 = arith.constant 3.200000e+01 : f32
        %mul3A_1085 = vector.broadcast %mul3A_1084 : f32 to vector<16xf32>
        %mul3A_1086 = arith.mulf %get3A_1083, %mul3A_1085 : vector<16xf32>
        %swap3A_1087 = arith.index_cast %scan3A_961 : i32 to index
        %swap3A_1088 = arith.index_cast %mul3A_1079 : i32 to index
        %swap3A_1089 = tpu.vector_load %arg8[%swap3A_1087, %swap3A_1088] {strides = array<i32>} : memref<32x1024xf32, #tpu.memory_space<vmem>>, vector<1x16xf32>,
        %swap3A_1090 = vector.shape_cast %swap3A_1089 : vector<1x16xf32> to vector<16xf32>
        %swap3A_1091 = vector.shape_cast %mul3A_1086 : vector<16xf32> to vector<1x16xf32>
        tpu.vector_store %arg8[%swap3A_1087, %swap3A_1088], %swap3A_1091 {strides = array<i32>} : memref<32x1024xf32, #tpu.memory_space<vmem>>, vector<1x16xf32>,
      }
      %scan3A_966 = arith.constant 64 : i32
    }
    %scan3A_164 = arith.constant 32 : i32
    %add3A_165 = arith.constant 32 : i32
    %add3A_166 = arith.addi %mul3A_32, %add3A_165 : i32
    %dma_start3A_167 = arith.constant 0 : i32
    %dma_start3A_168 = arith.constant 0 : i32
    %dma_start3A_169 = tpu.memref_slice %arg8[%dma_start3A_167, %dma_start3A_168] : memref<32x1024xf32, #tpu.memory_space<vmem>> -> memref<32x1024xf32, #tpu.memory_space<vmem>>
    %dma_start3A_170 = arith.constant 0 : i32
    %dma_start3A_171 = tpu.memref_slice %arg4[%select_n3A, %add3A_166, %dma_start3A_170] : memref<4x4096x1024xf32, #tpu.memory_space<hbm>> -> memref<1x32x1024xf32, #tpu.memory_space<hbm>>
    %dma_start3A_172 = tpu.memref_squeeze %dma_start3A_171 : memref<1x32x1024xf32, #tpu.memory_space<hbm>> -> memref<32x1024xf32, #tpu.memory_space<hbm>>
    %dma_start3A_173 = arith.constant 0 : i32
    %dma_start3A_174 = tpu.memref_slice %arg4[%select_n3A, %add3A_166, %dma_start3A_173] : memref<4x4096x1024xf32, #tpu.memory_space<hbm>> -> memref<1x32x1024xf32, #tpu.memory_space<hbm>>
    %dma_start3A_175 = tpu.memref_squeeze %dma_start3A_174 : memref<1x32x1024xf32, #tpu.memory_space<hbm>> -> memref<32x1024xf32, #tpu.memory_space<hbm>>
    %dma_start3A_176 = arith.constant 0 : i32
    %dma_start3A_177 = arith.constant 0 : i32
    %dma_start3A_178 = tpu.memref_slice %arg8[%dma_start3A_176, %dma_start3A_177] : memref<32x1024xf32, #tpu.memory_space<vmem>> -> memref<32x1024xf32, #tpu.memory_space<vmem>>
    tpu.enqueue_dma source(%dma_start3A_178 : memref<32x1024xf32, #tpu.memory_space<vmem>>) target(%dma_start3A_175 : memref<32x1024xf32, #tpu.memory_space<hbm>>) target_semaphore(%arg14 : memref<!tpu.dma_semaphore, #tpu.memory_space<semaphore_mem>>)
    %dma_wait3A_179 = arith.constant 0 : i32
    %dma_wait3A_180 = arith.constant 0 : i32
    %dma_wait3A_181 = tpu.memref_slice %arg6[%dma_wait3A_179, %dma_wait3A_180] : memref<32x1024xf32, #tpu.memory_space<vmem>> -> memref<32x1024xf32, #tpu.memory_space<vmem>>
    %dma_wait3A_182 = arith.constant 64 : i32
    %dma_wait3A_183 = tpu.memref_slice %arg5[%dma_wait3A_182] : memref<512xi32, #tpu.memory_space<vmem>> -> memref<32xi32, #tpu.memory_space<vmem>>
    %dma_wait3A_184 = arith.constant 0 : i32
    %dma_wait3A_185 = arith.constant 0 : i32
    %dma_wait3A_186 = tpu.memref_slice %arg3[%dma_wait3A_184, %dma_wait3A_185] : memref<100000x1024xf32, #tpu.memory_space<hbm>> -> memref<100000x1024xf32, #tpu.memory_space<hbm>>
    tpu.wait_indirect_dma semaphore(%arg9 : memref<!tpu.dma_semaphore, #tpu.memory_space<semaphore_mem>>) src(%dma_wait3A_186 : memref<100000x1024xf32, #tpu.memory_space<hbm>>) dst(%dma_wait3A_181 : memref<32x1024xf32, #tpu.memory_space<vmem>>)
    %add3A_187 = arith.constant 32 : i32
    %add3A_188 = arith.addi %mul3A_32, %add3A_187 : i32
    %dma_wait3A_189 = arith.constant 0 : i32
    %dma_wait3A_190 = arith.constant 0 : i32
    %dma_wait3A_191 = tpu.memref_slice %arg8[%dma_wait3A_189, %dma_wait3A_190] : memref<32x1024xf32, #tpu.memory_space<vmem>> -> memref<32x1024xf32, #tpu.memory_space<vmem>>
    %dma_wait3A_192 = arith.constant 0 : i32
    %dma_wait3A_193 = tpu.memref_slice %arg4[%select_n3A, %add3A_188, %dma_wait3A_192] : memref<4x4096x1024xf32, #tpu.memory_space<hbm>> -> memref<1x32x1024xf32, #tpu.memory_space<hbm>>
    %dma_wait3A_194 = tpu.memref_squeeze %dma_wait3A_193 : memref<1x32x1024xf32, #tpu.memory_space<hbm>> -> memref<32x1024xf32, #tpu.memory_space<hbm>>
    %dma_wait3A_195 = arith.constant 0 : i32
    %dma_wait3A_196 = tpu.memref_slice %arg4[%select_n3A, %add3A_188, %dma_wait3A_195] : memref<4x4096x1024xf32, #tpu.memory_space<hbm>> -> memref<1x32x1024xf32, #tpu.memory_space<hbm>>
    %dma_wait3A_197 = tpu.memref_squeeze %dma_wait3A_196 : memref<1x32x1024xf32, #tpu.memory_space<hbm>> -> memref<32x1024xf32, #tpu.memory_space<hbm>>
    %dma_wait3A_198 = arith.constant 0 : i32
    %dma_wait3A_199 = arith.constant 0 : i32
    %dma_wait3A_200 = tpu.memref_slice %arg8[%dma_wait3A_198, %dma_wait3A_199] : memref<32x1024xf32, #tpu.memory_space<vmem>> -> memref<32x1024xf32, #tpu.memory_space<vmem>>
    tpu.wait_dma2 semaphore(%arg14 : memref<!tpu.dma_semaphore, #tpu.memory_space<semaphore_mem>>) src(%dma_wait3A_200 : memref<32x1024xf32, #tpu.memory_space<vmem>>) dst(%dma_wait3A_197 : memref<32x1024xf32, #tpu.memory_space<hbm>>)
    %dma_start3A_201 = arith.constant 0 : i32
    %dma_start3A_202 = arith.constant 0 : i32
    %dma_start3A_203 = tpu.memref_slice %arg8[%dma_start3A_201, %dma_start3A_202] : memref<32x1024xf32, #tpu.memory_space<vmem>> -> memref<32x1024xf32, #tpu.memory_space<vmem>>
    %dma_start3A_204 = arith.constant 128 : i32
    %dma_start3A_205 = tpu.memref_slice %arg5[%dma_start3A_204] : memref<512xi32, #tpu.memory_space<vmem>> -> memref<32xi32, #tpu.memory_space<vmem>>
    %dma_start3A_206 = arith.constant 0 : i32
    %dma_start3A_207 = arith.constant 0 : i32
    %dma_start3A_208 = tpu.memref_slice %arg3[%dma_start3A_206, %dma_start3A_207] : memref<100000x1024xf32, #tpu.memory_space<hbm>> -> memref<100000x1024xf32, #tpu.memory_space<hbm>>
    tpu.enqueue_indirect_dma source(%dma_start3A_208 : memref<100000x1024xf32, #tpu.memory_space<hbm>>) target(%dma_start3A_203 : memref<32x1024xf32, #tpu.memory_space<vmem>>) offsets(%dma_start3A_205 : memref<32xi32, #tpu.memory_space<vmem>>) semaphore(%arg11 : memref<!tpu.dma_semaphore, #tpu.memory_space<semaphore_mem>>)
    %scan3A_209 = arith.constant 0 : i32
    %scan3A_210 = arith.constant 32 : i32
    %scan3A_211 = arith.addi %scan3A_209, %scan3A_210 : i32
    %scan3A_212 = arith.constant 1 : i32
    scf.for %scan3A_961 = %scan3A_209 to %scan3A_211 step %scan3A_212  : i32 {
      %scan3A_962 = arith.constant 0 : i32
      %scan3A_963 = arith.constant 64 : i32
      %scan3A_964 = arith.addi %scan3A_962, %scan3A_963 : i32
      %scan3A_965 = arith.constant 8 : i32
      scf.for %scan3A_967 = %scan3A_962 to %scan3A_964 step %scan3A_965  : i32 {
        %mul3A_968 = arith.constant 16 : i32
        %mul3A_969 = arith.muli %scan3A_967, %mul3A_968 : i32
        %get3A = arith.index_cast %scan3A_961 : i32 to index
        %get3A_970 = arith.index_cast %mul3A_969 : i32 to index
        %get3A_971 = tpu.vector_load %arg6[%get3A, %get3A_970] {strides = array<i32>} : memref<32x1024xf32, #tpu.memory_space<vmem>>, vector<1x16xf32>,
        %get3A_972 = vector.shape_cast %get3A_971 : vector<1x16xf32> to vector<16xf32>
        %mul3A_973 = arith.constant 3.200000e+01 : f32
        %mul3A_974 = vector.broadcast %mul3A_973 : f32 to vector<16xf32>
        %mul3A_975 = arith.mulf %get3A_972, %mul3A_974 : vector<16xf32>
        %swap3A = arith.index_cast %scan3A_961 : i32 to index
        %swap3A_976 = arith.index_cast %mul3A_969 : i32 to index
        %swap3A_977 = tpu.vector_load %arg6[%swap3A, %swap3A_976] {strides = array<i32>} : memref<32x1024xf32, #tpu.memory_space<vmem>>, vector<1x16xf32>,
        %swap3A_978 = vector.shape_cast %swap3A_977 : vector<1x16xf32> to vector<16xf32>
        %swap3A_979 = vector.shape_cast %mul3A_975 : vector<16xf32> to vector<1x16xf32>
        tpu.vector_store %arg6[%swap3A, %swap3A_976], %swap3A_979 {strides = array<i32>} : memref<32x1024xf32, #tpu.memory_space<vmem>>, vector<1x16xf32>,
        %scan3A_980 = arith.constant 1 : i32
        %scan3A_981 = arith.addi %scan3A_967, %scan3A_980 : i32
        %mul3A_982 = arith.constant 16 : i32
        %mul3A_983 = arith.muli %scan3A_981, %mul3A_982 : i32
        %get3A_984 = arith.index_cast %scan3A_961 : i32 to index
        %get3A_985 = arith.index_cast %mul3A_983 : i32 to index
        %get3A_986 = tpu.vector_load %arg6[%get3A_984, %get3A_985] {strides = array<i32>} : memref<32x1024xf32, #tpu.memory_space<vmem>>, vector<1x16xf32>,
        %get3A_987 = vector.shape_cast %get3A_986 : vector<1x16xf32> to vector<16xf32>
        %mul3A_988 = arith.constant 3.200000e+01 : f32
        %mul3A_989 = vector.broadcast %mul3A_988 : f32 to vector<16xf32>
        %mul3A_990 = arith.mulf %get3A_987, %mul3A_989 : vector<16xf32>
        %swap3A_991 = arith.index_cast %scan3A_961 : i32 to index
        %swap3A_992 = arith.index_cast %mul3A_983 : i32 to index
        %swap3A_993 = tpu.vector_load %arg6[%swap3A_991, %swap3A_992] {strides = array<i32>} : memref<32x1024xf32, #tpu.memory_space<vmem>>, vector<1x16xf32>,
        %swap3A_994 = vector.shape_cast %swap3A_993 : vector<1x16xf32> to vector<16xf32>
        %swap3A_995 = vector.shape_cast %mul3A_990 : vector<16xf32> to vector<1x16xf32>
        tpu.vector_store %arg6[%swap3A_991, %swap3A_992], %swap3A_995 {strides = array<i32>} : memref<32x1024xf32, #tpu.memory_space<vmem>>, vector<1x16xf32>,
        %scan3A_996 = arith.constant 2 : i32
        %scan3A_997 = arith.addi %scan3A_967, %scan3A_996 : i32
        %mul3A_998 = arith.constant 16 : i32
        %mul3A_999 = arith.muli %scan3A_997, %mul3A_998 : i32
        %get3A_1000 = arith.index_cast %scan3A_961 : i32 to index
        %get3A_1001 = arith.index_cast %mul3A_999 : i32 to index
        %get3A_1002 = tpu.vector_load %arg6[%get3A_1000, %get3A_1001] {strides = array<i32>} : memref<32x1024xf32, #tpu.memory_space<vmem>>, vector<1x16xf32>,
        %get3A_1003 = vector.shape_cast %get3A_1002 : vector<1x16xf32> to vector<16xf32>
        %mul3A_1004 = arith.constant 3.200000e+01 : f32
        %mul3A_1005 = vector.broadcast %mul3A_1004 : f32 to vector<16xf32>
        %mul3A_1006 = arith.mulf %get3A_1003, %mul3A_1005 : vector<16xf32>
        %swap3A_1007 = arith.index_cast %scan3A_961 : i32 to index
        %swap3A_1008 = arith.index_cast %mul3A_999 : i32 to index
        %swap3A_1009 = tpu.vector_load %arg6[%swap3A_1007, %swap3A_1008] {strides = array<i32>} : memref<32x1024xf32, #tpu.memory_space<vmem>>, vector<1x16xf32>,
        %swap3A_1010 = vector.shape_cast %swap3A_1009 : vector<1x16xf32> to vector<16xf32>
        %swap3A_1011 = vector.shape_cast %mul3A_1006 : vector<16xf32> to vector<1x16xf32>
        tpu.vector_store %arg6[%swap3A_1007, %swap3A_1008], %swap3A_1011 {strides = array<i32>} : memref<32x1024xf32, #tpu.memory_space<vmem>>, vector<1x16xf32>,
        %scan3A_1012 = arith.constant 3 : i32
        %scan3A_1013 = arith.addi %scan3A_967, %scan3A_1012 : i32
        %mul3A_1014 = arith.constant 16 : i32
        %mul3A_1015 = arith.muli %scan3A_1013, %mul3A_1014 : i32
        %get3A_1016 = arith.index_cast %scan3A_961 : i32 to index
        %get3A_1017 = arith.index_cast %mul3A_1015 : i32 to index
        %get3A_1018 = tpu.vector_load %arg6[%get3A_1016, %get3A_1017] {strides = array<i32>} : memref<32x1024xf32, #tpu.memory_space<vmem>>, vector<1x16xf32>,
        %get3A_1019 = vector.shape_cast %get3A_1018 : vector<1x16xf32> to vector<16xf32>
        %mul3A_1020 = arith.constant 3.200000e+01 : f32
        %mul3A_1021 = vector.broadcast %mul3A_1020 : f32 to vector<16xf32>
        %mul3A_1022 = arith.mulf %get3A_1019, %mul3A_1021 : vector<16xf32>
        %swap3A_1023 = arith.index_cast %scan3A_961 : i32 to index
        %swap3A_1024 = arith.index_cast %mul3A_1015 : i32 to index
        %swap3A_1025 = tpu.vector_load %arg6[%swap3A_1023, %swap3A_1024] {strides = array<i32>} : memref<32x1024xf32, #tpu.memory_space<vmem>>, vector<1x16xf32>,
        %swap3A_1026 = vector.shape_cast %swap3A_1025 : vector<1x16xf32> to vector<16xf32>
        %swap3A_1027 = vector.shape_cast %mul3A_1022 : vector<16xf32> to vector<1x16xf32>
        tpu.vector_store %arg6[%swap3A_1023, %swap3A_1024], %swap3A_1027 {strides = array<i32>} : memref<32x1024xf32, #tpu.memory_space<vmem>>, vector<1x16xf32>,
        %scan3A_1028 = arith.constant 4 : i32
        %scan3A_1029 = arith.addi %scan3A_967, %scan3A_1028 : i32
        %mul3A_1030 = arith.constant 16 : i32
        %mul3A_1031 = arith.muli %scan3A_1029, %mul3A_1030 : i32
        %get3A_1032 = arith.index_cast %scan3A_961 : i32 to index
        %get3A_1033 = arith.index_cast %mul3A_1031 : i32 to index
        %get3A_1034 = tpu.vector_load %arg6[%get3A_1032, %get3A_1033] {strides = array<i32>} : memref<32x1024xf32, #tpu.memory_space<vmem>>, vector<1x16xf32>,
        %get3A_1035 = vector.shape_cast %get3A_1034 : vector<1x16xf32> to vector<16xf32>
        %mul3A_1036 = arith.constant 3.200000e+01 : f32
        %mul3A_1037 = vector.broadcast %mul3A_1036 : f32 to vector<16xf32>
        %mul3A_1038 = arith.mulf %get3A_1035, %mul3A_1037 : vector<16xf32>
        %swap3A_1039 = arith.index_cast %scan3A_961 : i32 to index
        %swap3A_1040 = arith.index_cast %mul3A_1031 : i32 to index
        %swap3A_1041 = tpu.vector_load %arg6[%swap3A_1039, %swap3A_1040] {strides = array<i32>} : memref<32x1024xf32, #tpu.memory_space<vmem>>, vector<1x16xf32>,
        %swap3A_1042 = vector.shape_cast %swap3A_1041 : vector<1x16xf32> to vector<16xf32>
        %swap3A_1043 = vector.shape_cast %mul3A_1038 : vector<16xf32> to vector<1x16xf32>
        tpu.vector_store %arg6[%swap3A_1039, %swap3A_1040], %swap3A_1043 {strides = array<i32>} : memref<32x1024xf32, #tpu.memory_space<vmem>>, vector<1x16xf32>,
        %scan3A_1044 = arith.constant 5 : i32
        %scan3A_1045 = arith.addi %scan3A_967, %scan3A_1044 : i32
        %mul3A_1046 = arith.constant 16 : i32
        %mul3A_1047 = arith.muli %scan3A_1045, %mul3A_1046 : i32
        %get3A_1048 = arith.index_cast %scan3A_961 : i32 to index
        %get3A_1049 = arith.index_cast %mul3A_1047 : i32 to index
        %get3A_1050 = tpu.vector_load %arg6[%get3A_1048, %get3A_1049] {strides = array<i32>} : memref<32x1024xf32, #tpu.memory_space<vmem>>, vector<1x16xf32>,
        %get3A_1051 = vector.shape_cast %get3A_1050 : vector<1x16xf32> to vector<16xf32>
        %mul3A_1052 = arith.constant 3.200000e+01 : f32
        %mul3A_1053 = vector.broadcast %mul3A_1052 : f32 to vector<16xf32>
        %mul3A_1054 = arith.mulf %get3A_1051, %mul3A_1053 : vector<16xf32>
        %swap3A_1055 = arith.index_cast %scan3A_961 : i32 to index
        %swap3A_1056 = arith.index_cast %mul3A_1047 : i32 to index
        %swap3A_1057 = tpu.vector_load %arg6[%swap3A_1055, %swap3A_1056] {strides = array<i32>} : memref<32x1024xf32, #tpu.memory_space<vmem>>, vector<1x16xf32>,
        %swap3A_1058 = vector.shape_cast %swap3A_1057 : vector<1x16xf32> to vector<16xf32>
        %swap3A_1059 = vector.shape_cast %mul3A_1054 : vector<16xf32> to vector<1x16xf32>
        tpu.vector_store %arg6[%swap3A_1055, %swap3A_1056], %swap3A_1059 {strides = array<i32>} : memref<32x1024xf32, #tpu.memory_space<vmem>>, vector<1x16xf32>,
        %scan3A_1060 = arith.constant 6 : i32
        %scan3A_1061 = arith.addi %scan3A_967, %scan3A_1060 : i32
        %mul3A_1062 = arith.constant 16 : i32
        %mul3A_1063 = arith.muli %scan3A_1061, %mul3A_1062 : i32
        %get3A_1064 = arith.index_cast %scan3A_961 : i32 to index
        %get3A_1065 = arith.index_cast %mul3A_1063 : i32 to index
        %get3A_1066 = tpu.vector_load %arg6[%get3A_1064, %get3A_1065] {strides = array<i32>} : memref<32x1024xf32, #tpu.memory_space<vmem>>, vector<1x16xf32>,
        %get3A_1067 = vector.shape_cast %get3A_1066 : vector<1x16xf32> to vector<16xf32>
        %mul3A_1068 = arith.constant 3.200000e+01 : f32
        %mul3A_1069 = vector.broadcast %mul3A_1068 : f32 to vector<16xf32>
        %mul3A_1070 = arith.mulf %get3A_1067, %mul3A_1069 : vector<16xf32>
        %swap3A_1071 = arith.index_cast %scan3A_961 : i32 to index
        %swap3A_1072 = arith.index_cast %mul3A_1063 : i32 to index
        %swap3A_1073 = tpu.vector_load %arg6[%swap3A_1071, %swap3A_1072] {strides = array<i32>} : memref<32x1024xf32, #tpu.memory_space<vmem>>, vector<1x16xf32>,
        %swap3A_1074 = vector.shape_cast %swap3A_1073 : vector<1x16xf32> to vector<16xf32>
        %swap3A_1075 = vector.shape_cast %mul3A_1070 : vector<16xf32> to vector<1x16xf32>
        tpu.vector_store %arg6[%swap3A_1071, %swap3A_1072], %swap3A_1075 {strides = array<i32>} : memref<32x1024xf32, #tpu.memory_space<vmem>>, vector<1x16xf32>,
        %scan3A_1076 = arith.constant 7 : i32
        %scan3A_1077 = arith.addi %scan3A_967, %scan3A_1076 : i32
        %mul3A_1078 = arith.constant 16 : i32
        %mul3A_1079 = arith.muli %scan3A_1077, %mul3A_1078 : i32
        %get3A_1080 = arith.index_cast %scan3A_961 : i32 to index
        %get3A_1081 = arith.index_cast %mul3A_1079 : i32 to index
        %get3A_1082 = tpu.vector_load %arg6[%get3A_1080, %get3A_1081] {strides = array<i32>} : memref<32x1024xf32, #tpu.memory_space<vmem>>, vector<1x16xf32>,
        %get3A_1083 = vector.shape_cast %get3A_1082 : vector<1x16xf32> to vector<16xf32>
        %mul3A_1084 = arith.constant 3.200000e+01 : f32
        %mul3A_1085 = vector.broadcast %mul3A_1084 : f32 to vector<16xf32>
        %mul3A_1086 = arith.mulf %get3A_1083, %mul3A_1085 : vector<16xf32>
        %swap3A_1087 = arith.index_cast %scan3A_961 : i32 to index
        %swap3A_1088 = arith.index_cast %mul3A_1079 : i32 to index
        %swap3A_1089 = tpu.vector_load %arg6[%swap3A_1087, %swap3A_1088] {strides = array<i32>} : memref<32x1024xf32, #tpu.memory_space<vmem>>, vector<1x16xf32>,
        %swap3A_1090 = vector.shape_cast %swap3A_1089 : vector<1x16xf32> to vector<16xf32>
        %swap3A_1091 = vector.shape_cast %mul3A_1086 : vector<16xf32> to vector<1x16xf32>
        tpu.vector_store %arg6[%swap3A_1087, %swap3A_1088], %swap3A_1091 {strides = array<i32>} : memref<32x1024xf32, #tpu.memory_space<vmem>>, vector<1x16xf32>,
      }
      %scan3A_966 = arith.constant 64 : i32
    }
    %scan3A_213 = arith.constant 32 : i32
    %add3A_214 = arith.constant 64 : i32
    %add3A_215 = arith.addi %mul3A_32, %add3A_214 : i32
    %dma_start3A_216 = arith.constant 0 : i32
    %dma_start3A_217 = arith.constant 0 : i32
    %dma_start3A_218 = tpu.memref_slice %arg6[%dma_start3A_216, %dma_start3A_217] : memref<32x1024xf32, #tpu.memory_space<vmem>> -> memref<32x1024xf32, #tpu.memory_space<vmem>>
    %dma_start3A_219 = arith.constant 0 : i32
    %dma_start3A_220 = tpu.memref_slice %arg4[%select_n3A, %add3A_215, %dma_start3A_219] : memref<4x4096x1024xf32, #tpu.memory_space<hbm>> -> memref<1x32x1024xf32, #tpu.memory_space<hbm>>
    %dma_start3A_221 = tpu.memref_squeeze %dma_start3A_220 : memref<1x32x1024xf32, #tpu.memory_space<hbm>> -> memref<32x1024xf32, #tpu.memory_space<hbm>>
    %dma_start3A_222 = arith.constant 0 : i32
    %dma_start3A_223 = tpu.memref_slice %arg4[%select_n3A, %add3A_215, %dma_start3A_222] : memref<4x4096x1024xf32, #tpu.memory_space<hbm>> -> memref<1x32x1024xf32, #tpu.memory_space<hbm>>
    %dma_start3A_224 = tpu.memref_squeeze %dma_start3A_223 : memref<1x32x1024xf32, #tpu.memory_space<hbm>> -> memref<32x1024xf32, #tpu.memory_space<hbm>>
    %dma_start3A_225 = arith.constant 0 : i32
    %dma_start3A_226 = arith.constant 0 : i32
    %dma_start3A_227 = tpu.memref_slice %arg6[%dma_start3A_225, %dma_start3A_226] : memref<32x1024xf32, #tpu.memory_space<vmem>> -> memref<32x1024xf32, #tpu.memory_space<vmem>>
    tpu.enqueue_dma source(%dma_start3A_227 : memref<32x1024xf32, #tpu.memory_space<vmem>>) target(%dma_start3A_224 : memref<32x1024xf32, #tpu.memory_space<hbm>>) target_semaphore(%arg12 : memref<!tpu.dma_semaphore, #tpu.memory_space<semaphore_mem>>)
    %dma_wait3A_228 = arith.constant 0 : i32
    %dma_wait3A_229 = arith.constant 0 : i32
    %dma_wait3A_230 = tpu.memref_slice %arg7[%dma_wait3A_228, %dma_wait3A_229] : memref<32x1024xf32, #tpu.memory_space<vmem>> -> memref<32x1024xf32, #tpu.memory_space<vmem>>
    %dma_wait3A_231 = arith.constant 96 : i32
    %dma_wait3A_232 = tpu.memref_slice %arg5[%dma_wait3A_231] : memref<512xi32, #tpu.memory_space<vmem>> -> memref<32xi32, #tpu.memory_space<vmem>>
    %dma_wait3A_233 = arith.constant 0 : i32
    %dma_wait3A_234 = arith.constant 0 : i32
    %dma_wait3A_235 = tpu.memref_slice %arg3[%dma_wait3A_233, %dma_wait3A_234] : memref<100000x1024xf32, #tpu.memory_space<hbm>> -> memref<100000x1024xf32, #tpu.memory_space<hbm>>
    tpu.wait_indirect_dma semaphore(%arg10 : memref<!tpu.dma_semaphore, #tpu.memory_space<semaphore_mem>>) src(%dma_wait3A_235 : memref<100000x1024xf32, #tpu.memory_space<hbm>>) dst(%dma_wait3A_230 : memref<32x1024xf32, #tpu.memory_space<vmem>>)
    %add3A_236 = arith.constant 64 : i32
    %add3A_237 = arith.addi %mul3A_32, %add3A_236 : i32
    %dma_wait3A_238 = arith.constant 0 : i32
    %dma_wait3A_239 = arith.constant 0 : i32
    %dma_wait3A_240 = tpu.memref_slice %arg6[%dma_wait3A_238, %dma_wait3A_239] : memref<32x1024xf32, #tpu.memory_space<vmem>> -> memref<32x1024xf32, #tpu.memory_space<vmem>>
    %dma_wait3A_241 = arith.constant 0 : i32
    %dma_wait3A_242 = tpu.memref_slice %arg4[%select_n3A, %add3A_237, %dma_wait3A_241] : memref<4x4096x1024xf32, #tpu.memory_space<hbm>> -> memref<1x32x1024xf32, #tpu.memory_space<hbm>>
    %dma_wait3A_243 = tpu.memref_squeeze %dma_wait3A_242 : memref<1x32x1024xf32, #tpu.memory_space<hbm>> -> memref<32x1024xf32, #tpu.memory_space<hbm>>
    %dma_wait3A_244 = arith.constant 0 : i32
    %dma_wait3A_245 = tpu.memref_slice %arg4[%select_n3A, %add3A_237, %dma_wait3A_244] : memref<4x4096x1024xf32, #tpu.memory_space<hbm>> -> memref<1x32x1024xf32, #tpu.memory_space<hbm>>
    %dma_wait3A_246 = tpu.memref_squeeze %dma_wait3A_245 : memref<1x32x1024xf32, #tpu.memory_space<hbm>> -> memref<32x1024xf32, #tpu.memory_space<hbm>>
    %dma_wait3A_247 = arith.constant 0 : i32
    %dma_wait3A_248 = arith.constant 0 : i32
    %dma_wait3A_249 = tpu.memref_slice %arg6[%dma_wait3A_247, %dma_wait3A_248] : memref<32x1024xf32, #tpu.memory_space<vmem>> -> memref<32x1024xf32, #tpu.memory_space<vmem>>
    tpu.wait_dma2 semaphore(%arg12 : memref<!tpu.dma_semaphore, #tpu.memory_space<semaphore_mem>>) src(%dma_wait3A_249 : memref<32x1024xf32, #tpu.memory_space<vmem>>) dst(%dma_wait3A_246 : memref<32x1024xf32, #tpu.memory_space<hbm>>)
    %dma_start3A_250 = arith.constant 0 : i32
    %dma_start3A_251 = arith.constant 0 : i32
    %dma_start3A_252 = tpu.memref_slice %arg6[%dma_start3A_250, %dma_start3A_251] : memref<32x1024xf32, #tpu.memory_space<vmem>> -> memref<32x1024xf32, #tpu.memory_space<vmem>>
    %dma_start3A_253 = arith.constant 160 : i32
    %dma_start3A_254 = tpu.memref_slice %arg5[%dma_start3A_253] : memref<512xi32, #tpu.memory_space<vmem>> -> memref<32xi32, #tpu.memory_space<vmem>>
    %dma_start3A_255 = arith.constant 0 : i32
    %dma_start3A_256 = arith.constant 0 : i32
    %dma_start3A_257 = tpu.memref_slice %arg3[%dma_start3A_255, %dma_start3A_256] : memref<100000x1024xf32, #tpu.memory_space<hbm>> -> memref<100000x1024xf32, #tpu.memory_space<hbm>>
    tpu.enqueue_indirect_dma source(%dma_start3A_257 : memref<100000x1024xf32, #tpu.memory_space<hbm>>) target(%dma_start3A_252 : memref<32x1024xf32, #tpu.memory_space<vmem>>) offsets(%dma_start3A_254 : memref<32xi32, #tpu.memory_space<vmem>>) semaphore(%arg9 : memref<!tpu.dma_semaphore, #tpu.memory_space<semaphore_mem>>)
    %scan3A_258 = arith.constant 0 : i32
    %scan3A_259 = arith.constant 32 : i32
    %scan3A_260 = arith.addi %scan3A_258, %scan3A_259 : i32
    %scan3A_261 = arith.constant 1 : i32
    scf.for %scan3A_961 = %scan3A_258 to %scan3A_260 step %scan3A_261  : i32 {
      %scan3A_962 = arith.constant 0 : i32
      %scan3A_963 = arith.constant 64 : i32
      %scan3A_964 = arith.addi %scan3A_962, %scan3A_963 : i32
      %scan3A_965 = arith.constant 8 : i32
      scf.for %scan3A_967 = %scan3A_962 to %scan3A_964 step %scan3A_965  : i32 {
        %mul3A_968 = arith.constant 16 : i32
        %mul3A_969 = arith.muli %scan3A_967, %mul3A_968 : i32
        %get3A = arith.index_cast %scan3A_961 : i32 to index
        %get3A_970 = arith.index_cast %mul3A_969 : i32 to index
        %get3A_971 = tpu.vector_load %arg7[%get3A, %get3A_970] {strides = array<i32>} : memref<32x1024xf32, #tpu.memory_space<vmem>>, vector<1x16xf32>,
        %get3A_972 = vector.shape_cast %get3A_971 : vector<1x16xf32> to vector<16xf32>
        %mul3A_973 = arith.constant 3.200000e+01 : f32
        %mul3A_974 = vector.broadcast %mul3A_973 : f32 to vector<16xf32>
        %mul3A_975 = arith.mulf %get3A_972, %mul3A_974 : vector<16xf32>
        %swap3A = arith.index_cast %scan3A_961 : i32 to index
        %swap3A_976 = arith.index_cast %mul3A_969 : i32 to index
        %swap3A_977 = tpu.vector_load %arg7[%swap3A, %swap3A_976] {strides = array<i32>} : memref<32x1024xf32, #tpu.memory_space<vmem>>, vector<1x16xf32>,
        %swap3A_978 = vector.shape_cast %swap3A_977 : vector<1x16xf32> to vector<16xf32>
        %swap3A_979 = vector.shape_cast %mul3A_975 : vector<16xf32> to vector<1x16xf32>
        tpu.vector_store %arg7[%swap3A, %swap3A_976], %swap3A_979 {strides = array<i32>} : memref<32x1024xf32, #tpu.memory_space<vmem>>, vector<1x16xf32>,
        %scan3A_980 = arith.constant 1 : i32
        %scan3A_981 = arith.addi %scan3A_967, %scan3A_980 : i32
        %mul3A_982 = arith.constant 16 : i32
        %mul3A_983 = arith.muli %scan3A_981, %mul3A_982 : i32
        %get3A_984 = arith.index_cast %scan3A_961 : i32 to index
        %get3A_985 = arith.index_cast %mul3A_983 : i32 to index
        %get3A_986 = tpu.vector_load %arg7[%get3A_984, %get3A_985] {strides = array<i32>} : memref<32x1024xf32, #tpu.memory_space<vmem>>, vector<1x16xf32>,
        %get3A_987 = vector.shape_cast %get3A_986 : vector<1x16xf32> to vector<16xf32>
        %mul3A_988 = arith.constant 3.200000e+01 : f32
        %mul3A_989 = vector.broadcast %mul3A_988 : f32 to vector<16xf32>
        %mul3A_990 = arith.mulf %get3A_987, %mul3A_989 : vector<16xf32>
        %swap3A_991 = arith.index_cast %scan3A_961 : i32 to index
        %swap3A_992 = arith.index_cast %mul3A_983 : i32 to index
        %swap3A_993 = tpu.vector_load %arg7[%swap3A_991, %swap3A_992] {strides = array<i32>} : memref<32x1024xf32, #tpu.memory_space<vmem>>, vector<1x16xf32>,
        %swap3A_994 = vector.shape_cast %swap3A_993 : vector<1x16xf32> to vector<16xf32>
        %swap3A_995 = vector.shape_cast %mul3A_990 : vector<16xf32> to vector<1x16xf32>
        tpu.vector_store %arg7[%swap3A_991, %swap3A_992], %swap3A_995 {strides = array<i32>} : memref<32x1024xf32, #tpu.memory_space<vmem>>, vector<1x16xf32>,
        %scan3A_996 = arith.constant 2 : i32
        %scan3A_997 = arith.addi %scan3A_967, %scan3A_996 : i32
        %mul3A_998 = arith.constant 16 : i32
        %mul3A_999 = arith.muli %scan3A_997, %mul3A_998 : i32
        %get3A_1000 = arith.index_cast %scan3A_961 : i32 to index
        %get3A_1001 = arith.index_cast %mul3A_999 : i32 to index
        %get3A_1002 = tpu.vector_load %arg7[%get3A_1000, %get3A_1001] {strides = array<i32>} : memref<32x1024xf32, #tpu.memory_space<vmem>>, vector<1x16xf32>,
        %get3A_1003 = vector.shape_cast %get3A_1002 : vector<1x16xf32> to vector<16xf32>
        %mul3A_1004 = arith.constant 3.200000e+01 : f32
        %mul3A_1005 = vector.broadcast %mul3A_1004 : f32 to vector<16xf32>
        %mul3A_1006 = arith.mulf %get3A_1003, %mul3A_1005 : vector<16xf32>
        %swap3A_1007 = arith.index_cast %scan3A_961 : i32 to index
        %swap3A_1008 = arith.index_cast %mul3A_999 : i32 to index
        %swap3A_1009 = tpu.vector_load %arg7[%swap3A_1007, %swap3A_1008] {strides = array<i32>} : memref<32x1024xf32, #tpu.memory_space<vmem>>, vector<1x16xf32>,
        %swap3A_1010 = vector.shape_cast %swap3A_1009 : vector<1x16xf32> to vector<16xf32>
        %swap3A_1011 = vector.shape_cast %mul3A_1006 : vector<16xf32> to vector<1x16xf32>
        tpu.vector_store %arg7[%swap3A_1007, %swap3A_1008], %swap3A_1011 {strides = array<i32>} : memref<32x1024xf32, #tpu.memory_space<vmem>>, vector<1x16xf32>,
        %scan3A_1012 = arith.constant 3 : i32
        %scan3A_1013 = arith.addi %scan3A_967, %scan3A_1012 : i32
        %mul3A_1014 = arith.constant 16 : i32
        %mul3A_1015 = arith.muli %scan3A_1013, %mul3A_1014 : i32
        %get3A_1016 = arith.index_cast %scan3A_961 : i32 to index
        %get3A_1017 = arith.index_cast %mul3A_1015 : i32 to index
        %get3A_1018 = tpu.vector_load %arg7[%get3A_1016, %get3A_1017] {strides = array<i32>} : memref<32x1024xf32, #tpu.memory_space<vmem>>, vector<1x16xf32>,
        %get3A_1019 = vector.shape_cast %get3A_1018 : vector<1x16xf32> to vector<16xf32>
        %mul3A_1020 = arith.constant 3.200000e+01 : f32
        %mul3A_1021 = vector.broadcast %mul3A_1020 : f32 to vector<16xf32>
        %mul3A_1022 = arith.mulf %get3A_1019, %mul3A_1021 : vector<16xf32>
        %swap3A_1023 = arith.index_cast %scan3A_961 : i32 to index
        %swap3A_1024 = arith.index_cast %mul3A_1015 : i32 to index
        %swap3A_1025 = tpu.vector_load %arg7[%swap3A_1023, %swap3A_1024] {strides = array<i32>} : memref<32x1024xf32, #tpu.memory_space<vmem>>, vector<1x16xf32>,
        %swap3A_1026 = vector.shape_cast %swap3A_1025 : vector<1x16xf32> to vector<16xf32>
        %swap3A_1027 = vector.shape_cast %mul3A_1022 : vector<16xf32> to vector<1x16xf32>
        tpu.vector_store %arg7[%swap3A_1023, %swap3A_1024], %swap3A_1027 {strides = array<i32>} : memref<32x1024xf32, #tpu.memory_space<vmem>>, vector<1x16xf32>,
        %scan3A_1028 = arith.constant 4 : i32
        %scan3A_1029 = arith.addi %scan3A_967, %scan3A_1028 : i32
        %mul3A_1030 = arith.constant 16 : i32
        %mul3A_1031 = arith.muli %scan3A_1029, %mul3A_1030 : i32
        %get3A_1032 = arith.index_cast %scan3A_961 : i32 to index
        %get3A_1033 = arith.index_cast %mul3A_1031 : i32 to index
        %get3A_1034 = tpu.vector_load %arg7[%get3A_1032, %get3A_1033] {strides = array<i32>} : memref<32x1024xf32, #tpu.memory_space<vmem>>, vector<1x16xf32>,
        %get3A_1035 = vector.shape_cast %get3A_1034 : vector<1x16xf32> to vector<16xf32>
        %mul3A_1036 = arith.constant 3.200000e+01 : f32
        %mul3A_1037 = vector.broadcast %mul3A_1036 : f32 to vector<16xf32>
        %mul3A_1038 = arith.mulf %get3A_1035, %mul3A_1037 : vector<16xf32>
        %swap3A_1039 = arith.index_cast %scan3A_961 : i32 to index
        %swap3A_1040 = arith.index_cast %mul3A_1031 : i32 to index
        %swap3A_1041 = tpu.vector_load %arg7[%swap3A_1039, %swap3A_1040] {strides = array<i32>} : memref<32x1024xf32, #tpu.memory_space<vmem>>, vector<1x16xf32>,
        %swap3A_1042 = vector.shape_cast %swap3A_1041 : vector<1x16xf32> to vector<16xf32>
        %swap3A_1043 = vector.shape_cast %mul3A_1038 : vector<16xf32> to vector<1x16xf32>
        tpu.vector_store %arg7[%swap3A_1039, %swap3A_1040], %swap3A_1043 {strides = array<i32>} : memref<32x1024xf32, #tpu.memory_space<vmem>>, vector<1x16xf32>,
        %scan3A_1044 = arith.constant 5 : i32
        %scan3A_1045 = arith.addi %scan3A_967, %scan3A_1044 : i32
        %mul3A_1046 = arith.constant 16 : i32
        %mul3A_1047 = arith.muli %scan3A_1045, %mul3A_1046 : i32
        %get3A_1048 = arith.index_cast %scan3A_961 : i32 to index
        %get3A_1049 = arith.index_cast %mul3A_1047 : i32 to index
        %get3A_1050 = tpu.vector_load %arg7[%get3A_1048, %get3A_1049] {strides = array<i32>} : memref<32x1024xf32, #tpu.memory_space<vmem>>, vector<1x16xf32>,
        %get3A_1051 = vector.shape_cast %get3A_1050 : vector<1x16xf32> to vector<16xf32>
        %mul3A_1052 = arith.constant 3.200000e+01 : f32
        %mul3A_1053 = vector.broadcast %mul3A_1052 : f32 to vector<16xf32>
        %mul3A_1054 = arith.mulf %get3A_1051, %mul3A_1053 : vector<16xf32>
        %swap3A_1055 = arith.index_cast %scan3A_961 : i32 to index
        %swap3A_1056 = arith.index_cast %mul3A_1047 : i32 to index
        %swap3A_1057 = tpu.vector_load %arg7[%swap3A_1055, %swap3A_1056] {strides = array<i32>} : memref<32x1024xf32, #tpu.memory_space<vmem>>, vector<1x16xf32>,
        %swap3A_1058 = vector.shape_cast %swap3A_1057 : vector<1x16xf32> to vector<16xf32>
        %swap3A_1059 = vector.shape_cast %mul3A_1054 : vector<16xf32> to vector<1x16xf32>
        tpu.vector_store %arg7[%swap3A_1055, %swap3A_1056], %swap3A_1059 {strides = array<i32>} : memref<32x1024xf32, #tpu.memory_space<vmem>>, vector<1x16xf32>,
        %scan3A_1060 = arith.constant 6 : i32
        %scan3A_1061 = arith.addi %scan3A_967, %scan3A_1060 : i32
        %mul3A_1062 = arith.constant 16 : i32
        %mul3A_1063 = arith.muli %scan3A_1061, %mul3A_1062 : i32
        %get3A_1064 = arith.index_cast %scan3A_961 : i32 to index
        %get3A_1065 = arith.index_cast %mul3A_1063 : i32 to index
        %get3A_1066 = tpu.vector_load %arg7[%get3A_1064, %get3A_1065] {strides = array<i32>} : memref<32x1024xf32, #tpu.memory_space<vmem>>, vector<1x16xf32>,
        %get3A_1067 = vector.shape_cast %get3A_1066 : vector<1x16xf32> to vector<16xf32>
        %mul3A_1068 = arith.constant 3.200000e+01 : f32
        %mul3A_1069 = vector.broadcast %mul3A_1068 : f32 to vector<16xf32>
        %mul3A_1070 = arith.mulf %get3A_1067, %mul3A_1069 : vector<16xf32>
        %swap3A_1071 = arith.index_cast %scan3A_961 : i32 to index
        %swap3A_1072 = arith.index_cast %mul3A_1063 : i32 to index
        %swap3A_1073 = tpu.vector_load %arg7[%swap3A_1071, %swap3A_1072] {strides = array<i32>} : memref<32x1024xf32, #tpu.memory_space<vmem>>, vector<1x16xf32>,
        %swap3A_1074 = vector.shape_cast %swap3A_1073 : vector<1x16xf32> to vector<16xf32>
        %swap3A_1075 = vector.shape_cast %mul3A_1070 : vector<16xf32> to vector<1x16xf32>
        tpu.vector_store %arg7[%swap3A_1071, %swap3A_1072], %swap3A_1075 {strides = array<i32>} : memref<32x1024xf32, #tpu.memory_space<vmem>>, vector<1x16xf32>,
        %scan3A_1076 = arith.constant 7 : i32
        %scan3A_1077 = arith.addi %scan3A_967, %scan3A_1076 : i32
        %mul3A_1078 = arith.constant 16 : i32
        %mul3A_1079 = arith.muli %scan3A_1077, %mul3A_1078 : i32
        %get3A_1080 = arith.index_cast %scan3A_961 : i32 to index
        %get3A_1081 = arith.index_cast %mul3A_1079 : i32 to index
        %get3A_1082 = tpu.vector_load %arg7[%get3A_1080, %get3A_1081] {strides = array<i32>} : memref<32x1024xf32, #tpu.memory_space<vmem>>, vector<1x16xf32>,
        %get3A_1083 = vector.shape_cast %get3A_1082 : vector<1x16xf32> to vector<16xf32>
        %mul3A_1084 = arith.constant 3.200000e+01 : f32
        %mul3A_1085 = vector.broadcast %mul3A_1084 : f32 to vector<16xf32>
        %mul3A_1086 = arith.mulf %get3A_1083, %mul3A_1085 : vector<16xf32>
        %swap3A_1087 = arith.index_cast %scan3A_961 : i32 to index
        %swap3A_1088 = arith.index_cast %mul3A_1079 : i32 to index
        %swap3A_1089 = tpu.vector_load %arg7[%swap3A_1087, %swap3A_1088] {strides = array<i32>} : memref<32x1024xf32, #tpu.memory_space<vmem>>, vector<1x16xf32>,
        %swap3A_1090 = vector.shape_cast %swap3A_1089 : vector<1x16xf32> to vector<16xf32>
        %swap3A_1091 = vector.shape_cast %mul3A_1086 : vector<16xf32> to vector<1x16xf32>
        tpu.vector_store %arg7[%swap3A_1087, %swap3A_1088], %swap3A_1091 {strides = array<i32>} : memref<32x1024xf32, #tpu.memory_space<vmem>>, vector<1x16xf32>,
      }
      %scan3A_966 = arith.constant 64 : i32
    }
    %scan3A_262 = arith.constant 32 : i32
    %add3A_263 = arith.constant 96 : i32
    %add3A_264 = arith.addi %mul3A_32, %add3A_263 : i32
    %dma_start3A_265 = arith.constant 0 : i32
    %dma_start3A_266 = arith.constant 0 : i32
    %dma_start3A_267 = tpu.memref_slice %arg7[%dma_start3A_265, %dma_start3A_266] : memref<32x1024xf32, #tpu.memory_space<vmem>> -> memref<32x1024xf32, #tpu.memory_space<vmem>>
    %dma_start3A_268 = arith.constant 0 : i32
    %dma_start3A_269 = tpu.memref_slice %arg4[%select_n3A, %add3A_264, %dma_start3A_268] : memref<4x4096x1024xf32, #tpu.memory_space<hbm>> -> memref<1x32x1024xf32, #tpu.memory_space<hbm>>
    %dma_start3A_270 = tpu.memref_squeeze %dma_start3A_269 : memref<1x32x1024xf32, #tpu.memory_space<hbm>> -> memref<32x1024xf32, #tpu.memory_space<hbm>>
    %dma_start3A_271 = arith.constant 0 : i32
    %dma_start3A_272 = tpu.memref_slice %arg4[%select_n3A, %add3A_264, %dma_start3A_271] : memref<4x4096x1024xf32, #tpu.memory_space<hbm>> -> memref<1x32x1024xf32, #tpu.memory_space<hbm>>
    %dma_start3A_273 = tpu.memref_squeeze %dma_start3A_272 : memref<1x32x1024xf32, #tpu.memory_space<hbm>> -> memref<32x1024xf32, #tpu.memory_space<hbm>>
    %dma_start3A_274 = arith.constant 0 : i32
    %dma_start3A_275 = arith.constant 0 : i32
    %dma_start3A_276 = tpu.memref_slice %arg7[%dma_start3A_274, %dma_start3A_275] : memref<32x1024xf32, #tpu.memory_space<vmem>> -> memref<32x1024xf32, #tpu.memory_space<vmem>>
    tpu.enqueue_dma source(%dma_start3A_276 : memref<32x1024xf32, #tpu.memory_space<vmem>>) target(%dma_start3A_273 : memref<32x1024xf32, #tpu.memory_space<hbm>>) target_semaphore(%arg13 : memref<!tpu.dma_semaphore, #tpu.memory_space<semaphore_mem>>)
    %dma_wait3A_277 = arith.constant 0 : i32
    %dma_wait3A_278 = arith.constant 0 : i32
    %dma_wait3A_279 = tpu.memref_slice %arg8[%dma_wait3A_277, %dma_wait3A_278] : memref<32x1024xf32, #tpu.memory_space<vmem>> -> memref<32x1024xf32, #tpu.memory_space<vmem>>
    %dma_wait3A_280 = arith.constant 128 : i32
    %dma_wait3A_281 = tpu.memref_slice %arg5[%dma_wait3A_280] : memref<512xi32, #tpu.memory_space<vmem>> -> memref<32xi32, #tpu.memory_space<vmem>>
    %dma_wait3A_282 = arith.constant 0 : i32
    %dma_wait3A_283 = arith.constant 0 : i32
    %dma_wait3A_284 = tpu.memref_slice %arg3[%dma_wait3A_282, %dma_wait3A_283] : memref<100000x1024xf32, #tpu.memory_space<hbm>> -> memref<100000x1024xf32, #tpu.memory_space<hbm>>
    tpu.wait_indirect_dma semaphore(%arg11 : memref<!tpu.dma_semaphore, #tpu.memory_space<semaphore_mem>>) src(%dma_wait3A_284 : memref<100000x1024xf32, #tpu.memory_space<hbm>>) dst(%dma_wait3A_279 : memref<32x1024xf32, #tpu.memory_space<vmem>>)
    %add3A_285 = arith.constant 96 : i32
    %add3A_286 = arith.addi %mul3A_32, %add3A_285 : i32
    %dma_wait3A_287 = arith.constant 0 : i32
    %dma_wait3A_288 = arith.constant 0 : i32
    %dma_wait3A_289 = tpu.memref_slice %arg7[%dma_wait3A_287, %dma_wait3A_288] : memref<32x1024xf32, #tpu.memory_space<vmem>> -> memref<32x1024xf32, #tpu.memory_space<vmem>>
    %dma_wait3A_290 = arith.constant 0 : i32
    %dma_wait3A_291 = tpu.memref_slice %arg4[%select_n3A, %add3A_286, %dma_wait3A_290] : memref<4x4096x1024xf32, #tpu.memory_space<hbm>> -> memref<1x32x1024xf32, #tpu.memory_space<hbm>>
    %dma_wait3A_292 = tpu.memref_squeeze %dma_wait3A_291 : memref<1x32x1024xf32, #tpu.memory_space<hbm>> -> memref<32x1024xf32, #tpu.memory_space<hbm>>
    %dma_wait3A_293 = arith.constant 0 : i32
    %dma_wait3A_294 = tpu.memref_slice %arg4[%select_n3A, %add3A_286, %dma_wait3A_293] : memref<4x4096x1024xf32, #tpu.memory_space<hbm>> -> memref<1x32x1024xf32, #tpu.memory_space<hbm>>
    %dma_wait3A_295 = tpu.memref_squeeze %dma_wait3A_294 : memref<1x32x1024xf32, #tpu.memory_space<hbm>> -> memref<32x1024xf32, #tpu.memory_space<hbm>>
    %dma_wait3A_296 = arith.constant 0 : i32
    %dma_wait3A_297 = arith.constant 0 : i32
    %dma_wait3A_298 = tpu.memref_slice %arg7[%dma_wait3A_296, %dma_wait3A_297] : memref<32x1024xf32, #tpu.memory_space<vmem>> -> memref<32x1024xf32, #tpu.memory_space<vmem>>
    tpu.wait_dma2 semaphore(%arg13 : memref<!tpu.dma_semaphore, #tpu.memory_space<semaphore_mem>>) src(%dma_wait3A_298 : memref<32x1024xf32, #tpu.memory_space<vmem>>) dst(%dma_wait3A_295 : memref<32x1024xf32, #tpu.memory_space<hbm>>)
    %dma_start3A_299 = arith.constant 0 : i32
    %dma_start3A_300 = arith.constant 0 : i32
    %dma_start3A_301 = tpu.memref_slice %arg7[%dma_start3A_299, %dma_start3A_300] : memref<32x1024xf32, #tpu.memory_space<vmem>> -> memref<32x1024xf32, #tpu.memory_space<vmem>>
    %dma_start3A_302 = arith.constant 192 : i32
    %dma_start3A_303 = tpu.memref_slice %arg5[%dma_start3A_302] : memref<512xi32, #tpu.memory_space<vmem>> -> memref<32xi32, #tpu.memory_space<vmem>>
    %dma_start3A_304 = arith.constant 0 : i32
    %dma_start3A_305 = arith.constant 0 : i32
    %dma_start3A_306 = tpu.memref_slice %arg3[%dma_start3A_304, %dma_start3A_305] : memref<100000x1024xf32, #tpu.memory_space<hbm>> -> memref<100000x1024xf32, #tpu.memory_space<hbm>>
    tpu.enqueue_indirect_dma source(%dma_start3A_306 : memref<100000x1024xf32, #tpu.memory_space<hbm>>) target(%dma_start3A_301 : memref<32x1024xf32, #tpu.memory_space<vmem>>) offsets(%dma_start3A_303 : memref<32xi32, #tpu.memory_space<vmem>>) semaphore(%arg10 : memref<!tpu.dma_semaphore, #tpu.memory_space<semaphore_mem>>)
    %scan3A_307 = arith.constant 0 : i32
    %scan3A_308 = arith.constant 32 : i32
    %scan3A_309 = arith.addi %scan3A_307, %scan3A_308 : i32
    %scan3A_310 = arith.constant 1 : i32
    scf.for %scan3A_961 = %scan3A_307 to %scan3A_309 step %scan3A_310  : i32 {
      %scan3A_962 = arith.constant 0 : i32
      %scan3A_963 = arith.constant 64 : i32
      %scan3A_964 = arith.addi %scan3A_962, %scan3A_963 : i32
      %scan3A_965 = arith.constant 8 : i32
      scf.for %scan3A_967 = %scan3A_962 to %scan3A_964 step %scan3A_965  : i32 {
        %mul3A_968 = arith.constant 16 : i32
        %mul3A_969 = arith.muli %scan3A_967, %mul3A_968 : i32
        %get3A = arith.index_cast %scan3A_961 : i32 to index
        %get3A_970 = arith.index_cast %mul3A_969 : i32 to index
        %get3A_971 = tpu.vector_load %arg8[%get3A, %get3A_970] {strides = array<i32>} : memref<32x1024xf32, #tpu.memory_space<vmem>>, vector<1x16xf32>,
        %get3A_972 = vector.shape_cast %get3A_971 : vector<1x16xf32> to vector<16xf32>
        %mul3A_973 = arith.constant 3.200000e+01 : f32
        %mul3A_974 = vector.broadcast %mul3A_973 : f32 to vector<16xf32>
        %mul3A_975 = arith.mulf %get3A_972, %mul3A_974 : vector<16xf32>
        %swap3A = arith.index_cast %scan3A_961 : i32 to index
        %swap3A_976 = arith.index_cast %mul3A_969 : i32 to index
        %swap3A_977 = tpu.vector_load %arg8[%swap3A, %swap3A_976] {strides = array<i32>} : memref<32x1024xf32, #tpu.memory_space<vmem>>, vector<1x16xf32>,
        %swap3A_978 = vector.shape_cast %swap3A_977 : vector<1x16xf32> to vector<16xf32>
        %swap3A_979 = vector.shape_cast %mul3A_975 : vector<16xf32> to vector<1x16xf32>
        tpu.vector_store %arg8[%swap3A, %swap3A_976], %swap3A_979 {strides = array<i32>} : memref<32x1024xf32, #tpu.memory_space<vmem>>, vector<1x16xf32>,
        %scan3A_980 = arith.constant 1 : i32
        %scan3A_981 = arith.addi %scan3A_967, %scan3A_980 : i32
        %mul3A_982 = arith.constant 16 : i32
        %mul3A_983 = arith.muli %scan3A_981, %mul3A_982 : i32
        %get3A_984 = arith.index_cast %scan3A_961 : i32 to index
        %get3A_985 = arith.index_cast %mul3A_983 : i32 to index
        %get3A_986 = tpu.vector_load %arg8[%get3A_984, %get3A_985] {strides = array<i32>} : memref<32x1024xf32, #tpu.memory_space<vmem>>, vector<1x16xf32>,
        %get3A_987 = vector.shape_cast %get3A_986 : vector<1x16xf32> to vector<16xf32>
        %mul3A_988 = arith.constant 3.200000e+01 : f32
        %mul3A_989 = vector.broadcast %mul3A_988 : f32 to vector<16xf32>
        %mul3A_990 = arith.mulf %get3A_987, %mul3A_989 : vector<16xf32>
        %swap3A_991 = arith.index_cast %scan3A_961 : i32 to index
        %swap3A_992 = arith.index_cast %mul3A_983 : i32 to index
        %swap3A_993 = tpu.vector_load %arg8[%swap3A_991, %swap3A_992] {strides = array<i32>} : memref<32x1024xf32, #tpu.memory_space<vmem>>, vector<1x16xf32>,
        %swap3A_994 = vector.shape_cast %swap3A_993 : vector<1x16xf32> to vector<16xf32>
        %swap3A_995 = vector.shape_cast %mul3A_990 : vector<16xf32> to vector<1x16xf32>
        tpu.vector_store %arg8[%swap3A_991, %swap3A_992], %swap3A_995 {strides = array<i32>} : memref<32x1024xf32, #tpu.memory_space<vmem>>, vector<1x16xf32>,
        %scan3A_996 = arith.constant 2 : i32
        %scan3A_997 = arith.addi %scan3A_967, %scan3A_996 : i32
        %mul3A_998 = arith.constant 16 : i32
        %mul3A_999 = arith.muli %scan3A_997, %mul3A_998 : i32
        %get3A_1000 = arith.index_cast %scan3A_961 : i32 to index
        %get3A_1001 = arith.index_cast %mul3A_999 : i32 to index
        %get3A_1002 = tpu.vector_load %arg8[%get3A_1000, %get3A_1001] {strides = array<i32>} : memref<32x1024xf32, #tpu.memory_space<vmem>>, vector<1x16xf32>,
        %get3A_1003 = vector.shape_cast %get3A_1002 : vector<1x16xf32> to vector<16xf32>
        %mul3A_1004 = arith.constant 3.200000e+01 : f32
        %mul3A_1005 = vector.broadcast %mul3A_1004 : f32 to vector<16xf32>
        %mul3A_1006 = arith.mulf %get3A_1003, %mul3A_1005 : vector<16xf32>
        %swap3A_1007 = arith.index_cast %scan3A_961 : i32 to index
        %swap3A_1008 = arith.index_cast %mul3A_999 : i32 to index
        %swap3A_1009 = tpu.vector_load %arg8[%swap3A_1007, %swap3A_1008] {strides = array<i32>} : memref<32x1024xf32, #tpu.memory_space<vmem>>, vector<1x16xf32>,
        %swap3A_1010 = vector.shape_cast %swap3A_1009 : vector<1x16xf32> to vector<16xf32>
        %swap3A_1011 = vector.shape_cast %mul3A_1006 : vector<16xf32> to vector<1x16xf32>
        tpu.vector_store %arg8[%swap3A_1007, %swap3A_1008], %swap3A_1011 {strides = array<i32>} : memref<32x1024xf32, #tpu.memory_space<vmem>>, vector<1x16xf32>,
        %scan3A_1012 = arith.constant 3 : i32
        %scan3A_1013 = arith.addi %scan3A_967, %scan3A_1012 : i32
        %mul3A_1014 = arith.constant 16 : i32
        %mul3A_1015 = arith.muli %scan3A_1013, %mul3A_1014 : i32
        %get3A_1016 = arith.index_cast %scan3A_961 : i32 to index
        %get3A_1017 = arith.index_cast %mul3A_1015 : i32 to index
        %get3A_1018 = tpu.vector_load %arg8[%get3A_1016, %get3A_1017] {strides = array<i32>} : memref<32x1024xf32, #tpu.memory_space<vmem>>, vector<1x16xf32>,
        %get3A_1019 = vector.shape_cast %get3A_1018 : vector<1x16xf32> to vector<16xf32>
        %mul3A_1020 = arith.constant 3.200000e+01 : f32
        %mul3A_1021 = vector.broadcast %mul3A_1020 : f32 to vector<16xf32>
        %mul3A_1022 = arith.mulf %get3A_1019, %mul3A_1021 : vector<16xf32>
        %swap3A_1023 = arith.index_cast %scan3A_961 : i32 to index
        %swap3A_1024 = arith.index_cast %mul3A_1015 : i32 to index
        %swap3A_1025 = tpu.vector_load %arg8[%swap3A_1023, %swap3A_1024] {strides = array<i32>} : memref<32x1024xf32, #tpu.memory_space<vmem>>, vector<1x16xf32>,
        %swap3A_1026 = vector.shape_cast %swap3A_1025 : vector<1x16xf32> to vector<16xf32>
        %swap3A_1027 = vector.shape_cast %mul3A_1022 : vector<16xf32> to vector<1x16xf32>
        tpu.vector_store %arg8[%swap3A_1023, %swap3A_1024], %swap3A_1027 {strides = array<i32>} : memref<32x1024xf32, #tpu.memory_space<vmem>>, vector<1x16xf32>,
        %scan3A_1028 = arith.constant 4 : i32
        %scan3A_1029 = arith.addi %scan3A_967, %scan3A_1028 : i32
        %mul3A_1030 = arith.constant 16 : i32
        %mul3A_1031 = arith.muli %scan3A_1029, %mul3A_1030 : i32
        %get3A_1032 = arith.index_cast %scan3A_961 : i32 to index
        %get3A_1033 = arith.index_cast %mul3A_1031 : i32 to index
        %get3A_1034 = tpu.vector_load %arg8[%get3A_1032, %get3A_1033] {strides = array<i32>} : memref<32x1024xf32, #tpu.memory_space<vmem>>, vector<1x16xf32>,
        %get3A_1035 = vector.shape_cast %get3A_1034 : vector<1x16xf32> to vector<16xf32>
        %mul3A_1036 = arith.constant 3.200000e+01 : f32
        %mul3A_1037 = vector.broadcast %mul3A_1036 : f32 to vector<16xf32>
        %mul3A_1038 = arith.mulf %get3A_1035, %mul3A_1037 : vector<16xf32>
        %swap3A_1039 = arith.index_cast %scan3A_961 : i32 to index
        %swap3A_1040 = arith.index_cast %mul3A_1031 : i32 to index
        %swap3A_1041 = tpu.vector_load %arg8[%swap3A_1039, %swap3A_1040] {strides = array<i32>} : memref<32x1024xf32, #tpu.memory_space<vmem>>, vector<1x16xf32>,
        %swap3A_1042 = vector.shape_cast %swap3A_1041 : vector<1x16xf32> to vector<16xf32>
        %swap3A_1043 = vector.shape_cast %mul3A_1038 : vector<16xf32> to vector<1x16xf32>
        tpu.vector_store %arg8[%swap3A_1039, %swap3A_1040], %swap3A_1043 {strides = array<i32>} : memref<32x1024xf32, #tpu.memory_space<vmem>>, vector<1x16xf32>,
        %scan3A_1044 = arith.constant 5 : i32
        %scan3A_1045 = arith.addi %scan3A_967, %scan3A_1044 : i32
        %mul3A_1046 = arith.constant 16 : i32
        %mul3A_1047 = arith.muli %scan3A_1045, %mul3A_1046 : i32
        %get3A_1048 = arith.index_cast %scan3A_961 : i32 to index
        %get3A_1049 = arith.index_cast %mul3A_1047 : i32 to index
        %get3A_1050 = tpu.vector_load %arg8[%get3A_1048, %get3A_1049] {strides = array<i32>} : memref<32x1024xf32, #tpu.memory_space<vmem>>, vector<1x16xf32>,
        %get3A_1051 = vector.shape_cast %get3A_1050 : vector<1x16xf32> to vector<16xf32>
        %mul3A_1052 = arith.constant 3.200000e+01 : f32
        %mul3A_1053 = vector.broadcast %mul3A_1052 : f32 to vector<16xf32>
        %mul3A_1054 = arith.mulf %get3A_1051, %mul3A_1053 : vector<16xf32>
        %swap3A_1055 = arith.index_cast %scan3A_961 : i32 to index
        %swap3A_1056 = arith.index_cast %mul3A_1047 : i32 to index
        %swap3A_1057 = tpu.vector_load %arg8[%swap3A_1055, %swap3A_1056] {strides = array<i32>} : memref<32x1024xf32, #tpu.memory_space<vmem>>, vector<1x16xf32>,
        %swap3A_1058 = vector.shape_cast %swap3A_1057 : vector<1x16xf32> to vector<16xf32>
        %swap3A_1059 = vector.shape_cast %mul3A_1054 : vector<16xf32> to vector<1x16xf32>
        tpu.vector_store %arg8[%swap3A_1055, %swap3A_1056], %swap3A_1059 {strides = array<i32>} : memref<32x1024xf32, #tpu.memory_space<vmem>>, vector<1x16xf32>,
        %scan3A_1060 = arith.constant 6 : i32
        %scan3A_1061 = arith.addi %scan3A_967, %scan3A_1060 : i32
        %mul3A_1062 = arith.constant 16 : i32
        %mul3A_1063 = arith.muli %scan3A_1061, %mul3A_1062 : i32
        %get3A_1064 = arith.index_cast %scan3A_961 : i32 to index
        %get3A_1065 = arith.index_cast %mul3A_1063 : i32 to index
        %get3A_1066 = tpu.vector_load %arg8[%get3A_1064, %get3A_1065] {strides = array<i32>} : memref<32x1024xf32, #tpu.memory_space<vmem>>, vector<1x16xf32>,
        %get3A_1067 = vector.shape_cast %get3A_1066 : vector<1x16xf32> to vector<16xf32>
        %mul3A_1068 = arith.constant 3.200000e+01 : f32
        %mul3A_1069 = vector.broadcast %mul3A_1068 : f32 to vector<16xf32>
        %mul3A_1070 = arith.mulf %get3A_1067, %mul3A_1069 : vector<16xf32>
        %swap3A_1071 = arith.index_cast %scan3A_961 : i32 to index
        %swap3A_1072 = arith.index_cast %mul3A_1063 : i32 to index
        %swap3A_1073 = tpu.vector_load %arg8[%swap3A_1071, %swap3A_1072] {strides = array<i32>} : memref<32x1024xf32, #tpu.memory_space<vmem>>, vector<1x16xf32>,
        %swap3A_1074 = vector.shape_cast %swap3A_1073 : vector<1x16xf32> to vector<16xf32>
        %swap3A_1075 = vector.shape_cast %mul3A_1070 : vector<16xf32> to vector<1x16xf32>
        tpu.vector_store %arg8[%swap3A_1071, %swap3A_1072], %swap3A_1075 {strides = array<i32>} : memref<32x1024xf32, #tpu.memory_space<vmem>>, vector<1x16xf32>,
        %scan3A_1076 = arith.constant 7 : i32
        %scan3A_1077 = arith.addi %scan3A_967, %scan3A_1076 : i32
        %mul3A_1078 = arith.constant 16 : i32
        %mul3A_1079 = arith.muli %scan3A_1077, %mul3A_1078 : i32
        %get3A_1080 = arith.index_cast %scan3A_961 : i32 to index
        %get3A_1081 = arith.index_cast %mul3A_1079 : i32 to index
        %get3A_1082 = tpu.vector_load %arg8[%get3A_1080, %get3A_1081] {strides = array<i32>} : memref<32x1024xf32, #tpu.memory_space<vmem>>, vector<1x16xf32>,
        %get3A_1083 = vector.shape_cast %get3A_1082 : vector<1x16xf32> to vector<16xf32>
        %mul3A_1084 = arith.constant 3.200000e+01 : f32
        %mul3A_1085 = vector.broadcast %mul3A_1084 : f32 to vector<16xf32>
        %mul3A_1086 = arith.mulf %get3A_1083, %mul3A_1085 : vector<16xf32>
        %swap3A_1087 = arith.index_cast %scan3A_961 : i32 to index
        %swap3A_1088 = arith.index_cast %mul3A_1079 : i32 to index
        %swap3A_1089 = tpu.vector_load %arg8[%swap3A_1087, %swap3A_1088] {strides = array<i32>} : memref<32x1024xf32, #tpu.memory_space<vmem>>, vector<1x16xf32>,
        %swap3A_1090 = vector.shape_cast %swap3A_1089 : vector<1x16xf32> to vector<16xf32>
        %swap3A_1091 = vector.shape_cast %mul3A_1086 : vector<16xf32> to vector<1x16xf32>
        tpu.vector_store %arg8[%swap3A_1087, %swap3A_1088], %swap3A_1091 {strides = array<i32>} : memref<32x1024xf32, #tpu.memory_space<vmem>>, vector<1x16xf32>,
      }
      %scan3A_966 = arith.constant 64 : i32
    }
    %scan3A_311 = arith.constant 32 : i32
    %add3A_312 = arith.constant 128 : i32
    %add3A_313 = arith.addi %mul3A_32, %add3A_312 : i32
    %dma_start3A_314 = arith.constant 0 : i32
    %dma_start3A_315 = arith.constant 0 : i32
    %dma_start3A_316 = tpu.memref_slice %arg8[%dma_start3A_314, %dma_start3A_315] : memref<32x1024xf32, #tpu.memory_space<vmem>> -> memref<32x1024xf32, #tpu.memory_space<vmem>>
    %dma_start3A_317 = arith.constant 0 : i32
    %dma_start3A_318 = tpu.memref_slice %arg4[%select_n3A, %add3A_313, %dma_start3A_317] : memref<4x4096x1024xf32, #tpu.memory_space<hbm>> -> memref<1x32x1024xf32, #tpu.memory_space<hbm>>
    %dma_start3A_319 = tpu.memref_squeeze %dma_start3A_318 : memref<1x32x1024xf32, #tpu.memory_space<hbm>> -> memref<32x1024xf32, #tpu.memory_space<hbm>>
    %dma_start3A_320 = arith.constant 0 : i32
    %dma_start3A_321 = tpu.memref_slice %arg4[%select_n3A, %add3A_313, %dma_start3A_320] : memref<4x4096x1024xf32, #tpu.memory_space<hbm>> -> memref<1x32x1024xf32, #tpu.memory_space<hbm>>
    %dma_start3A_322 = tpu.memref_squeeze %dma_start3A_321 : memref<1x32x1024xf32, #tpu.memory_space<hbm>> -> memref<32x1024xf32, #tpu.memory_space<hbm>>
    %dma_start3A_323 = arith.constant 0 : i32
    %dma_start3A_324 = arith.constant 0 : i32
    %dma_start3A_325 = tpu.memref_slice %arg8[%dma_start3A_323, %dma_start3A_324] : memref<32x1024xf32, #tpu.memory_space<vmem>> -> memref<32x1024xf32, #tpu.memory_space<vmem>>
    tpu.enqueue_dma source(%dma_start3A_325 : memref<32x1024xf32, #tpu.memory_space<vmem>>) target(%dma_start3A_322 : memref<32x1024xf32, #tpu.memory_space<hbm>>) target_semaphore(%arg14 : memref<!tpu.dma_semaphore, #tpu.memory_space<semaphore_mem>>)
    %dma_wait3A_326 = arith.constant 0 : i32
    %dma_wait3A_327 = arith.constant 0 : i32
    %dma_wait3A_328 = tpu.memref_slice %arg6[%dma_wait3A_326, %dma_wait3A_327] : memref<32x1024xf32, #tpu.memory_space<vmem>> -> memref<32x1024xf32, #tpu.memory_space<vmem>>
    %dma_wait3A_329 = arith.constant 160 : i32
    %dma_wait3A_330 = tpu.memref_slice %arg5[%dma_wait3A_329] : memref<512xi32, #tpu.memory_space<vmem>> -> memref<32xi32, #tpu.memory_space<vmem>>
    %dma_wait3A_331 = arith.constant 0 : i32
    %dma_wait3A_332 = arith.constant 0 : i32
    %dma_wait3A_333 = tpu.memref_slice %arg3[%dma_wait3A_331, %dma_wait3A_332] : memref<100000x1024xf32, #tpu.memory_space<hbm>> -> memref<100000x1024xf32, #tpu.memory_space<hbm>>
    tpu.wait_indirect_dma semaphore(%arg9 : memref<!tpu.dma_semaphore, #tpu.memory_space<semaphore_mem>>) src(%dma_wait3A_333 : memref<100000x1024xf32, #tpu.memory_space<hbm>>) dst(%dma_wait3A_328 : memref<32x1024xf32, #tpu.memory_space<vmem>>)
    %add3A_334 = arith.constant 128 : i32
    %add3A_335 = arith.addi %mul3A_32, %add3A_334 : i32
    %dma_wait3A_336 = arith.constant 0 : i32
    %dma_wait3A_337 = arith.constant 0 : i32
    %dma_wait3A_338 = tpu.memref_slice %arg8[%dma_wait3A_336, %dma_wait3A_337] : memref<32x1024xf32, #tpu.memory_space<vmem>> -> memref<32x1024xf32, #tpu.memory_space<vmem>>
    %dma_wait3A_339 = arith.constant 0 : i32
    %dma_wait3A_340 = tpu.memref_slice %arg4[%select_n3A, %add3A_335, %dma_wait3A_339] : memref<4x4096x1024xf32, #tpu.memory_space<hbm>> -> memref<1x32x1024xf32, #tpu.memory_space<hbm>>
    %dma_wait3A_341 = tpu.memref_squeeze %dma_wait3A_340 : memref<1x32x1024xf32, #tpu.memory_space<hbm>> -> memref<32x1024xf32, #tpu.memory_space<hbm>>
    %dma_wait3A_342 = arith.constant 0 : i32
    %dma_wait3A_343 = tpu.memref_slice %arg4[%select_n3A, %add3A_335, %dma_wait3A_342] : memref<4x4096x1024xf32, #tpu.memory_space<hbm>> -> memref<1x32x1024xf32, #tpu.memory_space<hbm>>
    %dma_wait3A_344 = tpu.memref_squeeze %dma_wait3A_343 : memref<1x32x1024xf32, #tpu.memory_space<hbm>> -> memref<32x1024xf32, #tpu.memory_space<hbm>>
    %dma_wait3A_345 = arith.constant 0 : i32
    %dma_wait3A_346 = arith.constant 0 : i32
    %dma_wait3A_347 = tpu.memref_slice %arg8[%dma_wait3A_345, %dma_wait3A_346] : memref<32x1024xf32, #tpu.memory_space<vmem>> -> memref<32x1024xf32, #tpu.memory_space<vmem>>
    tpu.wait_dma2 semaphore(%arg14 : memref<!tpu.dma_semaphore, #tpu.memory_space<semaphore_mem>>) src(%dma_wait3A_347 : memref<32x1024xf32, #tpu.memory_space<vmem>>) dst(%dma_wait3A_344 : memref<32x1024xf32, #tpu.memory_space<hbm>>)
    %dma_start3A_348 = arith.constant 0 : i32
    %dma_start3A_349 = arith.constant 0 : i32
    %dma_start3A_350 = tpu.memref_slice %arg8[%dma_start3A_348, %dma_start3A_349] : memref<32x1024xf32, #tpu.memory_space<vmem>> -> memref<32x1024xf32, #tpu.memory_space<vmem>>
    %dma_start3A_351 = arith.constant 224 : i32
    %dma_start3A_352 = tpu.memref_slice %arg5[%dma_start3A_351] : memref<512xi32, #tpu.memory_space<vmem>> -> memref<32xi32, #tpu.memory_space<vmem>>
    %dma_start3A_353 = arith.constant 0 : i32
    %dma_start3A_354 = arith.constant 0 : i32
    %dma_start3A_355 = tpu.memref_slice %arg3[%dma_start3A_353, %dma_start3A_354] : memref<100000x1024xf32, #tpu.memory_space<hbm>> -> memref<100000x1024xf32, #tpu.memory_space<hbm>>
    tpu.enqueue_indirect_dma source(%dma_start3A_355 : memref<100000x1024xf32, #tpu.memory_space<hbm>>) target(%dma_start3A_350 : memref<32x1024xf32, #tpu.memory_space<vmem>>) offsets(%dma_start3A_352 : memref<32xi32, #tpu.memory_space<vmem>>) semaphore(%arg11 : memref<!tpu.dma_semaphore, #tpu.memory_space<semaphore_mem>>)
    %scan3A_356 = arith.constant 0 : i32
    %scan3A_357 = arith.constant 32 : i32
    %scan3A_358 = arith.addi %scan3A_356, %scan3A_357 : i32
    %scan3A_359 = arith.constant 1 : i32
    scf.for %scan3A_961 = %scan3A_356 to %scan3A_358 step %scan3A_359  : i32 {
      %scan3A_962 = arith.constant 0 : i32
      %scan3A_963 = arith.constant 64 : i32
      %scan3A_964 = arith.addi %scan3A_962, %scan3A_963 : i32
      %scan3A_965 = arith.constant 8 : i32
      scf.for %scan3A_967 = %scan3A_962 to %scan3A_964 step %scan3A_965  : i32 {
        %mul3A_968 = arith.constant 16 : i32
        %mul3A_969 = arith.muli %scan3A_967, %mul3A_968 : i32
        %get3A = arith.index_cast %scan3A_961 : i32 to index
        %get3A_970 = arith.index_cast %mul3A_969 : i32 to index
        %get3A_971 = tpu.vector_load %arg6[%get3A, %get3A_970] {strides = array<i32>} : memref<32x1024xf32, #tpu.memory_space<vmem>>, vector<1x16xf32>,
        %get3A_972 = vector.shape_cast %get3A_971 : vector<1x16xf32> to vector<16xf32>
        %mul3A_973 = arith.constant 3.200000e+01 : f32
        %mul3A_974 = vector.broadcast %mul3A_973 : f32 to vector<16xf32>
        %mul3A_975 = arith.mulf %get3A_972, %mul3A_974 : vector<16xf32>
        %swap3A = arith.index_cast %scan3A_961 : i32 to index
        %swap3A_976 = arith.index_cast %mul3A_969 : i32 to index
        %swap3A_977 = tpu.vector_load %arg6[%swap3A, %swap3A_976] {strides = array<i32>} : memref<32x1024xf32, #tpu.memory_space<vmem>>, vector<1x16xf32>,
        %swap3A_978 = vector.shape_cast %swap3A_977 : vector<1x16xf32> to vector<16xf32>
        %swap3A_979 = vector.shape_cast %mul3A_975 : vector<16xf32> to vector<1x16xf32>
        tpu.vector_store %arg6[%swap3A, %swap3A_976], %swap3A_979 {strides = array<i32>} : memref<32x1024xf32, #tpu.memory_space<vmem>>, vector<1x16xf32>,
        %scan3A_980 = arith.constant 1 : i32
        %scan3A_981 = arith.addi %scan3A_967, %scan3A_980 : i32
        %mul3A_982 = arith.constant 16 : i32
        %mul3A_983 = arith.muli %scan3A_981, %mul3A_982 : i32
        %get3A_984 = arith.index_cast %scan3A_961 : i32 to index
        %get3A_985 = arith.index_cast %mul3A_983 : i32 to index
        %get3A_986 = tpu.vector_load %arg6[%get3A_984, %get3A_985] {strides = array<i32>} : memref<32x1024xf32, #tpu.memory_space<vmem>>, vector<1x16xf32>,
        %get3A_987 = vector.shape_cast %get3A_986 : vector<1x16xf32> to vector<16xf32>
        %mul3A_988 = arith.constant 3.200000e+01 : f32
        %mul3A_989 = vector.broadcast %mul3A_988 : f32 to vector<16xf32>
        %mul3A_990 = arith.mulf %get3A_987, %mul3A_989 : vector<16xf32>
        %swap3A_991 = arith.index_cast %scan3A_961 : i32 to index
        %swap3A_992 = arith.index_cast %mul3A_983 : i32 to index
        %swap3A_993 = tpu.vector_load %arg6[%swap3A_991, %swap3A_992] {strides = array<i32>} : memref<32x1024xf32, #tpu.memory_space<vmem>>, vector<1x16xf32>,
        %swap3A_994 = vector.shape_cast %swap3A_993 : vector<1x16xf32> to vector<16xf32>
        %swap3A_995 = vector.shape_cast %mul3A_990 : vector<16xf32> to vector<1x16xf32>
        tpu.vector_store %arg6[%swap3A_991, %swap3A_992], %swap3A_995 {strides = array<i32>} : memref<32x1024xf32, #tpu.memory_space<vmem>>, vector<1x16xf32>,
        %scan3A_996 = arith.constant 2 : i32
        %scan3A_997 = arith.addi %scan3A_967, %scan3A_996 : i32
        %mul3A_998 = arith.constant 16 : i32
        %mul3A_999 = arith.muli %scan3A_997, %mul3A_998 : i32
        %get3A_1000 = arith.index_cast %scan3A_961 : i32 to index
        %get3A_1001 = arith.index_cast %mul3A_999 : i32 to index
        %get3A_1002 = tpu.vector_load %arg6[%get3A_1000, %get3A_1001] {strides = array<i32>} : memref<32x1024xf32, #tpu.memory_space<vmem>>, vector<1x16xf32>,
        %get3A_1003 = vector.shape_cast %get3A_1002 : vector<1x16xf32> to vector<16xf32>
        %mul3A_1004 = arith.constant 3.200000e+01 : f32
        %mul3A_1005 = vector.broadcast %mul3A_1004 : f32 to vector<16xf32>
        %mul3A_1006 = arith.mulf %get3A_1003, %mul3A_1005 : vector<16xf32>
        %swap3A_1007 = arith.index_cast %scan3A_961 : i32 to index
        %swap3A_1008 = arith.index_cast %mul3A_999 : i32 to index
        %swap3A_1009 = tpu.vector_load %arg6[%swap3A_1007, %swap3A_1008] {strides = array<i32>} : memref<32x1024xf32, #tpu.memory_space<vmem>>, vector<1x16xf32>,
        %swap3A_1010 = vector.shape_cast %swap3A_1009 : vector<1x16xf32> to vector<16xf32>
        %swap3A_1011 = vector.shape_cast %mul3A_1006 : vector<16xf32> to vector<1x16xf32>
        tpu.vector_store %arg6[%swap3A_1007, %swap3A_1008], %swap3A_1011 {strides = array<i32>} : memref<32x1024xf32, #tpu.memory_space<vmem>>, vector<1x16xf32>,
        %scan3A_1012 = arith.constant 3 : i32
        %scan3A_1013 = arith.addi %scan3A_967, %scan3A_1012 : i32
        %mul3A_1014 = arith.constant 16 : i32
        %mul3A_1015 = arith.muli %scan3A_1013, %mul3A_1014 : i32
        %get3A_1016 = arith.index_cast %scan3A_961 : i32 to index
        %get3A_1017 = arith.index_cast %mul3A_1015 : i32 to index
        %get3A_1018 = tpu.vector_load %arg6[%get3A_1016, %get3A_1017] {strides = array<i32>} : memref<32x1024xf32, #tpu.memory_space<vmem>>, vector<1x16xf32>,
        %get3A_1019 = vector.shape_cast %get3A_1018 : vector<1x16xf32> to vector<16xf32>
        %mul3A_1020 = arith.constant 3.200000e+01 : f32
        %mul3A_1021 = vector.broadcast %mul3A_1020 : f32 to vector<16xf32>
        %mul3A_1022 = arith.mulf %get3A_1019, %mul3A_1021 : vector<16xf32>
        %swap3A_1023 = arith.index_cast %scan3A_961 : i32 to index
        %swap3A_1024 = arith.index_cast %mul3A_1015 : i32 to index
        %swap3A_1025 = tpu.vector_load %arg6[%swap3A_1023, %swap3A_1024] {strides = array<i32>} : memref<32x1024xf32, #tpu.memory_space<vmem>>, vector<1x16xf32>,
        %swap3A_1026 = vector.shape_cast %swap3A_1025 : vector<1x16xf32> to vector<16xf32>
        %swap3A_1027 = vector.shape_cast %mul3A_1022 : vector<16xf32> to vector<1x16xf32>
        tpu.vector_store %arg6[%swap3A_1023, %swap3A_1024], %swap3A_1027 {strides = array<i32>} : memref<32x1024xf32, #tpu.memory_space<vmem>>, vector<1x16xf32>,
        %scan3A_1028 = arith.constant 4 : i32
        %scan3A_1029 = arith.addi %scan3A_967, %scan3A_1028 : i32
        %mul3A_1030 = arith.constant 16 : i32
        %mul3A_1031 = arith.muli %scan3A_1029, %mul3A_1030 : i32
        %get3A_1032 = arith.index_cast %scan3A_961 : i32 to index
        %get3A_1033 = arith.index_cast %mul3A_1031 : i32 to index
        %get3A_1034 = tpu.vector_load %arg6[%get3A_1032, %get3A_1033] {strides = array<i32>} : memref<32x1024xf32, #tpu.memory_space<vmem>>, vector<1x16xf32>,
        %get3A_1035 = vector.shape_cast %get3A_1034 : vector<1x16xf32> to vector<16xf32>
        %mul3A_1036 = arith.constant 3.200000e+01 : f32
        %mul3A_1037 = vector.broadcast %mul3A_1036 : f32 to vector<16xf32>
        %mul3A_1038 = arith.mulf %get3A_1035, %mul3A_1037 : vector<16xf32>
        %swap3A_1039 = arith.index_cast %scan3A_961 : i32 to index
        %swap3A_1040 = arith.index_cast %mul3A_1031 : i32 to index
        %swap3A_1041 = tpu.vector_load %arg6[%swap3A_1039, %swap3A_1040] {strides = array<i32>} : memref<32x1024xf32, #tpu.memory_space<vmem>>, vector<1x16xf32>,
        %swap3A_1042 = vector.shape_cast %swap3A_1041 : vector<1x16xf32> to vector<16xf32>
        %swap3A_1043 = vector.shape_cast %mul3A_1038 : vector<16xf32> to vector<1x16xf32>
        tpu.vector_store %arg6[%swap3A_1039, %swap3A_1040], %swap3A_1043 {strides = array<i32>} : memref<32x1024xf32, #tpu.memory_space<vmem>>, vector<1x16xf32>,
        %scan3A_1044 = arith.constant 5 : i32
        %scan3A_1045 = arith.addi %scan3A_967, %scan3A_1044 : i32
        %mul3A_1046 = arith.constant 16 : i32
        %mul3A_1047 = arith.muli %scan3A_1045, %mul3A_1046 : i32
        %get3A_1048 = arith.index_cast %scan3A_961 : i32 to index
        %get3A_1049 = arith.index_cast %mul3A_1047 : i32 to index
        %get3A_1050 = tpu.vector_load %arg6[%get3A_1048, %get3A_1049] {strides = array<i32>} : memref<32x1024xf32, #tpu.memory_space<vmem>>, vector<1x16xf32>,
        %get3A_1051 = vector.shape_cast %get3A_1050 : vector<1x16xf32> to vector<16xf32>
        %mul3A_1052 = arith.constant 3.200000e+01 : f32
        %mul3A_1053 = vector.broadcast %mul3A_1052 : f32 to vector<16xf32>
        %mul3A_1054 = arith.mulf %get3A_1051, %mul3A_1053 : vector<16xf32>
        %swap3A_1055 = arith.index_cast %scan3A_961 : i32 to index
        %swap3A_1056 = arith.index_cast %mul3A_1047 : i32 to index
        %swap3A_1057 = tpu.vector_load %arg6[%swap3A_1055, %swap3A_1056] {strides = array<i32>} : memref<32x1024xf32, #tpu.memory_space<vmem>>, vector<1x16xf32>,
        %swap3A_1058 = vector.shape_cast %swap3A_1057 : vector<1x16xf32> to vector<16xf32>
        %swap3A_1059 = vector.shape_cast %mul3A_1054 : vector<16xf32> to vector<1x16xf32>
        tpu.vector_store %arg6[%swap3A_1055, %swap3A_1056], %swap3A_1059 {strides = array<i32>} : memref<32x1024xf32, #tpu.memory_space<vmem>>, vector<1x16xf32>,
        %scan3A_1060 = arith.constant 6 : i32
        %scan3A_1061 = arith.addi %scan3A_967, %scan3A_1060 : i32
        %mul3A_1062 = arith.constant 16 : i32
        %mul3A_1063 = arith.muli %scan3A_1061, %mul3A_1062 : i32
        %get3A_1064 = arith.index_cast %scan3A_961 : i32 to index
        %get3A_1065 = arith.index_cast %mul3A_1063 : i32 to index
        %get3A_1066 = tpu.vector_load %arg6[%get3A_1064, %get3A_1065] {strides = array<i32>} : memref<32x1024xf32, #tpu.memory_space<vmem>>, vector<1x16xf32>,
        %get3A_1067 = vector.shape_cast %get3A_1066 : vector<1x16xf32> to vector<16xf32>
        %mul3A_1068 = arith.constant 3.200000e+01 : f32
        %mul3A_1069 = vector.broadcast %mul3A_1068 : f32 to vector<16xf32>
        %mul3A_1070 = arith.mulf %get3A_1067, %mul3A_1069 : vector<16xf32>
        %swap3A_1071 = arith.index_cast %scan3A_961 : i32 to index
        %swap3A_1072 = arith.index_cast %mul3A_1063 : i32 to index
        %swap3A_1073 = tpu.vector_load %arg6[%swap3A_1071, %swap3A_1072] {strides = array<i32>} : memref<32x1024xf32, #tpu.memory_space<vmem>>, vector<1x16xf32>,
        %swap3A_1074 = vector.shape_cast %swap3A_1073 : vector<1x16xf32> to vector<16xf32>
        %swap3A_1075 = vector.shape_cast %mul3A_1070 : vector<16xf32> to vector<1x16xf32>
        tpu.vector_store %arg6[%swap3A_1071, %swap3A_1072], %swap3A_1075 {strides = array<i32>} : memref<32x1024xf32, #tpu.memory_space<vmem>>, vector<1x16xf32>,
        %scan3A_1076 = arith.constant 7 : i32
        %scan3A_1077 = arith.addi %scan3A_967, %scan3A_1076 : i32
        %mul3A_1078 = arith.constant 16 : i32
        %mul3A_1079 = arith.muli %scan3A_1077, %mul3A_1078 : i32
        %get3A_1080 = arith.index_cast %scan3A_961 : i32 to index
        %get3A_1081 = arith.index_cast %mul3A_1079 : i32 to index
        %get3A_1082 = tpu.vector_load %arg6[%get3A_1080, %get3A_1081] {strides = array<i32>} : memref<32x1024xf32, #tpu.memory_space<vmem>>, vector<1x16xf32>,
        %get3A_1083 = vector.shape_cast %get3A_1082 : vector<1x16xf32> to vector<16xf32>
        %mul3A_1084 = arith.constant 3.200000e+01 : f32
        %mul3A_1085 = vector.broadcast %mul3A_1084 : f32 to vector<16xf32>
        %mul3A_1086 = arith.mulf %get3A_1083, %mul3A_1085 : vector<16xf32>
        %swap3A_1087 = arith.index_cast %scan3A_961 : i32 to index
        %swap3A_1088 = arith.index_cast %mul3A_1079 : i32 to index
        %swap3A_1089 = tpu.vector_load %arg6[%swap3A_1087, %swap3A_1088] {strides = array<i32>} : memref<32x1024xf32, #tpu.memory_space<vmem>>, vector<1x16xf32>,
        %swap3A_1090 = vector.shape_cast %swap3A_1089 : vector<1x16xf32> to vector<16xf32>
        %swap3A_1091 = vector.shape_cast %mul3A_1086 : vector<16xf32> to vector<1x16xf32>
        tpu.vector_store %arg6[%swap3A_1087, %swap3A_1088], %swap3A_1091 {strides = array<i32>} : memref<32x1024xf32, #tpu.memory_space<vmem>>, vector<1x16xf32>,
      }
      %scan3A_966 = arith.constant 64 : i32
    }
    %scan3A_360 = arith.constant 32 : i32
    %add3A_361 = arith.constant 160 : i32
    %add3A_362 = arith.addi %mul3A_32, %add3A_361 : i32
    %dma_start3A_363 = arith.constant 0 : i32
    %dma_start3A_364 = arith.constant 0 : i32
    %dma_start3A_365 = tpu.memref_slice %arg6[%dma_start3A_363, %dma_start3A_364] : memref<32x1024xf32, #tpu.memory_space<vmem>> -> memref<32x1024xf32, #tpu.memory_space<vmem>>
    %dma_start3A_366 = arith.constant 0 : i32
    %dma_start3A_367 = tpu.memref_slice %arg4[%select_n3A, %add3A_362, %dma_start3A_366] : memref<4x4096x1024xf32, #tpu.memory_space<hbm>> -> memref<1x32x1024xf32, #tpu.memory_space<hbm>>
    %dma_start3A_368 = tpu.memref_squeeze %dma_start3A_367 : memref<1x32x1024xf32, #tpu.memory_space<hbm>> -> memref<32x1024xf32, #tpu.memory_space<hbm>>
    %dma_start3A_369 = arith.constant 0 : i32
    %dma_start3A_370 = tpu.memref_slice %arg4[%select_n3A, %add3A_362, %dma_start3A_369] : memref<4x4096x1024xf32, #tpu.memory_space<hbm>> -> memref<1x32x1024xf32, #tpu.memory_space<hbm>>
    %dma_start3A_371 = tpu.memref_squeeze %dma_start3A_370 : memref<1x32x1024xf32, #tpu.memory_space<hbm>> -> memref<32x1024xf32, #tpu.memory_space<hbm>>
    %dma_start3A_372 = arith.constant 0 : i32
    %dma_start3A_373 = arith.constant 0 : i32
    %dma_start3A_374 = tpu.memref_slice %arg6[%dma_start3A_372, %dma_start3A_373] : memref<32x1024xf32, #tpu.memory_space<vmem>> -> memref<32x1024xf32, #tpu.memory_space<vmem>>
    tpu.enqueue_dma source(%dma_start3A_374 : memref<32x1024xf32, #tpu.memory_space<vmem>>) target(%dma_start3A_371 : memref<32x1024xf32, #tpu.memory_space<hbm>>) target_semaphore(%arg12 : memref<!tpu.dma_semaphore, #tpu.memory_space<semaphore_mem>>)
    %dma_wait3A_375 = arith.constant 0 : i32
    %dma_wait3A_376 = arith.constant 0 : i32
    %dma_wait3A_377 = tpu.memref_slice %arg7[%dma_wait3A_375, %dma_wait3A_376] : memref<32x1024xf32, #tpu.memory_space<vmem>> -> memref<32x1024xf32, #tpu.memory_space<vmem>>
    %dma_wait3A_378 = arith.constant 192 : i32
    %dma_wait3A_379 = tpu.memref_slice %arg5[%dma_wait3A_378] : memref<512xi32, #tpu.memory_space<vmem>> -> memref<32xi32, #tpu.memory_space<vmem>>
    %dma_wait3A_380 = arith.constant 0 : i32
    %dma_wait3A_381 = arith.constant 0 : i32
    %dma_wait3A_382 = tpu.memref_slice %arg3[%dma_wait3A_380, %dma_wait3A_381] : memref<100000x1024xf32, #tpu.memory_space<hbm>> -> memref<100000x1024xf32, #tpu.memory_space<hbm>>
    tpu.wait_indirect_dma semaphore(%arg10 : memref<!tpu.dma_semaphore, #tpu.memory_space<semaphore_mem>>) src(%dma_wait3A_382 : memref<100000x1024xf32, #tpu.memory_space<hbm>>) dst(%dma_wait3A_377 : memref<32x1024xf32, #tpu.memory_space<vmem>>)
    %add3A_383 = arith.constant 160 : i32
    %add3A_384 = arith.addi %mul3A_32, %add3A_383 : i32
    %dma_wait3A_385 = arith.constant 0 : i32
    %dma_wait3A_386 = arith.constant 0 : i32
    %dma_wait3A_387 = tpu.memref_slice %arg6[%dma_wait3A_385, %dma_wait3A_386] : memref<32x1024xf32, #tpu.memory_space<vmem>> -> memref<32x1024xf32, #tpu.memory_space<vmem>>
    %dma_wait3A_388 = arith.constant 0 : i32
    %dma_wait3A_389 = tpu.memref_slice %arg4[%select_n3A, %add3A_384, %dma_wait3A_388] : memref<4x4096x1024xf32, #tpu.memory_space<hbm>> -> memref<1x32x1024xf32, #tpu.memory_space<hbm>>
    %dma_wait3A_390 = tpu.memref_squeeze %dma_wait3A_389 : memref<1x32x1024xf32, #tpu.memory_space<hbm>> -> memref<32x1024xf32, #tpu.memory_space<hbm>>
    %dma_wait3A_391 = arith.constant 0 : i32
    %dma_wait3A_392 = tpu.memref_slice %arg4[%select_n3A, %add3A_384, %dma_wait3A_391] : memref<4x4096x1024xf32, #tpu.memory_space<hbm>> -> memref<1x32x1024xf32, #tpu.memory_space<hbm>>
    %dma_wait3A_393 = tpu.memref_squeeze %dma_wait3A_392 : memref<1x32x1024xf32, #tpu.memory_space<hbm>> -> memref<32x1024xf32, #tpu.memory_space<hbm>>
    %dma_wait3A_394 = arith.constant 0 : i32
    %dma_wait3A_395 = arith.constant 0 : i32
    %dma_wait3A_396 = tpu.memref_slice %arg6[%dma_wait3A_394, %dma_wait3A_395] : memref<32x1024xf32, #tpu.memory_space<vmem>> -> memref<32x1024xf32, #tpu.memory_space<vmem>>
    tpu.wait_dma2 semaphore(%arg12 : memref<!tpu.dma_semaphore, #tpu.memory_space<semaphore_mem>>) src(%dma_wait3A_396 : memref<32x1024xf32, #tpu.memory_space<vmem>>) dst(%dma_wait3A_393 : memref<32x1024xf32, #tpu.memory_space<hbm>>)
    %dma_start3A_397 = arith.constant 0 : i32
    %dma_start3A_398 = arith.constant 0 : i32
    %dma_start3A_399 = tpu.memref_slice %arg6[%dma_start3A_397, %dma_start3A_398] : memref<32x1024xf32, #tpu.memory_space<vmem>> -> memref<32x1024xf32, #tpu.memory_space<vmem>>
    %dma_start3A_400 = arith.constant 256 : i32
    %dma_start3A_401 = tpu.memref_slice %arg5[%dma_start3A_400] : memref<512xi32, #tpu.memory_space<vmem>> -> memref<32xi32, #tpu.memory_space<vmem>>
    %dma_start3A_402 = arith.constant 0 : i32
    %dma_start3A_403 = arith.constant 0 : i32
    %dma_start3A_404 = tpu.memref_slice %arg3[%dma_start3A_402, %dma_start3A_403] : memref<100000x1024xf32, #tpu.memory_space<hbm>> -> memref<100000x1024xf32, #tpu.memory_space<hbm>>
    tpu.enqueue_indirect_dma source(%dma_start3A_404 : memref<100000x1024xf32, #tpu.memory_space<hbm>>) target(%dma_start3A_399 : memref<32x1024xf32, #tpu.memory_space<vmem>>) offsets(%dma_start3A_401 : memref<32xi32, #tpu.memory_space<vmem>>) semaphore(%arg9 : memref<!tpu.dma_semaphore, #tpu.memory_space<semaphore_mem>>)
    %scan3A_405 = arith.constant 0 : i32
    %scan3A_406 = arith.constant 32 : i32
    %scan3A_407 = arith.addi %scan3A_405, %scan3A_406 : i32
    %scan3A_408 = arith.constant 1 : i32
    scf.for %scan3A_961 = %scan3A_405 to %scan3A_407 step %scan3A_408  : i32 {
      %scan3A_962 = arith.constant 0 : i32
      %scan3A_963 = arith.constant 64 : i32
      %scan3A_964 = arith.addi %scan3A_962, %scan3A_963 : i32
      %scan3A_965 = arith.constant 8 : i32
      scf.for %scan3A_967 = %scan3A_962 to %scan3A_964 step %scan3A_965  : i32 {
        %mul3A_968 = arith.constant 16 : i32
        %mul3A_969 = arith.muli %scan3A_967, %mul3A_968 : i32
        %get3A = arith.index_cast %scan3A_961 : i32 to index
        %get3A_970 = arith.index_cast %mul3A_969 : i32 to index
        %get3A_971 = tpu.vector_load %arg7[%get3A, %get3A_970] {strides = array<i32>} : memref<32x1024xf32, #tpu.memory_space<vmem>>, vector<1x16xf32>,
        %get3A_972 = vector.shape_cast %get3A_971 : vector<1x16xf32> to vector<16xf32>
        %mul3A_973 = arith.constant 3.200000e+01 : f32
        %mul3A_974 = vector.broadcast %mul3A_973 : f32 to vector<16xf32>
        %mul3A_975 = arith.mulf %get3A_972, %mul3A_974 : vector<16xf32>
        %swap3A = arith.index_cast %scan3A_961 : i32 to index
        %swap3A_976 = arith.index_cast %mul3A_969 : i32 to index
        %swap3A_977 = tpu.vector_load %arg7[%swap3A, %swap3A_976] {strides = array<i32>} : memref<32x1024xf32, #tpu.memory_space<vmem>>, vector<1x16xf32>,
        %swap3A_978 = vector.shape_cast %swap3A_977 : vector<1x16xf32> to vector<16xf32>
        %swap3A_979 = vector.shape_cast %mul3A_975 : vector<16xf32> to vector<1x16xf32>
        tpu.vector_store %arg7[%swap3A, %swap3A_976], %swap3A_979 {strides = array<i32>} : memref<32x1024xf32, #tpu.memory_space<vmem>>, vector<1x16xf32>,
        %scan3A_980 = arith.constant 1 : i32
        %scan3A_981 = arith.addi %scan3A_967, %scan3A_980 : i32
        %mul3A_982 = arith.constant 16 : i32
        %mul3A_983 = arith.muli %scan3A_981, %mul3A_982 : i32
        %get3A_984 = arith.index_cast %scan3A_961 : i32 to index
        %get3A_985 = arith.index_cast %mul3A_983 : i32 to index
        %get3A_986 = tpu.vector_load %arg7[%get3A_984, %get3A_985] {strides = array<i32>} : memref<32x1024xf32, #tpu.memory_space<vmem>>, vector<1x16xf32>,
        %get3A_987 = vector.shape_cast %get3A_986 : vector<1x16xf32> to vector<16xf32>
        %mul3A_988 = arith.constant 3.200000e+01 : f32
        %mul3A_989 = vector.broadcast %mul3A_988 : f32 to vector<16xf32>
        %mul3A_990 = arith.mulf %get3A_987, %mul3A_989 : vector<16xf32>
        %swap3A_991 = arith.index_cast %scan3A_961 : i32 to index
        %swap3A_992 = arith.index_cast %mul3A_983 : i32 to index
        %swap3A_993 = tpu.vector_load %arg7[%swap3A_991, %swap3A_992] {strides = array<i32>} : memref<32x1024xf32, #tpu.memory_space<vmem>>, vector<1x16xf32>,
        %swap3A_994 = vector.shape_cast %swap3A_993 : vector<1x16xf32> to vector<16xf32>
        %swap3A_995 = vector.shape_cast %mul3A_990 : vector<16xf32> to vector<1x16xf32>
        tpu.vector_store %arg7[%swap3A_991, %swap3A_992], %swap3A_995 {strides = array<i32>} : memref<32x1024xf32, #tpu.memory_space<vmem>>, vector<1x16xf32>,
        %scan3A_996 = arith.constant 2 : i32
        %scan3A_997 = arith.addi %scan3A_967, %scan3A_996 : i32
        %mul3A_998 = arith.constant 16 : i32
        %mul3A_999 = arith.muli %scan3A_997, %mul3A_998 : i32
        %get3A_1000 = arith.index_cast %scan3A_961 : i32 to index
        %get3A_1001 = arith.index_cast %mul3A_999 : i32 to index
        %get3A_1002 = tpu.vector_load %arg7[%get3A_1000, %get3A_1001] {strides = array<i32>} : memref<32x1024xf32, #tpu.memory_space<vmem>>, vector<1x16xf32>,
        %get3A_1003 = vector.shape_cast %get3A_1002 : vector<1x16xf32> to vector<16xf32>
        %mul3A_1004 = arith.constant 3.200000e+01 : f32
        %mul3A_1005 = vector.broadcast %mul3A_1004 : f32 to vector<16xf32>
        %mul3A_1006 = arith.mulf %get3A_1003, %mul3A_1005 : vector<16xf32>
        %swap3A_1007 = arith.index_cast %scan3A_961 : i32 to index
        %swap3A_1008 = arith.index_cast %mul3A_999 : i32 to index
        %swap3A_1009 = tpu.vector_load %arg7[%swap3A_1007, %swap3A_1008] {strides = array<i32>} : memref<32x1024xf32, #tpu.memory_space<vmem>>, vector<1x16xf32>,
        %swap3A_1010 = vector.shape_cast %swap3A_1009 : vector<1x16xf32> to vector<16xf32>
        %swap3A_1011 = vector.shape_cast %mul3A_1006 : vector<16xf32> to vector<1x16xf32>
        tpu.vector_store %arg7[%swap3A_1007, %swap3A_1008], %swap3A_1011 {strides = array<i32>} : memref<32x1024xf32, #tpu.memory_space<vmem>>, vector<1x16xf32>,
        %scan3A_1012 = arith.constant 3 : i32
        %scan3A_1013 = arith.addi %scan3A_967, %scan3A_1012 : i32
        %mul3A_1014 = arith.constant 16 : i32
        %mul3A_1015 = arith.muli %scan3A_1013, %mul3A_1014 : i32
        %get3A_1016 = arith.index_cast %scan3A_961 : i32 to index
        %get3A_1017 = arith.index_cast %mul3A_1015 : i32 to index
        %get3A_1018 = tpu.vector_load %arg7[%get3A_1016, %get3A_1017] {strides = array<i32>} : memref<32x1024xf32, #tpu.memory_space<vmem>>, vector<1x16xf32>,
        %get3A_1019 = vector.shape_cast %get3A_1018 : vector<1x16xf32> to vector<16xf32>
        %mul3A_1020 = arith.constant 3.200000e+01 : f32
        %mul3A_1021 = vector.broadcast %mul3A_1020 : f32 to vector<16xf32>
        %mul3A_1022 = arith.mulf %get3A_1019, %mul3A_1021 : vector<16xf32>
        %swap3A_1023 = arith.index_cast %scan3A_961 : i32 to index
        %swap3A_1024 = arith.index_cast %mul3A_1015 : i32 to index
        %swap3A_1025 = tpu.vector_load %arg7[%swap3A_1023, %swap3A_1024] {strides = array<i32>} : memref<32x1024xf32, #tpu.memory_space<vmem>>, vector<1x16xf32>,
        %swap3A_1026 = vector.shape_cast %swap3A_1025 : vector<1x16xf32> to vector<16xf32>
        %swap3A_1027 = vector.shape_cast %mul3A_1022 : vector<16xf32> to vector<1x16xf32>
        tpu.vector_store %arg7[%swap3A_1023, %swap3A_1024], %swap3A_1027 {strides = array<i32>} : memref<32x1024xf32, #tpu.memory_space<vmem>>, vector<1x16xf32>,
        %scan3A_1028 = arith.constant 4 : i32
        %scan3A_1029 = arith.addi %scan3A_967, %scan3A_1028 : i32
        %mul3A_1030 = arith.constant 16 : i32
        %mul3A_1031 = arith.muli %scan3A_1029, %mul3A_1030 : i32
        %get3A_1032 = arith.index_cast %scan3A_961 : i32 to index
        %get3A_1033 = arith.index_cast %mul3A_1031 : i32 to index
        %get3A_1034 = tpu.vector_load %arg7[%get3A_1032, %get3A_1033] {strides = array<i32>} : memref<32x1024xf32, #tpu.memory_space<vmem>>, vector<1x16xf32>,
        %get3A_1035 = vector.shape_cast %get3A_1034 : vector<1x16xf32> to vector<16xf32>
        %mul3A_1036 = arith.constant 3.200000e+01 : f32
        %mul3A_1037 = vector.broadcast %mul3A_1036 : f32 to vector<16xf32>
        %mul3A_1038 = arith.mulf %get3A_1035, %mul3A_1037 : vector<16xf32>
        %swap3A_1039 = arith.index_cast %scan3A_961 : i32 to index
        %swap3A_1040 = arith.index_cast %mul3A_1031 : i32 to index
        %swap3A_1041 = tpu.vector_load %arg7[%swap3A_1039, %swap3A_1040] {strides = array<i32>} : memref<32x1024xf32, #tpu.memory_space<vmem>>, vector<1x16xf32>,
        %swap3A_1042 = vector.shape_cast %swap3A_1041 : vector<1x16xf32> to vector<16xf32>
        %swap3A_1043 = vector.shape_cast %mul3A_1038 : vector<16xf32> to vector<1x16xf32>
        tpu.vector_store %arg7[%swap3A_1039, %swap3A_1040], %swap3A_1043 {strides = array<i32>} : memref<32x1024xf32, #tpu.memory_space<vmem>>, vector<1x16xf32>,
        %scan3A_1044 = arith.constant 5 : i32
        %scan3A_1045 = arith.addi %scan3A_967, %scan3A_1044 : i32
        %mul3A_1046 = arith.constant 16 : i32
        %mul3A_1047 = arith.muli %scan3A_1045, %mul3A_1046 : i32
        %get3A_1048 = arith.index_cast %scan3A_961 : i32 to index
        %get3A_1049 = arith.index_cast %mul3A_1047 : i32 to index
        %get3A_1050 = tpu.vector_load %arg7[%get3A_1048, %get3A_1049] {strides = array<i32>} : memref<32x1024xf32, #tpu.memory_space<vmem>>, vector<1x16xf32>,
        %get3A_1051 = vector.shape_cast %get3A_1050 : vector<1x16xf32> to vector<16xf32>
        %mul3A_1052 = arith.constant 3.200000e+01 : f32
        %mul3A_1053 = vector.broadcast %mul3A_1052 : f32 to vector<16xf32>
        %mul3A_1054 = arith.mulf %get3A_1051, %mul3A_1053 : vector<16xf32>
        %swap3A_1055 = arith.index_cast %scan3A_961 : i32 to index
        %swap3A_1056 = arith.index_cast %mul3A_1047 : i32 to index
        %swap3A_1057 = tpu.vector_load %arg7[%swap3A_1055, %swap3A_1056] {strides = array<i32>} : memref<32x1024xf32, #tpu.memory_space<vmem>>, vector<1x16xf32>,
        %swap3A_1058 = vector.shape_cast %swap3A_1057 : vector<1x16xf32> to vector<16xf32>
        %swap3A_1059 = vector.shape_cast %mul3A_1054 : vector<16xf32> to vector<1x16xf32>
        tpu.vector_store %arg7[%swap3A_1055, %swap3A_1056], %swap3A_1059 {strides = array<i32>} : memref<32x1024xf32, #tpu.memory_space<vmem>>, vector<1x16xf32>,
        %scan3A_1060 = arith.constant 6 : i32
        %scan3A_1061 = arith.addi %scan3A_967, %scan3A_1060 : i32
        %mul3A_1062 = arith.constant 16 : i32
        %mul3A_1063 = arith.muli %scan3A_1061, %mul3A_1062 : i32
        %get3A_1064 = arith.index_cast %scan3A_961 : i32 to index
        %get3A_1065 = arith.index_cast %mul3A_1063 : i32 to index
        %get3A_1066 = tpu.vector_load %arg7[%get3A_1064, %get3A_1065] {strides = array<i32>} : memref<32x1024xf32, #tpu.memory_space<vmem>>, vector<1x16xf32>,
        %get3A_1067 = vector.shape_cast %get3A_1066 : vector<1x16xf32> to vector<16xf32>
        %mul3A_1068 = arith.constant 3.200000e+01 : f32
        %mul3A_1069 = vector.broadcast %mul3A_1068 : f32 to vector<16xf32>
        %mul3A_1070 = arith.mulf %get3A_1067, %mul3A_1069 : vector<16xf32>
        %swap3A_1071 = arith.index_cast %scan3A_961 : i32 to index
        %swap3A_1072 = arith.index_cast %mul3A_1063 : i32 to index
        %swap3A_1073 = tpu.vector_load %arg7[%swap3A_1071, %swap3A_1072] {strides = array<i32>} : memref<32x1024xf32, #tpu.memory_space<vmem>>, vector<1x16xf32>,
        %swap3A_1074 = vector.shape_cast %swap3A_1073 : vector<1x16xf32> to vector<16xf32>
        %swap3A_1075 = vector.shape_cast %mul3A_1070 : vector<16xf32> to vector<1x16xf32>
        tpu.vector_store %arg7[%swap3A_1071, %swap3A_1072], %swap3A_1075 {strides = array<i32>} : memref<32x1024xf32, #tpu.memory_space<vmem>>, vector<1x16xf32>,
        %scan3A_1076 = arith.constant 7 : i32
        %scan3A_1077 = arith.addi %scan3A_967, %scan3A_1076 : i32
        %mul3A_1078 = arith.constant 16 : i32
        %mul3A_1079 = arith.muli %scan3A_1077, %mul3A_1078 : i32
        %get3A_1080 = arith.index_cast %scan3A_961 : i32 to index
        %get3A_1081 = arith.index_cast %mul3A_1079 : i32 to index
        %get3A_1082 = tpu.vector_load %arg7[%get3A_1080, %get3A_1081] {strides = array<i32>} : memref<32x1024xf32, #tpu.memory_space<vmem>>, vector<1x16xf32>,
        %get3A_1083 = vector.shape_cast %get3A_1082 : vector<1x16xf32> to vector<16xf32>
        %mul3A_1084 = arith.constant 3.200000e+01 : f32
        %mul3A_1085 = vector.broadcast %mul3A_1084 : f32 to vector<16xf32>
        %mul3A_1086 = arith.mulf %get3A_1083, %mul3A_1085 : vector<16xf32>
        %swap3A_1087 = arith.index_cast %scan3A_961 : i32 to index
        %swap3A_1088 = arith.index_cast %mul3A_1079 : i32 to index
        %swap3A_1089 = tpu.vector_load %arg7[%swap3A_1087, %swap3A_1088] {strides = array<i32>} : memref<32x1024xf32, #tpu.memory_space<vmem>>, vector<1x16xf32>,
        %swap3A_1090 = vector.shape_cast %swap3A_1089 : vector<1x16xf32> to vector<16xf32>
        %swap3A_1091 = vector.shape_cast %mul3A_1086 : vector<16xf32> to vector<1x16xf32>
        tpu.vector_store %arg7[%swap3A_1087, %swap3A_1088], %swap3A_1091 {strides = array<i32>} : memref<32x1024xf32, #tpu.memory_space<vmem>>, vector<1x16xf32>,
      }
      %scan3A_966 = arith.constant 64 : i32
    }
    %scan3A_409 = arith.constant 32 : i32
    %add3A_410 = arith.constant 192 : i32
    %add3A_411 = arith.addi %mul3A_32, %add3A_410 : i32
    %dma_start3A_412 = arith.constant 0 : i32
    %dma_start3A_413 = arith.constant 0 : i32
    %dma_start3A_414 = tpu.memref_slice %arg7[%dma_start3A_412, %dma_start3A_413] : memref<32x1024xf32, #tpu.memory_space<vmem>> -> memref<32x1024xf32, #tpu.memory_space<vmem>>
    %dma_start3A_415 = arith.constant 0 : i32
    %dma_start3A_416 = tpu.memref_slice %arg4[%select_n3A, %add3A_411, %dma_start3A_415] : memref<4x4096x1024xf32, #tpu.memory_space<hbm>> -> memref<1x32x1024xf32, #tpu.memory_space<hbm>>
    %dma_start3A_417 = tpu.memref_squeeze %dma_start3A_416 : memref<1x32x1024xf32, #tpu.memory_space<hbm>> -> memref<32x1024xf32, #tpu.memory_space<hbm>>
    %dma_start3A_418 = arith.constant 0 : i32
    %dma_start3A_419 = tpu.memref_slice %arg4[%select_n3A, %add3A_411, %dma_start3A_418] : memref<4x4096x1024xf32, #tpu.memory_space<hbm>> -> memref<1x32x1024xf32, #tpu.memory_space<hbm>>
    %dma_start3A_420 = tpu.memref_squeeze %dma_start3A_419 : memref<1x32x1024xf32, #tpu.memory_space<hbm>> -> memref<32x1024xf32, #tpu.memory_space<hbm>>
    %dma_start3A_421 = arith.constant 0 : i32
    %dma_start3A_422 = arith.constant 0 : i32
    %dma_start3A_423 = tpu.memref_slice %arg7[%dma_start3A_421, %dma_start3A_422] : memref<32x1024xf32, #tpu.memory_space<vmem>> -> memref<32x1024xf32, #tpu.memory_space<vmem>>
    tpu.enqueue_dma source(%dma_start3A_423 : memref<32x1024xf32, #tpu.memory_space<vmem>>) target(%dma_start3A_420 : memref<32x1024xf32, #tpu.memory_space<hbm>>) target_semaphore(%arg13 : memref<!tpu.dma_semaphore, #tpu.memory_space<semaphore_mem>>)
    %dma_wait3A_424 = arith.constant 0 : i32
    %dma_wait3A_425 = arith.constant 0 : i32
    %dma_wait3A_426 = tpu.memref_slice %arg8[%dma_wait3A_424, %dma_wait3A_425] : memref<32x1024xf32, #tpu.memory_space<vmem>> -> memref<32x1024xf32, #tpu.memory_space<vmem>>
    %dma_wait3A_427 = arith.constant 224 : i32
    %dma_wait3A_428 = tpu.memref_slice %arg5[%dma_wait3A_427] : memref<512xi32, #tpu.memory_space<vmem>> -> memref<32xi32, #tpu.memory_space<vmem>>
    %dma_wait3A_429 = arith.constant 0 : i32
    %dma_wait3A_430 = arith.constant 0 : i32
    %dma_wait3A_431 = tpu.memref_slice %arg3[%dma_wait3A_429, %dma_wait3A_430] : memref<100000x1024xf32, #tpu.memory_space<hbm>> -> memref<100000x1024xf32, #tpu.memory_space<hbm>>
    tpu.wait_indirect_dma semaphore(%arg11 : memref<!tpu.dma_semaphore, #tpu.memory_space<semaphore_mem>>) src(%dma_wait3A_431 : memref<100000x1024xf32, #tpu.memory_space<hbm>>) dst(%dma_wait3A_426 : memref<32x1024xf32, #tpu.memory_space<vmem>>)
    %add3A_432 = arith.constant 192 : i32
    %add3A_433 = arith.addi %mul3A_32, %add3A_432 : i32
    %dma_wait3A_434 = arith.constant 0 : i32
    %dma_wait3A_435 = arith.constant 0 : i32
    %dma_wait3A_436 = tpu.memref_slice %arg7[%dma_wait3A_434, %dma_wait3A_435] : memref<32x1024xf32, #tpu.memory_space<vmem>> -> memref<32x1024xf32, #tpu.memory_space<vmem>>
    %dma_wait3A_437 = arith.constant 0 : i32
    %dma_wait3A_438 = tpu.memref_slice %arg4[%select_n3A, %add3A_433, %dma_wait3A_437] : memref<4x4096x1024xf32, #tpu.memory_space<hbm>> -> memref<1x32x1024xf32, #tpu.memory_space<hbm>>
    %dma_wait3A_439 = tpu.memref_squeeze %dma_wait3A_438 : memref<1x32x1024xf32, #tpu.memory_space<hbm>> -> memref<32x1024xf32, #tpu.memory_space<hbm>>
    %dma_wait3A_440 = arith.constant 0 : i32
    %dma_wait3A_441 = tpu.memref_slice %arg4[%select_n3A, %add3A_433, %dma_wait3A_440] : memref<4x4096x1024xf32, #tpu.memory_space<hbm>> -> memref<1x32x1024xf32, #tpu.memory_space<hbm>>
    %dma_wait3A_442 = tpu.memref_squeeze %dma_wait3A_441 : memref<1x32x1024xf32, #tpu.memory_space<hbm>> -> memref<32x1024xf32, #tpu.memory_space<hbm>>
    %dma_wait3A_443 = arith.constant 0 : i32
    %dma_wait3A_444 = arith.constant 0 : i32
    %dma_wait3A_445 = tpu.memref_slice %arg7[%dma_wait3A_443, %dma_wait3A_444] : memref<32x1024xf32, #tpu.memory_space<vmem>> -> memref<32x1024xf32, #tpu.memory_space<vmem>>
    tpu.wait_dma2 semaphore(%arg13 : memref<!tpu.dma_semaphore, #tpu.memory_space<semaphore_mem>>) src(%dma_wait3A_445 : memref<32x1024xf32, #tpu.memory_space<vmem>>) dst(%dma_wait3A_442 : memref<32x1024xf32, #tpu.memory_space<hbm>>)
    %dma_start3A_446 = arith.constant 0 : i32
    %dma_start3A_447 = arith.constant 0 : i32
    %dma_start3A_448 = tpu.memref_slice %arg7[%dma_start3A_446, %dma_start3A_447] : memref<32x1024xf32, #tpu.memory_space<vmem>> -> memref<32x1024xf32, #tpu.memory_space<vmem>>
    %dma_start3A_449 = arith.constant 288 : i32
    %dma_start3A_450 = tpu.memref_slice %arg5[%dma_start3A_449] : memref<512xi32, #tpu.memory_space<vmem>> -> memref<32xi32, #tpu.memory_space<vmem>>
    %dma_start3A_451 = arith.constant 0 : i32
    %dma_start3A_452 = arith.constant 0 : i32
    %dma_start3A_453 = tpu.memref_slice %arg3[%dma_start3A_451, %dma_start3A_452] : memref<100000x1024xf32, #tpu.memory_space<hbm>> -> memref<100000x1024xf32, #tpu.memory_space<hbm>>
    tpu.enqueue_indirect_dma source(%dma_start3A_453 : memref<100000x1024xf32, #tpu.memory_space<hbm>>) target(%dma_start3A_448 : memref<32x1024xf32, #tpu.memory_space<vmem>>) offsets(%dma_start3A_450 : memref<32xi32, #tpu.memory_space<vmem>>) semaphore(%arg10 : memref<!tpu.dma_semaphore, #tpu.memory_space<semaphore_mem>>)
    %scan3A_454 = arith.constant 0 : i32
    %scan3A_455 = arith.constant 32 : i32
    %scan3A_456 = arith.addi %scan3A_454, %scan3A_455 : i32
    %scan3A_457 = arith.constant 1 : i32
    scf.for %scan3A_961 = %scan3A_454 to %scan3A_456 step %scan3A_457  : i32 {
      %scan3A_962 = arith.constant 0 : i32
      %scan3A_963 = arith.constant 64 : i32
      %scan3A_964 = arith.addi %scan3A_962, %scan3A_963 : i32
      %scan3A_965 = arith.constant 8 : i32
      scf.for %scan3A_967 = %scan3A_962 to %scan3A_964 step %scan3A_965  : i32 {
        %mul3A_968 = arith.constant 16 : i32
        %mul3A_969 = arith.muli %scan3A_967, %mul3A_968 : i32
        %get3A = arith.index_cast %scan3A_961 : i32 to index
        %get3A_970 = arith.index_cast %mul3A_969 : i32 to index
        %get3A_971 = tpu.vector_load %arg8[%get3A, %get3A_970] {strides = array<i32>} : memref<32x1024xf32, #tpu.memory_space<vmem>>, vector<1x16xf32>,
        %get3A_972 = vector.shape_cast %get3A_971 : vector<1x16xf32> to vector<16xf32>
        %mul3A_973 = arith.constant 3.200000e+01 : f32
        %mul3A_974 = vector.broadcast %mul3A_973 : f32 to vector<16xf32>
        %mul3A_975 = arith.mulf %get3A_972, %mul3A_974 : vector<16xf32>
        %swap3A = arith.index_cast %scan3A_961 : i32 to index
        %swap3A_976 = arith.index_cast %mul3A_969 : i32 to index
        %swap3A_977 = tpu.vector_load %arg8[%swap3A, %swap3A_976] {strides = array<i32>} : memref<32x1024xf32, #tpu.memory_space<vmem>>, vector<1x16xf32>,
        %swap3A_978 = vector.shape_cast %swap3A_977 : vector<1x16xf32> to vector<16xf32>
        %swap3A_979 = vector.shape_cast %mul3A_975 : vector<16xf32> to vector<1x16xf32>
        tpu.vector_store %arg8[%swap3A, %swap3A_976], %swap3A_979 {strides = array<i32>} : memref<32x1024xf32, #tpu.memory_space<vmem>>, vector<1x16xf32>,
        %scan3A_980 = arith.constant 1 : i32
        %scan3A_981 = arith.addi %scan3A_967, %scan3A_980 : i32
        %mul3A_982 = arith.constant 16 : i32
        %mul3A_983 = arith.muli %scan3A_981, %mul3A_982 : i32
        %get3A_984 = arith.index_cast %scan3A_961 : i32 to index
        %get3A_985 = arith.index_cast %mul3A_983 : i32 to index
        %get3A_986 = tpu.vector_load %arg8[%get3A_984, %get3A_985] {strides = array<i32>} : memref<32x1024xf32, #tpu.memory_space<vmem>>, vector<1x16xf32>,
        %get3A_987 = vector.shape_cast %get3A_986 : vector<1x16xf32> to vector<16xf32>
        %mul3A_988 = arith.constant 3.200000e+01 : f32
        %mul3A_989 = vector.broadcast %mul3A_988 : f32 to vector<16xf32>
        %mul3A_990 = arith.mulf %get3A_987, %mul3A_989 : vector<16xf32>
        %swap3A_991 = arith.index_cast %scan3A_961 : i32 to index
        %swap3A_992 = arith.index_cast %mul3A_983 : i32 to index
        %swap3A_993 = tpu.vector_load %arg8[%swap3A_991, %swap3A_992] {strides = array<i32>} : memref<32x1024xf32, #tpu.memory_space<vmem>>, vector<1x16xf32>,
        %swap3A_994 = vector.shape_cast %swap3A_993 : vector<1x16xf32> to vector<16xf32>
        %swap3A_995 = vector.shape_cast %mul3A_990 : vector<16xf32> to vector<1x16xf32>
        tpu.vector_store %arg8[%swap3A_991, %swap3A_992], %swap3A_995 {strides = array<i32>} : memref<32x1024xf32, #tpu.memory_space<vmem>>, vector<1x16xf32>,
        %scan3A_996 = arith.constant 2 : i32
        %scan3A_997 = arith.addi %scan3A_967, %scan3A_996 : i32
        %mul3A_998 = arith.constant 16 : i32
        %mul3A_999 = arith.muli %scan3A_997, %mul3A_998 : i32
        %get3A_1000 = arith.index_cast %scan3A_961 : i32 to index
        %get3A_1001 = arith.index_cast %mul3A_999 : i32 to index
        %get3A_1002 = tpu.vector_load %arg8[%get3A_1000, %get3A_1001] {strides = array<i32>} : memref<32x1024xf32, #tpu.memory_space<vmem>>, vector<1x16xf32>,
        %get3A_1003 = vector.shape_cast %get3A_1002 : vector<1x16xf32> to vector<16xf32>
        %mul3A_1004 = arith.constant 3.200000e+01 : f32
        %mul3A_1005 = vector.broadcast %mul3A_1004 : f32 to vector<16xf32>
        %mul3A_1006 = arith.mulf %get3A_1003, %mul3A_1005 : vector<16xf32>
        %swap3A_1007 = arith.index_cast %scan3A_961 : i32 to index
        %swap3A_1008 = arith.index_cast %mul3A_999 : i32 to index
        %swap3A_1009 = tpu.vector_load %arg8[%swap3A_1007, %swap3A_1008] {strides = array<i32>} : memref<32x1024xf32, #tpu.memory_space<vmem>>, vector<1x16xf32>,
        %swap3A_1010 = vector.shape_cast %swap3A_1009 : vector<1x16xf32> to vector<16xf32>
        %swap3A_1011 = vector.shape_cast %mul3A_1006 : vector<16xf32> to vector<1x16xf32>
        tpu.vector_store %arg8[%swap3A_1007, %swap3A_1008], %swap3A_1011 {strides = array<i32>} : memref<32x1024xf32, #tpu.memory_space<vmem>>, vector<1x16xf32>,
        %scan3A_1012 = arith.constant 3 : i32
        %scan3A_1013 = arith.addi %scan3A_967, %scan3A_1012 : i32
        %mul3A_1014 = arith.constant 16 : i32
        %mul3A_1015 = arith.muli %scan3A_1013, %mul3A_1014 : i32
        %get3A_1016 = arith.index_cast %scan3A_961 : i32 to index
        %get3A_1017 = arith.index_cast %mul3A_1015 : i32 to index
        %get3A_1018 = tpu.vector_load %arg8[%get3A_1016, %get3A_1017] {strides = array<i32>} : memref<32x1024xf32, #tpu.memory_space<vmem>>, vector<1x16xf32>,
        %get3A_1019 = vector.shape_cast %get3A_1018 : vector<1x16xf32> to vector<16xf32>
        %mul3A_1020 = arith.constant 3.200000e+01 : f32
        %mul3A_1021 = vector.broadcast %mul3A_1020 : f32 to vector<16xf32>
        %mul3A_1022 = arith.mulf %get3A_1019, %mul3A_1021 : vector<16xf32>
        %swap3A_1023 = arith.index_cast %scan3A_961 : i32 to index
        %swap3A_1024 = arith.index_cast %mul3A_1015 : i32 to index
        %swap3A_1025 = tpu.vector_load %arg8[%swap3A_1023, %swap3A_1024] {strides = array<i32>} : memref<32x1024xf32, #tpu.memory_space<vmem>>, vector<1x16xf32>,
        %swap3A_1026 = vector.shape_cast %swap3A_1025 : vector<1x16xf32> to vector<16xf32>
        %swap3A_1027 = vector.shape_cast %mul3A_1022 : vector<16xf32> to vector<1x16xf32>
        tpu.vector_store %arg8[%swap3A_1023, %swap3A_1024], %swap3A_1027 {strides = array<i32>} : memref<32x1024xf32, #tpu.memory_space<vmem>>, vector<1x16xf32>,
        %scan3A_1028 = arith.constant 4 : i32
        %scan3A_1029 = arith.addi %scan3A_967, %scan3A_1028 : i32
        %mul3A_1030 = arith.constant 16 : i32
        %mul3A_1031 = arith.muli %scan3A_1029, %mul3A_1030 : i32
        %get3A_1032 = arith.index_cast %scan3A_961 : i32 to index
        %get3A_1033 = arith.index_cast %mul3A_1031 : i32 to index
        %get3A_1034 = tpu.vector_load %arg8[%get3A_1032, %get3A_1033] {strides = array<i32>} : memref<32x1024xf32, #tpu.memory_space<vmem>>, vector<1x16xf32>,
        %get3A_1035 = vector.shape_cast %get3A_1034 : vector<1x16xf32> to vector<16xf32>
        %mul3A_1036 = arith.constant 3.200000e+01 : f32
        %mul3A_1037 = vector.broadcast %mul3A_1036 : f32 to vector<16xf32>
        %mul3A_1038 = arith.mulf %get3A_1035, %mul3A_1037 : vector<16xf32>
        %swap3A_1039 = arith.index_cast %scan3A_961 : i32 to index
        %swap3A_1040 = arith.index_cast %mul3A_1031 : i32 to index
        %swap3A_1041 = tpu.vector_load %arg8[%swap3A_1039, %swap3A_1040] {strides = array<i32>} : memref<32x1024xf32, #tpu.memory_space<vmem>>, vector<1x16xf32>,
        %swap3A_1042 = vector.shape_cast %swap3A_1041 : vector<1x16xf32> to vector<16xf32>
        %swap3A_1043 = vector.shape_cast %mul3A_1038 : vector<16xf32> to vector<1x16xf32>
        tpu.vector_store %arg8[%swap3A_1039, %swap3A_1040], %swap3A_1043 {strides = array<i32>} : memref<32x1024xf32, #tpu.memory_space<vmem>>, vector<1x16xf32>,
        %scan3A_1044 = arith.constant 5 : i32
        %scan3A_1045 = arith.addi %scan3A_967, %scan3A_1044 : i32
        %mul3A_1046 = arith.constant 16 : i32
        %mul3A_1047 = arith.muli %scan3A_1045, %mul3A_1046 : i32
        %get3A_1048 = arith.index_cast %scan3A_961 : i32 to index
        %get3A_1049 = arith.index_cast %mul3A_1047 : i32 to index
        %get3A_1050 = tpu.vector_load %arg8[%get3A_1048, %get3A_1049] {strides = array<i32>} : memref<32x1024xf32, #tpu.memory_space<vmem>>, vector<1x16xf32>,
        %get3A_1051 = vector.shape_cast %get3A_1050 : vector<1x16xf32> to vector<16xf32>
        %mul3A_1052 = arith.constant 3.200000e+01 : f32
        %mul3A_1053 = vector.broadcast %mul3A_1052 : f32 to vector<16xf32>
        %mul3A_1054 = arith.mulf %get3A_1051, %mul3A_1053 : vector<16xf32>
        %swap3A_1055 = arith.index_cast %scan3A_961 : i32 to index
        %swap3A_1056 = arith.index_cast %mul3A_1047 : i32 to index
        %swap3A_1057 = tpu.vector_load %arg8[%swap3A_1055, %swap3A_1056] {strides = array<i32>} : memref<32x1024xf32, #tpu.memory_space<vmem>>, vector<1x16xf32>,
        %swap3A_1058 = vector.shape_cast %swap3A_1057 : vector<1x16xf32> to vector<16xf32>
        %swap3A_1059 = vector.shape_cast %mul3A_1054 : vector<16xf32> to vector<1x16xf32>
        tpu.vector_store %arg8[%swap3A_1055, %swap3A_1056], %swap3A_1059 {strides = array<i32>} : memref<32x1024xf32, #tpu.memory_space<vmem>>, vector<1x16xf32>,
        %scan3A_1060 = arith.constant 6 : i32
        %scan3A_1061 = arith.addi %scan3A_967, %scan3A_1060 : i32
        %mul3A_1062 = arith.constant 16 : i32
        %mul3A_1063 = arith.muli %scan3A_1061, %mul3A_1062 : i32
        %get3A_1064 = arith.index_cast %scan3A_961 : i32 to index
        %get3A_1065 = arith.index_cast %mul3A_1063 : i32 to index
        %get3A_1066 = tpu.vector_load %arg8[%get3A_1064, %get3A_1065] {strides = array<i32>} : memref<32x1024xf32, #tpu.memory_space<vmem>>, vector<1x16xf32>,
        %get3A_1067 = vector.shape_cast %get3A_1066 : vector<1x16xf32> to vector<16xf32>
        %mul3A_1068 = arith.constant 3.200000e+01 : f32
        %mul3A_1069 = vector.broadcast %mul3A_1068 : f32 to vector<16xf32>
        %mul3A_1070 = arith.mulf %get3A_1067, %mul3A_1069 : vector<16xf32>
        %swap3A_1071 = arith.index_cast %scan3A_961 : i32 to index
        %swap3A_1072 = arith.index_cast %mul3A_1063 : i32 to index
        %swap3A_1073 = tpu.vector_load %arg8[%swap3A_1071, %swap3A_1072] {strides = array<i32>} : memref<32x1024xf32, #tpu.memory_space<vmem>>, vector<1x16xf32>,
        %swap3A_1074 = vector.shape_cast %swap3A_1073 : vector<1x16xf32> to vector<16xf32>
        %swap3A_1075 = vector.shape_cast %mul3A_1070 : vector<16xf32> to vector<1x16xf32>
        tpu.vector_store %arg8[%swap3A_1071, %swap3A_1072], %swap3A_1075 {strides = array<i32>} : memref<32x1024xf32, #tpu.memory_space<vmem>>, vector<1x16xf32>,
        %scan3A_1076 = arith.constant 7 : i32
        %scan3A_1077 = arith.addi %scan3A_967, %scan3A_1076 : i32
        %mul3A_1078 = arith.constant 16 : i32
        %mul3A_1079 = arith.muli %scan3A_1077, %mul3A_1078 : i32
        %get3A_1080 = arith.index_cast %scan3A_961 : i32 to index
        %get3A_1081 = arith.index_cast %mul3A_1079 : i32 to index
        %get3A_1082 = tpu.vector_load %arg8[%get3A_1080, %get3A_1081] {strides = array<i32>} : memref<32x1024xf32, #tpu.memory_space<vmem>>, vector<1x16xf32>,
        %get3A_1083 = vector.shape_cast %get3A_1082 : vector<1x16xf32> to vector<16xf32>
        %mul3A_1084 = arith.constant 3.200000e+01 : f32
        %mul3A_1085 = vector.broadcast %mul3A_1084 : f32 to vector<16xf32>
        %mul3A_1086 = arith.mulf %get3A_1083, %mul3A_1085 : vector<16xf32>
        %swap3A_1087 = arith.index_cast %scan3A_961 : i32 to index
        %swap3A_1088 = arith.index_cast %mul3A_1079 : i32 to index
        %swap3A_1089 = tpu.vector_load %arg8[%swap3A_1087, %swap3A_1088] {strides = array<i32>} : memref<32x1024xf32, #tpu.memory_space<vmem>>, vector<1x16xf32>,
        %swap3A_1090 = vector.shape_cast %swap3A_1089 : vector<1x16xf32> to vector<16xf32>
        %swap3A_1091 = vector.shape_cast %mul3A_1086 : vector<16xf32> to vector<1x16xf32>
        tpu.vector_store %arg8[%swap3A_1087, %swap3A_1088], %swap3A_1091 {strides = array<i32>} : memref<32x1024xf32, #tpu.memory_space<vmem>>, vector<1x16xf32>,
      }
      %scan3A_966 = arith.constant 64 : i32
    }
    %scan3A_458 = arith.constant 32 : i32
    %add3A_459 = arith.constant 224 : i32
    %add3A_460 = arith.addi %mul3A_32, %add3A_459 : i32
    %dma_start3A_461 = arith.constant 0 : i32
    %dma_start3A_462 = arith.constant 0 : i32
    %dma_start3A_463 = tpu.memref_slice %arg8[%dma_start3A_461, %dma_start3A_462] : memref<32x1024xf32, #tpu.memory_space<vmem>> -> memref<32x1024xf32, #tpu.memory_space<vmem>>
    %dma_start3A_464 = arith.constant 0 : i32
    %dma_start3A_465 = tpu.memref_slice %arg4[%select_n3A, %add3A_460, %dma_start3A_464] : memref<4x4096x1024xf32, #tpu.memory_space<hbm>> -> memref<1x32x1024xf32, #tpu.memory_space<hbm>>
    %dma_start3A_466 = tpu.memref_squeeze %dma_start3A_465 : memref<1x32x1024xf32, #tpu.memory_space<hbm>> -> memref<32x1024xf32, #tpu.memory_space<hbm>>
    %dma_start3A_467 = arith.constant 0 : i32
    %dma_start3A_468 = tpu.memref_slice %arg4[%select_n3A, %add3A_460, %dma_start3A_467] : memref<4x4096x1024xf32, #tpu.memory_space<hbm>> -> memref<1x32x1024xf32, #tpu.memory_space<hbm>>
    %dma_start3A_469 = tpu.memref_squeeze %dma_start3A_468 : memref<1x32x1024xf32, #tpu.memory_space<hbm>> -> memref<32x1024xf32, #tpu.memory_space<hbm>>
    %dma_start3A_470 = arith.constant 0 : i32
    %dma_start3A_471 = arith.constant 0 : i32
    %dma_start3A_472 = tpu.memref_slice %arg8[%dma_start3A_470, %dma_start3A_471] : memref<32x1024xf32, #tpu.memory_space<vmem>> -> memref<32x1024xf32, #tpu.memory_space<vmem>>
    tpu.enqueue_dma source(%dma_start3A_472 : memref<32x1024xf32, #tpu.memory_space<vmem>>) target(%dma_start3A_469 : memref<32x1024xf32, #tpu.memory_space<hbm>>) target_semaphore(%arg14 : memref<!tpu.dma_semaphore, #tpu.memory_space<semaphore_mem>>)
    %dma_wait3A_473 = arith.constant 0 : i32
    %dma_wait3A_474 = arith.constant 0 : i32
    %dma_wait3A_475 = tpu.memref_slice %arg6[%dma_wait3A_473, %dma_wait3A_474] : memref<32x1024xf32, #tpu.memory_space<vmem>> -> memref<32x1024xf32, #tpu.memory_space<vmem>>
    %dma_wait3A_476 = arith.constant 256 : i32
    %dma_wait3A_477 = tpu.memref_slice %arg5[%dma_wait3A_476] : memref<512xi32, #tpu.memory_space<vmem>> -> memref<32xi32, #tpu.memory_space<vmem>>
    %dma_wait3A_478 = arith.constant 0 : i32
    %dma_wait3A_479 = arith.constant 0 : i32
    %dma_wait3A_480 = tpu.memref_slice %arg3[%dma_wait3A_478, %dma_wait3A_479] : memref<100000x1024xf32, #tpu.memory_space<hbm>> -> memref<100000x1024xf32, #tpu.memory_space<hbm>>
    tpu.wait_indirect_dma semaphore(%arg9 : memref<!tpu.dma_semaphore, #tpu.memory_space<semaphore_mem>>) src(%dma_wait3A_480 : memref<100000x1024xf32, #tpu.memory_space<hbm>>) dst(%dma_wait3A_475 : memref<32x1024xf32, #tpu.memory_space<vmem>>)
    %add3A_481 = arith.constant 224 : i32
    %add3A_482 = arith.addi %mul3A_32, %add3A_481 : i32
    %dma_wait3A_483 = arith.constant 0 : i32
    %dma_wait3A_484 = arith.constant 0 : i32
    %dma_wait3A_485 = tpu.memref_slice %arg8[%dma_wait3A_483, %dma_wait3A_484] : memref<32x1024xf32, #tpu.memory_space<vmem>> -> memref<32x1024xf32, #tpu.memory_space<vmem>>
    %dma_wait3A_486 = arith.constant 0 : i32
    %dma_wait3A_487 = tpu.memref_slice %arg4[%select_n3A, %add3A_482, %dma_wait3A_486] : memref<4x4096x1024xf32, #tpu.memory_space<hbm>> -> memref<1x32x1024xf32, #tpu.memory_space<hbm>>
    %dma_wait3A_488 = tpu.memref_squeeze %dma_wait3A_487 : memref<1x32x1024xf32, #tpu.memory_space<hbm>> -> memref<32x1024xf32, #tpu.memory_space<hbm>>
    %dma_wait3A_489 = arith.constant 0 : i32
    %dma_wait3A_490 = tpu.memref_slice %arg4[%select_n3A, %add3A_482, %dma_wait3A_489] : memref<4x4096x1024xf32, #tpu.memory_space<hbm>> -> memref<1x32x1024xf32, #tpu.memory_space<hbm>>
    %dma_wait3A_491 = tpu.memref_squeeze %dma_wait3A_490 : memref<1x32x1024xf32, #tpu.memory_space<hbm>> -> memref<32x1024xf32, #tpu.memory_space<hbm>>
    %dma_wait3A_492 = arith.constant 0 : i32
    %dma_wait3A_493 = arith.constant 0 : i32
    %dma_wait3A_494 = tpu.memref_slice %arg8[%dma_wait3A_492, %dma_wait3A_493] : memref<32x1024xf32, #tpu.memory_space<vmem>> -> memref<32x1024xf32, #tpu.memory_space<vmem>>
    tpu.wait_dma2 semaphore(%arg14 : memref<!tpu.dma_semaphore, #tpu.memory_space<semaphore_mem>>) src(%dma_wait3A_494 : memref<32x1024xf32, #tpu.memory_space<vmem>>) dst(%dma_wait3A_491 : memref<32x1024xf32, #tpu.memory_space<hbm>>)
    %dma_start3A_495 = arith.constant 0 : i32
    %dma_start3A_496 = arith.constant 0 : i32
    %dma_start3A_497 = tpu.memref_slice %arg8[%dma_start3A_495, %dma_start3A_496] : memref<32x1024xf32, #tpu.memory_space<vmem>> -> memref<32x1024xf32, #tpu.memory_space<vmem>>
    %dma_start3A_498 = arith.constant 320 : i32
    %dma_start3A_499 = tpu.memref_slice %arg5[%dma_start3A_498] : memref<512xi32, #tpu.memory_space<vmem>> -> memref<32xi32, #tpu.memory_space<vmem>>
    %dma_start3A_500 = arith.constant 0 : i32
    %dma_start3A_501 = arith.constant 0 : i32
    %dma_start3A_502 = tpu.memref_slice %arg3[%dma_start3A_500, %dma_start3A_501] : memref<100000x1024xf32, #tpu.memory_space<hbm>> -> memref<100000x1024xf32, #tpu.memory_space<hbm>>
    tpu.enqueue_indirect_dma source(%dma_start3A_502 : memref<100000x1024xf32, #tpu.memory_space<hbm>>) target(%dma_start3A_497 : memref<32x1024xf32, #tpu.memory_space<vmem>>) offsets(%dma_start3A_499 : memref<32xi32, #tpu.memory_space<vmem>>) semaphore(%arg11 : memref<!tpu.dma_semaphore, #tpu.memory_space<semaphore_mem>>)
    %scan3A_503 = arith.constant 0 : i32
    %scan3A_504 = arith.constant 32 : i32
    %scan3A_505 = arith.addi %scan3A_503, %scan3A_504 : i32
    %scan3A_506 = arith.constant 1 : i32
    scf.for %scan3A_961 = %scan3A_503 to %scan3A_505 step %scan3A_506  : i32 {
      %scan3A_962 = arith.constant 0 : i32
      %scan3A_963 = arith.constant 64 : i32
      %scan3A_964 = arith.addi %scan3A_962, %scan3A_963 : i32
      %scan3A_965 = arith.constant 8 : i32
      scf.for %scan3A_967 = %scan3A_962 to %scan3A_964 step %scan3A_965  : i32 {
        %mul3A_968 = arith.constant 16 : i32
        %mul3A_969 = arith.muli %scan3A_967, %mul3A_968 : i32
        %get3A = arith.index_cast %scan3A_961 : i32 to index
        %get3A_970 = arith.index_cast %mul3A_969 : i32 to index
        %get3A_971 = tpu.vector_load %arg6[%get3A, %get3A_970] {strides = array<i32>} : memref<32x1024xf32, #tpu.memory_space<vmem>>, vector<1x16xf32>,
        %get3A_972 = vector.shape_cast %get3A_971 : vector<1x16xf32> to vector<16xf32>
        %mul3A_973 = arith.constant 3.200000e+01 : f32
        %mul3A_974 = vector.broadcast %mul3A_973 : f32 to vector<16xf32>
        %mul3A_975 = arith.mulf %get3A_972, %mul3A_974 : vector<16xf32>
        %swap3A = arith.index_cast %scan3A_961 : i32 to index
        %swap3A_976 = arith.index_cast %mul3A_969 : i32 to index
        %swap3A_977 = tpu.vector_load %arg6[%swap3A, %swap3A_976] {strides = array<i32>} : memref<32x1024xf32, #tpu.memory_space<vmem>>, vector<1x16xf32>,
        %swap3A_978 = vector.shape_cast %swap3A_977 : vector<1x16xf32> to vector<16xf32>
        %swap3A_979 = vector.shape_cast %mul3A_975 : vector<16xf32> to vector<1x16xf32>
        tpu.vector_store %arg6[%swap3A, %swap3A_976], %swap3A_979 {strides = array<i32>} : memref<32x1024xf32, #tpu.memory_space<vmem>>, vector<1x16xf32>,
        %scan3A_980 = arith.constant 1 : i32
        %scan3A_981 = arith.addi %scan3A_967, %scan3A_980 : i32
        %mul3A_982 = arith.constant 16 : i32
        %mul3A_983 = arith.muli %scan3A_981, %mul3A_982 : i32
        %get3A_984 = arith.index_cast %scan3A_961 : i32 to index
        %get3A_985 = arith.index_cast %mul3A_983 : i32 to index
        %get3A_986 = tpu.vector_load %arg6[%get3A_984, %get3A_985] {strides = array<i32>} : memref<32x1024xf32, #tpu.memory_space<vmem>>, vector<1x16xf32>,
        %get3A_987 = vector.shape_cast %get3A_986 : vector<1x16xf32> to vector<16xf32>
        %mul3A_988 = arith.constant 3.200000e+01 : f32
        %mul3A_989 = vector.broadcast %mul3A_988 : f32 to vector<16xf32>
        %mul3A_990 = arith.mulf %get3A_987, %mul3A_989 : vector<16xf32>
        %swap3A_991 = arith.index_cast %scan3A_961 : i32 to index
        %swap3A_992 = arith.index_cast %mul3A_983 : i32 to index
        %swap3A_993 = tpu.vector_load %arg6[%swap3A_991, %swap3A_992] {strides = array<i32>} : memref<32x1024xf32, #tpu.memory_space<vmem>>, vector<1x16xf32>,
        %swap3A_994 = vector.shape_cast %swap3A_993 : vector<1x16xf32> to vector<16xf32>
        %swap3A_995 = vector.shape_cast %mul3A_990 : vector<16xf32> to vector<1x16xf32>
        tpu.vector_store %arg6[%swap3A_991, %swap3A_992], %swap3A_995 {strides = array<i32>} : memref<32x1024xf32, #tpu.memory_space<vmem>>, vector<1x16xf32>,
        %scan3A_996 = arith.constant 2 : i32
        %scan3A_997 = arith.addi %scan3A_967, %scan3A_996 : i32
        %mul3A_998 = arith.constant 16 : i32
        %mul3A_999 = arith.muli %scan3A_997, %mul3A_998 : i32
        %get3A_1000 = arith.index_cast %scan3A_961 : i32 to index
        %get3A_1001 = arith.index_cast %mul3A_999 : i32 to index
        %get3A_1002 = tpu.vector_load %arg6[%get3A_1000, %get3A_1001] {strides = array<i32>} : memref<32x1024xf32, #tpu.memory_space<vmem>>, vector<1x16xf32>,
        %get3A_1003 = vector.shape_cast %get3A_1002 : vector<1x16xf32> to vector<16xf32>
        %mul3A_1004 = arith.constant 3.200000e+01 : f32
        %mul3A_1005 = vector.broadcast %mul3A_1004 : f32 to vector<16xf32>
        %mul3A_1006 = arith.mulf %get3A_1003, %mul3A_1005 : vector<16xf32>
        %swap3A_1007 = arith.index_cast %scan3A_961 : i32 to index
        %swap3A_1008 = arith.index_cast %mul3A_999 : i32 to index
        %swap3A_1009 = tpu.vector_load %arg6[%swap3A_1007, %swap3A_1008] {strides = array<i32>} : memref<32x1024xf32, #tpu.memory_space<vmem>>, vector<1x16xf32>,
        %swap3A_1010 = vector.shape_cast %swap3A_1009 : vector<1x16xf32> to vector<16xf32>
        %swap3A_1011 = vector.shape_cast %mul3A_1006 : vector<16xf32> to vector<1x16xf32>
        tpu.vector_store %arg6[%swap3A_1007, %swap3A_1008], %swap3A_1011 {strides = array<i32>} : memref<32x1024xf32, #tpu.memory_space<vmem>>, vector<1x16xf32>,
        %scan3A_1012 = arith.constant 3 : i32
        %scan3A_1013 = arith.addi %scan3A_967, %scan3A_1012 : i32
        %mul3A_1014 = arith.constant 16 : i32
        %mul3A_1015 = arith.muli %scan3A_1013, %mul3A_1014 : i32
        %get3A_1016 = arith.index_cast %scan3A_961 : i32 to index
        %get3A_1017 = arith.index_cast %mul3A_1015 : i32 to index
        %get3A_1018 = tpu.vector_load %arg6[%get3A_1016, %get3A_1017] {strides = array<i32>} : memref<32x1024xf32, #tpu.memory_space<vmem>>, vector<1x16xf32>,
        %get3A_1019 = vector.shape_cast %get3A_1018 : vector<1x16xf32> to vector<16xf32>
        %mul3A_1020 = arith.constant 3.200000e+01 : f32
        %mul3A_1021 = vector.broadcast %mul3A_1020 : f32 to vector<16xf32>
        %mul3A_1022 = arith.mulf %get3A_1019, %mul3A_1021 : vector<16xf32>
        %swap3A_1023 = arith.index_cast %scan3A_961 : i32 to index
        %swap3A_1024 = arith.index_cast %mul3A_1015 : i32 to index
        %swap3A_1025 = tpu.vector_load %arg6[%swap3A_1023, %swap3A_1024] {strides = array<i32>} : memref<32x1024xf32, #tpu.memory_space<vmem>>, vector<1x16xf32>,
        %swap3A_1026 = vector.shape_cast %swap3A_1025 : vector<1x16xf32> to vector<16xf32>
        %swap3A_1027 = vector.shape_cast %mul3A_1022 : vector<16xf32> to vector<1x16xf32>
        tpu.vector_store %arg6[%swap3A_1023, %swap3A_1024], %swap3A_1027 {strides = array<i32>} : memref<32x1024xf32, #tpu.memory_space<vmem>>, vector<1x16xf32>,
        %scan3A_1028 = arith.constant 4 : i32
        %scan3A_1029 = arith.addi %scan3A_967, %scan3A_1028 : i32
        %mul3A_1030 = arith.constant 16 : i32
        %mul3A_1031 = arith.muli %scan3A_1029, %mul3A_1030 : i32
        %get3A_1032 = arith.index_cast %scan3A_961 : i32 to index
        %get3A_1033 = arith.index_cast %mul3A_1031 : i32 to index
        %get3A_1034 = tpu.vector_load %arg6[%get3A_1032, %get3A_1033] {strides = array<i32>} : memref<32x1024xf32, #tpu.memory_space<vmem>>, vector<1x16xf32>,
        %get3A_1035 = vector.shape_cast %get3A_1034 : vector<1x16xf32> to vector<16xf32>
        %mul3A_1036 = arith.constant 3.200000e+01 : f32
        %mul3A_1037 = vector.broadcast %mul3A_1036 : f32 to vector<16xf32>
        %mul3A_1038 = arith.mulf %get3A_1035, %mul3A_1037 : vector<16xf32>
        %swap3A_1039 = arith.index_cast %scan3A_961 : i32 to index
        %swap3A_1040 = arith.index_cast %mul3A_1031 : i32 to index
        %swap3A_1041 = tpu.vector_load %arg6[%swap3A_1039, %swap3A_1040] {strides = array<i32>} : memref<32x1024xf32, #tpu.memory_space<vmem>>, vector<1x16xf32>,
        %swap3A_1042 = vector.shape_cast %swap3A_1041 : vector<1x16xf32> to vector<16xf32>
        %swap3A_1043 = vector.shape_cast %mul3A_1038 : vector<16xf32> to vector<1x16xf32>
        tpu.vector_store %arg6[%swap3A_1039, %swap3A_1040], %swap3A_1043 {strides = array<i32>} : memref<32x1024xf32, #tpu.memory_space<vmem>>, vector<1x16xf32>,
        %scan3A_1044 = arith.constant 5 : i32
        %scan3A_1045 = arith.addi %scan3A_967, %scan3A_1044 : i32
        %mul3A_1046 = arith.constant 16 : i32
        %mul3A_1047 = arith.muli %scan3A_1045, %mul3A_1046 : i32
        %get3A_1048 = arith.index_cast %scan3A_961 : i32 to index
        %get3A_1049 = arith.index_cast %mul3A_1047 : i32 to index
        %get3A_1050 = tpu.vector_load %arg6[%get3A_1048, %get3A_1049] {strides = array<i32>} : memref<32x1024xf32, #tpu.memory_space<vmem>>, vector<1x16xf32>,
        %get3A_1051 = vector.shape_cast %get3A_1050 : vector<1x16xf32> to vector<16xf32>
        %mul3A_1052 = arith.constant 3.200000e+01 : f32
        %mul3A_1053 = vector.broadcast %mul3A_1052 : f32 to vector<16xf32>
        %mul3A_1054 = arith.mulf %get3A_1051, %mul3A_1053 : vector<16xf32>
        %swap3A_1055 = arith.index_cast %scan3A_961 : i32 to index
        %swap3A_1056 = arith.index_cast %mul3A_1047 : i32 to index
        %swap3A_1057 = tpu.vector_load %arg6[%swap3A_1055, %swap3A_1056] {strides = array<i32>} : memref<32x1024xf32, #tpu.memory_space<vmem>>, vector<1x16xf32>,
        %swap3A_1058 = vector.shape_cast %swap3A_1057 : vector<1x16xf32> to vector<16xf32>
        %swap3A_1059 = vector.shape_cast %mul3A_1054 : vector<16xf32> to vector<1x16xf32>
        tpu.vector_store %arg6[%swap3A_1055, %swap3A_1056], %swap3A_1059 {strides = array<i32>} : memref<32x1024xf32, #tpu.memory_space<vmem>>, vector<1x16xf32>,
        %scan3A_1060 = arith.constant 6 : i32
        %scan3A_1061 = arith.addi %scan3A_967, %scan3A_1060 : i32
        %mul3A_1062 = arith.constant 16 : i32
        %mul3A_1063 = arith.muli %scan3A_1061, %mul3A_1062 : i32
        %get3A_1064 = arith.index_cast %scan3A_961 : i32 to index
        %get3A_1065 = arith.index_cast %mul3A_1063 : i32 to index
        %get3A_1066 = tpu.vector_load %arg6[%get3A_1064, %get3A_1065] {strides = array<i32>} : memref<32x1024xf32, #tpu.memory_space<vmem>>, vector<1x16xf32>,
        %get3A_1067 = vector.shape_cast %get3A_1066 : vector<1x16xf32> to vector<16xf32>
        %mul3A_1068 = arith.constant 3.200000e+01 : f32
        %mul3A_1069 = vector.broadcast %mul3A_1068 : f32 to vector<16xf32>
        %mul3A_1070 = arith.mulf %get3A_1067, %mul3A_1069 : vector<16xf32>
        %swap3A_1071 = arith.index_cast %scan3A_961 : i32 to index
        %swap3A_1072 = arith.index_cast %mul3A_1063 : i32 to index
        %swap3A_1073 = tpu.vector_load %arg6[%swap3A_1071, %swap3A_1072] {strides = array<i32>} : memref<32x1024xf32, #tpu.memory_space<vmem>>, vector<1x16xf32>,
        %swap3A_1074 = vector.shape_cast %swap3A_1073 : vector<1x16xf32> to vector<16xf32>
        %swap3A_1075 = vector.shape_cast %mul3A_1070 : vector<16xf32> to vector<1x16xf32>
        tpu.vector_store %arg6[%swap3A_1071, %swap3A_1072], %swap3A_1075 {strides = array<i32>} : memref<32x1024xf32, #tpu.memory_space<vmem>>, vector<1x16xf32>,
        %scan3A_1076 = arith.constant 7 : i32
        %scan3A_1077 = arith.addi %scan3A_967, %scan3A_1076 : i32
        %mul3A_1078 = arith.constant 16 : i32
        %mul3A_1079 = arith.muli %scan3A_1077, %mul3A_1078 : i32
        %get3A_1080 = arith.index_cast %scan3A_961 : i32 to index
        %get3A_1081 = arith.index_cast %mul3A_1079 : i32 to index
        %get3A_1082 = tpu.vector_load %arg6[%get3A_1080, %get3A_1081] {strides = array<i32>} : memref<32x1024xf32, #tpu.memory_space<vmem>>, vector<1x16xf32>,
        %get3A_1083 = vector.shape_cast %get3A_1082 : vector<1x16xf32> to vector<16xf32>
        %mul3A_1084 = arith.constant 3.200000e+01 : f32
        %mul3A_1085 = vector.broadcast %mul3A_1084 : f32 to vector<16xf32>
        %mul3A_1086 = arith.mulf %get3A_1083, %mul3A_1085 : vector<16xf32>
        %swap3A_1087 = arith.index_cast %scan3A_961 : i32 to index
        %swap3A_1088 = arith.index_cast %mul3A_1079 : i32 to index
        %swap3A_1089 = tpu.vector_load %arg6[%swap3A_1087, %swap3A_1088] {strides = array<i32>} : memref<32x1024xf32, #tpu.memory_space<vmem>>, vector<1x16xf32>,
        %swap3A_1090 = vector.shape_cast %swap3A_1089 : vector<1x16xf32> to vector<16xf32>
        %swap3A_1091 = vector.shape_cast %mul3A_1086 : vector<16xf32> to vector<1x16xf32>
        tpu.vector_store %arg6[%swap3A_1087, %swap3A_1088], %swap3A_1091 {strides = array<i32>} : memref<32x1024xf32, #tpu.memory_space<vmem>>, vector<1x16xf32>,
      }
      %scan3A_966 = arith.constant 64 : i32
    }
    %scan3A_507 = arith.constant 32 : i32
    %add3A_508 = arith.constant 256 : i32
    %add3A_509 = arith.addi %mul3A_32, %add3A_508 : i32
    %dma_start3A_510 = arith.constant 0 : i32
    %dma_start3A_511 = arith.constant 0 : i32
    %dma_start3A_512 = tpu.memref_slice %arg6[%dma_start3A_510, %dma_start3A_511] : memref<32x1024xf32, #tpu.memory_space<vmem>> -> memref<32x1024xf32, #tpu.memory_space<vmem>>
    %dma_start3A_513 = arith.constant 0 : i32
    %dma_start3A_514 = tpu.memref_slice %arg4[%select_n3A, %add3A_509, %dma_start3A_513] : memref<4x4096x1024xf32, #tpu.memory_space<hbm>> -> memref<1x32x1024xf32, #tpu.memory_space<hbm>>
    %dma_start3A_515 = tpu.memref_squeeze %dma_start3A_514 : memref<1x32x1024xf32, #tpu.memory_space<hbm>> -> memref<32x1024xf32, #tpu.memory_space<hbm>>
    %dma_start3A_516 = arith.constant 0 : i32
    %dma_start3A_517 = tpu.memref_slice %arg4[%select_n3A, %add3A_509, %dma_start3A_516] : memref<4x4096x1024xf32, #tpu.memory_space<hbm>> -> memref<1x32x1024xf32, #tpu.memory_space<hbm>>
    %dma_start3A_518 = tpu.memref_squeeze %dma_start3A_517 : memref<1x32x1024xf32, #tpu.memory_space<hbm>> -> memref<32x1024xf32, #tpu.memory_space<hbm>>
    %dma_start3A_519 = arith.constant 0 : i32
    %dma_start3A_520 = arith.constant 0 : i32
    %dma_start3A_521 = tpu.memref_slice %arg6[%dma_start3A_519, %dma_start3A_520] : memref<32x1024xf32, #tpu.memory_space<vmem>> -> memref<32x1024xf32, #tpu.memory_space<vmem>>
    tpu.enqueue_dma source(%dma_start3A_521 : memref<32x1024xf32, #tpu.memory_space<vmem>>) target(%dma_start3A_518 : memref<32x1024xf32, #tpu.memory_space<hbm>>) target_semaphore(%arg12 : memref<!tpu.dma_semaphore, #tpu.memory_space<semaphore_mem>>)
    %dma_wait3A_522 = arith.constant 0 : i32
    %dma_wait3A_523 = arith.constant 0 : i32
    %dma_wait3A_524 = tpu.memref_slice %arg7[%dma_wait3A_522, %dma_wait3A_523] : memref<32x1024xf32, #tpu.memory_space<vmem>> -> memref<32x1024xf32, #tpu.memory_space<vmem>>
    %dma_wait3A_525 = arith.constant 288 : i32
    %dma_wait3A_526 = tpu.memref_slice %arg5[%dma_wait3A_525] : memref<512xi32, #tpu.memory_space<vmem>> -> memref<32xi32, #tpu.memory_space<vmem>>
    %dma_wait3A_527 = arith.constant 0 : i32
    %dma_wait3A_528 = arith.constant 0 : i32
    %dma_wait3A_529 = tpu.memref_slice %arg3[%dma_wait3A_527, %dma_wait3A_528] : memref<100000x1024xf32, #tpu.memory_space<hbm>> -> memref<100000x1024xf32, #tpu.memory_space<hbm>>
    tpu.wait_indirect_dma semaphore(%arg10 : memref<!tpu.dma_semaphore, #tpu.memory_space<semaphore_mem>>) src(%dma_wait3A_529 : memref<100000x1024xf32, #tpu.memory_space<hbm>>) dst(%dma_wait3A_524 : memref<32x1024xf32, #tpu.memory_space<vmem>>)
    %add3A_530 = arith.constant 256 : i32
    %add3A_531 = arith.addi %mul3A_32, %add3A_530 : i32
    %dma_wait3A_532 = arith.constant 0 : i32
    %dma_wait3A_533 = arith.constant 0 : i32
    %dma_wait3A_534 = tpu.memref_slice %arg6[%dma_wait3A_532, %dma_wait3A_533] : memref<32x1024xf32, #tpu.memory_space<vmem>> -> memref<32x1024xf32, #tpu.memory_space<vmem>>
    %dma_wait3A_535 = arith.constant 0 : i32
    %dma_wait3A_536 = tpu.memref_slice %arg4[%select_n3A, %add3A_531, %dma_wait3A_535] : memref<4x4096x1024xf32, #tpu.memory_space<hbm>> -> memref<1x32x1024xf32, #tpu.memory_space<hbm>>
    %dma_wait3A_537 = tpu.memref_squeeze %dma_wait3A_536 : memref<1x32x1024xf32, #tpu.memory_space<hbm>> -> memref<32x1024xf32, #tpu.memory_space<hbm>>
    %dma_wait3A_538 = arith.constant 0 : i32
    %dma_wait3A_539 = tpu.memref_slice %arg4[%select_n3A, %add3A_531, %dma_wait3A_538] : memref<4x4096x1024xf32, #tpu.memory_space<hbm>> -> memref<1x32x1024xf32, #tpu.memory_space<hbm>>
    %dma_wait3A_540 = tpu.memref_squeeze %dma_wait3A_539 : memref<1x32x1024xf32, #tpu.memory_space<hbm>> -> memref<32x1024xf32, #tpu.memory_space<hbm>>
    %dma_wait3A_541 = arith.constant 0 : i32
    %dma_wait3A_542 = arith.constant 0 : i32
    %dma_wait3A_543 = tpu.memref_slice %arg6[%dma_wait3A_541, %dma_wait3A_542] : memref<32x1024xf32, #tpu.memory_space<vmem>> -> memref<32x1024xf32, #tpu.memory_space<vmem>>
    tpu.wait_dma2 semaphore(%arg12 : memref<!tpu.dma_semaphore, #tpu.memory_space<semaphore_mem>>) src(%dma_wait3A_543 : memref<32x1024xf32, #tpu.memory_space<vmem>>) dst(%dma_wait3A_540 : memref<32x1024xf32, #tpu.memory_space<hbm>>)
    %dma_start3A_544 = arith.constant 0 : i32
    %dma_start3A_545 = arith.constant 0 : i32
    %dma_start3A_546 = tpu.memref_slice %arg6[%dma_start3A_544, %dma_start3A_545] : memref<32x1024xf32, #tpu.memory_space<vmem>> -> memref<32x1024xf32, #tpu.memory_space<vmem>>
    %dma_start3A_547 = arith.constant 352 : i32
    %dma_start3A_548 = tpu.memref_slice %arg5[%dma_start3A_547] : memref<512xi32, #tpu.memory_space<vmem>> -> memref<32xi32, #tpu.memory_space<vmem>>
    %dma_start3A_549 = arith.constant 0 : i32
    %dma_start3A_550 = arith.constant 0 : i32
    %dma_start3A_551 = tpu.memref_slice %arg3[%dma_start3A_549, %dma_start3A_550] : memref<100000x1024xf32, #tpu.memory_space<hbm>> -> memref<100000x1024xf32, #tpu.memory_space<hbm>>
    tpu.enqueue_indirect_dma source(%dma_start3A_551 : memref<100000x1024xf32, #tpu.memory_space<hbm>>) target(%dma_start3A_546 : memref<32x1024xf32, #tpu.memory_space<vmem>>) offsets(%dma_start3A_548 : memref<32xi32, #tpu.memory_space<vmem>>) semaphore(%arg9 : memref<!tpu.dma_semaphore, #tpu.memory_space<semaphore_mem>>)
    %scan3A_552 = arith.constant 0 : i32
    %scan3A_553 = arith.constant 32 : i32
    %scan3A_554 = arith.addi %scan3A_552, %scan3A_553 : i32
    %scan3A_555 = arith.constant 1 : i32
    scf.for %scan3A_961 = %scan3A_552 to %scan3A_554 step %scan3A_555  : i32 {
      %scan3A_962 = arith.constant 0 : i32
      %scan3A_963 = arith.constant 64 : i32
      %scan3A_964 = arith.addi %scan3A_962, %scan3A_963 : i32
      %scan3A_965 = arith.constant 8 : i32
      scf.for %scan3A_967 = %scan3A_962 to %scan3A_964 step %scan3A_965  : i32 {
        %mul3A_968 = arith.constant 16 : i32
        %mul3A_969 = arith.muli %scan3A_967, %mul3A_968 : i32
        %get3A = arith.index_cast %scan3A_961 : i32 to index
        %get3A_970 = arith.index_cast %mul3A_969 : i32 to index
        %get3A_971 = tpu.vector_load %arg7[%get3A, %get3A_970] {strides = array<i32>} : memref<32x1024xf32, #tpu.memory_space<vmem>>, vector<1x16xf32>,
        %get3A_972 = vector.shape_cast %get3A_971 : vector<1x16xf32> to vector<16xf32>
        %mul3A_973 = arith.constant 3.200000e+01 : f32
        %mul3A_974 = vector.broadcast %mul3A_973 : f32 to vector<16xf32>
        %mul3A_975 = arith.mulf %get3A_972, %mul3A_974 : vector<16xf32>
        %swap3A = arith.index_cast %scan3A_961 : i32 to index
        %swap3A_976 = arith.index_cast %mul3A_969 : i32 to index
        %swap3A_977 = tpu.vector_load %arg7[%swap3A, %swap3A_976] {strides = array<i32>} : memref<32x1024xf32, #tpu.memory_space<vmem>>, vector<1x16xf32>,
        %swap3A_978 = vector.shape_cast %swap3A_977 : vector<1x16xf32> to vector<16xf32>
        %swap3A_979 = vector.shape_cast %mul3A_975 : vector<16xf32> to vector<1x16xf32>
        tpu.vector_store %arg7[%swap3A, %swap3A_976], %swap3A_979 {strides = array<i32>} : memref<32x1024xf32, #tpu.memory_space<vmem>>, vector<1x16xf32>,
        %scan3A_980 = arith.constant 1 : i32
        %scan3A_981 = arith.addi %scan3A_967, %scan3A_980 : i32
        %mul3A_982 = arith.constant 16 : i32
        %mul3A_983 = arith.muli %scan3A_981, %mul3A_982 : i32
        %get3A_984 = arith.index_cast %scan3A_961 : i32 to index
        %get3A_985 = arith.index_cast %mul3A_983 : i32 to index
        %get3A_986 = tpu.vector_load %arg7[%get3A_984, %get3A_985] {strides = array<i32>} : memref<32x1024xf32, #tpu.memory_space<vmem>>, vector<1x16xf32>,
        %get3A_987 = vector.shape_cast %get3A_986 : vector<1x16xf32> to vector<16xf32>
        %mul3A_988 = arith.constant 3.200000e+01 : f32
        %mul3A_989 = vector.broadcast %mul3A_988 : f32 to vector<16xf32>
        %mul3A_990 = arith.mulf %get3A_987, %mul3A_989 : vector<16xf32>
        %swap3A_991 = arith.index_cast %scan3A_961 : i32 to index
        %swap3A_992 = arith.index_cast %mul3A_983 : i32 to index
        %swap3A_993 = tpu.vector_load %arg7[%swap3A_991, %swap3A_992] {strides = array<i32>} : memref<32x1024xf32, #tpu.memory_space<vmem>>, vector<1x16xf32>,
        %swap3A_994 = vector.shape_cast %swap3A_993 : vector<1x16xf32> to vector<16xf32>
        %swap3A_995 = vector.shape_cast %mul3A_990 : vector<16xf32> to vector<1x16xf32>
        tpu.vector_store %arg7[%swap3A_991, %swap3A_992], %swap3A_995 {strides = array<i32>} : memref<32x1024xf32, #tpu.memory_space<vmem>>, vector<1x16xf32>,
        %scan3A_996 = arith.constant 2 : i32
        %scan3A_997 = arith.addi %scan3A_967, %scan3A_996 : i32
        %mul3A_998 = arith.constant 16 : i32
        %mul3A_999 = arith.muli %scan3A_997, %mul3A_998 : i32
        %get3A_1000 = arith.index_cast %scan3A_961 : i32 to index
        %get3A_1001 = arith.index_cast %mul3A_999 : i32 to index
        %get3A_1002 = tpu.vector_load %arg7[%get3A_1000, %get3A_1001] {strides = array<i32>} : memref<32x1024xf32, #tpu.memory_space<vmem>>, vector<1x16xf32>,
        %get3A_1003 = vector.shape_cast %get3A_1002 : vector<1x16xf32> to vector<16xf32>
        %mul3A_1004 = arith.constant 3.200000e+01 : f32
        %mul3A_1005 = vector.broadcast %mul3A_1004 : f32 to vector<16xf32>
        %mul3A_1006 = arith.mulf %get3A_1003, %mul3A_1005 : vector<16xf32>
        %swap3A_1007 = arith.index_cast %scan3A_961 : i32 to index
        %swap3A_1008 = arith.index_cast %mul3A_999 : i32 to index
        %swap3A_1009 = tpu.vector_load %arg7[%swap3A_1007, %swap3A_1008] {strides = array<i32>} : memref<32x1024xf32, #tpu.memory_space<vmem>>, vector<1x16xf32>,
        %swap3A_1010 = vector.shape_cast %swap3A_1009 : vector<1x16xf32> to vector<16xf32>
        %swap3A_1011 = vector.shape_cast %mul3A_1006 : vector<16xf32> to vector<1x16xf32>
        tpu.vector_store %arg7[%swap3A_1007, %swap3A_1008], %swap3A_1011 {strides = array<i32>} : memref<32x1024xf32, #tpu.memory_space<vmem>>, vector<1x16xf32>,
        %scan3A_1012 = arith.constant 3 : i32
        %scan3A_1013 = arith.addi %scan3A_967, %scan3A_1012 : i32
        %mul3A_1014 = arith.constant 16 : i32
        %mul3A_1015 = arith.muli %scan3A_1013, %mul3A_1014 : i32
        %get3A_1016 = arith.index_cast %scan3A_961 : i32 to index
        %get3A_1017 = arith.index_cast %mul3A_1015 : i32 to index
        %get3A_1018 = tpu.vector_load %arg7[%get3A_1016, %get3A_1017] {strides = array<i32>} : memref<32x1024xf32, #tpu.memory_space<vmem>>, vector<1x16xf32>,
        %get3A_1019 = vector.shape_cast %get3A_1018 : vector<1x16xf32> to vector<16xf32>
        %mul3A_1020 = arith.constant 3.200000e+01 : f32
        %mul3A_1021 = vector.broadcast %mul3A_1020 : f32 to vector<16xf32>
        %mul3A_1022 = arith.mulf %get3A_1019, %mul3A_1021 : vector<16xf32>
        %swap3A_1023 = arith.index_cast %scan3A_961 : i32 to index
        %swap3A_1024 = arith.index_cast %mul3A_1015 : i32 to index
        %swap3A_1025 = tpu.vector_load %arg7[%swap3A_1023, %swap3A_1024] {strides = array<i32>} : memref<32x1024xf32, #tpu.memory_space<vmem>>, vector<1x16xf32>,
        %swap3A_1026 = vector.shape_cast %swap3A_1025 : vector<1x16xf32> to vector<16xf32>
        %swap3A_1027 = vector.shape_cast %mul3A_1022 : vector<16xf32> to vector<1x16xf32>
        tpu.vector_store %arg7[%swap3A_1023, %swap3A_1024], %swap3A_1027 {strides = array<i32>} : memref<32x1024xf32, #tpu.memory_space<vmem>>, vector<1x16xf32>,
        %scan3A_1028 = arith.constant 4 : i32
        %scan3A_1029 = arith.addi %scan3A_967, %scan3A_1028 : i32
        %mul3A_1030 = arith.constant 16 : i32
        %mul3A_1031 = arith.muli %scan3A_1029, %mul3A_1030 : i32
        %get3A_1032 = arith.index_cast %scan3A_961 : i32 to index
        %get3A_1033 = arith.index_cast %mul3A_1031 : i32 to index
        %get3A_1034 = tpu.vector_load %arg7[%get3A_1032, %get3A_1033] {strides = array<i32>} : memref<32x1024xf32, #tpu.memory_space<vmem>>, vector<1x16xf32>,
        %get3A_1035 = vector.shape_cast %get3A_1034 : vector<1x16xf32> to vector<16xf32>
        %mul3A_1036 = arith.constant 3.200000e+01 : f32
        %mul3A_1037 = vector.broadcast %mul3A_1036 : f32 to vector<16xf32>
        %mul3A_1038 = arith.mulf %get3A_1035, %mul3A_1037 : vector<16xf32>
        %swap3A_1039 = arith.index_cast %scan3A_961 : i32 to index
        %swap3A_1040 = arith.index_cast %mul3A_1031 : i32 to index
        %swap3A_1041 = tpu.vector_load %arg7[%swap3A_1039, %swap3A_1040] {strides = array<i32>} : memref<32x1024xf32, #tpu.memory_space<vmem>>, vector<1x16xf32>,
        %swap3A_1042 = vector.shape_cast %swap3A_1041 : vector<1x16xf32> to vector<16xf32>
        %swap3A_1043 = vector.shape_cast %mul3A_1038 : vector<16xf32> to vector<1x16xf32>
        tpu.vector_store %arg7[%swap3A_1039, %swap3A_1040], %swap3A_1043 {strides = array<i32>} : memref<32x1024xf32, #tpu.memory_space<vmem>>, vector<1x16xf32>,
        %scan3A_1044 = arith.constant 5 : i32
        %scan3A_1045 = arith.addi %scan3A_967, %scan3A_1044 : i32
        %mul3A_1046 = arith.constant 16 : i32
        %mul3A_1047 = arith.muli %scan3A_1045, %mul3A_1046 : i32
        %get3A_1048 = arith.index_cast %scan3A_961 : i32 to index
        %get3A_1049 = arith.index_cast %mul3A_1047 : i32 to index
        %get3A_1050 = tpu.vector_load %arg7[%get3A_1048, %get3A_1049] {strides = array<i32>} : memref<32x1024xf32, #tpu.memory_space<vmem>>, vector<1x16xf32>,
        %get3A_1051 = vector.shape_cast %get3A_1050 : vector<1x16xf32> to vector<16xf32>
        %mul3A_1052 = arith.constant 3.200000e+01 : f32
        %mul3A_1053 = vector.broadcast %mul3A_1052 : f32 to vector<16xf32>
        %mul3A_1054 = arith.mulf %get3A_1051, %mul3A_1053 : vector<16xf32>
        %swap3A_1055 = arith.index_cast %scan3A_961 : i32 to index
        %swap3A_1056 = arith.index_cast %mul3A_1047 : i32 to index
        %swap3A_1057 = tpu.vector_load %arg7[%swap3A_1055, %swap3A_1056] {strides = array<i32>} : memref<32x1024xf32, #tpu.memory_space<vmem>>, vector<1x16xf32>,
        %swap3A_1058 = vector.shape_cast %swap3A_1057 : vector<1x16xf32> to vector<16xf32>
        %swap3A_1059 = vector.shape_cast %mul3A_1054 : vector<16xf32> to vector<1x16xf32>
        tpu.vector_store %arg7[%swap3A_1055, %swap3A_1056], %swap3A_1059 {strides = array<i32>} : memref<32x1024xf32, #tpu.memory_space<vmem>>, vector<1x16xf32>,
        %scan3A_1060 = arith.constant 6 : i32
        %scan3A_1061 = arith.addi %scan3A_967, %scan3A_1060 : i32
        %mul3A_1062 = arith.constant 16 : i32
        %mul3A_1063 = arith.muli %scan3A_1061, %mul3A_1062 : i32
        %get3A_1064 = arith.index_cast %scan3A_961 : i32 to index
        %get3A_1065 = arith.index_cast %mul3A_1063 : i32 to index
        %get3A_1066 = tpu.vector_load %arg7[%get3A_1064, %get3A_1065] {strides = array<i32>} : memref<32x1024xf32, #tpu.memory_space<vmem>>, vector<1x16xf32>,
        %get3A_1067 = vector.shape_cast %get3A_1066 : vector<1x16xf32> to vector<16xf32>
        %mul3A_1068 = arith.constant 3.200000e+01 : f32
        %mul3A_1069 = vector.broadcast %mul3A_1068 : f32 to vector<16xf32>
        %mul3A_1070 = arith.mulf %get3A_1067, %mul3A_1069 : vector<16xf32>
        %swap3A_1071 = arith.index_cast %scan3A_961 : i32 to index
        %swap3A_1072 = arith.index_cast %mul3A_1063 : i32 to index
        %swap3A_1073 = tpu.vector_load %arg7[%swap3A_1071, %swap3A_1072] {strides = array<i32>} : memref<32x1024xf32, #tpu.memory_space<vmem>>, vector<1x16xf32>,
        %swap3A_1074 = vector.shape_cast %swap3A_1073 : vector<1x16xf32> to vector<16xf32>
        %swap3A_1075 = vector.shape_cast %mul3A_1070 : vector<16xf32> to vector<1x16xf32>
        tpu.vector_store %arg7[%swap3A_1071, %swap3A_1072], %swap3A_1075 {strides = array<i32>} : memref<32x1024xf32, #tpu.memory_space<vmem>>, vector<1x16xf32>,
        %scan3A_1076 = arith.constant 7 : i32
        %scan3A_1077 = arith.addi %scan3A_967, %scan3A_1076 : i32
        %mul3A_1078 = arith.constant 16 : i32
        %mul3A_1079 = arith.muli %scan3A_1077, %mul3A_1078 : i32
        %get3A_1080 = arith.index_cast %scan3A_961 : i32 to index
        %get3A_1081 = arith.index_cast %mul3A_1079 : i32 to index
        %get3A_1082 = tpu.vector_load %arg7[%get3A_1080, %get3A_1081] {strides = array<i32>} : memref<32x1024xf32, #tpu.memory_space<vmem>>, vector<1x16xf32>,
        %get3A_1083 = vector.shape_cast %get3A_1082 : vector<1x16xf32> to vector<16xf32>
        %mul3A_1084 = arith.constant 3.200000e+01 : f32
        %mul3A_1085 = vector.broadcast %mul3A_1084 : f32 to vector<16xf32>
        %mul3A_1086 = arith.mulf %get3A_1083, %mul3A_1085 : vector<16xf32>
        %swap3A_1087 = arith.index_cast %scan3A_961 : i32 to index
        %swap3A_1088 = arith.index_cast %mul3A_1079 : i32 to index
        %swap3A_1089 = tpu.vector_load %arg7[%swap3A_1087, %swap3A_1088] {strides = array<i32>} : memref<32x1024xf32, #tpu.memory_space<vmem>>, vector<1x16xf32>,
        %swap3A_1090 = vector.shape_cast %swap3A_1089 : vector<1x16xf32> to vector<16xf32>
        %swap3A_1091 = vector.shape_cast %mul3A_1086 : vector<16xf32> to vector<1x16xf32>
        tpu.vector_store %arg7[%swap3A_1087, %swap3A_1088], %swap3A_1091 {strides = array<i32>} : memref<32x1024xf32, #tpu.memory_space<vmem>>, vector<1x16xf32>,
      }
      %scan3A_966 = arith.constant 64 : i32
    }
    %scan3A_556 = arith.constant 32 : i32
    %add3A_557 = arith.constant 288 : i32
    %add3A_558 = arith.addi %mul3A_32, %add3A_557 : i32
    %dma_start3A_559 = arith.constant 0 : i32
    %dma_start3A_560 = arith.constant 0 : i32
    %dma_start3A_561 = tpu.memref_slice %arg7[%dma_start3A_559, %dma_start3A_560] : memref<32x1024xf32, #tpu.memory_space<vmem>> -> memref<32x1024xf32, #tpu.memory_space<vmem>>
    %dma_start3A_562 = arith.constant 0 : i32
    %dma_start3A_563 = tpu.memref_slice %arg4[%select_n3A, %add3A_558, %dma_start3A_562] : memref<4x4096x1024xf32, #tpu.memory_space<hbm>> -> memref<1x32x1024xf32, #tpu.memory_space<hbm>>
    %dma_start3A_564 = tpu.memref_squeeze %dma_start3A_563 : memref<1x32x1024xf32, #tpu.memory_space<hbm>> -> memref<32x1024xf32, #tpu.memory_space<hbm>>
    %dma_start3A_565 = arith.constant 0 : i32
    %dma_start3A_566 = tpu.memref_slice %arg4[%select_n3A, %add3A_558, %dma_start3A_565] : memref<4x4096x1024xf32, #tpu.memory_space<hbm>> -> memref<1x32x1024xf32, #tpu.memory_space<hbm>>
    %dma_start3A_567 = tpu.memref_squeeze %dma_start3A_566 : memref<1x32x1024xf32, #tpu.memory_space<hbm>> -> memref<32x1024xf32, #tpu.memory_space<hbm>>
    %dma_start3A_568 = arith.constant 0 : i32
    %dma_start3A_569 = arith.constant 0 : i32
    %dma_start3A_570 = tpu.memref_slice %arg7[%dma_start3A_568, %dma_start3A_569] : memref<32x1024xf32, #tpu.memory_space<vmem>> -> memref<32x1024xf32, #tpu.memory_space<vmem>>
    tpu.enqueue_dma source(%dma_start3A_570 : memref<32x1024xf32, #tpu.memory_space<vmem>>) target(%dma_start3A_567 : memref<32x1024xf32, #tpu.memory_space<hbm>>) target_semaphore(%arg13 : memref<!tpu.dma_semaphore, #tpu.memory_space<semaphore_mem>>)
    %dma_wait3A_571 = arith.constant 0 : i32
    %dma_wait3A_572 = arith.constant 0 : i32
    %dma_wait3A_573 = tpu.memref_slice %arg8[%dma_wait3A_571, %dma_wait3A_572] : memref<32x1024xf32, #tpu.memory_space<vmem>> -> memref<32x1024xf32, #tpu.memory_space<vmem>>
    %dma_wait3A_574 = arith.constant 320 : i32
    %dma_wait3A_575 = tpu.memref_slice %arg5[%dma_wait3A_574] : memref<512xi32, #tpu.memory_space<vmem>> -> memref<32xi32, #tpu.memory_space<vmem>>
    %dma_wait3A_576 = arith.constant 0 : i32
    %dma_wait3A_577 = arith.constant 0 : i32
    %dma_wait3A_578 = tpu.memref_slice %arg3[%dma_wait3A_576, %dma_wait3A_577] : memref<100000x1024xf32, #tpu.memory_space<hbm>> -> memref<100000x1024xf32, #tpu.memory_space<hbm>>
    tpu.wait_indirect_dma semaphore(%arg11 : memref<!tpu.dma_semaphore, #tpu.memory_space<semaphore_mem>>) src(%dma_wait3A_578 : memref<100000x1024xf32, #tpu.memory_space<hbm>>) dst(%dma_wait3A_573 : memref<32x1024xf32, #tpu.memory_space<vmem>>)
    %add3A_579 = arith.constant 288 : i32
    %add3A_580 = arith.addi %mul3A_32, %add3A_579 : i32
    %dma_wait3A_581 = arith.constant 0 : i32
    %dma_wait3A_582 = arith.constant 0 : i32
    %dma_wait3A_583 = tpu.memref_slice %arg7[%dma_wait3A_581, %dma_wait3A_582] : memref<32x1024xf32, #tpu.memory_space<vmem>> -> memref<32x1024xf32, #tpu.memory_space<vmem>>
    %dma_wait3A_584 = arith.constant 0 : i32
    %dma_wait3A_585 = tpu.memref_slice %arg4[%select_n3A, %add3A_580, %dma_wait3A_584] : memref<4x4096x1024xf32, #tpu.memory_space<hbm>> -> memref<1x32x1024xf32, #tpu.memory_space<hbm>>
    %dma_wait3A_586 = tpu.memref_squeeze %dma_wait3A_585 : memref<1x32x1024xf32, #tpu.memory_space<hbm>> -> memref<32x1024xf32, #tpu.memory_space<hbm>>
    %dma_wait3A_587 = arith.constant 0 : i32
    %dma_wait3A_588 = tpu.memref_slice %arg4[%select_n3A, %add3A_580, %dma_wait3A_587] : memref<4x4096x1024xf32, #tpu.memory_space<hbm>> -> memref<1x32x1024xf32, #tpu.memory_space<hbm>>
    %dma_wait3A_589 = tpu.memref_squeeze %dma_wait3A_588 : memref<1x32x1024xf32, #tpu.memory_space<hbm>> -> memref<32x1024xf32, #tpu.memory_space<hbm>>
    %dma_wait3A_590 = arith.constant 0 : i32
    %dma_wait3A_591 = arith.constant 0 : i32
    %dma_wait3A_592 = tpu.memref_slice %arg7[%dma_wait3A_590, %dma_wait3A_591] : memref<32x1024xf32, #tpu.memory_space<vmem>> -> memref<32x1024xf32, #tpu.memory_space<vmem>>
    tpu.wait_dma2 semaphore(%arg13 : memref<!tpu.dma_semaphore, #tpu.memory_space<semaphore_mem>>) src(%dma_wait3A_592 : memref<32x1024xf32, #tpu.memory_space<vmem>>) dst(%dma_wait3A_589 : memref<32x1024xf32, #tpu.memory_space<hbm>>)
    %dma_start3A_593 = arith.constant 0 : i32
    %dma_start3A_594 = arith.constant 0 : i32
    %dma_start3A_595 = tpu.memref_slice %arg7[%dma_start3A_593, %dma_start3A_594] : memref<32x1024xf32, #tpu.memory_space<vmem>> -> memref<32x1024xf32, #tpu.memory_space<vmem>>
    %dma_start3A_596 = arith.constant 384 : i32
    %dma_start3A_597 = tpu.memref_slice %arg5[%dma_start3A_596] : memref<512xi32, #tpu.memory_space<vmem>> -> memref<32xi32, #tpu.memory_space<vmem>>
    %dma_start3A_598 = arith.constant 0 : i32
    %dma_start3A_599 = arith.constant 0 : i32
    %dma_start3A_600 = tpu.memref_slice %arg3[%dma_start3A_598, %dma_start3A_599] : memref<100000x1024xf32, #tpu.memory_space<hbm>> -> memref<100000x1024xf32, #tpu.memory_space<hbm>>
    tpu.enqueue_indirect_dma source(%dma_start3A_600 : memref<100000x1024xf32, #tpu.memory_space<hbm>>) target(%dma_start3A_595 : memref<32x1024xf32, #tpu.memory_space<vmem>>) offsets(%dma_start3A_597 : memref<32xi32, #tpu.memory_space<vmem>>) semaphore(%arg10 : memref<!tpu.dma_semaphore, #tpu.memory_space<semaphore_mem>>)
    %scan3A_601 = arith.constant 0 : i32
    %scan3A_602 = arith.constant 32 : i32
    %scan3A_603 = arith.addi %scan3A_601, %scan3A_602 : i32
    %scan3A_604 = arith.constant 1 : i32
    scf.for %scan3A_961 = %scan3A_601 to %scan3A_603 step %scan3A_604  : i32 {
      %scan3A_962 = arith.constant 0 : i32
      %scan3A_963 = arith.constant 64 : i32
      %scan3A_964 = arith.addi %scan3A_962, %scan3A_963 : i32
      %scan3A_965 = arith.constant 8 : i32
      scf.for %scan3A_967 = %scan3A_962 to %scan3A_964 step %scan3A_965  : i32 {
        %mul3A_968 = arith.constant 16 : i32
        %mul3A_969 = arith.muli %scan3A_967, %mul3A_968 : i32
        %get3A = arith.index_cast %scan3A_961 : i32 to index
        %get3A_970 = arith.index_cast %mul3A_969 : i32 to index
        %get3A_971 = tpu.vector_load %arg8[%get3A, %get3A_970] {strides = array<i32>} : memref<32x1024xf32, #tpu.memory_space<vmem>>, vector<1x16xf32>,
        %get3A_972 = vector.shape_cast %get3A_971 : vector<1x16xf32> to vector<16xf32>
        %mul3A_973 = arith.constant 3.200000e+01 : f32
        %mul3A_974 = vector.broadcast %mul3A_973 : f32 to vector<16xf32>
        %mul3A_975 = arith.mulf %get3A_972, %mul3A_974 : vector<16xf32>
        %swap3A = arith.index_cast %scan3A_961 : i32 to index
        %swap3A_976 = arith.index_cast %mul3A_969 : i32 to index
        %swap3A_977 = tpu.vector_load %arg8[%swap3A, %swap3A_976] {strides = array<i32>} : memref<32x1024xf32, #tpu.memory_space<vmem>>, vector<1x16xf32>,
        %swap3A_978 = vector.shape_cast %swap3A_977 : vector<1x16xf32> to vector<16xf32>
        %swap3A_979 = vector.shape_cast %mul3A_975 : vector<16xf32> to vector<1x16xf32>
        tpu.vector_store %arg8[%swap3A, %swap3A_976], %swap3A_979 {strides = array<i32>} : memref<32x1024xf32, #tpu.memory_space<vmem>>, vector<1x16xf32>,
        %scan3A_980 = arith.constant 1 : i32
        %scan3A_981 = arith.addi %scan3A_967, %scan3A_980 : i32
        %mul3A_982 = arith.constant 16 : i32
        %mul3A_983 = arith.muli %scan3A_981, %mul3A_982 : i32
        %get3A_984 = arith.index_cast %scan3A_961 : i32 to index
        %get3A_985 = arith.index_cast %mul3A_983 : i32 to index
        %get3A_986 = tpu.vector_load %arg8[%get3A_984, %get3A_985] {strides = array<i32>} : memref<32x1024xf32, #tpu.memory_space<vmem>>, vector<1x16xf32>,
        %get3A_987 = vector.shape_cast %get3A_986 : vector<1x16xf32> to vector<16xf32>
        %mul3A_988 = arith.constant 3.200000e+01 : f32
        %mul3A_989 = vector.broadcast %mul3A_988 : f32 to vector<16xf32>
        %mul3A_990 = arith.mulf %get3A_987, %mul3A_989 : vector<16xf32>
        %swap3A_991 = arith.index_cast %scan3A_961 : i32 to index
        %swap3A_992 = arith.index_cast %mul3A_983 : i32 to index
        %swap3A_993 = tpu.vector_load %arg8[%swap3A_991, %swap3A_992] {strides = array<i32>} : memref<32x1024xf32, #tpu.memory_space<vmem>>, vector<1x16xf32>,
        %swap3A_994 = vector.shape_cast %swap3A_993 : vector<1x16xf32> to vector<16xf32>
        %swap3A_995 = vector.shape_cast %mul3A_990 : vector<16xf32> to vector<1x16xf32>
        tpu.vector_store %arg8[%swap3A_991, %swap3A_992], %swap3A_995 {strides = array<i32>} : memref<32x1024xf32, #tpu.memory_space<vmem>>, vector<1x16xf32>,
        %scan3A_996 = arith.constant 2 : i32
        %scan3A_997 = arith.addi %scan3A_967, %scan3A_996 : i32
        %mul3A_998 = arith.constant 16 : i32
        %mul3A_999 = arith.muli %scan3A_997, %mul3A_998 : i32
        %get3A_1000 = arith.index_cast %scan3A_961 : i32 to index
        %get3A_1001 = arith.index_cast %mul3A_999 : i32 to index
        %get3A_1002 = tpu.vector_load %arg8[%get3A_1000, %get3A_1001] {strides = array<i32>} : memref<32x1024xf32, #tpu.memory_space<vmem>>, vector<1x16xf32>,
        %get3A_1003 = vector.shape_cast %get3A_1002 : vector<1x16xf32> to vector<16xf32>
        %mul3A_1004 = arith.constant 3.200000e+01 : f32
        %mul3A_1005 = vector.broadcast %mul3A_1004 : f32 to vector<16xf32>
        %mul3A_1006 = arith.mulf %get3A_1003, %mul3A_1005 : vector<16xf32>
        %swap3A_1007 = arith.index_cast %scan3A_961 : i32 to index
        %swap3A_1008 = arith.index_cast %mul3A_999 : i32 to index
        %swap3A_1009 = tpu.vector_load %arg8[%swap3A_1007, %swap3A_1008] {strides = array<i32>} : memref<32x1024xf32, #tpu.memory_space<vmem>>, vector<1x16xf32>,
        %swap3A_1010 = vector.shape_cast %swap3A_1009 : vector<1x16xf32> to vector<16xf32>
        %swap3A_1011 = vector.shape_cast %mul3A_1006 : vector<16xf32> to vector<1x16xf32>
        tpu.vector_store %arg8[%swap3A_1007, %swap3A_1008], %swap3A_1011 {strides = array<i32>} : memref<32x1024xf32, #tpu.memory_space<vmem>>, vector<1x16xf32>,
        %scan3A_1012 = arith.constant 3 : i32
        %scan3A_1013 = arith.addi %scan3A_967, %scan3A_1012 : i32
        %mul3A_1014 = arith.constant 16 : i32
        %mul3A_1015 = arith.muli %scan3A_1013, %mul3A_1014 : i32
        %get3A_1016 = arith.index_cast %scan3A_961 : i32 to index
        %get3A_1017 = arith.index_cast %mul3A_1015 : i32 to index
        %get3A_1018 = tpu.vector_load %arg8[%get3A_1016, %get3A_1017] {strides = array<i32>} : memref<32x1024xf32, #tpu.memory_space<vmem>>, vector<1x16xf32>,
        %get3A_1019 = vector.shape_cast %get3A_1018 : vector<1x16xf32> to vector<16xf32>
        %mul3A_1020 = arith.constant 3.200000e+01 : f32
        %mul3A_1021 = vector.broadcast %mul3A_1020 : f32 to vector<16xf32>
        %mul3A_1022 = arith.mulf %get3A_1019, %mul3A_1021 : vector<16xf32>
        %swap3A_1023 = arith.index_cast %scan3A_961 : i32 to index
        %swap3A_1024 = arith.index_cast %mul3A_1015 : i32 to index
        %swap3A_1025 = tpu.vector_load %arg8[%swap3A_1023, %swap3A_1024] {strides = array<i32>} : memref<32x1024xf32, #tpu.memory_space<vmem>>, vector<1x16xf32>,
        %swap3A_1026 = vector.shape_cast %swap3A_1025 : vector<1x16xf32> to vector<16xf32>
        %swap3A_1027 = vector.shape_cast %mul3A_1022 : vector<16xf32> to vector<1x16xf32>
        tpu.vector_store %arg8[%swap3A_1023, %swap3A_1024], %swap3A_1027 {strides = array<i32>} : memref<32x1024xf32, #tpu.memory_space<vmem>>, vector<1x16xf32>,
        %scan3A_1028 = arith.constant 4 : i32
        %scan3A_1029 = arith.addi %scan3A_967, %scan3A_1028 : i32
        %mul3A_1030 = arith.constant 16 : i32
        %mul3A_1031 = arith.muli %scan3A_1029, %mul3A_1030 : i32
        %get3A_1032 = arith.index_cast %scan3A_961 : i32 to index
        %get3A_1033 = arith.index_cast %mul3A_1031 : i32 to index
        %get3A_1034 = tpu.vector_load %arg8[%get3A_1032, %get3A_1033] {strides = array<i32>} : memref<32x1024xf32, #tpu.memory_space<vmem>>, vector<1x16xf32>,
        %get3A_1035 = vector.shape_cast %get3A_1034 : vector<1x16xf32> to vector<16xf32>
        %mul3A_1036 = arith.constant 3.200000e+01 : f32
        %mul3A_1037 = vector.broadcast %mul3A_1036 : f32 to vector<16xf32>
        %mul3A_1038 = arith.mulf %get3A_1035, %mul3A_1037 : vector<16xf32>
        %swap3A_1039 = arith.index_cast %scan3A_961 : i32 to index
        %swap3A_1040 = arith.index_cast %mul3A_1031 : i32 to index
        %swap3A_1041 = tpu.vector_load %arg8[%swap3A_1039, %swap3A_1040] {strides = array<i32>} : memref<32x1024xf32, #tpu.memory_space<vmem>>, vector<1x16xf32>,
        %swap3A_1042 = vector.shape_cast %swap3A_1041 : vector<1x16xf32> to vector<16xf32>
        %swap3A_1043 = vector.shape_cast %mul3A_1038 : vector<16xf32> to vector<1x16xf32>
        tpu.vector_store %arg8[%swap3A_1039, %swap3A_1040], %swap3A_1043 {strides = array<i32>} : memref<32x1024xf32, #tpu.memory_space<vmem>>, vector<1x16xf32>,
        %scan3A_1044 = arith.constant 5 : i32
        %scan3A_1045 = arith.addi %scan3A_967, %scan3A_1044 : i32
        %mul3A_1046 = arith.constant 16 : i32
        %mul3A_1047 = arith.muli %scan3A_1045, %mul3A_1046 : i32
        %get3A_1048 = arith.index_cast %scan3A_961 : i32 to index
        %get3A_1049 = arith.index_cast %mul3A_1047 : i32 to index
        %get3A_1050 = tpu.vector_load %arg8[%get3A_1048, %get3A_1049] {strides = array<i32>} : memref<32x1024xf32, #tpu.memory_space<vmem>>, vector<1x16xf32>,
        %get3A_1051 = vector.shape_cast %get3A_1050 : vector<1x16xf32> to vector<16xf32>
        %mul3A_1052 = arith.constant 3.200000e+01 : f32
        %mul3A_1053 = vector.broadcast %mul3A_1052 : f32 to vector<16xf32>
        %mul3A_1054 = arith.mulf %get3A_1051, %mul3A_1053 : vector<16xf32>
        %swap3A_1055 = arith.index_cast %scan3A_961 : i32 to index
        %swap3A_1056 = arith.index_cast %mul3A_1047 : i32 to index
        %swap3A_1057 = tpu.vector_load %arg8[%swap3A_1055, %swap3A_1056] {strides = array<i32>} : memref<32x1024xf32, #tpu.memory_space<vmem>>, vector<1x16xf32>,
        %swap3A_1058 = vector.shape_cast %swap3A_1057 : vector<1x16xf32> to vector<16xf32>
        %swap3A_1059 = vector.shape_cast %mul3A_1054 : vector<16xf32> to vector<1x16xf32>
        tpu.vector_store %arg8[%swap3A_1055, %swap3A_1056], %swap3A_1059 {strides = array<i32>} : memref<32x1024xf32, #tpu.memory_space<vmem>>, vector<1x16xf32>,
        %scan3A_1060 = arith.constant 6 : i32
        %scan3A_1061 = arith.addi %scan3A_967, %scan3A_1060 : i32
        %mul3A_1062 = arith.constant 16 : i32
        %mul3A_1063 = arith.muli %scan3A_1061, %mul3A_1062 : i32
        %get3A_1064 = arith.index_cast %scan3A_961 : i32 to index
        %get3A_1065 = arith.index_cast %mul3A_1063 : i32 to index
        %get3A_1066 = tpu.vector_load %arg8[%get3A_1064, %get3A_1065] {strides = array<i32>} : memref<32x1024xf32, #tpu.memory_space<vmem>>, vector<1x16xf32>,
        %get3A_1067 = vector.shape_cast %get3A_1066 : vector<1x16xf32> to vector<16xf32>
        %mul3A_1068 = arith.constant 3.200000e+01 : f32
        %mul3A_1069 = vector.broadcast %mul3A_1068 : f32 to vector<16xf32>
        %mul3A_1070 = arith.mulf %get3A_1067, %mul3A_1069 : vector<16xf32>
        %swap3A_1071 = arith.index_cast %scan3A_961 : i32 to index
        %swap3A_1072 = arith.index_cast %mul3A_1063 : i32 to index
        %swap3A_1073 = tpu.vector_load %arg8[%swap3A_1071, %swap3A_1072] {strides = array<i32>} : memref<32x1024xf32, #tpu.memory_space<vmem>>, vector<1x16xf32>,
        %swap3A_1074 = vector.shape_cast %swap3A_1073 : vector<1x16xf32> to vector<16xf32>
        %swap3A_1075 = vector.shape_cast %mul3A_1070 : vector<16xf32> to vector<1x16xf32>
        tpu.vector_store %arg8[%swap3A_1071, %swap3A_1072], %swap3A_1075 {strides = array<i32>} : memref<32x1024xf32, #tpu.memory_space<vmem>>, vector<1x16xf32>,
        %scan3A_1076 = arith.constant 7 : i32
        %scan3A_1077 = arith.addi %scan3A_967, %scan3A_1076 : i32
        %mul3A_1078 = arith.constant 16 : i32
        %mul3A_1079 = arith.muli %scan3A_1077, %mul3A_1078 : i32
        %get3A_1080 = arith.index_cast %scan3A_961 : i32 to index
        %get3A_1081 = arith.index_cast %mul3A_1079 : i32 to index
        %get3A_1082 = tpu.vector_load %arg8[%get3A_1080, %get3A_1081] {strides = array<i32>} : memref<32x1024xf32, #tpu.memory_space<vmem>>, vector<1x16xf32>,
        %get3A_1083 = vector.shape_cast %get3A_1082 : vector<1x16xf32> to vector<16xf32>
        %mul3A_1084 = arith.constant 3.200000e+01 : f32
        %mul3A_1085 = vector.broadcast %mul3A_1084 : f32 to vector<16xf32>
        %mul3A_1086 = arith.mulf %get3A_1083, %mul3A_1085 : vector<16xf32>
        %swap3A_1087 = arith.index_cast %scan3A_961 : i32 to index
        %swap3A_1088 = arith.index_cast %mul3A_1079 : i32 to index
        %swap3A_1089 = tpu.vector_load %arg8[%swap3A_1087, %swap3A_1088] {strides = array<i32>} : memref<32x1024xf32, #tpu.memory_space<vmem>>, vector<1x16xf32>,
        %swap3A_1090 = vector.shape_cast %swap3A_1089 : vector<1x16xf32> to vector<16xf32>
        %swap3A_1091 = vector.shape_cast %mul3A_1086 : vector<16xf32> to vector<1x16xf32>
        tpu.vector_store %arg8[%swap3A_1087, %swap3A_1088], %swap3A_1091 {strides = array<i32>} : memref<32x1024xf32, #tpu.memory_space<vmem>>, vector<1x16xf32>,
      }
      %scan3A_966 = arith.constant 64 : i32
    }
    %scan3A_605 = arith.constant 32 : i32
    %add3A_606 = arith.constant 320 : i32
    %add3A_607 = arith.addi %mul3A_32, %add3A_606 : i32
    %dma_start3A_608 = arith.constant 0 : i32
    %dma_start3A_609 = arith.constant 0 : i32
    %dma_start3A_610 = tpu.memref_slice %arg8[%dma_start3A_608, %dma_start3A_609] : memref<32x1024xf32, #tpu.memory_space<vmem>> -> memref<32x1024xf32, #tpu.memory_space<vmem>>
    %dma_start3A_611 = arith.constant 0 : i32
    %dma_start3A_612 = tpu.memref_slice %arg4[%select_n3A, %add3A_607, %dma_start3A_611] : memref<4x4096x1024xf32, #tpu.memory_space<hbm>> -> memref<1x32x1024xf32, #tpu.memory_space<hbm>>
    %dma_start3A_613 = tpu.memref_squeeze %dma_start3A_612 : memref<1x32x1024xf32, #tpu.memory_space<hbm>> -> memref<32x1024xf32, #tpu.memory_space<hbm>>
    %dma_start3A_614 = arith.constant 0 : i32
    %dma_start3A_615 = tpu.memref_slice %arg4[%select_n3A, %add3A_607, %dma_start3A_614] : memref<4x4096x1024xf32, #tpu.memory_space<hbm>> -> memref<1x32x1024xf32, #tpu.memory_space<hbm>>
    %dma_start3A_616 = tpu.memref_squeeze %dma_start3A_615 : memref<1x32x1024xf32, #tpu.memory_space<hbm>> -> memref<32x1024xf32, #tpu.memory_space<hbm>>
    %dma_start3A_617 = arith.constant 0 : i32
    %dma_start3A_618 = arith.constant 0 : i32
    %dma_start3A_619 = tpu.memref_slice %arg8[%dma_start3A_617, %dma_start3A_618] : memref<32x1024xf32, #tpu.memory_space<vmem>> -> memref<32x1024xf32, #tpu.memory_space<vmem>>
    tpu.enqueue_dma source(%dma_start3A_619 : memref<32x1024xf32, #tpu.memory_space<vmem>>) target(%dma_start3A_616 : memref<32x1024xf32, #tpu.memory_space<hbm>>) target_semaphore(%arg14 : memref<!tpu.dma_semaphore, #tpu.memory_space<semaphore_mem>>)
    %dma_wait3A_620 = arith.constant 0 : i32
    %dma_wait3A_621 = arith.constant 0 : i32
    %dma_wait3A_622 = tpu.memref_slice %arg6[%dma_wait3A_620, %dma_wait3A_621] : memref<32x1024xf32, #tpu.memory_space<vmem>> -> memref<32x1024xf32, #tpu.memory_space<vmem>>
    %dma_wait3A_623 = arith.constant 352 : i32
    %dma_wait3A_624 = tpu.memref_slice %arg5[%dma_wait3A_623] : memref<512xi32, #tpu.memory_space<vmem>> -> memref<32xi32, #tpu.memory_space<vmem>>
    %dma_wait3A_625 = arith.constant 0 : i32
    %dma_wait3A_626 = arith.constant 0 : i32
    %dma_wait3A_627 = tpu.memref_slice %arg3[%dma_wait3A_625, %dma_wait3A_626] : memref<100000x1024xf32, #tpu.memory_space<hbm>> -> memref<100000x1024xf32, #tpu.memory_space<hbm>>
    tpu.wait_indirect_dma semaphore(%arg9 : memref<!tpu.dma_semaphore, #tpu.memory_space<semaphore_mem>>) src(%dma_wait3A_627 : memref<100000x1024xf32, #tpu.memory_space<hbm>>) dst(%dma_wait3A_622 : memref<32x1024xf32, #tpu.memory_space<vmem>>)
    %add3A_628 = arith.constant 320 : i32
    %add3A_629 = arith.addi %mul3A_32, %add3A_628 : i32
    %dma_wait3A_630 = arith.constant 0 : i32
    %dma_wait3A_631 = arith.constant 0 : i32
    %dma_wait3A_632 = tpu.memref_slice %arg8[%dma_wait3A_630, %dma_wait3A_631] : memref<32x1024xf32, #tpu.memory_space<vmem>> -> memref<32x1024xf32, #tpu.memory_space<vmem>>
    %dma_wait3A_633 = arith.constant 0 : i32
    %dma_wait3A_634 = tpu.memref_slice %arg4[%select_n3A, %add3A_629, %dma_wait3A_633] : memref<4x4096x1024xf32, #tpu.memory_space<hbm>> -> memref<1x32x1024xf32, #tpu.memory_space<hbm>>
    %dma_wait3A_635 = tpu.memref_squeeze %dma_wait3A_634 : memref<1x32x1024xf32, #tpu.memory_space<hbm>> -> memref<32x1024xf32, #tpu.memory_space<hbm>>
    %dma_wait3A_636 = arith.constant 0 : i32
    %dma_wait3A_637 = tpu.memref_slice %arg4[%select_n3A, %add3A_629, %dma_wait3A_636] : memref<4x4096x1024xf32, #tpu.memory_space<hbm>> -> memref<1x32x1024xf32, #tpu.memory_space<hbm>>
    %dma_wait3A_638 = tpu.memref_squeeze %dma_wait3A_637 : memref<1x32x1024xf32, #tpu.memory_space<hbm>> -> memref<32x1024xf32, #tpu.memory_space<hbm>>
    %dma_wait3A_639 = arith.constant 0 : i32
    %dma_wait3A_640 = arith.constant 0 : i32
    %dma_wait3A_641 = tpu.memref_slice %arg8[%dma_wait3A_639, %dma_wait3A_640] : memref<32x1024xf32, #tpu.memory_space<vmem>> -> memref<32x1024xf32, #tpu.memory_space<vmem>>
    tpu.wait_dma2 semaphore(%arg14 : memref<!tpu.dma_semaphore, #tpu.memory_space<semaphore_mem>>) src(%dma_wait3A_641 : memref<32x1024xf32, #tpu.memory_space<vmem>>) dst(%dma_wait3A_638 : memref<32x1024xf32, #tpu.memory_space<hbm>>)
    %dma_start3A_642 = arith.constant 0 : i32
    %dma_start3A_643 = arith.constant 0 : i32
    %dma_start3A_644 = tpu.memref_slice %arg8[%dma_start3A_642, %dma_start3A_643] : memref<32x1024xf32, #tpu.memory_space<vmem>> -> memref<32x1024xf32, #tpu.memory_space<vmem>>
    %dma_start3A_645 = arith.constant 416 : i32
    %dma_start3A_646 = tpu.memref_slice %arg5[%dma_start3A_645] : memref<512xi32, #tpu.memory_space<vmem>> -> memref<32xi32, #tpu.memory_space<vmem>>
    %dma_start3A_647 = arith.constant 0 : i32
    %dma_start3A_648 = arith.constant 0 : i32
    %dma_start3A_649 = tpu.memref_slice %arg3[%dma_start3A_647, %dma_start3A_648] : memref<100000x1024xf32, #tpu.memory_space<hbm>> -> memref<100000x1024xf32, #tpu.memory_space<hbm>>
    tpu.enqueue_indirect_dma source(%dma_start3A_649 : memref<100000x1024xf32, #tpu.memory_space<hbm>>) target(%dma_start3A_644 : memref<32x1024xf32, #tpu.memory_space<vmem>>) offsets(%dma_start3A_646 : memref<32xi32, #tpu.memory_space<vmem>>) semaphore(%arg11 : memref<!tpu.dma_semaphore, #tpu.memory_space<semaphore_mem>>)
    %scan3A_650 = arith.constant 0 : i32
    %scan3A_651 = arith.constant 32 : i32
    %scan3A_652 = arith.addi %scan3A_650, %scan3A_651 : i32
    %scan3A_653 = arith.constant 1 : i32
    scf.for %scan3A_961 = %scan3A_650 to %scan3A_652 step %scan3A_653  : i32 {
      %scan3A_962 = arith.constant 0 : i32
      %scan3A_963 = arith.constant 64 : i32
      %scan3A_964 = arith.addi %scan3A_962, %scan3A_963 : i32
      %scan3A_965 = arith.constant 8 : i32
      scf.for %scan3A_967 = %scan3A_962 to %scan3A_964 step %scan3A_965  : i32 {
        %mul3A_968 = arith.constant 16 : i32
        %mul3A_969 = arith.muli %scan3A_967, %mul3A_968 : i32
        %get3A = arith.index_cast %scan3A_961 : i32 to index
        %get3A_970 = arith.index_cast %mul3A_969 : i32 to index
        %get3A_971 = tpu.vector_load %arg6[%get3A, %get3A_970] {strides = array<i32>} : memref<32x1024xf32, #tpu.memory_space<vmem>>, vector<1x16xf32>,
        %get3A_972 = vector.shape_cast %get3A_971 : vector<1x16xf32> to vector<16xf32>
        %mul3A_973 = arith.constant 3.200000e+01 : f32
        %mul3A_974 = vector.broadcast %mul3A_973 : f32 to vector<16xf32>
        %mul3A_975 = arith.mulf %get3A_972, %mul3A_974 : vector<16xf32>
        %swap3A = arith.index_cast %scan3A_961 : i32 to index
        %swap3A_976 = arith.index_cast %mul3A_969 : i32 to index
        %swap3A_977 = tpu.vector_load %arg6[%swap3A, %swap3A_976] {strides = array<i32>} : memref<32x1024xf32, #tpu.memory_space<vmem>>, vector<1x16xf32>,
        %swap3A_978 = vector.shape_cast %swap3A_977 : vector<1x16xf32> to vector<16xf32>
        %swap3A_979 = vector.shape_cast %mul3A_975 : vector<16xf32> to vector<1x16xf32>
        tpu.vector_store %arg6[%swap3A, %swap3A_976], %swap3A_979 {strides = array<i32>} : memref<32x1024xf32, #tpu.memory_space<vmem>>, vector<1x16xf32>,
        %scan3A_980 = arith.constant 1 : i32
        %scan3A_981 = arith.addi %scan3A_967, %scan3A_980 : i32
        %mul3A_982 = arith.constant 16 : i32
        %mul3A_983 = arith.muli %scan3A_981, %mul3A_982 : i32
        %get3A_984 = arith.index_cast %scan3A_961 : i32 to index
        %get3A_985 = arith.index_cast %mul3A_983 : i32 to index
        %get3A_986 = tpu.vector_load %arg6[%get3A_984, %get3A_985] {strides = array<i32>} : memref<32x1024xf32, #tpu.memory_space<vmem>>, vector<1x16xf32>,
        %get3A_987 = vector.shape_cast %get3A_986 : vector<1x16xf32> to vector<16xf32>
        %mul3A_988 = arith.constant 3.200000e+01 : f32
        %mul3A_989 = vector.broadcast %mul3A_988 : f32 to vector<16xf32>
        %mul3A_990 = arith.mulf %get3A_987, %mul3A_989 : vector<16xf32>
        %swap3A_991 = arith.index_cast %scan3A_961 : i32 to index
        %swap3A_992 = arith.index_cast %mul3A_983 : i32 to index
        %swap3A_993 = tpu.vector_load %arg6[%swap3A_991, %swap3A_992] {strides = array<i32>} : memref<32x1024xf32, #tpu.memory_space<vmem>>, vector<1x16xf32>,
        %swap3A_994 = vector.shape_cast %swap3A_993 : vector<1x16xf32> to vector<16xf32>
        %swap3A_995 = vector.shape_cast %mul3A_990 : vector<16xf32> to vector<1x16xf32>
        tpu.vector_store %arg6[%swap3A_991, %swap3A_992], %swap3A_995 {strides = array<i32>} : memref<32x1024xf32, #tpu.memory_space<vmem>>, vector<1x16xf32>,
        %scan3A_996 = arith.constant 2 : i32
        %scan3A_997 = arith.addi %scan3A_967, %scan3A_996 : i32
        %mul3A_998 = arith.constant 16 : i32
        %mul3A_999 = arith.muli %scan3A_997, %mul3A_998 : i32
        %get3A_1000 = arith.index_cast %scan3A_961 : i32 to index
        %get3A_1001 = arith.index_cast %mul3A_999 : i32 to index
        %get3A_1002 = tpu.vector_load %arg6[%get3A_1000, %get3A_1001] {strides = array<i32>} : memref<32x1024xf32, #tpu.memory_space<vmem>>, vector<1x16xf32>,
        %get3A_1003 = vector.shape_cast %get3A_1002 : vector<1x16xf32> to vector<16xf32>
        %mul3A_1004 = arith.constant 3.200000e+01 : f32
        %mul3A_1005 = vector.broadcast %mul3A_1004 : f32 to vector<16xf32>
        %mul3A_1006 = arith.mulf %get3A_1003, %mul3A_1005 : vector<16xf32>
        %swap3A_1007 = arith.index_cast %scan3A_961 : i32 to index
        %swap3A_1008 = arith.index_cast %mul3A_999 : i32 to index
        %swap3A_1009 = tpu.vector_load %arg6[%swap3A_1007, %swap3A_1008] {strides = array<i32>} : memref<32x1024xf32, #tpu.memory_space<vmem>>, vector<1x16xf32>,
        %swap3A_1010 = vector.shape_cast %swap3A_1009 : vector<1x16xf32> to vector<16xf32>
        %swap3A_1011 = vector.shape_cast %mul3A_1006 : vector<16xf32> to vector<1x16xf32>
        tpu.vector_store %arg6[%swap3A_1007, %swap3A_1008], %swap3A_1011 {strides = array<i32>} : memref<32x1024xf32, #tpu.memory_space<vmem>>, vector<1x16xf32>,
        %scan3A_1012 = arith.constant 3 : i32
        %scan3A_1013 = arith.addi %scan3A_967, %scan3A_1012 : i32
        %mul3A_1014 = arith.constant 16 : i32
        %mul3A_1015 = arith.muli %scan3A_1013, %mul3A_1014 : i32
        %get3A_1016 = arith.index_cast %scan3A_961 : i32 to index
        %get3A_1017 = arith.index_cast %mul3A_1015 : i32 to index
        %get3A_1018 = tpu.vector_load %arg6[%get3A_1016, %get3A_1017] {strides = array<i32>} : memref<32x1024xf32, #tpu.memory_space<vmem>>, vector<1x16xf32>,
        %get3A_1019 = vector.shape_cast %get3A_1018 : vector<1x16xf32> to vector<16xf32>
        %mul3A_1020 = arith.constant 3.200000e+01 : f32
        %mul3A_1021 = vector.broadcast %mul3A_1020 : f32 to vector<16xf32>
        %mul3A_1022 = arith.mulf %get3A_1019, %mul3A_1021 : vector<16xf32>
        %swap3A_1023 = arith.index_cast %scan3A_961 : i32 to index
        %swap3A_1024 = arith.index_cast %mul3A_1015 : i32 to index
        %swap3A_1025 = tpu.vector_load %arg6[%swap3A_1023, %swap3A_1024] {strides = array<i32>} : memref<32x1024xf32, #tpu.memory_space<vmem>>, vector<1x16xf32>,
        %swap3A_1026 = vector.shape_cast %swap3A_1025 : vector<1x16xf32> to vector<16xf32>
        %swap3A_1027 = vector.shape_cast %mul3A_1022 : vector<16xf32> to vector<1x16xf32>
        tpu.vector_store %arg6[%swap3A_1023, %swap3A_1024], %swap3A_1027 {strides = array<i32>} : memref<32x1024xf32, #tpu.memory_space<vmem>>, vector<1x16xf32>,
        %scan3A_1028 = arith.constant 4 : i32
        %scan3A_1029 = arith.addi %scan3A_967, %scan3A_1028 : i32
        %mul3A_1030 = arith.constant 16 : i32
        %mul3A_1031 = arith.muli %scan3A_1029, %mul3A_1030 : i32
        %get3A_1032 = arith.index_cast %scan3A_961 : i32 to index
        %get3A_1033 = arith.index_cast %mul3A_1031 : i32 to index
        %get3A_1034 = tpu.vector_load %arg6[%get3A_1032, %get3A_1033] {strides = array<i32>} : memref<32x1024xf32, #tpu.memory_space<vmem>>, vector<1x16xf32>,
        %get3A_1035 = vector.shape_cast %get3A_1034 : vector<1x16xf32> to vector<16xf32>
        %mul3A_1036 = arith.constant 3.200000e+01 : f32
        %mul3A_1037 = vector.broadcast %mul3A_1036 : f32 to vector<16xf32>
        %mul3A_1038 = arith.mulf %get3A_1035, %mul3A_1037 : vector<16xf32>
        %swap3A_1039 = arith.index_cast %scan3A_961 : i32 to index
        %swap3A_1040 = arith.index_cast %mul3A_1031 : i32 to index
        %swap3A_1041 = tpu.vector_load %arg6[%swap3A_1039, %swap3A_1040] {strides = array<i32>} : memref<32x1024xf32, #tpu.memory_space<vmem>>, vector<1x16xf32>,
        %swap3A_1042 = vector.shape_cast %swap3A_1041 : vector<1x16xf32> to vector<16xf32>
        %swap3A_1043 = vector.shape_cast %mul3A_1038 : vector<16xf32> to vector<1x16xf32>
        tpu.vector_store %arg6[%swap3A_1039, %swap3A_1040], %swap3A_1043 {strides = array<i32>} : memref<32x1024xf32, #tpu.memory_space<vmem>>, vector<1x16xf32>,
        %scan3A_1044 = arith.constant 5 : i32
        %scan3A_1045 = arith.addi %scan3A_967, %scan3A_1044 : i32
        %mul3A_1046 = arith.constant 16 : i32
        %mul3A_1047 = arith.muli %scan3A_1045, %mul3A_1046 : i32
        %get3A_1048 = arith.index_cast %scan3A_961 : i32 to index
        %get3A_1049 = arith.index_cast %mul3A_1047 : i32 to index
        %get3A_1050 = tpu.vector_load %arg6[%get3A_1048, %get3A_1049] {strides = array<i32>} : memref<32x1024xf32, #tpu.memory_space<vmem>>, vector<1x16xf32>,
        %get3A_1051 = vector.shape_cast %get3A_1050 : vector<1x16xf32> to vector<16xf32>
        %mul3A_1052 = arith.constant 3.200000e+01 : f32
        %mul3A_1053 = vector.broadcast %mul3A_1052 : f32 to vector<16xf32>
        %mul3A_1054 = arith.mulf %get3A_1051, %mul3A_1053 : vector<16xf32>
        %swap3A_1055 = arith.index_cast %scan3A_961 : i32 to index
        %swap3A_1056 = arith.index_cast %mul3A_1047 : i32 to index
        %swap3A_1057 = tpu.vector_load %arg6[%swap3A_1055, %swap3A_1056] {strides = array<i32>} : memref<32x1024xf32, #tpu.memory_space<vmem>>, vector<1x16xf32>,
        %swap3A_1058 = vector.shape_cast %swap3A_1057 : vector<1x16xf32> to vector<16xf32>
        %swap3A_1059 = vector.shape_cast %mul3A_1054 : vector<16xf32> to vector<1x16xf32>
        tpu.vector_store %arg6[%swap3A_1055, %swap3A_1056], %swap3A_1059 {strides = array<i32>} : memref<32x1024xf32, #tpu.memory_space<vmem>>, vector<1x16xf32>,
        %scan3A_1060 = arith.constant 6 : i32
        %scan3A_1061 = arith.addi %scan3A_967, %scan3A_1060 : i32
        %mul3A_1062 = arith.constant 16 : i32
        %mul3A_1063 = arith.muli %scan3A_1061, %mul3A_1062 : i32
        %get3A_1064 = arith.index_cast %scan3A_961 : i32 to index
        %get3A_1065 = arith.index_cast %mul3A_1063 : i32 to index
        %get3A_1066 = tpu.vector_load %arg6[%get3A_1064, %get3A_1065] {strides = array<i32>} : memref<32x1024xf32, #tpu.memory_space<vmem>>, vector<1x16xf32>,
        %get3A_1067 = vector.shape_cast %get3A_1066 : vector<1x16xf32> to vector<16xf32>
        %mul3A_1068 = arith.constant 3.200000e+01 : f32
        %mul3A_1069 = vector.broadcast %mul3A_1068 : f32 to vector<16xf32>
        %mul3A_1070 = arith.mulf %get3A_1067, %mul3A_1069 : vector<16xf32>
        %swap3A_1071 = arith.index_cast %scan3A_961 : i32 to index
        %swap3A_1072 = arith.index_cast %mul3A_1063 : i32 to index
        %swap3A_1073 = tpu.vector_load %arg6[%swap3A_1071, %swap3A_1072] {strides = array<i32>} : memref<32x1024xf32, #tpu.memory_space<vmem>>, vector<1x16xf32>,
        %swap3A_1074 = vector.shape_cast %swap3A_1073 : vector<1x16xf32> to vector<16xf32>
        %swap3A_1075 = vector.shape_cast %mul3A_1070 : vector<16xf32> to vector<1x16xf32>
        tpu.vector_store %arg6[%swap3A_1071, %swap3A_1072], %swap3A_1075 {strides = array<i32>} : memref<32x1024xf32, #tpu.memory_space<vmem>>, vector<1x16xf32>,
        %scan3A_1076 = arith.constant 7 : i32
        %scan3A_1077 = arith.addi %scan3A_967, %scan3A_1076 : i32
        %mul3A_1078 = arith.constant 16 : i32
        %mul3A_1079 = arith.muli %scan3A_1077, %mul3A_1078 : i32
        %get3A_1080 = arith.index_cast %scan3A_961 : i32 to index
        %get3A_1081 = arith.index_cast %mul3A_1079 : i32 to index
        %get3A_1082 = tpu.vector_load %arg6[%get3A_1080, %get3A_1081] {strides = array<i32>} : memref<32x1024xf32, #tpu.memory_space<vmem>>, vector<1x16xf32>,
        %get3A_1083 = vector.shape_cast %get3A_1082 : vector<1x16xf32> to vector<16xf32>
        %mul3A_1084 = arith.constant 3.200000e+01 : f32
        %mul3A_1085 = vector.broadcast %mul3A_1084 : f32 to vector<16xf32>
        %mul3A_1086 = arith.mulf %get3A_1083, %mul3A_1085 : vector<16xf32>
        %swap3A_1087 = arith.index_cast %scan3A_961 : i32 to index
        %swap3A_1088 = arith.index_cast %mul3A_1079 : i32 to index
        %swap3A_1089 = tpu.vector_load %arg6[%swap3A_1087, %swap3A_1088] {strides = array<i32>} : memref<32x1024xf32, #tpu.memory_space<vmem>>, vector<1x16xf32>,
        %swap3A_1090 = vector.shape_cast %swap3A_1089 : vector<1x16xf32> to vector<16xf32>
        %swap3A_1091 = vector.shape_cast %mul3A_1086 : vector<16xf32> to vector<1x16xf32>
        tpu.vector_store %arg6[%swap3A_1087, %swap3A_1088], %swap3A_1091 {strides = array<i32>} : memref<32x1024xf32, #tpu.memory_space<vmem>>, vector<1x16xf32>,
      }
      %scan3A_966 = arith.constant 64 : i32
    }
    %scan3A_654 = arith.constant 32 : i32
    %add3A_655 = arith.constant 352 : i32
    %add3A_656 = arith.addi %mul3A_32, %add3A_655 : i32
    %dma_start3A_657 = arith.constant 0 : i32
    %dma_start3A_658 = arith.constant 0 : i32
    %dma_start3A_659 = tpu.memref_slice %arg6[%dma_start3A_657, %dma_start3A_658] : memref<32x1024xf32, #tpu.memory_space<vmem>> -> memref<32x1024xf32, #tpu.memory_space<vmem>>
    %dma_start3A_660 = arith.constant 0 : i32
    %dma_start3A_661 = tpu.memref_slice %arg4[%select_n3A, %add3A_656, %dma_start3A_660] : memref<4x4096x1024xf32, #tpu.memory_space<hbm>> -> memref<1x32x1024xf32, #tpu.memory_space<hbm>>
    %dma_start3A_662 = tpu.memref_squeeze %dma_start3A_661 : memref<1x32x1024xf32, #tpu.memory_space<hbm>> -> memref<32x1024xf32, #tpu.memory_space<hbm>>
    %dma_start3A_663 = arith.constant 0 : i32
    %dma_start3A_664 = tpu.memref_slice %arg4[%select_n3A, %add3A_656, %dma_start3A_663] : memref<4x4096x1024xf32, #tpu.memory_space<hbm>> -> memref<1x32x1024xf32, #tpu.memory_space<hbm>>
    %dma_start3A_665 = tpu.memref_squeeze %dma_start3A_664 : memref<1x32x1024xf32, #tpu.memory_space<hbm>> -> memref<32x1024xf32, #tpu.memory_space<hbm>>
    %dma_start3A_666 = arith.constant 0 : i32
    %dma_start3A_667 = arith.constant 0 : i32
    %dma_start3A_668 = tpu.memref_slice %arg6[%dma_start3A_666, %dma_start3A_667] : memref<32x1024xf32, #tpu.memory_space<vmem>> -> memref<32x1024xf32, #tpu.memory_space<vmem>>
    tpu.enqueue_dma source(%dma_start3A_668 : memref<32x1024xf32, #tpu.memory_space<vmem>>) target(%dma_start3A_665 : memref<32x1024xf32, #tpu.memory_space<hbm>>) target_semaphore(%arg12 : memref<!tpu.dma_semaphore, #tpu.memory_space<semaphore_mem>>)
    %dma_wait3A_669 = arith.constant 0 : i32
    %dma_wait3A_670 = arith.constant 0 : i32
    %dma_wait3A_671 = tpu.memref_slice %arg7[%dma_wait3A_669, %dma_wait3A_670] : memref<32x1024xf32, #tpu.memory_space<vmem>> -> memref<32x1024xf32, #tpu.memory_space<vmem>>
    %dma_wait3A_672 = arith.constant 384 : i32
    %dma_wait3A_673 = tpu.memref_slice %arg5[%dma_wait3A_672] : memref<512xi32, #tpu.memory_space<vmem>> -> memref<32xi32, #tpu.memory_space<vmem>>
    %dma_wait3A_674 = arith.constant 0 : i32
    %dma_wait3A_675 = arith.constant 0 : i32
    %dma_wait3A_676 = tpu.memref_slice %arg3[%dma_wait3A_674, %dma_wait3A_675] : memref<100000x1024xf32, #tpu.memory_space<hbm>> -> memref<100000x1024xf32, #tpu.memory_space<hbm>>
    tpu.wait_indirect_dma semaphore(%arg10 : memref<!tpu.dma_semaphore, #tpu.memory_space<semaphore_mem>>) src(%dma_wait3A_676 : memref<100000x1024xf32, #tpu.memory_space<hbm>>) dst(%dma_wait3A_671 : memref<32x1024xf32, #tpu.memory_space<vmem>>)
    %add3A_677 = arith.constant 352 : i32
    %add3A_678 = arith.addi %mul3A_32, %add3A_677 : i32
    %dma_wait3A_679 = arith.constant 0 : i32
    %dma_wait3A_680 = arith.constant 0 : i32
    %dma_wait3A_681 = tpu.memref_slice %arg6[%dma_wait3A_679, %dma_wait3A_680] : memref<32x1024xf32, #tpu.memory_space<vmem>> -> memref<32x1024xf32, #tpu.memory_space<vmem>>
    %dma_wait3A_682 = arith.constant 0 : i32
    %dma_wait3A_683 = tpu.memref_slice %arg4[%select_n3A, %add3A_678, %dma_wait3A_682] : memref<4x4096x1024xf32, #tpu.memory_space<hbm>> -> memref<1x32x1024xf32, #tpu.memory_space<hbm>>
    %dma_wait3A_684 = tpu.memref_squeeze %dma_wait3A_683 : memref<1x32x1024xf32, #tpu.memory_space<hbm>> -> memref<32x1024xf32, #tpu.memory_space<hbm>>
    %dma_wait3A_685 = arith.constant 0 : i32
    %dma_wait3A_686 = tpu.memref_slice %arg4[%select_n3A, %add3A_678, %dma_wait3A_685] : memref<4x4096x1024xf32, #tpu.memory_space<hbm>> -> memref<1x32x1024xf32, #tpu.memory_space<hbm>>
    %dma_wait3A_687 = tpu.memref_squeeze %dma_wait3A_686 : memref<1x32x1024xf32, #tpu.memory_space<hbm>> -> memref<32x1024xf32, #tpu.memory_space<hbm>>
    %dma_wait3A_688 = arith.constant 0 : i32
    %dma_wait3A_689 = arith.constant 0 : i32
    %dma_wait3A_690 = tpu.memref_slice %arg6[%dma_wait3A_688, %dma_wait3A_689] : memref<32x1024xf32, #tpu.memory_space<vmem>> -> memref<32x1024xf32, #tpu.memory_space<vmem>>
    tpu.wait_dma2 semaphore(%arg12 : memref<!tpu.dma_semaphore, #tpu.memory_space<semaphore_mem>>) src(%dma_wait3A_690 : memref<32x1024xf32, #tpu.memory_space<vmem>>) dst(%dma_wait3A_687 : memref<32x1024xf32, #tpu.memory_space<hbm>>)
    %dma_start3A_691 = arith.constant 0 : i32
    %dma_start3A_692 = arith.constant 0 : i32
    %dma_start3A_693 = tpu.memref_slice %arg6[%dma_start3A_691, %dma_start3A_692] : memref<32x1024xf32, #tpu.memory_space<vmem>> -> memref<32x1024xf32, #tpu.memory_space<vmem>>
    %dma_start3A_694 = arith.constant 448 : i32
    %dma_start3A_695 = tpu.memref_slice %arg5[%dma_start3A_694] : memref<512xi32, #tpu.memory_space<vmem>> -> memref<32xi32, #tpu.memory_space<vmem>>
    %dma_start3A_696 = arith.constant 0 : i32
    %dma_start3A_697 = arith.constant 0 : i32
    %dma_start3A_698 = tpu.memref_slice %arg3[%dma_start3A_696, %dma_start3A_697] : memref<100000x1024xf32, #tpu.memory_space<hbm>> -> memref<100000x1024xf32, #tpu.memory_space<hbm>>
    tpu.enqueue_indirect_dma source(%dma_start3A_698 : memref<100000x1024xf32, #tpu.memory_space<hbm>>) target(%dma_start3A_693 : memref<32x1024xf32, #tpu.memory_space<vmem>>) offsets(%dma_start3A_695 : memref<32xi32, #tpu.memory_space<vmem>>) semaphore(%arg9 : memref<!tpu.dma_semaphore, #tpu.memory_space<semaphore_mem>>)
    %scan3A_699 = arith.constant 0 : i32
    %scan3A_700 = arith.constant 32 : i32
    %scan3A_701 = arith.addi %scan3A_699, %scan3A_700 : i32
    %scan3A_702 = arith.constant 1 : i32
    scf.for %scan3A_961 = %scan3A_699 to %scan3A_701 step %scan3A_702  : i32 {
      %scan3A_962 = arith.constant 0 : i32
      %scan3A_963 = arith.constant 64 : i32
      %scan3A_964 = arith.addi %scan3A_962, %scan3A_963 : i32
      %scan3A_965 = arith.constant 8 : i32
      scf.for %scan3A_967 = %scan3A_962 to %scan3A_964 step %scan3A_965  : i32 {
        %mul3A_968 = arith.constant 16 : i32
        %mul3A_969 = arith.muli %scan3A_967, %mul3A_968 : i32
        %get3A = arith.index_cast %scan3A_961 : i32 to index
        %get3A_970 = arith.index_cast %mul3A_969 : i32 to index
        %get3A_971 = tpu.vector_load %arg7[%get3A, %get3A_970] {strides = array<i32>} : memref<32x1024xf32, #tpu.memory_space<vmem>>, vector<1x16xf32>,
        %get3A_972 = vector.shape_cast %get3A_971 : vector<1x16xf32> to vector<16xf32>
        %mul3A_973 = arith.constant 3.200000e+01 : f32
        %mul3A_974 = vector.broadcast %mul3A_973 : f32 to vector<16xf32>
        %mul3A_975 = arith.mulf %get3A_972, %mul3A_974 : vector<16xf32>
        %swap3A = arith.index_cast %scan3A_961 : i32 to index
        %swap3A_976 = arith.index_cast %mul3A_969 : i32 to index
        %swap3A_977 = tpu.vector_load %arg7[%swap3A, %swap3A_976] {strides = array<i32>} : memref<32x1024xf32, #tpu.memory_space<vmem>>, vector<1x16xf32>,
        %swap3A_978 = vector.shape_cast %swap3A_977 : vector<1x16xf32> to vector<16xf32>
        %swap3A_979 = vector.shape_cast %mul3A_975 : vector<16xf32> to vector<1x16xf32>
        tpu.vector_store %arg7[%swap3A, %swap3A_976], %swap3A_979 {strides = array<i32>} : memref<32x1024xf32, #tpu.memory_space<vmem>>, vector<1x16xf32>,
        %scan3A_980 = arith.constant 1 : i32
        %scan3A_981 = arith.addi %scan3A_967, %scan3A_980 : i32
        %mul3A_982 = arith.constant 16 : i32
        %mul3A_983 = arith.muli %scan3A_981, %mul3A_982 : i32
        %get3A_984 = arith.index_cast %scan3A_961 : i32 to index
        %get3A_985 = arith.index_cast %mul3A_983 : i32 to index
        %get3A_986 = tpu.vector_load %arg7[%get3A_984, %get3A_985] {strides = array<i32>} : memref<32x1024xf32, #tpu.memory_space<vmem>>, vector<1x16xf32>,
        %get3A_987 = vector.shape_cast %get3A_986 : vector<1x16xf32> to vector<16xf32>
        %mul3A_988 = arith.constant 3.200000e+01 : f32
        %mul3A_989 = vector.broadcast %mul3A_988 : f32 to vector<16xf32>
        %mul3A_990 = arith.mulf %get3A_987, %mul3A_989 : vector<16xf32>
        %swap3A_991 = arith.index_cast %scan3A_961 : i32 to index
        %swap3A_992 = arith.index_cast %mul3A_983 : i32 to index
        %swap3A_993 = tpu.vector_load %arg7[%swap3A_991, %swap3A_992] {strides = array<i32>} : memref<32x1024xf32, #tpu.memory_space<vmem>>, vector<1x16xf32>,
        %swap3A_994 = vector.shape_cast %swap3A_993 : vector<1x16xf32> to vector<16xf32>
        %swap3A_995 = vector.shape_cast %mul3A_990 : vector<16xf32> to vector<1x16xf32>
        tpu.vector_store %arg7[%swap3A_991, %swap3A_992], %swap3A_995 {strides = array<i32>} : memref<32x1024xf32, #tpu.memory_space<vmem>>, vector<1x16xf32>,
        %scan3A_996 = arith.constant 2 : i32
        %scan3A_997 = arith.addi %scan3A_967, %scan3A_996 : i32
        %mul3A_998 = arith.constant 16 : i32
        %mul3A_999 = arith.muli %scan3A_997, %mul3A_998 : i32
        %get3A_1000 = arith.index_cast %scan3A_961 : i32 to index
        %get3A_1001 = arith.index_cast %mul3A_999 : i32 to index
        %get3A_1002 = tpu.vector_load %arg7[%get3A_1000, %get3A_1001] {strides = array<i32>} : memref<32x1024xf32, #tpu.memory_space<vmem>>, vector<1x16xf32>,
        %get3A_1003 = vector.shape_cast %get3A_1002 : vector<1x16xf32> to vector<16xf32>
        %mul3A_1004 = arith.constant 3.200000e+01 : f32
        %mul3A_1005 = vector.broadcast %mul3A_1004 : f32 to vector<16xf32>
        %mul3A_1006 = arith.mulf %get3A_1003, %mul3A_1005 : vector<16xf32>
        %swap3A_1007 = arith.index_cast %scan3A_961 : i32 to index
        %swap3A_1008 = arith.index_cast %mul3A_999 : i32 to index
        %swap3A_1009 = tpu.vector_load %arg7[%swap3A_1007, %swap3A_1008] {strides = array<i32>} : memref<32x1024xf32, #tpu.memory_space<vmem>>, vector<1x16xf32>,
        %swap3A_1010 = vector.shape_cast %swap3A_1009 : vector<1x16xf32> to vector<16xf32>
        %swap3A_1011 = vector.shape_cast %mul3A_1006 : vector<16xf32> to vector<1x16xf32>
        tpu.vector_store %arg7[%swap3A_1007, %swap3A_1008], %swap3A_1011 {strides = array<i32>} : memref<32x1024xf32, #tpu.memory_space<vmem>>, vector<1x16xf32>,
        %scan3A_1012 = arith.constant 3 : i32
        %scan3A_1013 = arith.addi %scan3A_967, %scan3A_1012 : i32
        %mul3A_1014 = arith.constant 16 : i32
        %mul3A_1015 = arith.muli %scan3A_1013, %mul3A_1014 : i32
        %get3A_1016 = arith.index_cast %scan3A_961 : i32 to index
        %get3A_1017 = arith.index_cast %mul3A_1015 : i32 to index
        %get3A_1018 = tpu.vector_load %arg7[%get3A_1016, %get3A_1017] {strides = array<i32>} : memref<32x1024xf32, #tpu.memory_space<vmem>>, vector<1x16xf32>,
        %get3A_1019 = vector.shape_cast %get3A_1018 : vector<1x16xf32> to vector<16xf32>
        %mul3A_1020 = arith.constant 3.200000e+01 : f32
        %mul3A_1021 = vector.broadcast %mul3A_1020 : f32 to vector<16xf32>
        %mul3A_1022 = arith.mulf %get3A_1019, %mul3A_1021 : vector<16xf32>
        %swap3A_1023 = arith.index_cast %scan3A_961 : i32 to index
        %swap3A_1024 = arith.index_cast %mul3A_1015 : i32 to index
        %swap3A_1025 = tpu.vector_load %arg7[%swap3A_1023, %swap3A_1024] {strides = array<i32>} : memref<32x1024xf32, #tpu.memory_space<vmem>>, vector<1x16xf32>,
        %swap3A_1026 = vector.shape_cast %swap3A_1025 : vector<1x16xf32> to vector<16xf32>
        %swap3A_1027 = vector.shape_cast %mul3A_1022 : vector<16xf32> to vector<1x16xf32>
        tpu.vector_store %arg7[%swap3A_1023, %swap3A_1024], %swap3A_1027 {strides = array<i32>} : memref<32x1024xf32, #tpu.memory_space<vmem>>, vector<1x16xf32>,
        %scan3A_1028 = arith.constant 4 : i32
        %scan3A_1029 = arith.addi %scan3A_967, %scan3A_1028 : i32
        %mul3A_1030 = arith.constant 16 : i32
        %mul3A_1031 = arith.muli %scan3A_1029, %mul3A_1030 : i32
        %get3A_1032 = arith.index_cast %scan3A_961 : i32 to index
        %get3A_1033 = arith.index_cast %mul3A_1031 : i32 to index
        %get3A_1034 = tpu.vector_load %arg7[%get3A_1032, %get3A_1033] {strides = array<i32>} : memref<32x1024xf32, #tpu.memory_space<vmem>>, vector<1x16xf32>,
        %get3A_1035 = vector.shape_cast %get3A_1034 : vector<1x16xf32> to vector<16xf32>
        %mul3A_1036 = arith.constant 3.200000e+01 : f32
        %mul3A_1037 = vector.broadcast %mul3A_1036 : f32 to vector<16xf32>
        %mul3A_1038 = arith.mulf %get3A_1035, %mul3A_1037 : vector<16xf32>
        %swap3A_1039 = arith.index_cast %scan3A_961 : i32 to index
        %swap3A_1040 = arith.index_cast %mul3A_1031 : i32 to index
        %swap3A_1041 = tpu.vector_load %arg7[%swap3A_1039, %swap3A_1040] {strides = array<i32>} : memref<32x1024xf32, #tpu.memory_space<vmem>>, vector<1x16xf32>,
        %swap3A_1042 = vector.shape_cast %swap3A_1041 : vector<1x16xf32> to vector<16xf32>
        %swap3A_1043 = vector.shape_cast %mul3A_1038 : vector<16xf32> to vector<1x16xf32>
        tpu.vector_store %arg7[%swap3A_1039, %swap3A_1040], %swap3A_1043 {strides = array<i32>} : memref<32x1024xf32, #tpu.memory_space<vmem>>, vector<1x16xf32>,
        %scan3A_1044 = arith.constant 5 : i32
        %scan3A_1045 = arith.addi %scan3A_967, %scan3A_1044 : i32
        %mul3A_1046 = arith.constant 16 : i32
        %mul3A_1047 = arith.muli %scan3A_1045, %mul3A_1046 : i32
        %get3A_1048 = arith.index_cast %scan3A_961 : i32 to index
        %get3A_1049 = arith.index_cast %mul3A_1047 : i32 to index
        %get3A_1050 = tpu.vector_load %arg7[%get3A_1048, %get3A_1049] {strides = array<i32>} : memref<32x1024xf32, #tpu.memory_space<vmem>>, vector<1x16xf32>,
        %get3A_1051 = vector.shape_cast %get3A_1050 : vector<1x16xf32> to vector<16xf32>
        %mul3A_1052 = arith.constant 3.200000e+01 : f32
        %mul3A_1053 = vector.broadcast %mul3A_1052 : f32 to vector<16xf32>
        %mul3A_1054 = arith.mulf %get3A_1051, %mul3A_1053 : vector<16xf32>
        %swap3A_1055 = arith.index_cast %scan3A_961 : i32 to index
        %swap3A_1056 = arith.index_cast %mul3A_1047 : i32 to index
        %swap3A_1057 = tpu.vector_load %arg7[%swap3A_1055, %swap3A_1056] {strides = array<i32>} : memref<32x1024xf32, #tpu.memory_space<vmem>>, vector<1x16xf32>,
        %swap3A_1058 = vector.shape_cast %swap3A_1057 : vector<1x16xf32> to vector<16xf32>
        %swap3A_1059 = vector.shape_cast %mul3A_1054 : vector<16xf32> to vector<1x16xf32>
        tpu.vector_store %arg7[%swap3A_1055, %swap3A_1056], %swap3A_1059 {strides = array<i32>} : memref<32x1024xf32, #tpu.memory_space<vmem>>, vector<1x16xf32>,
        %scan3A_1060 = arith.constant 6 : i32
        %scan3A_1061 = arith.addi %scan3A_967, %scan3A_1060 : i32
        %mul3A_1062 = arith.constant 16 : i32
        %mul3A_1063 = arith.muli %scan3A_1061, %mul3A_1062 : i32
        %get3A_1064 = arith.index_cast %scan3A_961 : i32 to index
        %get3A_1065 = arith.index_cast %mul3A_1063 : i32 to index
        %get3A_1066 = tpu.vector_load %arg7[%get3A_1064, %get3A_1065] {strides = array<i32>} : memref<32x1024xf32, #tpu.memory_space<vmem>>, vector<1x16xf32>,
        %get3A_1067 = vector.shape_cast %get3A_1066 : vector<1x16xf32> to vector<16xf32>
        %mul3A_1068 = arith.constant 3.200000e+01 : f32
        %mul3A_1069 = vector.broadcast %mul3A_1068 : f32 to vector<16xf32>
        %mul3A_1070 = arith.mulf %get3A_1067, %mul3A_1069 : vector<16xf32>
        %swap3A_1071 = arith.index_cast %scan3A_961 : i32 to index
        %swap3A_1072 = arith.index_cast %mul3A_1063 : i32 to index
        %swap3A_1073 = tpu.vector_load %arg7[%swap3A_1071, %swap3A_1072] {strides = array<i32>} : memref<32x1024xf32, #tpu.memory_space<vmem>>, vector<1x16xf32>,
        %swap3A_1074 = vector.shape_cast %swap3A_1073 : vector<1x16xf32> to vector<16xf32>
        %swap3A_1075 = vector.shape_cast %mul3A_1070 : vector<16xf32> to vector<1x16xf32>
        tpu.vector_store %arg7[%swap3A_1071, %swap3A_1072], %swap3A_1075 {strides = array<i32>} : memref<32x1024xf32, #tpu.memory_space<vmem>>, vector<1x16xf32>,
        %scan3A_1076 = arith.constant 7 : i32
        %scan3A_1077 = arith.addi %scan3A_967, %scan3A_1076 : i32
        %mul3A_1078 = arith.constant 16 : i32
        %mul3A_1079 = arith.muli %scan3A_1077, %mul3A_1078 : i32
        %get3A_1080 = arith.index_cast %scan3A_961 : i32 to index
        %get3A_1081 = arith.index_cast %mul3A_1079 : i32 to index
        %get3A_1082 = tpu.vector_load %arg7[%get3A_1080, %get3A_1081] {strides = array<i32>} : memref<32x1024xf32, #tpu.memory_space<vmem>>, vector<1x16xf32>,
        %get3A_1083 = vector.shape_cast %get3A_1082 : vector<1x16xf32> to vector<16xf32>
        %mul3A_1084 = arith.constant 3.200000e+01 : f32
        %mul3A_1085 = vector.broadcast %mul3A_1084 : f32 to vector<16xf32>
        %mul3A_1086 = arith.mulf %get3A_1083, %mul3A_1085 : vector<16xf32>
        %swap3A_1087 = arith.index_cast %scan3A_961 : i32 to index
        %swap3A_1088 = arith.index_cast %mul3A_1079 : i32 to index
        %swap3A_1089 = tpu.vector_load %arg7[%swap3A_1087, %swap3A_1088] {strides = array<i32>} : memref<32x1024xf32, #tpu.memory_space<vmem>>, vector<1x16xf32>,
        %swap3A_1090 = vector.shape_cast %swap3A_1089 : vector<1x16xf32> to vector<16xf32>
        %swap3A_1091 = vector.shape_cast %mul3A_1086 : vector<16xf32> to vector<1x16xf32>
        tpu.vector_store %arg7[%swap3A_1087, %swap3A_1088], %swap3A_1091 {strides = array<i32>} : memref<32x1024xf32, #tpu.memory_space<vmem>>, vector<1x16xf32>,
      }
      %scan3A_966 = arith.constant 64 : i32
    }
    %scan3A_703 = arith.constant 32 : i32
    %add3A_704 = arith.constant 384 : i32
    %add3A_705 = arith.addi %mul3A_32, %add3A_704 : i32
    %dma_start3A_706 = arith.constant 0 : i32
    %dma_start3A_707 = arith.constant 0 : i32
    %dma_start3A_708 = tpu.memref_slice %arg7[%dma_start3A_706, %dma_start3A_707] : memref<32x1024xf32, #tpu.memory_space<vmem>> -> memref<32x1024xf32, #tpu.memory_space<vmem>>
    %dma_start3A_709 = arith.constant 0 : i32
    %dma_start3A_710 = tpu.memref_slice %arg4[%select_n3A, %add3A_705, %dma_start3A_709] : memref<4x4096x1024xf32, #tpu.memory_space<hbm>> -> memref<1x32x1024xf32, #tpu.memory_space<hbm>>
    %dma_start3A_711 = tpu.memref_squeeze %dma_start3A_710 : memref<1x32x1024xf32, #tpu.memory_space<hbm>> -> memref<32x1024xf32, #tpu.memory_space<hbm>>
    %dma_start3A_712 = arith.constant 0 : i32
    %dma_start3A_713 = tpu.memref_slice %arg4[%select_n3A, %add3A_705, %dma_start3A_712] : memref<4x4096x1024xf32, #tpu.memory_space<hbm>> -> memref<1x32x1024xf32, #tpu.memory_space<hbm>>
    %dma_start3A_714 = tpu.memref_squeeze %dma_start3A_713 : memref<1x32x1024xf32, #tpu.memory_space<hbm>> -> memref<32x1024xf32, #tpu.memory_space<hbm>>
    %dma_start3A_715 = arith.constant 0 : i32
    %dma_start3A_716 = arith.constant 0 : i32
    %dma_start3A_717 = tpu.memref_slice %arg7[%dma_start3A_715, %dma_start3A_716] : memref<32x1024xf32, #tpu.memory_space<vmem>> -> memref<32x1024xf32, #tpu.memory_space<vmem>>
    tpu.enqueue_dma source(%dma_start3A_717 : memref<32x1024xf32, #tpu.memory_space<vmem>>) target(%dma_start3A_714 : memref<32x1024xf32, #tpu.memory_space<hbm>>) target_semaphore(%arg13 : memref<!tpu.dma_semaphore, #tpu.memory_space<semaphore_mem>>)
    %dma_wait3A_718 = arith.constant 0 : i32
    %dma_wait3A_719 = arith.constant 0 : i32
    %dma_wait3A_720 = tpu.memref_slice %arg8[%dma_wait3A_718, %dma_wait3A_719] : memref<32x1024xf32, #tpu.memory_space<vmem>> -> memref<32x1024xf32, #tpu.memory_space<vmem>>
    %dma_wait3A_721 = arith.constant 416 : i32
    %dma_wait3A_722 = tpu.memref_slice %arg5[%dma_wait3A_721] : memref<512xi32, #tpu.memory_space<vmem>> -> memref<32xi32, #tpu.memory_space<vmem>>
    %dma_wait3A_723 = arith.constant 0 : i32
    %dma_wait3A_724 = arith.constant 0 : i32
    %dma_wait3A_725 = tpu.memref_slice %arg3[%dma_wait3A_723, %dma_wait3A_724] : memref<100000x1024xf32, #tpu.memory_space<hbm>> -> memref<100000x1024xf32, #tpu.memory_space<hbm>>
    tpu.wait_indirect_dma semaphore(%arg11 : memref<!tpu.dma_semaphore, #tpu.memory_space<semaphore_mem>>) src(%dma_wait3A_725 : memref<100000x1024xf32, #tpu.memory_space<hbm>>) dst(%dma_wait3A_720 : memref<32x1024xf32, #tpu.memory_space<vmem>>)
    %add3A_726 = arith.constant 384 : i32
    %add3A_727 = arith.addi %mul3A_32, %add3A_726 : i32
    %dma_wait3A_728 = arith.constant 0 : i32
    %dma_wait3A_729 = arith.constant 0 : i32
    %dma_wait3A_730 = tpu.memref_slice %arg7[%dma_wait3A_728, %dma_wait3A_729] : memref<32x1024xf32, #tpu.memory_space<vmem>> -> memref<32x1024xf32, #tpu.memory_space<vmem>>
    %dma_wait3A_731 = arith.constant 0 : i32
    %dma_wait3A_732 = tpu.memref_slice %arg4[%select_n3A, %add3A_727, %dma_wait3A_731] : memref<4x4096x1024xf32, #tpu.memory_space<hbm>> -> memref<1x32x1024xf32, #tpu.memory_space<hbm>>
    %dma_wait3A_733 = tpu.memref_squeeze %dma_wait3A_732 : memref<1x32x1024xf32, #tpu.memory_space<hbm>> -> memref<32x1024xf32, #tpu.memory_space<hbm>>
    %dma_wait3A_734 = arith.constant 0 : i32
    %dma_wait3A_735 = tpu.memref_slice %arg4[%select_n3A, %add3A_727, %dma_wait3A_734] : memref<4x4096x1024xf32, #tpu.memory_space<hbm>> -> memref<1x32x1024xf32, #tpu.memory_space<hbm>>
    %dma_wait3A_736 = tpu.memref_squeeze %dma_wait3A_735 : memref<1x32x1024xf32, #tpu.memory_space<hbm>> -> memref<32x1024xf32, #tpu.memory_space<hbm>>
    %dma_wait3A_737 = arith.constant 0 : i32
    %dma_wait3A_738 = arith.constant 0 : i32
    %dma_wait3A_739 = tpu.memref_slice %arg7[%dma_wait3A_737, %dma_wait3A_738] : memref<32x1024xf32, #tpu.memory_space<vmem>> -> memref<32x1024xf32, #tpu.memory_space<vmem>>
    tpu.wait_dma2 semaphore(%arg13 : memref<!tpu.dma_semaphore, #tpu.memory_space<semaphore_mem>>) src(%dma_wait3A_739 : memref<32x1024xf32, #tpu.memory_space<vmem>>) dst(%dma_wait3A_736 : memref<32x1024xf32, #tpu.memory_space<hbm>>)
    %dma_start3A_740 = arith.constant 0 : i32
    %dma_start3A_741 = arith.constant 0 : i32
    %dma_start3A_742 = tpu.memref_slice %arg7[%dma_start3A_740, %dma_start3A_741] : memref<32x1024xf32, #tpu.memory_space<vmem>> -> memref<16x1024xf32, #tpu.memory_space<vmem>>
    %dma_start3A_743 = arith.constant 480 : i32
    %dma_start3A_744 = tpu.memref_slice %arg5[%dma_start3A_743] : memref<512xi32, #tpu.memory_space<vmem>> -> memref<16xi32, #tpu.memory_space<vmem>>
    %dma_start3A_745 = arith.constant 0 : i32
    %dma_start3A_746 = arith.constant 0 : i32
    %dma_start3A_747 = tpu.memref_slice %arg3[%dma_start3A_745, %dma_start3A_746] : memref<100000x1024xf32, #tpu.memory_space<hbm>> -> memref<100000x1024xf32, #tpu.memory_space<hbm>>
    tpu.enqueue_indirect_dma source(%dma_start3A_747 : memref<100000x1024xf32, #tpu.memory_space<hbm>>) target(%dma_start3A_742 : memref<16x1024xf32, #tpu.memory_space<vmem>>) offsets(%dma_start3A_744 : memref<16xi32, #tpu.memory_space<vmem>>) semaphore(%arg10 : memref<!tpu.dma_semaphore, #tpu.memory_space<semaphore_mem>>)
    %scan3A_748 = arith.constant 0 : i32
    %scan3A_749 = arith.constant 32 : i32
    %scan3A_750 = arith.addi %scan3A_748, %scan3A_749 : i32
    %scan3A_751 = arith.constant 1 : i32
    scf.for %scan3A_961 = %scan3A_748 to %scan3A_750 step %scan3A_751  : i32 {
      %scan3A_962 = arith.constant 0 : i32
      %scan3A_963 = arith.constant 64 : i32
      %scan3A_964 = arith.addi %scan3A_962, %scan3A_963 : i32
      %scan3A_965 = arith.constant 8 : i32
      scf.for %scan3A_967 = %scan3A_962 to %scan3A_964 step %scan3A_965  : i32 {
        %mul3A_968 = arith.constant 16 : i32
        %mul3A_969 = arith.muli %scan3A_967, %mul3A_968 : i32
        %get3A = arith.index_cast %scan3A_961 : i32 to index
        %get3A_970 = arith.index_cast %mul3A_969 : i32 to index
        %get3A_971 = tpu.vector_load %arg8[%get3A, %get3A_970] {strides = array<i32>} : memref<32x1024xf32, #tpu.memory_space<vmem>>, vector<1x16xf32>,
        %get3A_972 = vector.shape_cast %get3A_971 : vector<1x16xf32> to vector<16xf32>
        %mul3A_973 = arith.constant 3.200000e+01 : f32
        %mul3A_974 = vector.broadcast %mul3A_973 : f32 to vector<16xf32>
        %mul3A_975 = arith.mulf %get3A_972, %mul3A_974 : vector<16xf32>
        %swap3A = arith.index_cast %scan3A_961 : i32 to index
        %swap3A_976 = arith.index_cast %mul3A_969 : i32 to index
        %swap3A_977 = tpu.vector_load %arg8[%swap3A, %swap3A_976] {strides = array<i32>} : memref<32x1024xf32, #tpu.memory_space<vmem>>, vector<1x16xf32>,
        %swap3A_978 = vector.shape_cast %swap3A_977 : vector<1x16xf32> to vector<16xf32>
        %swap3A_979 = vector.shape_cast %mul3A_975 : vector<16xf32> to vector<1x16xf32>
        tpu.vector_store %arg8[%swap3A, %swap3A_976], %swap3A_979 {strides = array<i32>} : memref<32x1024xf32, #tpu.memory_space<vmem>>, vector<1x16xf32>,
        %scan3A_980 = arith.constant 1 : i32
        %scan3A_981 = arith.addi %scan3A_967, %scan3A_980 : i32
        %mul3A_982 = arith.constant 16 : i32
        %mul3A_983 = arith.muli %scan3A_981, %mul3A_982 : i32
        %get3A_984 = arith.index_cast %scan3A_961 : i32 to index
        %get3A_985 = arith.index_cast %mul3A_983 : i32 to index
        %get3A_986 = tpu.vector_load %arg8[%get3A_984, %get3A_985] {strides = array<i32>} : memref<32x1024xf32, #tpu.memory_space<vmem>>, vector<1x16xf32>,
        %get3A_987 = vector.shape_cast %get3A_986 : vector<1x16xf32> to vector<16xf32>
        %mul3A_988 = arith.constant 3.200000e+01 : f32
        %mul3A_989 = vector.broadcast %mul3A_988 : f32 to vector<16xf32>
        %mul3A_990 = arith.mulf %get3A_987, %mul3A_989 : vector<16xf32>
        %swap3A_991 = arith.index_cast %scan3A_961 : i32 to index
        %swap3A_992 = arith.index_cast %mul3A_983 : i32 to index
        %swap3A_993 = tpu.vector_load %arg8[%swap3A_991, %swap3A_992] {strides = array<i32>} : memref<32x1024xf32, #tpu.memory_space<vmem>>, vector<1x16xf32>,
        %swap3A_994 = vector.shape_cast %swap3A_993 : vector<1x16xf32> to vector<16xf32>
        %swap3A_995 = vector.shape_cast %mul3A_990 : vector<16xf32> to vector<1x16xf32>
        tpu.vector_store %arg8[%swap3A_991, %swap3A_992], %swap3A_995 {strides = array<i32>} : memref<32x1024xf32, #tpu.memory_space<vmem>>, vector<1x16xf32>,
        %scan3A_996 = arith.constant 2 : i32
        %scan3A_997 = arith.addi %scan3A_967, %scan3A_996 : i32
        %mul3A_998 = arith.constant 16 : i32
        %mul3A_999 = arith.muli %scan3A_997, %mul3A_998 : i32
        %get3A_1000 = arith.index_cast %scan3A_961 : i32 to index
        %get3A_1001 = arith.index_cast %mul3A_999 : i32 to index
        %get3A_1002 = tpu.vector_load %arg8[%get3A_1000, %get3A_1001] {strides = array<i32>} : memref<32x1024xf32, #tpu.memory_space<vmem>>, vector<1x16xf32>,
        %get3A_1003 = vector.shape_cast %get3A_1002 : vector<1x16xf32> to vector<16xf32>
        %mul3A_1004 = arith.constant 3.200000e+01 : f32
        %mul3A_1005 = vector.broadcast %mul3A_1004 : f32 to vector<16xf32>
        %mul3A_1006 = arith.mulf %get3A_1003, %mul3A_1005 : vector<16xf32>
        %swap3A_1007 = arith.index_cast %scan3A_961 : i32 to index
        %swap3A_1008 = arith.index_cast %mul3A_999 : i32 to index
        %swap3A_1009 = tpu.vector_load %arg8[%swap3A_1007, %swap3A_1008] {strides = array<i32>} : memref<32x1024xf32, #tpu.memory_space<vmem>>, vector<1x16xf32>,
        %swap3A_1010 = vector.shape_cast %swap3A_1009 : vector<1x16xf32> to vector<16xf32>
        %swap3A_1011 = vector.shape_cast %mul3A_1006 : vector<16xf32> to vector<1x16xf32>
        tpu.vector_store %arg8[%swap3A_1007, %swap3A_1008], %swap3A_1011 {strides = array<i32>} : memref<32x1024xf32, #tpu.memory_space<vmem>>, vector<1x16xf32>,
        %scan3A_1012 = arith.constant 3 : i32
        %scan3A_1013 = arith.addi %scan3A_967, %scan3A_1012 : i32
        %mul3A_1014 = arith.constant 16 : i32
        %mul3A_1015 = arith.muli %scan3A_1013, %mul3A_1014 : i32
        %get3A_1016 = arith.index_cast %scan3A_961 : i32 to index
        %get3A_1017 = arith.index_cast %mul3A_1015 : i32 to index
        %get3A_1018 = tpu.vector_load %arg8[%get3A_1016, %get3A_1017] {strides = array<i32>} : memref<32x1024xf32, #tpu.memory_space<vmem>>, vector<1x16xf32>,
        %get3A_1019 = vector.shape_cast %get3A_1018 : vector<1x16xf32> to vector<16xf32>
        %mul3A_1020 = arith.constant 3.200000e+01 : f32
        %mul3A_1021 = vector.broadcast %mul3A_1020 : f32 to vector<16xf32>
        %mul3A_1022 = arith.mulf %get3A_1019, %mul3A_1021 : vector<16xf32>
        %swap3A_1023 = arith.index_cast %scan3A_961 : i32 to index
        %swap3A_1024 = arith.index_cast %mul3A_1015 : i32 to index
        %swap3A_1025 = tpu.vector_load %arg8[%swap3A_1023, %swap3A_1024] {strides = array<i32>} : memref<32x1024xf32, #tpu.memory_space<vmem>>, vector<1x16xf32>,
        %swap3A_1026 = vector.shape_cast %swap3A_1025 : vector<1x16xf32> to vector<16xf32>
        %swap3A_1027 = vector.shape_cast %mul3A_1022 : vector<16xf32> to vector<1x16xf32>
        tpu.vector_store %arg8[%swap3A_1023, %swap3A_1024], %swap3A_1027 {strides = array<i32>} : memref<32x1024xf32, #tpu.memory_space<vmem>>, vector<1x16xf32>,
        %scan3A_1028 = arith.constant 4 : i32
        %scan3A_1029 = arith.addi %scan3A_967, %scan3A_1028 : i32
        %mul3A_1030 = arith.constant 16 : i32
        %mul3A_1031 = arith.muli %scan3A_1029, %mul3A_1030 : i32
        %get3A_1032 = arith.index_cast %scan3A_961 : i32 to index
        %get3A_1033 = arith.index_cast %mul3A_1031 : i32 to index
        %get3A_1034 = tpu.vector_load %arg8[%get3A_1032, %get3A_1033] {strides = array<i32>} : memref<32x1024xf32, #tpu.memory_space<vmem>>, vector<1x16xf32>,
        %get3A_1035 = vector.shape_cast %get3A_1034 : vector<1x16xf32> to vector<16xf32>
        %mul3A_1036 = arith.constant 3.200000e+01 : f32
        %mul3A_1037 = vector.broadcast %mul3A_1036 : f32 to vector<16xf32>
        %mul3A_1038 = arith.mulf %get3A_1035, %mul3A_1037 : vector<16xf32>
        %swap3A_1039 = arith.index_cast %scan3A_961 : i32 to index
        %swap3A_1040 = arith.index_cast %mul3A_1031 : i32 to index
        %swap3A_1041 = tpu.vector_load %arg8[%swap3A_1039, %swap3A_1040] {strides = array<i32>} : memref<32x1024xf32, #tpu.memory_space<vmem>>, vector<1x16xf32>,
        %swap3A_1042 = vector.shape_cast %swap3A_1041 : vector<1x16xf32> to vector<16xf32>
        %swap3A_1043 = vector.shape_cast %mul3A_1038 : vector<16xf32> to vector<1x16xf32>
        tpu.vector_store %arg8[%swap3A_1039, %swap3A_1040], %swap3A_1043 {strides = array<i32>} : memref<32x1024xf32, #tpu.memory_space<vmem>>, vector<1x16xf32>,
        %scan3A_1044 = arith.constant 5 : i32
        %scan3A_1045 = arith.addi %scan3A_967, %scan3A_1044 : i32
        %mul3A_1046 = arith.constant 16 : i32
        %mul3A_1047 = arith.muli %scan3A_1045, %mul3A_1046 : i32
        %get3A_1048 = arith.index_cast %scan3A_961 : i32 to index
        %get3A_1049 = arith.index_cast %mul3A_1047 : i32 to index
        %get3A_1050 = tpu.vector_load %arg8[%get3A_1048, %get3A_1049] {strides = array<i32>} : memref<32x1024xf32, #tpu.memory_space<vmem>>, vector<1x16xf32>,
        %get3A_1051 = vector.shape_cast %get3A_1050 : vector<1x16xf32> to vector<16xf32>
        %mul3A_1052 = arith.constant 3.200000e+01 : f32
        %mul3A_1053 = vector.broadcast %mul3A_1052 : f32 to vector<16xf32>
        %mul3A_1054 = arith.mulf %get3A_1051, %mul3A_1053 : vector<16xf32>
        %swap3A_1055 = arith.index_cast %scan3A_961 : i32 to index
        %swap3A_1056 = arith.index_cast %mul3A_1047 : i32 to index
        %swap3A_1057 = tpu.vector_load %arg8[%swap3A_1055, %swap3A_1056] {strides = array<i32>} : memref<32x1024xf32, #tpu.memory_space<vmem>>, vector<1x16xf32>,
        %swap3A_1058 = vector.shape_cast %swap3A_1057 : vector<1x16xf32> to vector<16xf32>
        %swap3A_1059 = vector.shape_cast %mul3A_1054 : vector<16xf32> to vector<1x16xf32>
        tpu.vector_store %arg8[%swap3A_1055, %swap3A_1056], %swap3A_1059 {strides = array<i32>} : memref<32x1024xf32, #tpu.memory_space<vmem>>, vector<1x16xf32>,
        %scan3A_1060 = arith.constant 6 : i32
        %scan3A_1061 = arith.addi %scan3A_967, %scan3A_1060 : i32
        %mul3A_1062 = arith.constant 16 : i32
        %mul3A_1063 = arith.muli %scan3A_1061, %mul3A_1062 : i32
        %get3A_1064 = arith.index_cast %scan3A_961 : i32 to index
        %get3A_1065 = arith.index_cast %mul3A_1063 : i32 to index
        %get3A_1066 = tpu.vector_load %arg8[%get3A_1064, %get3A_1065] {strides = array<i32>} : memref<32x1024xf32, #tpu.memory_space<vmem>>, vector<1x16xf32>,
        %get3A_1067 = vector.shape_cast %get3A_1066 : vector<1x16xf32> to vector<16xf32>
        %mul3A_1068 = arith.constant 3.200000e+01 : f32
        %mul3A_1069 = vector.broadcast %mul3A_1068 : f32 to vector<16xf32>
        %mul3A_1070 = arith.mulf %get3A_1067, %mul3A_1069 : vector<16xf32>
        %swap3A_1071 = arith.index_cast %scan3A_961 : i32 to index
        %swap3A_1072 = arith.index_cast %mul3A_1063 : i32 to index
        %swap3A_1073 = tpu.vector_load %arg8[%swap3A_1071, %swap3A_1072] {strides = array<i32>} : memref<32x1024xf32, #tpu.memory_space<vmem>>, vector<1x16xf32>,
        %swap3A_1074 = vector.shape_cast %swap3A_1073 : vector<1x16xf32> to vector<16xf32>
        %swap3A_1075 = vector.shape_cast %mul3A_1070 : vector<16xf32> to vector<1x16xf32>
        tpu.vector_store %arg8[%swap3A_1071, %swap3A_1072], %swap3A_1075 {strides = array<i32>} : memref<32x1024xf32, #tpu.memory_space<vmem>>, vector<1x16xf32>,
        %scan3A_1076 = arith.constant 7 : i32
        %scan3A_1077 = arith.addi %scan3A_967, %scan3A_1076 : i32
        %mul3A_1078 = arith.constant 16 : i32
        %mul3A_1079 = arith.muli %scan3A_1077, %mul3A_1078 : i32
        %get3A_1080 = arith.index_cast %scan3A_961 : i32 to index
        %get3A_1081 = arith.index_cast %mul3A_1079 : i32 to index
        %get3A_1082 = tpu.vector_load %arg8[%get3A_1080, %get3A_1081] {strides = array<i32>} : memref<32x1024xf32, #tpu.memory_space<vmem>>, vector<1x16xf32>,
        %get3A_1083 = vector.shape_cast %get3A_1082 : vector<1x16xf32> to vector<16xf32>
        %mul3A_1084 = arith.constant 3.200000e+01 : f32
        %mul3A_1085 = vector.broadcast %mul3A_1084 : f32 to vector<16xf32>
        %mul3A_1086 = arith.mulf %get3A_1083, %mul3A_1085 : vector<16xf32>
        %swap3A_1087 = arith.index_cast %scan3A_961 : i32 to index
        %swap3A_1088 = arith.index_cast %mul3A_1079 : i32 to index
        %swap3A_1089 = tpu.vector_load %arg8[%swap3A_1087, %swap3A_1088] {strides = array<i32>} : memref<32x1024xf32, #tpu.memory_space<vmem>>, vector<1x16xf32>,
        %swap3A_1090 = vector.shape_cast %swap3A_1089 : vector<1x16xf32> to vector<16xf32>
        %swap3A_1091 = vector.shape_cast %mul3A_1086 : vector<16xf32> to vector<1x16xf32>
        tpu.vector_store %arg8[%swap3A_1087, %swap3A_1088], %swap3A_1091 {strides = array<i32>} : memref<32x1024xf32, #tpu.memory_space<vmem>>, vector<1x16xf32>,
      }
      %scan3A_966 = arith.constant 64 : i32
    }
    %scan3A_752 = arith.constant 32 : i32
    %add3A_753 = arith.constant 416 : i32
    %add3A_754 = arith.addi %mul3A_32, %add3A_753 : i32
    %dma_start3A_755 = arith.constant 0 : i32
    %dma_start3A_756 = arith.constant 0 : i32
    %dma_start3A_757 = tpu.memref_slice %arg8[%dma_start3A_755, %dma_start3A_756] : memref<32x1024xf32, #tpu.memory_space<vmem>> -> memref<32x1024xf32, #tpu.memory_space<vmem>>
    %dma_start3A_758 = arith.constant 0 : i32
    %dma_start3A_759 = tpu.memref_slice %arg4[%select_n3A, %add3A_754, %dma_start3A_758] : memref<4x4096x1024xf32, #tpu.memory_space<hbm>> -> memref<1x32x1024xf32, #tpu.memory_space<hbm>>
    %dma_start3A_760 = tpu.memref_squeeze %dma_start3A_759 : memref<1x32x1024xf32, #tpu.memory_space<hbm>> -> memref<32x1024xf32, #tpu.memory_space<hbm>>
    %dma_start3A_761 = arith.constant 0 : i32
    %dma_start3A_762 = tpu.memref_slice %arg4[%select_n3A, %add3A_754, %dma_start3A_761] : memref<4x4096x1024xf32, #tpu.memory_space<hbm>> -> memref<1x32x1024xf32, #tpu.memory_space<hbm>>
    %dma_start3A_763 = tpu.memref_squeeze %dma_start3A_762 : memref<1x32x1024xf32, #tpu.memory_space<hbm>> -> memref<32x1024xf32, #tpu.memory_space<hbm>>
    %dma_start3A_764 = arith.constant 0 : i32
    %dma_start3A_765 = arith.constant 0 : i32
    %dma_start3A_766 = tpu.memref_slice %arg8[%dma_start3A_764, %dma_start3A_765] : memref<32x1024xf32, #tpu.memory_space<vmem>> -> memref<32x1024xf32, #tpu.memory_space<vmem>>
    tpu.enqueue_dma source(%dma_start3A_766 : memref<32x1024xf32, #tpu.memory_space<vmem>>) target(%dma_start3A_763 : memref<32x1024xf32, #tpu.memory_space<hbm>>) target_semaphore(%arg14 : memref<!tpu.dma_semaphore, #tpu.memory_space<semaphore_mem>>)
    %dma_wait3A_767 = arith.constant 0 : i32
    %dma_wait3A_768 = arith.constant 0 : i32
    %dma_wait3A_769 = tpu.memref_slice %arg6[%dma_wait3A_767, %dma_wait3A_768] : memref<32x1024xf32, #tpu.memory_space<vmem>> -> memref<32x1024xf32, #tpu.memory_space<vmem>>
    %dma_wait3A_770 = arith.constant 448 : i32
    %dma_wait3A_771 = tpu.memref_slice %arg5[%dma_wait3A_770] : memref<512xi32, #tpu.memory_space<vmem>> -> memref<32xi32, #tpu.memory_space<vmem>>
    %dma_wait3A_772 = arith.constant 0 : i32
    %dma_wait3A_773 = arith.constant 0 : i32
    %dma_wait3A_774 = tpu.memref_slice %arg3[%dma_wait3A_772, %dma_wait3A_773] : memref<100000x1024xf32, #tpu.memory_space<hbm>> -> memref<100000x1024xf32, #tpu.memory_space<hbm>>
    tpu.wait_indirect_dma semaphore(%arg9 : memref<!tpu.dma_semaphore, #tpu.memory_space<semaphore_mem>>) src(%dma_wait3A_774 : memref<100000x1024xf32, #tpu.memory_space<hbm>>) dst(%dma_wait3A_769 : memref<32x1024xf32, #tpu.memory_space<vmem>>)
    %add3A_775 = arith.constant 416 : i32
    %add3A_776 = arith.addi %mul3A_32, %add3A_775 : i32
    %dma_wait3A_777 = arith.constant 0 : i32
    %dma_wait3A_778 = arith.constant 0 : i32
    %dma_wait3A_779 = tpu.memref_slice %arg8[%dma_wait3A_777, %dma_wait3A_778] : memref<32x1024xf32, #tpu.memory_space<vmem>> -> memref<32x1024xf32, #tpu.memory_space<vmem>>
    %dma_wait3A_780 = arith.constant 0 : i32
    %dma_wait3A_781 = tpu.memref_slice %arg4[%select_n3A, %add3A_776, %dma_wait3A_780] : memref<4x4096x1024xf32, #tpu.memory_space<hbm>> -> memref<1x32x1024xf32, #tpu.memory_space<hbm>>
    %dma_wait3A_782 = tpu.memref_squeeze %dma_wait3A_781 : memref<1x32x1024xf32, #tpu.memory_space<hbm>> -> memref<32x1024xf32, #tpu.memory_space<hbm>>
    %dma_wait3A_783 = arith.constant 0 : i32
    %dma_wait3A_784 = tpu.memref_slice %arg4[%select_n3A, %add3A_776, %dma_wait3A_783] : memref<4x4096x1024xf32, #tpu.memory_space<hbm>> -> memref<1x32x1024xf32, #tpu.memory_space<hbm>>
    %dma_wait3A_785 = tpu.memref_squeeze %dma_wait3A_784 : memref<1x32x1024xf32, #tpu.memory_space<hbm>> -> memref<32x1024xf32, #tpu.memory_space<hbm>>
    %dma_wait3A_786 = arith.constant 0 : i32
    %dma_wait3A_787 = arith.constant 0 : i32
    %dma_wait3A_788 = tpu.memref_slice %arg8[%dma_wait3A_786, %dma_wait3A_787] : memref<32x1024xf32, #tpu.memory_space<vmem>> -> memref<32x1024xf32, #tpu.memory_space<vmem>>
    tpu.wait_dma2 semaphore(%arg14 : memref<!tpu.dma_semaphore, #tpu.memory_space<semaphore_mem>>) src(%dma_wait3A_788 : memref<32x1024xf32, #tpu.memory_space<vmem>>) dst(%dma_wait3A_785 : memref<32x1024xf32, #tpu.memory_space<hbm>>)
    %dma_start3A_789 = arith.constant 0 : i32
    %dma_start3A_790 = arith.constant 0 : i32
    %dma_start3A_791 = tpu.memref_slice %arg8[%dma_start3A_789, %dma_start3A_790] : memref<32x1024xf32, #tpu.memory_space<vmem>> -> memref<8x1024xf32, #tpu.memory_space<vmem>>
    %dma_start3A_792 = arith.constant 496 : i32
    %dma_start3A_793 = tpu.memref_slice %arg5[%dma_start3A_792] : memref<512xi32, #tpu.memory_space<vmem>> -> memref<8xi32, #tpu.memory_space<vmem>>
    %dma_start3A_794 = arith.constant 0 : i32
    %dma_start3A_795 = arith.constant 0 : i32
    %dma_start3A_796 = tpu.memref_slice %arg3[%dma_start3A_794, %dma_start3A_795] : memref<100000x1024xf32, #tpu.memory_space<hbm>> -> memref<100000x1024xf32, #tpu.memory_space<hbm>>
    tpu.enqueue_indirect_dma source(%dma_start3A_796 : memref<100000x1024xf32, #tpu.memory_space<hbm>>) target(%dma_start3A_791 : memref<8x1024xf32, #tpu.memory_space<vmem>>) offsets(%dma_start3A_793 : memref<8xi32, #tpu.memory_space<vmem>>) semaphore(%arg11 : memref<!tpu.dma_semaphore, #tpu.memory_space<semaphore_mem>>)
    %scan3A_797 = arith.constant 0 : i32
    %scan3A_798 = arith.constant 32 : i32
    %scan3A_799 = arith.addi %scan3A_797, %scan3A_798 : i32
    %scan3A_800 = arith.constant 1 : i32
    scf.for %scan3A_961 = %scan3A_797 to %scan3A_799 step %scan3A_800  : i32 {
      %scan3A_962 = arith.constant 0 : i32
      %scan3A_963 = arith.constant 64 : i32
      %scan3A_964 = arith.addi %scan3A_962, %scan3A_963 : i32
      %scan3A_965 = arith.constant 8 : i32
      scf.for %scan3A_967 = %scan3A_962 to %scan3A_964 step %scan3A_965  : i32 {
        %mul3A_968 = arith.constant 16 : i32
        %mul3A_969 = arith.muli %scan3A_967, %mul3A_968 : i32
        %get3A = arith.index_cast %scan3A_961 : i32 to index
        %get3A_970 = arith.index_cast %mul3A_969 : i32 to index
        %get3A_971 = tpu.vector_load %arg6[%get3A, %get3A_970] {strides = array<i32>} : memref<32x1024xf32, #tpu.memory_space<vmem>>, vector<1x16xf32>,
        %get3A_972 = vector.shape_cast %get3A_971 : vector<1x16xf32> to vector<16xf32>
        %mul3A_973 = arith.constant 3.200000e+01 : f32
        %mul3A_974 = vector.broadcast %mul3A_973 : f32 to vector<16xf32>
        %mul3A_975 = arith.mulf %get3A_972, %mul3A_974 : vector<16xf32>
        %swap3A = arith.index_cast %scan3A_961 : i32 to index
        %swap3A_976 = arith.index_cast %mul3A_969 : i32 to index
        %swap3A_977 = tpu.vector_load %arg6[%swap3A, %swap3A_976] {strides = array<i32>} : memref<32x1024xf32, #tpu.memory_space<vmem>>, vector<1x16xf32>,
        %swap3A_978 = vector.shape_cast %swap3A_977 : vector<1x16xf32> to vector<16xf32>
        %swap3A_979 = vector.shape_cast %mul3A_975 : vector<16xf32> to vector<1x16xf32>
        tpu.vector_store %arg6[%swap3A, %swap3A_976], %swap3A_979 {strides = array<i32>} : memref<32x1024xf32, #tpu.memory_space<vmem>>, vector<1x16xf32>,
        %scan3A_980 = arith.constant 1 : i32
        %scan3A_981 = arith.addi %scan3A_967, %scan3A_980 : i32
        %mul3A_982 = arith.constant 16 : i32
        %mul3A_983 = arith.muli %scan3A_981, %mul3A_982 : i32
        %get3A_984 = arith.index_cast %scan3A_961 : i32 to index
        %get3A_985 = arith.index_cast %mul3A_983 : i32 to index
        %get3A_986 = tpu.vector_load %arg6[%get3A_984, %get3A_985] {strides = array<i32>} : memref<32x1024xf32, #tpu.memory_space<vmem>>, vector<1x16xf32>,
        %get3A_987 = vector.shape_cast %get3A_986 : vector<1x16xf32> to vector<16xf32>
        %mul3A_988 = arith.constant 3.200000e+01 : f32
        %mul3A_989 = vector.broadcast %mul3A_988 : f32 to vector<16xf32>
        %mul3A_990 = arith.mulf %get3A_987, %mul3A_989 : vector<16xf32>
        %swap3A_991 = arith.index_cast %scan3A_961 : i32 to index
        %swap3A_992 = arith.index_cast %mul3A_983 : i32 to index
        %swap3A_993 = tpu.vector_load %arg6[%swap3A_991, %swap3A_992] {strides = array<i32>} : memref<32x1024xf32, #tpu.memory_space<vmem>>, vector<1x16xf32>,
        %swap3A_994 = vector.shape_cast %swap3A_993 : vector<1x16xf32> to vector<16xf32>
        %swap3A_995 = vector.shape_cast %mul3A_990 : vector<16xf32> to vector<1x16xf32>
        tpu.vector_store %arg6[%swap3A_991, %swap3A_992], %swap3A_995 {strides = array<i32>} : memref<32x1024xf32, #tpu.memory_space<vmem>>, vector<1x16xf32>,
        %scan3A_996 = arith.constant 2 : i32
        %scan3A_997 = arith.addi %scan3A_967, %scan3A_996 : i32
        %mul3A_998 = arith.constant 16 : i32
        %mul3A_999 = arith.muli %scan3A_997, %mul3A_998 : i32
        %get3A_1000 = arith.index_cast %scan3A_961 : i32 to index
        %get3A_1001 = arith.index_cast %mul3A_999 : i32 to index
        %get3A_1002 = tpu.vector_load %arg6[%get3A_1000, %get3A_1001] {strides = array<i32>} : memref<32x1024xf32, #tpu.memory_space<vmem>>, vector<1x16xf32>,
        %get3A_1003 = vector.shape_cast %get3A_1002 : vector<1x16xf32> to vector<16xf32>
        %mul3A_1004 = arith.constant 3.200000e+01 : f32
        %mul3A_1005 = vector.broadcast %mul3A_1004 : f32 to vector<16xf32>
        %mul3A_1006 = arith.mulf %get3A_1003, %mul3A_1005 : vector<16xf32>
        %swap3A_1007 = arith.index_cast %scan3A_961 : i32 to index
        %swap3A_1008 = arith.index_cast %mul3A_999 : i32 to index
        %swap3A_1009 = tpu.vector_load %arg6[%swap3A_1007, %swap3A_1008] {strides = array<i32>} : memref<32x1024xf32, #tpu.memory_space<vmem>>, vector<1x16xf32>,
        %swap3A_1010 = vector.shape_cast %swap3A_1009 : vector<1x16xf32> to vector<16xf32>
        %swap3A_1011 = vector.shape_cast %mul3A_1006 : vector<16xf32> to vector<1x16xf32>
        tpu.vector_store %arg6[%swap3A_1007, %swap3A_1008], %swap3A_1011 {strides = array<i32>} : memref<32x1024xf32, #tpu.memory_space<vmem>>, vector<1x16xf32>,
        %scan3A_1012 = arith.constant 3 : i32
        %scan3A_1013 = arith.addi %scan3A_967, %scan3A_1012 : i32
        %mul3A_1014 = arith.constant 16 : i32
        %mul3A_1015 = arith.muli %scan3A_1013, %mul3A_1014 : i32
        %get3A_1016 = arith.index_cast %scan3A_961 : i32 to index
        %get3A_1017 = arith.index_cast %mul3A_1015 : i32 to index
        %get3A_1018 = tpu.vector_load %arg6[%get3A_1016, %get3A_1017] {strides = array<i32>} : memref<32x1024xf32, #tpu.memory_space<vmem>>, vector<1x16xf32>,
        %get3A_1019 = vector.shape_cast %get3A_1018 : vector<1x16xf32> to vector<16xf32>
        %mul3A_1020 = arith.constant 3.200000e+01 : f32
        %mul3A_1021 = vector.broadcast %mul3A_1020 : f32 to vector<16xf32>
        %mul3A_1022 = arith.mulf %get3A_1019, %mul3A_1021 : vector<16xf32>
        %swap3A_1023 = arith.index_cast %scan3A_961 : i32 to index
        %swap3A_1024 = arith.index_cast %mul3A_1015 : i32 to index
        %swap3A_1025 = tpu.vector_load %arg6[%swap3A_1023, %swap3A_1024] {strides = array<i32>} : memref<32x1024xf32, #tpu.memory_space<vmem>>, vector<1x16xf32>,
        %swap3A_1026 = vector.shape_cast %swap3A_1025 : vector<1x16xf32> to vector<16xf32>
        %swap3A_1027 = vector.shape_cast %mul3A_1022 : vector<16xf32> to vector<1x16xf32>
        tpu.vector_store %arg6[%swap3A_1023, %swap3A_1024], %swap3A_1027 {strides = array<i32>} : memref<32x1024xf32, #tpu.memory_space<vmem>>, vector<1x16xf32>,
        %scan3A_1028 = arith.constant 4 : i32
        %scan3A_1029 = arith.addi %scan3A_967, %scan3A_1028 : i32
        %mul3A_1030 = arith.constant 16 : i32
        %mul3A_1031 = arith.muli %scan3A_1029, %mul3A_1030 : i32
        %get3A_1032 = arith.index_cast %scan3A_961 : i32 to index
        %get3A_1033 = arith.index_cast %mul3A_1031 : i32 to index
        %get3A_1034 = tpu.vector_load %arg6[%get3A_1032, %get3A_1033] {strides = array<i32>} : memref<32x1024xf32, #tpu.memory_space<vmem>>, vector<1x16xf32>,
        %get3A_1035 = vector.shape_cast %get3A_1034 : vector<1x16xf32> to vector<16xf32>
        %mul3A_1036 = arith.constant 3.200000e+01 : f32
        %mul3A_1037 = vector.broadcast %mul3A_1036 : f32 to vector<16xf32>
        %mul3A_1038 = arith.mulf %get3A_1035, %mul3A_1037 : vector<16xf32>
        %swap3A_1039 = arith.index_cast %scan3A_961 : i32 to index
        %swap3A_1040 = arith.index_cast %mul3A_1031 : i32 to index
        %swap3A_1041 = tpu.vector_load %arg6[%swap3A_1039, %swap3A_1040] {strides = array<i32>} : memref<32x1024xf32, #tpu.memory_space<vmem>>, vector<1x16xf32>,
        %swap3A_1042 = vector.shape_cast %swap3A_1041 : vector<1x16xf32> to vector<16xf32>
        %swap3A_1043 = vector.shape_cast %mul3A_1038 : vector<16xf32> to vector<1x16xf32>
        tpu.vector_store %arg6[%swap3A_1039, %swap3A_1040], %swap3A_1043 {strides = array<i32>} : memref<32x1024xf32, #tpu.memory_space<vmem>>, vector<1x16xf32>,
        %scan3A_1044 = arith.constant 5 : i32
        %scan3A_1045 = arith.addi %scan3A_967, %scan3A_1044 : i32
        %mul3A_1046 = arith.constant 16 : i32
        %mul3A_1047 = arith.muli %scan3A_1045, %mul3A_1046 : i32
        %get3A_1048 = arith.index_cast %scan3A_961 : i32 to index
        %get3A_1049 = arith.index_cast %mul3A_1047 : i32 to index
        %get3A_1050 = tpu.vector_load %arg6[%get3A_1048, %get3A_1049] {strides = array<i32>} : memref<32x1024xf32, #tpu.memory_space<vmem>>, vector<1x16xf32>,
        %get3A_1051 = vector.shape_cast %get3A_1050 : vector<1x16xf32> to vector<16xf32>
        %mul3A_1052 = arith.constant 3.200000e+01 : f32
        %mul3A_1053 = vector.broadcast %mul3A_1052 : f32 to vector<16xf32>
        %mul3A_1054 = arith.mulf %get3A_1051, %mul3A_1053 : vector<16xf32>
        %swap3A_1055 = arith.index_cast %scan3A_961 : i32 to index
        %swap3A_1056 = arith.index_cast %mul3A_1047 : i32 to index
        %swap3A_1057 = tpu.vector_load %arg6[%swap3A_1055, %swap3A_1056] {strides = array<i32>} : memref<32x1024xf32, #tpu.memory_space<vmem>>, vector<1x16xf32>,
        %swap3A_1058 = vector.shape_cast %swap3A_1057 : vector<1x16xf32> to vector<16xf32>
        %swap3A_1059 = vector.shape_cast %mul3A_1054 : vector<16xf32> to vector<1x16xf32>
        tpu.vector_store %arg6[%swap3A_1055, %swap3A_1056], %swap3A_1059 {strides = array<i32>} : memref<32x1024xf32, #tpu.memory_space<vmem>>, vector<1x16xf32>,
        %scan3A_1060 = arith.constant 6 : i32
        %scan3A_1061 = arith.addi %scan3A_967, %scan3A_1060 : i32
        %mul3A_1062 = arith.constant 16 : i32
        %mul3A_1063 = arith.muli %scan3A_1061, %mul3A_1062 : i32
        %get3A_1064 = arith.index_cast %scan3A_961 : i32 to index
        %get3A_1065 = arith.index_cast %mul3A_1063 : i32 to index
        %get3A_1066 = tpu.vector_load %arg6[%get3A_1064, %get3A_1065] {strides = array<i32>} : memref<32x1024xf32, #tpu.memory_space<vmem>>, vector<1x16xf32>,
        %get3A_1067 = vector.shape_cast %get3A_1066 : vector<1x16xf32> to vector<16xf32>
        %mul3A_1068 = arith.constant 3.200000e+01 : f32
        %mul3A_1069 = vector.broadcast %mul3A_1068 : f32 to vector<16xf32>
        %mul3A_1070 = arith.mulf %get3A_1067, %mul3A_1069 : vector<16xf32>
        %swap3A_1071 = arith.index_cast %scan3A_961 : i32 to index
        %swap3A_1072 = arith.index_cast %mul3A_1063 : i32 to index
        %swap3A_1073 = tpu.vector_load %arg6[%swap3A_1071, %swap3A_1072] {strides = array<i32>} : memref<32x1024xf32, #tpu.memory_space<vmem>>, vector<1x16xf32>,
        %swap3A_1074 = vector.shape_cast %swap3A_1073 : vector<1x16xf32> to vector<16xf32>
        %swap3A_1075 = vector.shape_cast %mul3A_1070 : vector<16xf32> to vector<1x16xf32>
        tpu.vector_store %arg6[%swap3A_1071, %swap3A_1072], %swap3A_1075 {strides = array<i32>} : memref<32x1024xf32, #tpu.memory_space<vmem>>, vector<1x16xf32>,
        %scan3A_1076 = arith.constant 7 : i32
        %scan3A_1077 = arith.addi %scan3A_967, %scan3A_1076 : i32
        %mul3A_1078 = arith.constant 16 : i32
        %mul3A_1079 = arith.muli %scan3A_1077, %mul3A_1078 : i32
        %get3A_1080 = arith.index_cast %scan3A_961 : i32 to index
        %get3A_1081 = arith.index_cast %mul3A_1079 : i32 to index
        %get3A_1082 = tpu.vector_load %arg6[%get3A_1080, %get3A_1081] {strides = array<i32>} : memref<32x1024xf32, #tpu.memory_space<vmem>>, vector<1x16xf32>,
        %get3A_1083 = vector.shape_cast %get3A_1082 : vector<1x16xf32> to vector<16xf32>
        %mul3A_1084 = arith.constant 3.200000e+01 : f32
        %mul3A_1085 = vector.broadcast %mul3A_1084 : f32 to vector<16xf32>
        %mul3A_1086 = arith.mulf %get3A_1083, %mul3A_1085 : vector<16xf32>
        %swap3A_1087 = arith.index_cast %scan3A_961 : i32 to index
        %swap3A_1088 = arith.index_cast %mul3A_1079 : i32 to index
        %swap3A_1089 = tpu.vector_load %arg6[%swap3A_1087, %swap3A_1088] {strides = array<i32>} : memref<32x1024xf32, #tpu.memory_space<vmem>>, vector<1x16xf32>,
        %swap3A_1090 = vector.shape_cast %swap3A_1089 : vector<1x16xf32> to vector<16xf32>
        %swap3A_1091 = vector.shape_cast %mul3A_1086 : vector<16xf32> to vector<1x16xf32>
        tpu.vector_store %arg6[%swap3A_1087, %swap3A_1088], %swap3A_1091 {strides = array<i32>} : memref<32x1024xf32, #tpu.memory_space<vmem>>, vector<1x16xf32>,
      }
      %scan3A_966 = arith.constant 64 : i32
    }
    %scan3A_801 = arith.constant 32 : i32
    %add3A_802 = arith.constant 448 : i32
    %add3A_803 = arith.addi %mul3A_32, %add3A_802 : i32
    %dma_start3A_804 = arith.constant 0 : i32
    %dma_start3A_805 = arith.constant 0 : i32
    %dma_start3A_806 = tpu.memref_slice %arg6[%dma_start3A_804, %dma_start3A_805] : memref<32x1024xf32, #tpu.memory_space<vmem>> -> memref<32x1024xf32, #tpu.memory_space<vmem>>
    %dma_start3A_807 = arith.constant 0 : i32
    %dma_start3A_808 = tpu.memref_slice %arg4[%select_n3A, %add3A_803, %dma_start3A_807] : memref<4x4096x1024xf32, #tpu.memory_space<hbm>> -> memref<1x32x1024xf32, #tpu.memory_space<hbm>>
    %dma_start3A_809 = tpu.memref_squeeze %dma_start3A_808 : memref<1x32x1024xf32, #tpu.memory_space<hbm>> -> memref<32x1024xf32, #tpu.memory_space<hbm>>
    %dma_start3A_810 = arith.constant 0 : i32
    %dma_start3A_811 = tpu.memref_slice %arg4[%select_n3A, %add3A_803, %dma_start3A_810] : memref<4x4096x1024xf32, #tpu.memory_space<hbm>> -> memref<1x32x1024xf32, #tpu.memory_space<hbm>>
    %dma_start3A_812 = tpu.memref_squeeze %dma_start3A_811 : memref<1x32x1024xf32, #tpu.memory_space<hbm>> -> memref<32x1024xf32, #tpu.memory_space<hbm>>
    %dma_start3A_813 = arith.constant 0 : i32
    %dma_start3A_814 = arith.constant 0 : i32
    %dma_start3A_815 = tpu.memref_slice %arg6[%dma_start3A_813, %dma_start3A_814] : memref<32x1024xf32, #tpu.memory_space<vmem>> -> memref<32x1024xf32, #tpu.memory_space<vmem>>
    tpu.enqueue_dma source(%dma_start3A_815 : memref<32x1024xf32, #tpu.memory_space<vmem>>) target(%dma_start3A_812 : memref<32x1024xf32, #tpu.memory_space<hbm>>) target_semaphore(%arg12 : memref<!tpu.dma_semaphore, #tpu.memory_space<semaphore_mem>>)
    %dma_wait3A_816 = arith.constant 0 : i32
    %dma_wait3A_817 = arith.constant 0 : i32
    %dma_wait3A_818 = tpu.memref_slice %arg7[%dma_wait3A_816, %dma_wait3A_817] : memref<32x1024xf32, #tpu.memory_space<vmem>> -> memref<16x1024xf32, #tpu.memory_space<vmem>>
    %dma_wait3A_819 = arith.constant 480 : i32
    %dma_wait3A_820 = tpu.memref_slice %arg5[%dma_wait3A_819] : memref<512xi32, #tpu.memory_space<vmem>> -> memref<16xi32, #tpu.memory_space<vmem>>
    %dma_wait3A_821 = arith.constant 0 : i32
    %dma_wait3A_822 = arith.constant 0 : i32
    %dma_wait3A_823 = tpu.memref_slice %arg3[%dma_wait3A_821, %dma_wait3A_822] : memref<100000x1024xf32, #tpu.memory_space<hbm>> -> memref<100000x1024xf32, #tpu.memory_space<hbm>>
    tpu.wait_indirect_dma semaphore(%arg10 : memref<!tpu.dma_semaphore, #tpu.memory_space<semaphore_mem>>) src(%dma_wait3A_823 : memref<100000x1024xf32, #tpu.memory_space<hbm>>) dst(%dma_wait3A_818 : memref<16x1024xf32, #tpu.memory_space<vmem>>)
    %add3A_824 = arith.constant 448 : i32
    %add3A_825 = arith.addi %mul3A_32, %add3A_824 : i32
    %dma_wait3A_826 = arith.constant 0 : i32
    %dma_wait3A_827 = arith.constant 0 : i32
    %dma_wait3A_828 = tpu.memref_slice %arg6[%dma_wait3A_826, %dma_wait3A_827] : memref<32x1024xf32, #tpu.memory_space<vmem>> -> memref<32x1024xf32, #tpu.memory_space<vmem>>
    %dma_wait3A_829 = arith.constant 0 : i32
    %dma_wait3A_830 = tpu.memref_slice %arg4[%select_n3A, %add3A_825, %dma_wait3A_829] : memref<4x4096x1024xf32, #tpu.memory_space<hbm>> -> memref<1x32x1024xf32, #tpu.memory_space<hbm>>
    %dma_wait3A_831 = tpu.memref_squeeze %dma_wait3A_830 : memref<1x32x1024xf32, #tpu.memory_space<hbm>> -> memref<32x1024xf32, #tpu.memory_space<hbm>>
    %dma_wait3A_832 = arith.constant 0 : i32
    %dma_wait3A_833 = tpu.memref_slice %arg4[%select_n3A, %add3A_825, %dma_wait3A_832] : memref<4x4096x1024xf32, #tpu.memory_space<hbm>> -> memref<1x32x1024xf32, #tpu.memory_space<hbm>>
    %dma_wait3A_834 = tpu.memref_squeeze %dma_wait3A_833 : memref<1x32x1024xf32, #tpu.memory_space<hbm>> -> memref<32x1024xf32, #tpu.memory_space<hbm>>
    %dma_wait3A_835 = arith.constant 0 : i32
    %dma_wait3A_836 = arith.constant 0 : i32
    %dma_wait3A_837 = tpu.memref_slice %arg6[%dma_wait3A_835, %dma_wait3A_836] : memref<32x1024xf32, #tpu.memory_space<vmem>> -> memref<32x1024xf32, #tpu.memory_space<vmem>>
    tpu.wait_dma2 semaphore(%arg12 : memref<!tpu.dma_semaphore, #tpu.memory_space<semaphore_mem>>) src(%dma_wait3A_837 : memref<32x1024xf32, #tpu.memory_space<vmem>>) dst(%dma_wait3A_834 : memref<32x1024xf32, #tpu.memory_space<hbm>>)
    %dma_start3A_838 = arith.constant 0 : i32
    %dma_start3A_839 = arith.constant 0 : i32
    %dma_start3A_840 = tpu.memref_slice %arg6[%dma_start3A_838, %dma_start3A_839] : memref<32x1024xf32, #tpu.memory_space<vmem>> -> memref<8x1024xf32, #tpu.memory_space<vmem>>
    %dma_start3A_841 = arith.constant 504 : i32
    %dma_start3A_842 = tpu.memref_slice %arg5[%dma_start3A_841] : memref<512xi32, #tpu.memory_space<vmem>> -> memref<8xi32, #tpu.memory_space<vmem>>
    %dma_start3A_843 = arith.constant 0 : i32
    %dma_start3A_844 = arith.constant 0 : i32
    %dma_start3A_845 = tpu.memref_slice %arg3[%dma_start3A_843, %dma_start3A_844] : memref<100000x1024xf32, #tpu.memory_space<hbm>> -> memref<100000x1024xf32, #tpu.memory_space<hbm>>
    tpu.enqueue_indirect_dma source(%dma_start3A_845 : memref<100000x1024xf32, #tpu.memory_space<hbm>>) target(%dma_start3A_840 : memref<8x1024xf32, #tpu.memory_space<vmem>>) offsets(%dma_start3A_842 : memref<8xi32, #tpu.memory_space<vmem>>) semaphore(%arg9 : memref<!tpu.dma_semaphore, #tpu.memory_space<semaphore_mem>>)
    %scan3A_846 = arith.constant 0 : i32
    %scan3A_847 = arith.constant 16 : i32
    %scan3A_848 = arith.addi %scan3A_846, %scan3A_847 : i32
    %scan3A_849 = arith.constant 1 : i32
    scf.for %scan3A_961 = %scan3A_846 to %scan3A_848 step %scan3A_849  : i32 {
      %scan3A_962 = arith.constant 0 : i32
      %scan3A_963 = arith.constant 64 : i32
      %scan3A_964 = arith.addi %scan3A_962, %scan3A_963 : i32
      %scan3A_965 = arith.constant 8 : i32
      scf.for %scan3A_967 = %scan3A_962 to %scan3A_964 step %scan3A_965  : i32 {
        %mul3A_968 = arith.constant 16 : i32
        %mul3A_969 = arith.muli %scan3A_967, %mul3A_968 : i32
        %get3A = arith.index_cast %scan3A_961 : i32 to index
        %get3A_970 = arith.index_cast %mul3A_969 : i32 to index
        %get3A_971 = tpu.vector_load %arg7[%get3A, %get3A_970] {strides = array<i32>} : memref<32x1024xf32, #tpu.memory_space<vmem>>, vector<1x16xf32>,
        %get3A_972 = vector.shape_cast %get3A_971 : vector<1x16xf32> to vector<16xf32>
        %mul3A_973 = arith.constant 3.200000e+01 : f32
        %mul3A_974 = vector.broadcast %mul3A_973 : f32 to vector<16xf32>
        %mul3A_975 = arith.mulf %get3A_972, %mul3A_974 : vector<16xf32>
        %swap3A = arith.index_cast %scan3A_961 : i32 to index
        %swap3A_976 = arith.index_cast %mul3A_969 : i32 to index
        %swap3A_977 = tpu.vector_load %arg7[%swap3A, %swap3A_976] {strides = array<i32>} : memref<32x1024xf32, #tpu.memory_space<vmem>>, vector<1x16xf32>,
        %swap3A_978 = vector.shape_cast %swap3A_977 : vector<1x16xf32> to vector<16xf32>
        %swap3A_979 = vector.shape_cast %mul3A_975 : vector<16xf32> to vector<1x16xf32>
        tpu.vector_store %arg7[%swap3A, %swap3A_976], %swap3A_979 {strides = array<i32>} : memref<32x1024xf32, #tpu.memory_space<vmem>>, vector<1x16xf32>,
        %scan3A_980 = arith.constant 1 : i32
        %scan3A_981 = arith.addi %scan3A_967, %scan3A_980 : i32
        %mul3A_982 = arith.constant 16 : i32
        %mul3A_983 = arith.muli %scan3A_981, %mul3A_982 : i32
        %get3A_984 = arith.index_cast %scan3A_961 : i32 to index
        %get3A_985 = arith.index_cast %mul3A_983 : i32 to index
        %get3A_986 = tpu.vector_load %arg7[%get3A_984, %get3A_985] {strides = array<i32>} : memref<32x1024xf32, #tpu.memory_space<vmem>>, vector<1x16xf32>,
        %get3A_987 = vector.shape_cast %get3A_986 : vector<1x16xf32> to vector<16xf32>
        %mul3A_988 = arith.constant 3.200000e+01 : f32
        %mul3A_989 = vector.broadcast %mul3A_988 : f32 to vector<16xf32>
        %mul3A_990 = arith.mulf %get3A_987, %mul3A_989 : vector<16xf32>
        %swap3A_991 = arith.index_cast %scan3A_961 : i32 to index
        %swap3A_992 = arith.index_cast %mul3A_983 : i32 to index
        %swap3A_993 = tpu.vector_load %arg7[%swap3A_991, %swap3A_992] {strides = array<i32>} : memref<32x1024xf32, #tpu.memory_space<vmem>>, vector<1x16xf32>,
        %swap3A_994 = vector.shape_cast %swap3A_993 : vector<1x16xf32> to vector<16xf32>
        %swap3A_995 = vector.shape_cast %mul3A_990 : vector<16xf32> to vector<1x16xf32>
        tpu.vector_store %arg7[%swap3A_991, %swap3A_992], %swap3A_995 {strides = array<i32>} : memref<32x1024xf32, #tpu.memory_space<vmem>>, vector<1x16xf32>,
        %scan3A_996 = arith.constant 2 : i32
        %scan3A_997 = arith.addi %scan3A_967, %scan3A_996 : i32
        %mul3A_998 = arith.constant 16 : i32
        %mul3A_999 = arith.muli %scan3A_997, %mul3A_998 : i32
        %get3A_1000 = arith.index_cast %scan3A_961 : i32 to index
        %get3A_1001 = arith.index_cast %mul3A_999 : i32 to index
        %get3A_1002 = tpu.vector_load %arg7[%get3A_1000, %get3A_1001] {strides = array<i32>} : memref<32x1024xf32, #tpu.memory_space<vmem>>, vector<1x16xf32>,
        %get3A_1003 = vector.shape_cast %get3A_1002 : vector<1x16xf32> to vector<16xf32>
        %mul3A_1004 = arith.constant 3.200000e+01 : f32
        %mul3A_1005 = vector.broadcast %mul3A_1004 : f32 to vector<16xf32>
        %mul3A_1006 = arith.mulf %get3A_1003, %mul3A_1005 : vector<16xf32>
        %swap3A_1007 = arith.index_cast %scan3A_961 : i32 to index
        %swap3A_1008 = arith.index_cast %mul3A_999 : i32 to index
        %swap3A_1009 = tpu.vector_load %arg7[%swap3A_1007, %swap3A_1008] {strides = array<i32>} : memref<32x1024xf32, #tpu.memory_space<vmem>>, vector<1x16xf32>,
        %swap3A_1010 = vector.shape_cast %swap3A_1009 : vector<1x16xf32> to vector<16xf32>
        %swap3A_1011 = vector.shape_cast %mul3A_1006 : vector<16xf32> to vector<1x16xf32>
        tpu.vector_store %arg7[%swap3A_1007, %swap3A_1008], %swap3A_1011 {strides = array<i32>} : memref<32x1024xf32, #tpu.memory_space<vmem>>, vector<1x16xf32>,
        %scan3A_1012 = arith.constant 3 : i32
        %scan3A_1013 = arith.addi %scan3A_967, %scan3A_1012 : i32
        %mul3A_1014 = arith.constant 16 : i32
        %mul3A_1015 = arith.muli %scan3A_1013, %mul3A_1014 : i32
        %get3A_1016 = arith.index_cast %scan3A_961 : i32 to index
        %get3A_1017 = arith.index_cast %mul3A_1015 : i32 to index
        %get3A_1018 = tpu.vector_load %arg7[%get3A_1016, %get3A_1017] {strides = array<i32>} : memref<32x1024xf32, #tpu.memory_space<vmem>>, vector<1x16xf32>,
        %get3A_1019 = vector.shape_cast %get3A_1018 : vector<1x16xf32> to vector<16xf32>
        %mul3A_1020 = arith.constant 3.200000e+01 : f32
        %mul3A_1021 = vector.broadcast %mul3A_1020 : f32 to vector<16xf32>
        %mul3A_1022 = arith.mulf %get3A_1019, %mul3A_1021 : vector<16xf32>
        %swap3A_1023 = arith.index_cast %scan3A_961 : i32 to index
        %swap3A_1024 = arith.index_cast %mul3A_1015 : i32 to index
        %swap3A_1025 = tpu.vector_load %arg7[%swap3A_1023, %swap3A_1024] {strides = array<i32>} : memref<32x1024xf32, #tpu.memory_space<vmem>>, vector<1x16xf32>,
        %swap3A_1026 = vector.shape_cast %swap3A_1025 : vector<1x16xf32> to vector<16xf32>
        %swap3A_1027 = vector.shape_cast %mul3A_1022 : vector<16xf32> to vector<1x16xf32>
        tpu.vector_store %arg7[%swap3A_1023, %swap3A_1024], %swap3A_1027 {strides = array<i32>} : memref<32x1024xf32, #tpu.memory_space<vmem>>, vector<1x16xf32>,
        %scan3A_1028 = arith.constant 4 : i32
        %scan3A_1029 = arith.addi %scan3A_967, %scan3A_1028 : i32
        %mul3A_1030 = arith.constant 16 : i32
        %mul3A_1031 = arith.muli %scan3A_1029, %mul3A_1030 : i32
        %get3A_1032 = arith.index_cast %scan3A_961 : i32 to index
        %get3A_1033 = arith.index_cast %mul3A_1031 : i32 to index
        %get3A_1034 = tpu.vector_load %arg7[%get3A_1032, %get3A_1033] {strides = array<i32>} : memref<32x1024xf32, #tpu.memory_space<vmem>>, vector<1x16xf32>,
        %get3A_1035 = vector.shape_cast %get3A_1034 : vector<1x16xf32> to vector<16xf32>
        %mul3A_1036 = arith.constant 3.200000e+01 : f32
        %mul3A_1037 = vector.broadcast %mul3A_1036 : f32 to vector<16xf32>
        %mul3A_1038 = arith.mulf %get3A_1035, %mul3A_1037 : vector<16xf32>
        %swap3A_1039 = arith.index_cast %scan3A_961 : i32 to index
        %swap3A_1040 = arith.index_cast %mul3A_1031 : i32 to index
        %swap3A_1041 = tpu.vector_load %arg7[%swap3A_1039, %swap3A_1040] {strides = array<i32>} : memref<32x1024xf32, #tpu.memory_space<vmem>>, vector<1x16xf32>,
        %swap3A_1042 = vector.shape_cast %swap3A_1041 : vector<1x16xf32> to vector<16xf32>
        %swap3A_1043 = vector.shape_cast %mul3A_1038 : vector<16xf32> to vector<1x16xf32>
        tpu.vector_store %arg7[%swap3A_1039, %swap3A_1040], %swap3A_1043 {strides = array<i32>} : memref<32x1024xf32, #tpu.memory_space<vmem>>, vector<1x16xf32>,
        %scan3A_1044 = arith.constant 5 : i32
        %scan3A_1045 = arith.addi %scan3A_967, %scan3A_1044 : i32
        %mul3A_1046 = arith.constant 16 : i32
        %mul3A_1047 = arith.muli %scan3A_1045, %mul3A_1046 : i32
        %get3A_1048 = arith.index_cast %scan3A_961 : i32 to index
        %get3A_1049 = arith.index_cast %mul3A_1047 : i32 to index
        %get3A_1050 = tpu.vector_load %arg7[%get3A_1048, %get3A_1049] {strides = array<i32>} : memref<32x1024xf32, #tpu.memory_space<vmem>>, vector<1x16xf32>,
        %get3A_1051 = vector.shape_cast %get3A_1050 : vector<1x16xf32> to vector<16xf32>
        %mul3A_1052 = arith.constant 3.200000e+01 : f32
        %mul3A_1053 = vector.broadcast %mul3A_1052 : f32 to vector<16xf32>
        %mul3A_1054 = arith.mulf %get3A_1051, %mul3A_1053 : vector<16xf32>
        %swap3A_1055 = arith.index_cast %scan3A_961 : i32 to index
        %swap3A_1056 = arith.index_cast %mul3A_1047 : i32 to index
        %swap3A_1057 = tpu.vector_load %arg7[%swap3A_1055, %swap3A_1056] {strides = array<i32>} : memref<32x1024xf32, #tpu.memory_space<vmem>>, vector<1x16xf32>,
        %swap3A_1058 = vector.shape_cast %swap3A_1057 : vector<1x16xf32> to vector<16xf32>
        %swap3A_1059 = vector.shape_cast %mul3A_1054 : vector<16xf32> to vector<1x16xf32>
        tpu.vector_store %arg7[%swap3A_1055, %swap3A_1056], %swap3A_1059 {strides = array<i32>} : memref<32x1024xf32, #tpu.memory_space<vmem>>, vector<1x16xf32>,
        %scan3A_1060 = arith.constant 6 : i32
        %scan3A_1061 = arith.addi %scan3A_967, %scan3A_1060 : i32
        %mul3A_1062 = arith.constant 16 : i32
        %mul3A_1063 = arith.muli %scan3A_1061, %mul3A_1062 : i32
        %get3A_1064 = arith.index_cast %scan3A_961 : i32 to index
        %get3A_1065 = arith.index_cast %mul3A_1063 : i32 to index
        %get3A_1066 = tpu.vector_load %arg7[%get3A_1064, %get3A_1065] {strides = array<i32>} : memref<32x1024xf32, #tpu.memory_space<vmem>>, vector<1x16xf32>,
        %get3A_1067 = vector.shape_cast %get3A_1066 : vector<1x16xf32> to vector<16xf32>
        %mul3A_1068 = arith.constant 3.200000e+01 : f32
        %mul3A_1069 = vector.broadcast %mul3A_1068 : f32 to vector<16xf32>
        %mul3A_1070 = arith.mulf %get3A_1067, %mul3A_1069 : vector<16xf32>
        %swap3A_1071 = arith.index_cast %scan3A_961 : i32 to index
        %swap3A_1072 = arith.index_cast %mul3A_1063 : i32 to index
        %swap3A_1073 = tpu.vector_load %arg7[%swap3A_1071, %swap3A_1072] {strides = array<i32>} : memref<32x1024xf32, #tpu.memory_space<vmem>>, vector<1x16xf32>,
        %swap3A_1074 = vector.shape_cast %swap3A_1073 : vector<1x16xf32> to vector<16xf32>
        %swap3A_1075 = vector.shape_cast %mul3A_1070 : vector<16xf32> to vector<1x16xf32>
        tpu.vector_store %arg7[%swap3A_1071, %swap3A_1072], %swap3A_1075 {strides = array<i32>} : memref<32x1024xf32, #tpu.memory_space<vmem>>, vector<1x16xf32>,
        %scan3A_1076 = arith.constant 7 : i32
        %scan3A_1077 = arith.addi %scan3A_967, %scan3A_1076 : i32
        %mul3A_1078 = arith.constant 16 : i32
        %mul3A_1079 = arith.muli %scan3A_1077, %mul3A_1078 : i32
        %get3A_1080 = arith.index_cast %scan3A_961 : i32 to index
        %get3A_1081 = arith.index_cast %mul3A_1079 : i32 to index
        %get3A_1082 = tpu.vector_load %arg7[%get3A_1080, %get3A_1081] {strides = array<i32>} : memref<32x1024xf32, #tpu.memory_space<vmem>>, vector<1x16xf32>,
        %get3A_1083 = vector.shape_cast %get3A_1082 : vector<1x16xf32> to vector<16xf32>
        %mul3A_1084 = arith.constant 3.200000e+01 : f32
        %mul3A_1085 = vector.broadcast %mul3A_1084 : f32 to vector<16xf32>
        %mul3A_1086 = arith.mulf %get3A_1083, %mul3A_1085 : vector<16xf32>
        %swap3A_1087 = arith.index_cast %scan3A_961 : i32 to index
        %swap3A_1088 = arith.index_cast %mul3A_1079 : i32 to index
        %swap3A_1089 = tpu.vector_load %arg7[%swap3A_1087, %swap3A_1088] {strides = array<i32>} : memref<32x1024xf32, #tpu.memory_space<vmem>>, vector<1x16xf32>,
        %swap3A_1090 = vector.shape_cast %swap3A_1089 : vector<1x16xf32> to vector<16xf32>
        %swap3A_1091 = vector.shape_cast %mul3A_1086 : vector<16xf32> to vector<1x16xf32>
        tpu.vector_store %arg7[%swap3A_1087, %swap3A_1088], %swap3A_1091 {strides = array<i32>} : memref<32x1024xf32, #tpu.memory_space<vmem>>, vector<1x16xf32>,
      }
      %scan3A_966 = arith.constant 64 : i32
    }
    %scan3A_850 = arith.constant 16 : i32
    %add3A_851 = arith.constant 480 : i32
    %add3A_852 = arith.addi %mul3A_32, %add3A_851 : i32
    %dma_start3A_853 = arith.constant 0 : i32
    %dma_start3A_854 = arith.constant 0 : i32
    %dma_start3A_855 = tpu.memref_slice %arg7[%dma_start3A_853, %dma_start3A_854] : memref<32x1024xf32, #tpu.memory_space<vmem>> -> memref<16x1024xf32, #tpu.memory_space<vmem>>
    %dma_start3A_856 = arith.constant 0 : i32
    %dma_start3A_857 = tpu.memref_slice %arg4[%select_n3A, %add3A_852, %dma_start3A_856] : memref<4x4096x1024xf32, #tpu.memory_space<hbm>> -> memref<1x16x1024xf32, #tpu.memory_space<hbm>>
    %dma_start3A_858 = tpu.memref_squeeze %dma_start3A_857 : memref<1x16x1024xf32, #tpu.memory_space<hbm>> -> memref<16x1024xf32, #tpu.memory_space<hbm>>
    %dma_start3A_859 = arith.constant 0 : i32
    %dma_start3A_860 = tpu.memref_slice %arg4[%select_n3A, %add3A_852, %dma_start3A_859] : memref<4x4096x1024xf32, #tpu.memory_space<hbm>> -> memref<1x16x1024xf32, #tpu.memory_space<hbm>>
    %dma_start3A_861 = tpu.memref_squeeze %dma_start3A_860 : memref<1x16x1024xf32, #tpu.memory_space<hbm>> -> memref<16x1024xf32, #tpu.memory_space<hbm>>
    %dma_start3A_862 = arith.constant 0 : i32
    %dma_start3A_863 = arith.constant 0 : i32
    %dma_start3A_864 = tpu.memref_slice %arg7[%dma_start3A_862, %dma_start3A_863] : memref<32x1024xf32, #tpu.memory_space<vmem>> -> memref<16x1024xf32, #tpu.memory_space<vmem>>
    tpu.enqueue_dma source(%dma_start3A_864 : memref<16x1024xf32, #tpu.memory_space<vmem>>) target(%dma_start3A_861 : memref<16x1024xf32, #tpu.memory_space<hbm>>) target_semaphore(%arg13 : memref<!tpu.dma_semaphore, #tpu.memory_space<semaphore_mem>>)
    %dma_wait3A_865 = arith.constant 0 : i32
    %dma_wait3A_866 = arith.constant 0 : i32
    %dma_wait3A_867 = tpu.memref_slice %arg8[%dma_wait3A_865, %dma_wait3A_866] : memref<32x1024xf32, #tpu.memory_space<vmem>> -> memref<8x1024xf32, #tpu.memory_space<vmem>>
    %dma_wait3A_868 = arith.constant 496 : i32
    %dma_wait3A_869 = tpu.memref_slice %arg5[%dma_wait3A_868] : memref<512xi32, #tpu.memory_space<vmem>> -> memref<8xi32, #tpu.memory_space<vmem>>
    %dma_wait3A_870 = arith.constant 0 : i32
    %dma_wait3A_871 = arith.constant 0 : i32
    %dma_wait3A_872 = tpu.memref_slice %arg3[%dma_wait3A_870, %dma_wait3A_871] : memref<100000x1024xf32, #tpu.memory_space<hbm>> -> memref<100000x1024xf32, #tpu.memory_space<hbm>>
    tpu.wait_indirect_dma semaphore(%arg11 : memref<!tpu.dma_semaphore, #tpu.memory_space<semaphore_mem>>) src(%dma_wait3A_872 : memref<100000x1024xf32, #tpu.memory_space<hbm>>) dst(%dma_wait3A_867 : memref<8x1024xf32, #tpu.memory_space<vmem>>)
    %scan3A_873 = arith.constant 0 : i32
    %scan3A_874 = arith.constant 8 : i32
    %scan3A_875 = arith.addi %scan3A_873, %scan3A_874 : i32
    %scan3A_876 = arith.constant 1 : i32
    scf.for %scan3A_961 = %scan3A_873 to %scan3A_875 step %scan3A_876  : i32 {
      %scan3A_962 = arith.constant 0 : i32
      %scan3A_963 = arith.constant 64 : i32
      %scan3A_964 = arith.addi %scan3A_962, %scan3A_963 : i32
      %scan3A_965 = arith.constant 8 : i32
      scf.for %scan3A_967 = %scan3A_962 to %scan3A_964 step %scan3A_965  : i32 {
        %mul3A_968 = arith.constant 16 : i32
        %mul3A_969 = arith.muli %scan3A_967, %mul3A_968 : i32
        %get3A = arith.index_cast %scan3A_961 : i32 to index
        %get3A_970 = arith.index_cast %mul3A_969 : i32 to index
        %get3A_971 = tpu.vector_load %arg8[%get3A, %get3A_970] {strides = array<i32>} : memref<32x1024xf32, #tpu.memory_space<vmem>>, vector<1x16xf32>,
        %get3A_972 = vector.shape_cast %get3A_971 : vector<1x16xf32> to vector<16xf32>
        %mul3A_973 = arith.constant 3.200000e+01 : f32
        %mul3A_974 = vector.broadcast %mul3A_973 : f32 to vector<16xf32>
        %mul3A_975 = arith.mulf %get3A_972, %mul3A_974 : vector<16xf32>
        %swap3A = arith.index_cast %scan3A_961 : i32 to index
        %swap3A_976 = arith.index_cast %mul3A_969 : i32 to index
        %swap3A_977 = tpu.vector_load %arg8[%swap3A, %swap3A_976] {strides = array<i32>} : memref<32x1024xf32, #tpu.memory_space<vmem>>, vector<1x16xf32>,
        %swap3A_978 = vector.shape_cast %swap3A_977 : vector<1x16xf32> to vector<16xf32>
        %swap3A_979 = vector.shape_cast %mul3A_975 : vector<16xf32> to vector<1x16xf32>
        tpu.vector_store %arg8[%swap3A, %swap3A_976], %swap3A_979 {strides = array<i32>} : memref<32x1024xf32, #tpu.memory_space<vmem>>, vector<1x16xf32>,
        %scan3A_980 = arith.constant 1 : i32
        %scan3A_981 = arith.addi %scan3A_967, %scan3A_980 : i32
        %mul3A_982 = arith.constant 16 : i32
        %mul3A_983 = arith.muli %scan3A_981, %mul3A_982 : i32
        %get3A_984 = arith.index_cast %scan3A_961 : i32 to index
        %get3A_985 = arith.index_cast %mul3A_983 : i32 to index
        %get3A_986 = tpu.vector_load %arg8[%get3A_984, %get3A_985] {strides = array<i32>} : memref<32x1024xf32, #tpu.memory_space<vmem>>, vector<1x16xf32>,
        %get3A_987 = vector.shape_cast %get3A_986 : vector<1x16xf32> to vector<16xf32>
        %mul3A_988 = arith.constant 3.200000e+01 : f32
        %mul3A_989 = vector.broadcast %mul3A_988 : f32 to vector<16xf32>
        %mul3A_990 = arith.mulf %get3A_987, %mul3A_989 : vector<16xf32>
        %swap3A_991 = arith.index_cast %scan3A_961 : i32 to index
        %swap3A_992 = arith.index_cast %mul3A_983 : i32 to index
        %swap3A_993 = tpu.vector_load %arg8[%swap3A_991, %swap3A_992] {strides = array<i32>} : memref<32x1024xf32, #tpu.memory_space<vmem>>, vector<1x16xf32>,
        %swap3A_994 = vector.shape_cast %swap3A_993 : vector<1x16xf32> to vector<16xf32>
        %swap3A_995 = vector.shape_cast %mul3A_990 : vector<16xf32> to vector<1x16xf32>
        tpu.vector_store %arg8[%swap3A_991, %swap3A_992], %swap3A_995 {strides = array<i32>} : memref<32x1024xf32, #tpu.memory_space<vmem>>, vector<1x16xf32>,
        %scan3A_996 = arith.constant 2 : i32
        %scan3A_997 = arith.addi %scan3A_967, %scan3A_996 : i32
        %mul3A_998 = arith.constant 16 : i32
        %mul3A_999 = arith.muli %scan3A_997, %mul3A_998 : i32
        %get3A_1000 = arith.index_cast %scan3A_961 : i32 to index
        %get3A_1001 = arith.index_cast %mul3A_999 : i32 to index
        %get3A_1002 = tpu.vector_load %arg8[%get3A_1000, %get3A_1001] {strides = array<i32>} : memref<32x1024xf32, #tpu.memory_space<vmem>>, vector<1x16xf32>,
        %get3A_1003 = vector.shape_cast %get3A_1002 : vector<1x16xf32> to vector<16xf32>
        %mul3A_1004 = arith.constant 3.200000e+01 : f32
        %mul3A_1005 = vector.broadcast %mul3A_1004 : f32 to vector<16xf32>
        %mul3A_1006 = arith.mulf %get3A_1003, %mul3A_1005 : vector<16xf32>
        %swap3A_1007 = arith.index_cast %scan3A_961 : i32 to index
        %swap3A_1008 = arith.index_cast %mul3A_999 : i32 to index
        %swap3A_1009 = tpu.vector_load %arg8[%swap3A_1007, %swap3A_1008] {strides = array<i32>} : memref<32x1024xf32, #tpu.memory_space<vmem>>, vector<1x16xf32>,
        %swap3A_1010 = vector.shape_cast %swap3A_1009 : vector<1x16xf32> to vector<16xf32>
        %swap3A_1011 = vector.shape_cast %mul3A_1006 : vector<16xf32> to vector<1x16xf32>
        tpu.vector_store %arg8[%swap3A_1007, %swap3A_1008], %swap3A_1011 {strides = array<i32>} : memref<32x1024xf32, #tpu.memory_space<vmem>>, vector<1x16xf32>,
        %scan3A_1012 = arith.constant 3 : i32
        %scan3A_1013 = arith.addi %scan3A_967, %scan3A_1012 : i32
        %mul3A_1014 = arith.constant 16 : i32
        %mul3A_1015 = arith.muli %scan3A_1013, %mul3A_1014 : i32
        %get3A_1016 = arith.index_cast %scan3A_961 : i32 to index
        %get3A_1017 = arith.index_cast %mul3A_1015 : i32 to index
        %get3A_1018 = tpu.vector_load %arg8[%get3A_1016, %get3A_1017] {strides = array<i32>} : memref<32x1024xf32, #tpu.memory_space<vmem>>, vector<1x16xf32>,
        %get3A_1019 = vector.shape_cast %get3A_1018 : vector<1x16xf32> to vector<16xf32>
        %mul3A_1020 = arith.constant 3.200000e+01 : f32
        %mul3A_1021 = vector.broadcast %mul3A_1020 : f32 to vector<16xf32>
        %mul3A_1022 = arith.mulf %get3A_1019, %mul3A_1021 : vector<16xf32>
        %swap3A_1023 = arith.index_cast %scan3A_961 : i32 to index
        %swap3A_1024 = arith.index_cast %mul3A_1015 : i32 to index
        %swap3A_1025 = tpu.vector_load %arg8[%swap3A_1023, %swap3A_1024] {strides = array<i32>} : memref<32x1024xf32, #tpu.memory_space<vmem>>, vector<1x16xf32>,
        %swap3A_1026 = vector.shape_cast %swap3A_1025 : vector<1x16xf32> to vector<16xf32>
        %swap3A_1027 = vector.shape_cast %mul3A_1022 : vector<16xf32> to vector<1x16xf32>
        tpu.vector_store %arg8[%swap3A_1023, %swap3A_1024], %swap3A_1027 {strides = array<i32>} : memref<32x1024xf32, #tpu.memory_space<vmem>>, vector<1x16xf32>,
        %scan3A_1028 = arith.constant 4 : i32
        %scan3A_1029 = arith.addi %scan3A_967, %scan3A_1028 : i32
        %mul3A_1030 = arith.constant 16 : i32
        %mul3A_1031 = arith.muli %scan3A_1029, %mul3A_1030 : i32
        %get3A_1032 = arith.index_cast %scan3A_961 : i32 to index
        %get3A_1033 = arith.index_cast %mul3A_1031 : i32 to index
        %get3A_1034 = tpu.vector_load %arg8[%get3A_1032, %get3A_1033] {strides = array<i32>} : memref<32x1024xf32, #tpu.memory_space<vmem>>, vector<1x16xf32>,
        %get3A_1035 = vector.shape_cast %get3A_1034 : vector<1x16xf32> to vector<16xf32>
        %mul3A_1036 = arith.constant 3.200000e+01 : f32
        %mul3A_1037 = vector.broadcast %mul3A_1036 : f32 to vector<16xf32>
        %mul3A_1038 = arith.mulf %get3A_1035, %mul3A_1037 : vector<16xf32>
        %swap3A_1039 = arith.index_cast %scan3A_961 : i32 to index
        %swap3A_1040 = arith.index_cast %mul3A_1031 : i32 to index
        %swap3A_1041 = tpu.vector_load %arg8[%swap3A_1039, %swap3A_1040] {strides = array<i32>} : memref<32x1024xf32, #tpu.memory_space<vmem>>, vector<1x16xf32>,
        %swap3A_1042 = vector.shape_cast %swap3A_1041 : vector<1x16xf32> to vector<16xf32>
        %swap3A_1043 = vector.shape_cast %mul3A_1038 : vector<16xf32> to vector<1x16xf32>
        tpu.vector_store %arg8[%swap3A_1039, %swap3A_1040], %swap3A_1043 {strides = array<i32>} : memref<32x1024xf32, #tpu.memory_space<vmem>>, vector<1x16xf32>,
        %scan3A_1044 = arith.constant 5 : i32
        %scan3A_1045 = arith.addi %scan3A_967, %scan3A_1044 : i32
        %mul3A_1046 = arith.constant 16 : i32
        %mul3A_1047 = arith.muli %scan3A_1045, %mul3A_1046 : i32
        %get3A_1048 = arith.index_cast %scan3A_961 : i32 to index
        %get3A_1049 = arith.index_cast %mul3A_1047 : i32 to index
        %get3A_1050 = tpu.vector_load %arg8[%get3A_1048, %get3A_1049] {strides = array<i32>} : memref<32x1024xf32, #tpu.memory_space<vmem>>, vector<1x16xf32>,
        %get3A_1051 = vector.shape_cast %get3A_1050 : vector<1x16xf32> to vector<16xf32>
        %mul3A_1052 = arith.constant 3.200000e+01 : f32
        %mul3A_1053 = vector.broadcast %mul3A_1052 : f32 to vector<16xf32>
        %mul3A_1054 = arith.mulf %get3A_1051, %mul3A_1053 : vector<16xf32>
        %swap3A_1055 = arith.index_cast %scan3A_961 : i32 to index
        %swap3A_1056 = arith.index_cast %mul3A_1047 : i32 to index
        %swap3A_1057 = tpu.vector_load %arg8[%swap3A_1055, %swap3A_1056] {strides = array<i32>} : memref<32x1024xf32, #tpu.memory_space<vmem>>, vector<1x16xf32>,
        %swap3A_1058 = vector.shape_cast %swap3A_1057 : vector<1x16xf32> to vector<16xf32>
        %swap3A_1059 = vector.shape_cast %mul3A_1054 : vector<16xf32> to vector<1x16xf32>
        tpu.vector_store %arg8[%swap3A_1055, %swap3A_1056], %swap3A_1059 {strides = array<i32>} : memref<32x1024xf32, #tpu.memory_space<vmem>>, vector<1x16xf32>,
        %scan3A_1060 = arith.constant 6 : i32
        %scan3A_1061 = arith.addi %scan3A_967, %scan3A_1060 : i32
        %mul3A_1062 = arith.constant 16 : i32
        %mul3A_1063 = arith.muli %scan3A_1061, %mul3A_1062 : i32
        %get3A_1064 = arith.index_cast %scan3A_961 : i32 to index
        %get3A_1065 = arith.index_cast %mul3A_1063 : i32 to index
        %get3A_1066 = tpu.vector_load %arg8[%get3A_1064, %get3A_1065] {strides = array<i32>} : memref<32x1024xf32, #tpu.memory_space<vmem>>, vector<1x16xf32>,
        %get3A_1067 = vector.shape_cast %get3A_1066 : vector<1x16xf32> to vector<16xf32>
        %mul3A_1068 = arith.constant 3.200000e+01 : f32
        %mul3A_1069 = vector.broadcast %mul3A_1068 : f32 to vector<16xf32>
        %mul3A_1070 = arith.mulf %get3A_1067, %mul3A_1069 : vector<16xf32>
        %swap3A_1071 = arith.index_cast %scan3A_961 : i32 to index
        %swap3A_1072 = arith.index_cast %mul3A_1063 : i32 to index
        %swap3A_1073 = tpu.vector_load %arg8[%swap3A_1071, %swap3A_1072] {strides = array<i32>} : memref<32x1024xf32, #tpu.memory_space<vmem>>, vector<1x16xf32>,
        %swap3A_1074 = vector.shape_cast %swap3A_1073 : vector<1x16xf32> to vector<16xf32>
        %swap3A_1075 = vector.shape_cast %mul3A_1070 : vector<16xf32> to vector<1x16xf32>
        tpu.vector_store %arg8[%swap3A_1071, %swap3A_1072], %swap3A_1075 {strides = array<i32>} : memref<32x1024xf32, #tpu.memory_space<vmem>>, vector<1x16xf32>,
        %scan3A_1076 = arith.constant 7 : i32
        %scan3A_1077 = arith.addi %scan3A_967, %scan3A_1076 : i32
        %mul3A_1078 = arith.constant 16 : i32
        %mul3A_1079 = arith.muli %scan3A_1077, %mul3A_1078 : i32
        %get3A_1080 = arith.index_cast %scan3A_961 : i32 to index
        %get3A_1081 = arith.index_cast %mul3A_1079 : i32 to index
        %get3A_1082 = tpu.vector_load %arg8[%get3A_1080, %get3A_1081] {strides = array<i32>} : memref<32x1024xf32, #tpu.memory_space<vmem>>, vector<1x16xf32>,
        %get3A_1083 = vector.shape_cast %get3A_1082 : vector<1x16xf32> to vector<16xf32>
        %mul3A_1084 = arith.constant 3.200000e+01 : f32
        %mul3A_1085 = vector.broadcast %mul3A_1084 : f32 to vector<16xf32>
        %mul3A_1086 = arith.mulf %get3A_1083, %mul3A_1085 : vector<16xf32>
        %swap3A_1087 = arith.index_cast %scan3A_961 : i32 to index
        %swap3A_1088 = arith.index_cast %mul3A_1079 : i32 to index
        %swap3A_1089 = tpu.vector_load %arg8[%swap3A_1087, %swap3A_1088] {strides = array<i32>} : memref<32x1024xf32, #tpu.memory_space<vmem>>, vector<1x16xf32>,
        %swap3A_1090 = vector.shape_cast %swap3A_1089 : vector<1x16xf32> to vector<16xf32>
        %swap3A_1091 = vector.shape_cast %mul3A_1086 : vector<16xf32> to vector<1x16xf32>
        tpu.vector_store %arg8[%swap3A_1087, %swap3A_1088], %swap3A_1091 {strides = array<i32>} : memref<32x1024xf32, #tpu.memory_space<vmem>>, vector<1x16xf32>,
      }
      %scan3A_966 = arith.constant 64 : i32
    }
    %scan3A_877 = arith.constant 8 : i32
    %add3A_878 = arith.constant 496 : i32
    %add3A_879 = arith.addi %mul3A_32, %add3A_878 : i32
    %dma_start3A_880 = arith.constant 0 : i32
    %dma_start3A_881 = arith.constant 0 : i32
    %dma_start3A_882 = tpu.memref_slice %arg8[%dma_start3A_880, %dma_start3A_881] : memref<32x1024xf32, #tpu.memory_space<vmem>> -> memref<8x1024xf32, #tpu.memory_space<vmem>>
    %dma_start3A_883 = arith.constant 0 : i32
    %dma_start3A_884 = tpu.memref_slice %arg4[%select_n3A, %add3A_879, %dma_start3A_883] : memref<4x4096x1024xf32, #tpu.memory_space<hbm>> -> memref<1x8x1024xf32, #tpu.memory_space<hbm>>
    %dma_start3A_885 = tpu.memref_squeeze %dma_start3A_884 : memref<1x8x1024xf32, #tpu.memory_space<hbm>> -> memref<8x1024xf32, #tpu.memory_space<hbm>>
    %dma_start3A_886 = arith.constant 0 : i32
    %dma_start3A_887 = tpu.memref_slice %arg4[%select_n3A, %add3A_879, %dma_start3A_886] : memref<4x4096x1024xf32, #tpu.memory_space<hbm>> -> memref<1x8x1024xf32, #tpu.memory_space<hbm>>
    %dma_start3A_888 = tpu.memref_squeeze %dma_start3A_887 : memref<1x8x1024xf32, #tpu.memory_space<hbm>> -> memref<8x1024xf32, #tpu.memory_space<hbm>>
    %dma_start3A_889 = arith.constant 0 : i32
    %dma_start3A_890 = arith.constant 0 : i32
    %dma_start3A_891 = tpu.memref_slice %arg8[%dma_start3A_889, %dma_start3A_890] : memref<32x1024xf32, #tpu.memory_space<vmem>> -> memref<8x1024xf32, #tpu.memory_space<vmem>>
    tpu.enqueue_dma source(%dma_start3A_891 : memref<8x1024xf32, #tpu.memory_space<vmem>>) target(%dma_start3A_888 : memref<8x1024xf32, #tpu.memory_space<hbm>>) target_semaphore(%arg14 : memref<!tpu.dma_semaphore, #tpu.memory_space<semaphore_mem>>)
    %dma_wait3A_892 = arith.constant 0 : i32
    %dma_wait3A_893 = arith.constant 0 : i32
    %dma_wait3A_894 = tpu.memref_slice %arg6[%dma_wait3A_892, %dma_wait3A_893] : memref<32x1024xf32, #tpu.memory_space<vmem>> -> memref<8x1024xf32, #tpu.memory_space<vmem>>
    %dma_wait3A_895 = arith.constant 504 : i32
    %dma_wait3A_896 = tpu.memref_slice %arg5[%dma_wait3A_895] : memref<512xi32, #tpu.memory_space<vmem>> -> memref<8xi32, #tpu.memory_space<vmem>>
    %dma_wait3A_897 = arith.constant 0 : i32
    %dma_wait3A_898 = arith.constant 0 : i32
    %dma_wait3A_899 = tpu.memref_slice %arg3[%dma_wait3A_897, %dma_wait3A_898] : memref<100000x1024xf32, #tpu.memory_space<hbm>> -> memref<100000x1024xf32, #tpu.memory_space<hbm>>
    tpu.wait_indirect_dma semaphore(%arg9 : memref<!tpu.dma_semaphore, #tpu.memory_space<semaphore_mem>>) src(%dma_wait3A_899 : memref<100000x1024xf32, #tpu.memory_space<hbm>>) dst(%dma_wait3A_894 : memref<8x1024xf32, #tpu.memory_space<vmem>>)
    %scan3A_900 = arith.constant 0 : i32
    %scan3A_901 = arith.constant 8 : i32
    %scan3A_902 = arith.addi %scan3A_900, %scan3A_901 : i32
    %scan3A_903 = arith.constant 1 : i32
    scf.for %scan3A_961 = %scan3A_900 to %scan3A_902 step %scan3A_903  : i32 {
      %scan3A_962 = arith.constant 0 : i32
      %scan3A_963 = arith.constant 64 : i32
      %scan3A_964 = arith.addi %scan3A_962, %scan3A_963 : i32
      %scan3A_965 = arith.constant 8 : i32
      scf.for %scan3A_967 = %scan3A_962 to %scan3A_964 step %scan3A_965  : i32 {
        %mul3A_968 = arith.constant 16 : i32
        %mul3A_969 = arith.muli %scan3A_967, %mul3A_968 : i32
        %get3A = arith.index_cast %scan3A_961 : i32 to index
        %get3A_970 = arith.index_cast %mul3A_969 : i32 to index
        %get3A_971 = tpu.vector_load %arg6[%get3A, %get3A_970] {strides = array<i32>} : memref<32x1024xf32, #tpu.memory_space<vmem>>, vector<1x16xf32>,
        %get3A_972 = vector.shape_cast %get3A_971 : vector<1x16xf32> to vector<16xf32>
        %mul3A_973 = arith.constant 3.200000e+01 : f32
        %mul3A_974 = vector.broadcast %mul3A_973 : f32 to vector<16xf32>
        %mul3A_975 = arith.mulf %get3A_972, %mul3A_974 : vector<16xf32>
        %swap3A = arith.index_cast %scan3A_961 : i32 to index
        %swap3A_976 = arith.index_cast %mul3A_969 : i32 to index
        %swap3A_977 = tpu.vector_load %arg6[%swap3A, %swap3A_976] {strides = array<i32>} : memref<32x1024xf32, #tpu.memory_space<vmem>>, vector<1x16xf32>,
        %swap3A_978 = vector.shape_cast %swap3A_977 : vector<1x16xf32> to vector<16xf32>
        %swap3A_979 = vector.shape_cast %mul3A_975 : vector<16xf32> to vector<1x16xf32>
        tpu.vector_store %arg6[%swap3A, %swap3A_976], %swap3A_979 {strides = array<i32>} : memref<32x1024xf32, #tpu.memory_space<vmem>>, vector<1x16xf32>,
        %scan3A_980 = arith.constant 1 : i32
        %scan3A_981 = arith.addi %scan3A_967, %scan3A_980 : i32
        %mul3A_982 = arith.constant 16 : i32
        %mul3A_983 = arith.muli %scan3A_981, %mul3A_982 : i32
        %get3A_984 = arith.index_cast %scan3A_961 : i32 to index
        %get3A_985 = arith.index_cast %mul3A_983 : i32 to index
        %get3A_986 = tpu.vector_load %arg6[%get3A_984, %get3A_985] {strides = array<i32>} : memref<32x1024xf32, #tpu.memory_space<vmem>>, vector<1x16xf32>,
        %get3A_987 = vector.shape_cast %get3A_986 : vector<1x16xf32> to vector<16xf32>
        %mul3A_988 = arith.constant 3.200000e+01 : f32
        %mul3A_989 = vector.broadcast %mul3A_988 : f32 to vector<16xf32>
        %mul3A_990 = arith.mulf %get3A_987, %mul3A_989 : vector<16xf32>
        %swap3A_991 = arith.index_cast %scan3A_961 : i32 to index
        %swap3A_992 = arith.index_cast %mul3A_983 : i32 to index
        %swap3A_993 = tpu.vector_load %arg6[%swap3A_991, %swap3A_992] {strides = array<i32>} : memref<32x1024xf32, #tpu.memory_space<vmem>>, vector<1x16xf32>,
        %swap3A_994 = vector.shape_cast %swap3A_993 : vector<1x16xf32> to vector<16xf32>
        %swap3A_995 = vector.shape_cast %mul3A_990 : vector<16xf32> to vector<1x16xf32>
        tpu.vector_store %arg6[%swap3A_991, %swap3A_992], %swap3A_995 {strides = array<i32>} : memref<32x1024xf32, #tpu.memory_space<vmem>>, vector<1x16xf32>,
        %scan3A_996 = arith.constant 2 : i32
        %scan3A_997 = arith.addi %scan3A_967, %scan3A_996 : i32
        %mul3A_998 = arith.constant 16 : i32
        %mul3A_999 = arith.muli %scan3A_997, %mul3A_998 : i32
        %get3A_1000 = arith.index_cast %scan3A_961 : i32 to index
        %get3A_1001 = arith.index_cast %mul3A_999 : i32 to index
        %get3A_1002 = tpu.vector_load %arg6[%get3A_1000, %get3A_1001] {strides = array<i32>} : memref<32x1024xf32, #tpu.memory_space<vmem>>, vector<1x16xf32>,
        %get3A_1003 = vector.shape_cast %get3A_1002 : vector<1x16xf32> to vector<16xf32>
        %mul3A_1004 = arith.constant 3.200000e+01 : f32
        %mul3A_1005 = vector.broadcast %mul3A_1004 : f32 to vector<16xf32>
        %mul3A_1006 = arith.mulf %get3A_1003, %mul3A_1005 : vector<16xf32>
        %swap3A_1007 = arith.index_cast %scan3A_961 : i32 to index
        %swap3A_1008 = arith.index_cast %mul3A_999 : i32 to index
        %swap3A_1009 = tpu.vector_load %arg6[%swap3A_1007, %swap3A_1008] {strides = array<i32>} : memref<32x1024xf32, #tpu.memory_space<vmem>>, vector<1x16xf32>,
        %swap3A_1010 = vector.shape_cast %swap3A_1009 : vector<1x16xf32> to vector<16xf32>
        %swap3A_1011 = vector.shape_cast %mul3A_1006 : vector<16xf32> to vector<1x16xf32>
        tpu.vector_store %arg6[%swap3A_1007, %swap3A_1008], %swap3A_1011 {strides = array<i32>} : memref<32x1024xf32, #tpu.memory_space<vmem>>, vector<1x16xf32>,
        %scan3A_1012 = arith.constant 3 : i32
        %scan3A_1013 = arith.addi %scan3A_967, %scan3A_1012 : i32
        %mul3A_1014 = arith.constant 16 : i32
        %mul3A_1015 = arith.muli %scan3A_1013, %mul3A_1014 : i32
        %get3A_1016 = arith.index_cast %scan3A_961 : i32 to index
        %get3A_1017 = arith.index_cast %mul3A_1015 : i32 to index
        %get3A_1018 = tpu.vector_load %arg6[%get3A_1016, %get3A_1017] {strides = array<i32>} : memref<32x1024xf32, #tpu.memory_space<vmem>>, vector<1x16xf32>,
        %get3A_1019 = vector.shape_cast %get3A_1018 : vector<1x16xf32> to vector<16xf32>
        %mul3A_1020 = arith.constant 3.200000e+01 : f32
        %mul3A_1021 = vector.broadcast %mul3A_1020 : f32 to vector<16xf32>
        %mul3A_1022 = arith.mulf %get3A_1019, %mul3A_1021 : vector<16xf32>
        %swap3A_1023 = arith.index_cast %scan3A_961 : i32 to index
        %swap3A_1024 = arith.index_cast %mul3A_1015 : i32 to index
        %swap3A_1025 = tpu.vector_load %arg6[%swap3A_1023, %swap3A_1024] {strides = array<i32>} : memref<32x1024xf32, #tpu.memory_space<vmem>>, vector<1x16xf32>,
        %swap3A_1026 = vector.shape_cast %swap3A_1025 : vector<1x16xf32> to vector<16xf32>
        %swap3A_1027 = vector.shape_cast %mul3A_1022 : vector<16xf32> to vector<1x16xf32>
        tpu.vector_store %arg6[%swap3A_1023, %swap3A_1024], %swap3A_1027 {strides = array<i32>} : memref<32x1024xf32, #tpu.memory_space<vmem>>, vector<1x16xf32>,
        %scan3A_1028 = arith.constant 4 : i32
        %scan3A_1029 = arith.addi %scan3A_967, %scan3A_1028 : i32
        %mul3A_1030 = arith.constant 16 : i32
        %mul3A_1031 = arith.muli %scan3A_1029, %mul3A_1030 : i32
        %get3A_1032 = arith.index_cast %scan3A_961 : i32 to index
        %get3A_1033 = arith.index_cast %mul3A_1031 : i32 to index
        %get3A_1034 = tpu.vector_load %arg6[%get3A_1032, %get3A_1033] {strides = array<i32>} : memref<32x1024xf32, #tpu.memory_space<vmem>>, vector<1x16xf32>,
        %get3A_1035 = vector.shape_cast %get3A_1034 : vector<1x16xf32> to vector<16xf32>
        %mul3A_1036 = arith.constant 3.200000e+01 : f32
        %mul3A_1037 = vector.broadcast %mul3A_1036 : f32 to vector<16xf32>
        %mul3A_1038 = arith.mulf %get3A_1035, %mul3A_1037 : vector<16xf32>
        %swap3A_1039 = arith.index_cast %scan3A_961 : i32 to index
        %swap3A_1040 = arith.index_cast %mul3A_1031 : i32 to index
        %swap3A_1041 = tpu.vector_load %arg6[%swap3A_1039, %swap3A_1040] {strides = array<i32>} : memref<32x1024xf32, #tpu.memory_space<vmem>>, vector<1x16xf32>,
        %swap3A_1042 = vector.shape_cast %swap3A_1041 : vector<1x16xf32> to vector<16xf32>
        %swap3A_1043 = vector.shape_cast %mul3A_1038 : vector<16xf32> to vector<1x16xf32>
        tpu.vector_store %arg6[%swap3A_1039, %swap3A_1040], %swap3A_1043 {strides = array<i32>} : memref<32x1024xf32, #tpu.memory_space<vmem>>, vector<1x16xf32>,
        %scan3A_1044 = arith.constant 5 : i32
        %scan3A_1045 = arith.addi %scan3A_967, %scan3A_1044 : i32
        %mul3A_1046 = arith.constant 16 : i32
        %mul3A_1047 = arith.muli %scan3A_1045, %mul3A_1046 : i32
        %get3A_1048 = arith.index_cast %scan3A_961 : i32 to index
        %get3A_1049 = arith.index_cast %mul3A_1047 : i32 to index
        %get3A_1050 = tpu.vector_load %arg6[%get3A_1048, %get3A_1049] {strides = array<i32>} : memref<32x1024xf32, #tpu.memory_space<vmem>>, vector<1x16xf32>,
        %get3A_1051 = vector.shape_cast %get3A_1050 : vector<1x16xf32> to vector<16xf32>
        %mul3A_1052 = arith.constant 3.200000e+01 : f32
        %mul3A_1053 = vector.broadcast %mul3A_1052 : f32 to vector<16xf32>
        %mul3A_1054 = arith.mulf %get3A_1051, %mul3A_1053 : vector<16xf32>
        %swap3A_1055 = arith.index_cast %scan3A_961 : i32 to index
        %swap3A_1056 = arith.index_cast %mul3A_1047 : i32 to index
        %swap3A_1057 = tpu.vector_load %arg6[%swap3A_1055, %swap3A_1056] {strides = array<i32>} : memref<32x1024xf32, #tpu.memory_space<vmem>>, vector<1x16xf32>,
        %swap3A_1058 = vector.shape_cast %swap3A_1057 : vector<1x16xf32> to vector<16xf32>
        %swap3A_1059 = vector.shape_cast %mul3A_1054 : vector<16xf32> to vector<1x16xf32>
        tpu.vector_store %arg6[%swap3A_1055, %swap3A_1056], %swap3A_1059 {strides = array<i32>} : memref<32x1024xf32, #tpu.memory_space<vmem>>, vector<1x16xf32>,
        %scan3A_1060 = arith.constant 6 : i32
        %scan3A_1061 = arith.addi %scan3A_967, %scan3A_1060 : i32
        %mul3A_1062 = arith.constant 16 : i32
        %mul3A_1063 = arith.muli %scan3A_1061, %mul3A_1062 : i32
        %get3A_1064 = arith.index_cast %scan3A_961 : i32 to index
        %get3A_1065 = arith.index_cast %mul3A_1063 : i32 to index
        %get3A_1066 = tpu.vector_load %arg6[%get3A_1064, %get3A_1065] {strides = array<i32>} : memref<32x1024xf32, #tpu.memory_space<vmem>>, vector<1x16xf32>,
        %get3A_1067 = vector.shape_cast %get3A_1066 : vector<1x16xf32> to vector<16xf32>
        %mul3A_1068 = arith.constant 3.200000e+01 : f32
        %mul3A_1069 = vector.broadcast %mul3A_1068 : f32 to vector<16xf32>
        %mul3A_1070 = arith.mulf %get3A_1067, %mul3A_1069 : vector<16xf32>
        %swap3A_1071 = arith.index_cast %scan3A_961 : i32 to index
        %swap3A_1072 = arith.index_cast %mul3A_1063 : i32 to index
        %swap3A_1073 = tpu.vector_load %arg6[%swap3A_1071, %swap3A_1072] {strides = array<i32>} : memref<32x1024xf32, #tpu.memory_space<vmem>>, vector<1x16xf32>,
        %swap3A_1074 = vector.shape_cast %swap3A_1073 : vector<1x16xf32> to vector<16xf32>
        %swap3A_1075 = vector.shape_cast %mul3A_1070 : vector<16xf32> to vector<1x16xf32>
        tpu.vector_store %arg6[%swap3A_1071, %swap3A_1072], %swap3A_1075 {strides = array<i32>} : memref<32x1024xf32, #tpu.memory_space<vmem>>, vector<1x16xf32>,
        %scan3A_1076 = arith.constant 7 : i32
        %scan3A_1077 = arith.addi %scan3A_967, %scan3A_1076 : i32
        %mul3A_1078 = arith.constant 16 : i32
        %mul3A_1079 = arith.muli %scan3A_1077, %mul3A_1078 : i32
        %get3A_1080 = arith.index_cast %scan3A_961 : i32 to index
        %get3A_1081 = arith.index_cast %mul3A_1079 : i32 to index
        %get3A_1082 = tpu.vector_load %arg6[%get3A_1080, %get3A_1081] {strides = array<i32>} : memref<32x1024xf32, #tpu.memory_space<vmem>>, vector<1x16xf32>,
        %get3A_1083 = vector.shape_cast %get3A_1082 : vector<1x16xf32> to vector<16xf32>
        %mul3A_1084 = arith.constant 3.200000e+01 : f32
        %mul3A_1085 = vector.broadcast %mul3A_1084 : f32 to vector<16xf32>
        %mul3A_1086 = arith.mulf %get3A_1083, %mul3A_1085 : vector<16xf32>
        %swap3A_1087 = arith.index_cast %scan3A_961 : i32 to index
        %swap3A_1088 = arith.index_cast %mul3A_1079 : i32 to index
        %swap3A_1089 = tpu.vector_load %arg6[%swap3A_1087, %swap3A_1088] {strides = array<i32>} : memref<32x1024xf32, #tpu.memory_space<vmem>>, vector<1x16xf32>,
        %swap3A_1090 = vector.shape_cast %swap3A_1089 : vector<1x16xf32> to vector<16xf32>
        %swap3A_1091 = vector.shape_cast %mul3A_1086 : vector<16xf32> to vector<1x16xf32>
        tpu.vector_store %arg6[%swap3A_1087, %swap3A_1088], %swap3A_1091 {strides = array<i32>} : memref<32x1024xf32, #tpu.memory_space<vmem>>, vector<1x16xf32>,
      }
      %scan3A_966 = arith.constant 64 : i32
    }
    %scan3A_904 = arith.constant 8 : i32
    %add3A_905 = arith.constant 504 : i32
    %add3A_906 = arith.addi %mul3A_32, %add3A_905 : i32
    %dma_start3A_907 = arith.constant 0 : i32
    %dma_start3A_908 = arith.constant 0 : i32
    %dma_start3A_909 = tpu.memref_slice %arg6[%dma_start3A_907, %dma_start3A_908] : memref<32x1024xf32, #tpu.memory_space<vmem>> -> memref<8x1024xf32, #tpu.memory_space<vmem>>
    %dma_start3A_910 = arith.constant 0 : i32
    %dma_start3A_911 = tpu.memref_slice %arg4[%select_n3A, %add3A_906, %dma_start3A_910] : memref<4x4096x1024xf32, #tpu.memory_space<hbm>> -> memref<1x8x1024xf32, #tpu.memory_space<hbm>>
    %dma_start3A_912 = tpu.memref_squeeze %dma_start3A_911 : memref<1x8x1024xf32, #tpu.memory_space<hbm>> -> memref<8x1024xf32, #tpu.memory_space<hbm>>
    %dma_start3A_913 = arith.constant 0 : i32
    %dma_start3A_914 = tpu.memref_slice %arg4[%select_n3A, %add3A_906, %dma_start3A_913] : memref<4x4096x1024xf32, #tpu.memory_space<hbm>> -> memref<1x8x1024xf32, #tpu.memory_space<hbm>>
    %dma_start3A_915 = tpu.memref_squeeze %dma_start3A_914 : memref<1x8x1024xf32, #tpu.memory_space<hbm>> -> memref<8x1024xf32, #tpu.memory_space<hbm>>
    %dma_start3A_916 = arith.constant 0 : i32
    %dma_start3A_917 = arith.constant 0 : i32
    %dma_start3A_918 = tpu.memref_slice %arg6[%dma_start3A_916, %dma_start3A_917] : memref<32x1024xf32, #tpu.memory_space<vmem>> -> memref<8x1024xf32, #tpu.memory_space<vmem>>
    tpu.enqueue_dma source(%dma_start3A_918 : memref<8x1024xf32, #tpu.memory_space<vmem>>) target(%dma_start3A_915 : memref<8x1024xf32, #tpu.memory_space<hbm>>) target_semaphore(%arg12 : memref<!tpu.dma_semaphore, #tpu.memory_space<semaphore_mem>>)
    %add3A_919 = arith.constant 480 : i32
    %add3A_920 = arith.addi %mul3A_32, %add3A_919 : i32
    %dma_wait3A_921 = arith.constant 0 : i32
    %dma_wait3A_922 = arith.constant 0 : i32
    %dma_wait3A_923 = tpu.memref_slice %arg7[%dma_wait3A_921, %dma_wait3A_922] : memref<32x1024xf32, #tpu.memory_space<vmem>> -> memref<16x1024xf32, #tpu.memory_space<vmem>>
    %dma_wait3A_924 = arith.constant 0 : i32
    %dma_wait3A_925 = tpu.memref_slice %arg4[%select_n3A, %add3A_920, %dma_wait3A_924] : memref<4x4096x1024xf32, #tpu.memory_space<hbm>> -> memref<1x16x1024xf32, #tpu.memory_space<hbm>>
    %dma_wait3A_926 = tpu.memref_squeeze %dma_wait3A_925 : memref<1x16x1024xf32, #tpu.memory_space<hbm>> -> memref<16x1024xf32, #tpu.memory_space<hbm>>
    %dma_wait3A_927 = arith.constant 0 : i32
    %dma_wait3A_928 = tpu.memref_slice %arg4[%select_n3A, %add3A_920, %dma_wait3A_927] : memref<4x4096x1024xf32, #tpu.memory_space<hbm>> -> memref<1x16x1024xf32, #tpu.memory_space<hbm>>
    %dma_wait3A_929 = tpu.memref_squeeze %dma_wait3A_928 : memref<1x16x1024xf32, #tpu.memory_space<hbm>> -> memref<16x1024xf32, #tpu.memory_space<hbm>>
    %dma_wait3A_930 = arith.constant 0 : i32
    %dma_wait3A_931 = arith.constant 0 : i32
    %dma_wait3A_932 = tpu.memref_slice %arg7[%dma_wait3A_930, %dma_wait3A_931] : memref<32x1024xf32, #tpu.memory_space<vmem>> -> memref<16x1024xf32, #tpu.memory_space<vmem>>
    tpu.wait_dma2 semaphore(%arg13 : memref<!tpu.dma_semaphore, #tpu.memory_space<semaphore_mem>>) src(%dma_wait3A_932 : memref<16x1024xf32, #tpu.memory_space<vmem>>) dst(%dma_wait3A_929 : memref<16x1024xf32, #tpu.memory_space<hbm>>)
    %add3A_933 = arith.constant 496 : i32
    %add3A_934 = arith.addi %mul3A_32, %add3A_933 : i32
    %dma_wait3A_935 = arith.constant 0 : i32
    %dma_wait3A_936 = arith.constant 0 : i32
    %dma_wait3A_937 = tpu.memref_slice %arg8[%dma_wait3A_935, %dma_wait3A_936] : memref<32x1024xf32, #tpu.memory_space<vmem>> -> memref<8x1024xf32, #tpu.memory_space<vmem>>
    %dma_wait3A_938 = arith.constant 0 : i32
    %dma_wait3A_939 = tpu.memref_slice %arg4[%select_n3A, %add3A_934, %dma_wait3A_938] : memref<4x4096x1024xf32, #tpu.memory_space<hbm>> -> memref<1x8x1024xf32, #tpu.memory_space<hbm>>
    %dma_wait3A_940 = tpu.memref_squeeze %dma_wait3A_939 : memref<1x8x1024xf32, #tpu.memory_space<hbm>> -> memref<8x1024xf32, #tpu.memory_space<hbm>>
    %dma_wait3A_941 = arith.constant 0 : i32
    %dma_wait3A_942 = tpu.memref_slice %arg4[%select_n3A, %add3A_934, %dma_wait3A_941] : memref<4x4096x1024xf32, #tpu.memory_space<hbm>> -> memref<1x8x1024xf32, #tpu.memory_space<hbm>>
    %dma_wait3A_943 = tpu.memref_squeeze %dma_wait3A_942 : memref<1x8x1024xf32, #tpu.memory_space<hbm>> -> memref<8x1024xf32, #tpu.memory_space<hbm>>
    %dma_wait3A_944 = arith.constant 0 : i32
    %dma_wait3A_945 = arith.constant 0 : i32
    %dma_wait3A_946 = tpu.memref_slice %arg8[%dma_wait3A_944, %dma_wait3A_945] : memref<32x1024xf32, #tpu.memory_space<vmem>> -> memref<8x1024xf32, #tpu.memory_space<vmem>>
    tpu.wait_dma2 semaphore(%arg14 : memref<!tpu.dma_semaphore, #tpu.memory_space<semaphore_mem>>) src(%dma_wait3A_946 : memref<8x1024xf32, #tpu.memory_space<vmem>>) dst(%dma_wait3A_943 : memref<8x1024xf32, #tpu.memory_space<hbm>>)
    %add3A_947 = arith.constant 504 : i32
    %add3A_948 = arith.addi %mul3A_32, %add3A_947 : i32
    %dma_wait3A_949 = arith.constant 0 : i32
    %dma_wait3A_950 = arith.constant 0 : i32
    %dma_wait3A_951 = tpu.memref_slice %arg6[%dma_wait3A_949, %dma_wait3A_950] : memref<32x1024xf32, #tpu.memory_space<vmem>> -> memref<8x1024xf32, #tpu.memory_space<vmem>>
    %dma_wait3A_952 = arith.constant 0 : i32
    %dma_wait3A_953 = tpu.memref_slice %arg4[%select_n3A, %add3A_948, %dma_wait3A_952] : memref<4x4096x1024xf32, #tpu.memory_space<hbm>> -> memref<1x8x1024xf32, #tpu.memory_space<hbm>>
    %dma_wait3A_954 = tpu.memref_squeeze %dma_wait3A_953 : memref<1x8x1024xf32, #tpu.memory_space<hbm>> -> memref<8x1024xf32, #tpu.memory_space<hbm>>
    %dma_wait3A_955 = arith.constant 0 : i32
    %dma_wait3A_956 = tpu.memref_slice %arg4[%select_n3A, %add3A_948, %dma_wait3A_955] : memref<4x4096x1024xf32, #tpu.memory_space<hbm>> -> memref<1x8x1024xf32, #tpu.memory_space<hbm>>
    %dma_wait3A_957 = tpu.memref_squeeze %dma_wait3A_956 : memref<1x8x1024xf32, #tpu.memory_space<hbm>> -> memref<8x1024xf32, #tpu.memory_space<hbm>>
    %dma_wait3A_958 = arith.constant 0 : i32
    %dma_wait3A_959 = arith.constant 0 : i32
    %dma_wait3A_960 = tpu.memref_slice %arg6[%dma_wait3A_958, %dma_wait3A_959] : memref<32x1024xf32, #tpu.memory_space<vmem>> -> memref<8x1024xf32, #tpu.memory_space<vmem>>
    tpu.wait_dma2 semaphore(%arg12 : memref<!tpu.dma_semaphore, #tpu.memory_space<semaphore_mem>>) src(%dma_wait3A_960 : memref<8x1024xf32, #tpu.memory_space<vmem>>) dst(%dma_wait3A_957 : memref<8x1024xf32, #tpu.memory_space<hbm>>)
    return
  }
}

module attributes {stable_mosaic.version = 14 : i64} {
  func.func @body(%arg0: i32, %arg1: memref<1x64xf32, #tpu.memory_space<vmem>>, %arg2: memref<512x64xf32, #tpu.memory_space<vmem>>) attributes {dimension_semantics = [#tpu.dimension_semantics<arbitrary>], iteration_bounds = array<i64: 8>, scalar_prefetch = 0 : i64, scratch_operands = 0 : i64, tpu.core_type = #tpu.core_type<tc>, window_params = [{pipeline_mode = #tpu.pipeline_mode<synchronous>, transform_indices = @transform_0, window_bounds = array<i64: 1, 64>}, {transform_indices = @transform_1, window_bounds = array<i64: 512, 64>}]} {
    %mul3A = arith.constant 512 : i32
    %mul3A_0 = arith.muli %arg0, %mul3A : i32
    %iota3A = tpu.iota {dimensions = array<i32: 0>} : vector<512x64xi32>
    %add3A = vector.broadcast %mul3A_0 : i32 to vector<512x64xi32>
    %add3A_1 = arith.addi %add3A, %iota3A : vector<512x64xi32>
    %convert_element_type3A = arith.sitofp %add3A_1 : vector<512x64xi32> to vector<512x64xf32>
    %get3A = arith.constant 0 : index
    %get3A_2 = arith.constant 0 : index
    %get3A_3 = vector.load %arg1[%get3A, %get3A_2] : memref<1x64xf32, #tpu.memory_space<vmem>>, vector<1x64xf32>
    %mul3A_4 = vector.broadcast %get3A_3 : vector<1x64xf32> to vector<512x64xf32>
    %mul3A_5 = arith.mulf %convert_element_type3A, %mul3A_4 : vector<512x64xf32>
    %swap3A = arith.constant 0 : index
    %swap3A_6 = arith.constant 0 : index
    %swap3A_7 = vector.load %arg2[%swap3A, %swap3A_6] : memref<512x64xf32, #tpu.memory_space<vmem>>, vector<512x64xf32>
    tpu.vector_store %arg2[%swap3A, %swap3A_6], %mul3A_5 {strides = array<i32>} : memref<512x64xf32, #tpu.memory_space<vmem>>, vector<512x64xf32>,
    return
  }
  func.func @transform_0(%arg0: i32) -> (i32, i32) {
    %c0_i32 = arith.constant 0 : i32
    %c0_i32_0 = arith.constant 0 : i32
    %c0_i32_1 = arith.constant 0 : i32
    return %c0_i32, %c0_i32_0 : i32, i32
  }
  func.func @transform_1(%arg0: i32) -> (i32, i32) {
    %c0_i32 = arith.constant 0 : i32
    %c0_i32_0 = arith.constant 0 : i32
    return %arg0, %c0_i32 : i32, i32
  }
}

</mosaic_0001>

<sc_bundles>
// kernel: kernel.4.cloned.1.call-start
scs
__scs_entry_jumppad:
0x0: {  	(pc) =	sbr.rel $0x88, $3  }
0x1: {  	(tag) =	ssettag $0x0;
	lr =	simm.s32 $0x1  }
0x2: {  	[smem:$0x3F9F] =	sst lr;
	_ =	strace $0xD0000000  }
0x3: {  	_ = 	snop  }
0x4: {  	_ = 	snop  }
0x5: {  	_ = 	snop  }
0x6: {  	_ = 	snop  }
0x7: {  	_ = 	snop  }
__scs_overlays_trampoline_lowered:
0x8: {  	[smem:$0x3FAE] =	sst s0  }
0x9: {  	[smem:$0x3FAF] =	sst s1  }
0xa: {  	[smem:$0x3FB0] =	sst s2  }
0xb: {  	[smem:$0x3FB1] =	sst s3  }
0xc: {  	[smem:$0x3FB2] =	sst s4  }
0xd: {  	[smem:$0x3FB3] =	sst s5  }
0xe: {  	[smem:$0x3FB4] =	sst s6  }
0xf: {  	[smem:$0x3FB5] =	sst s7  }
0x10: {  	[smem:$0x3FB6] =	sst s8  }
0x11: {  	[smem:$0x3FB7] =	sst s9;
	s0 =	simm.s32 @!p0 $0x0  }
0x12: {  	s1 =	sld [smem:$0x3F9D];
	s0 =	simm.s32 @p0 $0x1  }
0x13: {  	[smem:$0x3FB8] =	sst s0;
	s0 =	simm.s32 @!p1 $0x0  }
0x14: {  	s2 =	sld [smem:$0x3F9C];
	s0 =	simm.s32 @p1 $0x1  }
0x15: {  	[smem:$0x3FB9] =	sst s0;
	s0 =	simm.s32 @!p2 $0x0  }
0x16: {  	s3 =	sld [smem:$0x3FDB];
	s0 =	simm.s32 @p2 $0x1  }
0x17: {  	s4 =	simm.s32 $0x1BF5;
	[smem:$0x3FBB] =	sst s0  }
0x18: {  	s0 =	sld [smem:$0x3F9E];
	_ =	swait.ge [sflag:s4], $0x0  }
0x19: {  	s7 =	sld [smem:$0x3F9F]  }
0x1a: {  	s8 =	sadd.s32 $0xFFFFE003, lr  }
0x1b: {  	s9 =	sadd.s32 $0xFFFFFEF7, lr;
	s5 =	simm.s32 $0xFFFFFFFF;
	p2 =	slt.u32 s8, $0xFFFFF086  }
0x1c: {  	p1 =	slt.u32 s9, $0xF7A;
	s5 =	simm.s32 @!p2 $0x0  }
0x1d: {  	s5 =	simm.s32 @p1 $0x1;
	p0 =	seq.s32 s7, s2  }
0x1e: {  	s7 =	smul.u32 @!p0 $0xF7A, s2;
	p2 =	seq.s32 @!p0 s5, $0x0  }
0x1f: {  	s9 =	smul.u32 $0xF7A, s1;
	s8 =	simm.s32 @!p0 $0x1BF5;
	p2 =	por !p2, p0  }
0x20: {  	[sflag:s8] =	ssyncset.s32 @!p0 $0xFFFFF086;
	s6 =	sadd.s32 @!p0 s3, s7;
	s7 =	simm.s32 @!p0 $0x108  }
0x21: {  	s3 =	sadd.s32 s3, s9;
	s6 =	sadd.s32 @!p0 $0x88, s6;
	s7 =	simm.s32 @p2 $0x1082  }
0x22: {  	[simem:s7], [sflag:s8] =	dma.local @!p0 [hbm:s6], $0xF7A  }
0x23: {  	s9 =	sor.u32 $0xD0000000, s2;
	s6 =	simm.s32 $0x108;
	_ =	swait.ge @!p0 [sflag:s8], $0x0  }
0x24: {  	s3 =	sadd.s32 $0x88, s3;
	s6 =	simm.s32 @!p1 $0x1082;
	[sflag:s4] =	ssyncset.s32 $0xFFFFF086  }
0x25: {  	[simem:s6], [sflag:s4] =	dma.local [hbm:s3], $0xF7A  }
0x26: {  	[smem:$0x3F9F] =	sst s1;
	(tag) =	ssettag s2;
	_ =	strace s9  }
0x27: {  	s1 =	sld [smem:$0x3FAF]  }
0x28: {  	s2 =	sld [smem:$0x3FB0]  }
0x29: {  	s4 =	sld [smem:$0x3FB2]  }
0x2a: {  	p0 =	seq.s32 s5, $0x0;
	s5 =	sld [smem:$0x3FB3]  }
0x2b: {  	s6 =	sld [smem:$0x3FB4]  }
0x2c: {  	s7 =	sld [smem:$0x3FB5]  }
0x2d: {  	s3 =	simm.s32 $0x108;
	s8 =	sld [smem:$0x3FB6]  }
0x2e: {  	s3 =	simm.s32 @!p0 $0x1082;
	s9 =	sld [smem:$0x3FB7]  }
0x2f: {  	lr =	sadd.s32 s0, s3;
	s0 =	sld [smem:$0x3FAE]  }
0x30: {  	s3 =	sld [smem:$0x3FB1]  }
0x31: {  	[smem:$0x3FBA] =	sst s10  }
0x32: {  	s10 =	sld [smem:$0x3FB8];
	_ =	sdelay $0x3  }
0x33: {  	p0 =	seq.s32 s10, $0x1;
	s10 =	sld [smem:$0x3FBA];
	_ =	sdelay $0x3  }
0x34: {  	[smem:$0x3FBA] =	sst s10  }
0x35: {  	s10 =	sld [smem:$0x3FB9];
	_ =	sdelay $0x3  }
0x36: {  	p1 =	seq.s32 s10, $0x1;
	s10 =	sld [smem:$0x3FBA];
	_ =	sdelay $0x3  }
0x37: {  	[smem:$0x3FBA] =	sst s10  }
0x38: {  	s10 =	sld [smem:$0x3FBB]  }
0x39: {  	_ = 	snop;
	(pc) =	sbr.ind lr, $3  }
0x3a: {  	_ = 	snop  }
0x3b: {  	_ = 	snop  }
0x3c: {  	p2 =	seq.s32 s10, $0x1;
	s10 =	sld [smem:$0x3FBA]  }
0x3d: {  	_ =	shalt  }
0x3e: {  	_ =	shalt  }
0x3f: {  	_ =	shalt  }
0x40: {  	_ =	shalt  }
0x41: {  	_ =	shalt  }
0x42: {  	_ =	shalt  }
0x43: {  	_ =	shalt  }
0x44: {  	_ =	shalt  }
0x45: {  	_ =	shalt  }
0x46: {  	_ =	shalt  }
0x47: {  	_ =	shalt  }
0x48: {  	_ =	shalt  }
0x49: {  	_ =	shalt  }
0x4a: {  	_ =	shalt  }
0x4b: {  	_ =	shalt  }
0x4c: {  	_ =	shalt  }
0x4d: {  	_ =	shalt  }
0x4e: {  	_ =	shalt  }
0x4f: {  	_ =	shalt  }
0x50: {  	_ =	shalt  }
0x51: {  	_ =	shalt  }
0x52: {  	_ =	shalt  }
0x53: {  	_ =	shalt  }
0x54: {  	_ =	shalt  }
0x55: {  	_ =	shalt  }
0x56: {  	_ =	shalt  }
0x57: {  	_ =	shalt  }
0x58: {  	_ =	shalt  }
0x59: {  	_ =	shalt  }
0x5a: {  	_ =	shalt  }
0x5b: {  	_ =	shalt  }
0x5c: {  	_ =	shalt  }
0x5d: {  	_ =	shalt  }
0x5e: {  	_ =	shalt  }
0x5f: {  	_ =	shalt  }
0x60: {  	_ =	shalt  }
0x61: {  	_ =	shalt  }
0x62: {  	_ =	shalt  }
0x63: {  	_ =	shalt  }
0x64: {  	_ =	shalt  }
0x65: {  	_ =	shalt  }
0x66: {  	_ =	shalt  }
0x67: {  	_ =	shalt  }
0x68: {  	_ =	shalt  }
0x69: {  	_ =	shalt  }
0x6a: {  	_ =	shalt  }
0x6b: {  	_ =	shalt  }
0x6c: {  	_ =	shalt  }
0x6d: {  	_ =	shalt  }
0x6e: {  	_ =	shalt  }
0x6f: {  	_ =	shalt  }
0x70: {  	_ =	shalt  }
0x71: {  	_ =	shalt  }
0x72: {  	_ =	shalt  }
0x73: {  	_ =	shalt  }
0x74: {  	_ =	shalt  }
0x75: {  	_ =	shalt  }
0x76: {  	_ =	shalt  }
0x77: {  	_ =	shalt  }
0x78: {  	_ =	shalt  }
0x79: {  	_ =	shalt  }
0x7a: {  	_ =	shalt  }
0x7b: {  	_ =	shalt  }
0x7c: {  	_ =	shalt  }
0x7d: {  	_ =	shalt  }
0x7e: {  	_ =	shalt  }
0x7f: {  	_ =	shalt  }
0x80: {  	_ =	shalt  }
0x81: {  	_ =	shalt  }
0x82: {  	_ =	shalt  }
0x83: {  	_ =	shalt  }
0x84: {  	_ =	shalt  }
0x85: {  	_ =	shalt  }
0x86: {  	_ =	shalt  }
0x87: {  	_ =	shalt  }
.Lfunc_end0:
.L_simem_size_0:
called_computation_lowered:
.L_overlay_start_0:
0x88: {  	s2 =	sld [smem:$0x3FD9]  }
0x89: {  	s3 =	sld [smem:$0x3FFE];
	_ =	sdelay $0x1  }
0x8a: {  	s1 =	srdreg.scid  }
0x8b: {  	s0 =	sand.u32 $0x1, s1  }
0x8c: {  	s15 =	sshll.u32 s0, $0xA;
	s2 =	sadd.s32 s3, s2  }
0x8d: {  	s2 =	sadd.s32 s2, s15  }
0x8e: {  	[smem:$0x3FC6] =	sst s2  }
0x8f: {  	_ = 	snop  }
0x90: {  	s2 =	sld [smem:$0x3FD0];
	_ =	sdelay $0x1  }
0x91: {  	s16 =	sld [smem:$0x3FC9]  }
0x92: {  	s5 =	simm.s32 $0xA;
	s6 =	simm.s32 $0x10;
	s4 =	sld [smem:$0x3FC8]  }
0x93: {  	[smem:s6], [sflag:s5] =	dma.local [hbm:s2], $0x1  }
0x94: {  	_ =	swait.eq [sflag:s5], $0x1  }
0x95: {  	[sflag:s5] =	ssyncset.done $0x0  }
0x96: {  	[sflag:s5] =	ssyncadd.s32 $0xFFFFFFFF  }
0x97: {  	s17 =	sld [smem:$0x10];
	(tm) =	ssettm $0x1  }
0x98: {  	s18 =	sld [smem:$0x3FFB];
	_ =	sdelay $0x3  }
0x99: {  	_ =	strace s18  }
0x9a: {  	s5 =	sld [smem:$0x3FFC];
	_ =	sdelay $0x3  }
0x9b: {  	_ =	strace s5  }
0x9c: {  	s5 =	sld [smem:$0x3FFD];
	_ =	sdelay $0x3  }
0x9d: {  	_ =	strace s5  }
0x9e: {  	_ =	strace $0x8FFFFFFF  }
0x9f: {  	s19 =	sld [smem:$0x3FDB];
	_ =	sdelay $0x1  }
0xa0: {  	s20 =	simm.s32 $_scs_section_size  }
0xa1: {  	s7 =	simm.s32 $_size__tile_overlayer_lowered;
	s8 =	simm.s32 $_tile_overlayer_lowered  }
0xa2: {  	s23 =	simm.s32 $0x1BFF;
	s22 =	sshll.u32 s8, $0x1;
	s5 =	sadd.s32 s20, s19  }
0xa3: {  	s9 =	simm.s32 $0x0;
	s21 =	sshll.u32 s7, $0x1;
	s7 =	sadd.s32 s22, s5  }
0xa4: {  	[timem:s9], [sflag:s23] =	dma.local [hbm:s7], s21  }
0xa5: {  	_ =	swait.ge [sflag:s23], s21  }
0xa6: {  	s6 =	ssub.s32 $0x0, s21;
	[sflag:s23] =	ssyncset.done $0x0  }
0xa7: {  	[sflag:s23] =	ssyncadd.s32 s6;
	_ =	sdelay $0x1  }
0xa8: {  	s24 =	simm.s32 $0x1B8B  }
0xa9: {  	_ =	swait.ge [sflag:s24], $0x1  }
0xaa: {  	[sflag:s24] =	ssyncset.done $0x0  }
0xab: {  	s25 =	simm.s32 $0x1B8E;
	[sflag:s24] =	ssyncadd.s32 $0xFFFFFFFF  }
0xac: {  	s26 =	simm.s32 $execute0_lowered;
	[smem:$0x3FD2] =	sst s25  }
0xad: {  	s6 =	sshll.u32 s26, $0x1;
	_ =	strace $0x80000046;
	[dreg:$0x1] =	wrdreg $0xFFFFFFFF  }
0xae: {  	s28 =	simm.s32 $_size_execute0_lowered;
	s5 =	sadd.s32 s5, s6;
	[dreg:$0x0] =	wrdreg $0x0  }
0xaf: {  	s6 =	sshll.u32 s28, $0x1;
	[dreg:$0x2] =	wrdreg s5  }
0xb0: {  	[dreg:$0x3] =	wrdreg s6  }
0xb1: {  	[dreg:$0x4] =	wrdreg $0xC0  }
0xb2: {  	_ =	task [dreg:s9], $0x5FFFF  }
0xb3: {  	[dreg:$0x1] =	wrdreg $0xFFFFFFFF  }
0xb4: {  	[dreg:$0x0] =	wrdreg $0x60  }
0xb5: {  	[dreg:$0x2] =	wrdreg s16  }
0xb6: {  	[dreg:$0x3] =	wrdreg s4  }
0xb7: {  	[dreg:$0x4] =	wrdreg s17  }
0xb8: {  	[dreg:$0x5] =	wrdreg $0x9  }
0xb9: {  	_ =	task.clear_ibuf [dreg:s9], $0x6FFFF;
	_ =	strace $0x90000046  }
0xba: {  	s29 =	simm.s32 $0x9;
	_ =	strace $0x80000048  }
0xbb: {  	_ =	swait.ge [sflag:s29], $0x1  }
0xbc: {  	[sflag:s29] =	ssyncadd.s32 $0xFFFFFFFF  }
0xbd: {  	_ =	strace $0x90000048  }
0xbe: {  	_ =	sfence  }
0xbf: {  	s30 =	sld [smem:$0x0];
	_ =	sdelay $0x2  }
0xc0: {  	s31 =	sshll.u32 s1, $0xD;
	s1 =	sshrl.u32 s1, $0x2  }
0xc1: {  	s3 =	sand.u32 $0x4000, s31;
	s1 =	sadd.s32 s1, s30  }
0xc2: {  	s0 =	sor.u32 s3, s0;
	s1 =	sshll.u32 s1, $0x11  }
0xc3: {  	s0 =	sor.u32 s1, s0  }
0xc4: {  	s0 =	sadd.s32 $0x8F2B, s0  }
0xc5: {  	[sflag:s0] =	ssyncadd.remote.s32 $0x1  }
0xc6: {  	_ =	sfence.sel $0xFFFF  }
0xc7: {  	[dreg:$0x0] =	wrdreg $0xFFFFFFFF;
	(pc) =	sbr.abs _section_cstart, $3  }
0xc8: {  	[dreg:$0x1] =	wrdreg $0xFFFFFFFF  }
0xc9: {  	_ =	task.clear_ibuf [dreg:s9], $0x2FFFF;
	_ =	strace $0x9FFFFFFF  }
0xca: {  	(tm) =	ssettm $0x7FFFFFFF  }
0xcb: {  	_ =	shalt  }
tec
execute0_lowered:
.L_overlay_start_1:
0x0: {  	(tag) =	ssettag $0x1  }
0x1: {  	s0 =	rddreg [dreg:$0x0]  }
0x2: {  	s1 =	rddreg [dreg:$0x1]  }
0x3: {  	s2 =	rddreg [dreg:$0x2];
	s4 =	srdreg.scid  }
0x4: {  	s3 =	simm.s32 $0x0;
	s8 =	stileid.u32;
	s4 =	sand.u32 $0x1, s4  }
0x5: {  	[smem:$0x7FF] =	sst s3;
	s6 =	sshll.u32 s8, $0x1;
	s25 =	sshrl.u32 s8, $0x2  }
0x6: {  	s5 =	ssub.s32 $0x2, s4;
	_ =	strace $0x80000047;
	s6 =	sand.u32 $0x6, s6  }
0x7: {  	s26 =	sshll.u32 s25, $0x4;
	s7 =	sshrl.u32 s5, $0x1;
	s4 =	sor.u32 s4, s6  }
0x8: {  	s0 =	sadd.s32 s0, s26;
	s6 =	sshll.u32 s4, $0x10;
	s4 =	sshll.u32 s4, $0x8  }
0x9: {  	s9 =	ssub.s32 s5, s7;
	s5 =	sshll.u32 s25, $0x13;
	s0 =	sadd.s32 s4, s0  }
0xa: {  	s6 =	sor.u32 s5, s6;
	s25 =	smax.u32 s9, $0x1;
	[dreg:$0x4] =	wrdreg s0  }
0xb: {  	s6 =	sadd.s32 s2, s6;
	[dreg:$0x16] =	wrdreg s25  }
0xc: {  	s2 =	sadd.s32 $0x400, s6;
	[dreg:$0x5] =	wrdreg s6  }
0xd: {  	s10 =	sadd.s32 $0x1000, s6;
	[dreg:$0x6] =	wrdreg s2  }
0xe: {  	s11 =	sadd.s32 $0x2000, s6;
	[dreg:$0x7] =	wrdreg s10  }
0xf: {  	s12 =	sadd.s32 $0x3000, s6;
	[dreg:$0x8] =	wrdreg s11  }
0x10: {  	s13 =	sadd.s32 $0x4000, s6;
	[dreg:$0x9] =	wrdreg s12  }
0x11: {  	s14 =	sadd.s32 $0x5000, s6;
	[dreg:$0xa] =	wrdreg s13  }
0x12: {  	s15 =	sadd.s32 $0x6000, s6;
	[dreg:$0xb] =	wrdreg s14  }
0x13: {  	s16 =	sadd.s32 $0x7000, s6;
	[dreg:$0xc] =	wrdreg s15  }
0x14: {  	s17 =	sadd.s32 $0x8000, s6;
	[dreg:$0xd] =	wrdreg s16  }
0x15: {  	s30 =	simm.s32 $0x200;
	s18 =	sadd.s32 $0x9000, s6;
	[dreg:$0xe] =	wrdreg s17  }
0x16: {  	s29 =	simm.s32 $0x1A00;
	s19 =	sadd.s32 $0xA000, s6;
	[dreg:$0xf] =	wrdreg s18  }
0x17: {  	s31 =	simm.s32 $0x2;
	s20 =	sadd.s32 $0xB000, s6;
	[dreg:$0x10] =	wrdreg s19  }
0x18: {  	s28 =	simm.s32 $0x5;
	s21 =	sadd.s32 $0xC000, s6;
	[dreg:$0x11] =	wrdreg s20  }
0x19: {  	s8 =	sadd.s32 $0x300, s1;
	s22 =	sadd.s32 $0xD000, s6;
	[dreg:$0x12] =	wrdreg s21  }
0x1a: {  	s7 =	sadd.s32 $0x200, s1;
	s23 =	sadd.s32 $0xE000, s6;
	[dreg:$0x13] =	wrdreg s22  }
0x1b: {  	s5 =	sadd.s32 $0x100, s1;
	s24 =	sadd.s32 $0xF000, s6;
	[dreg:$0x14] =	wrdreg s23  }
0x1c: {  	s4 =	simm.s32 $0x8200;
	s26 =	sadd.s32 $0xF800, s6;
	[dreg:$0x15] =	wrdreg s24  }
0x1d: {  	s0 =	sadd.s32 $0xFC00, s6;
	s6 =	simm.s32 $0x4;
	[dreg:$0x17] =	wrdreg s26  }
0x1e: {  	[dreg:$0x18] =	wrdreg s0;
	s0 =	simm.s32 $0xA00;
	s2 =	simm.s32 $0x1200  }
0x1f: {  	s12 =	simm.s32 $0xA200;
	s13 =	simm.s32 $0xAA00;
	s14 =	simm.s32 $0xB200  }
0x20: {  	v2 =	vlaneseq.u32;
	s15 =	simm.s32 $0xBA00;
	s20 =	simm.s32 $0x1;
	s21 =	simm.s32 $0x10200  }
0x21: {  	vm0 =	vmmov $0xffff;
	v1 =	vshrl.u32 v2, $0x3;
	s22 =	simm.s32 $0x10A00;
	s23 =	simm.s32 $0x11200;
	s24 =	simm.s32 $0x11A00  }
0x22: {  	v0 =	vand.u32 $0x7, v2;
	v2 =	vor.u32 $0x8, v2;
	v1 =	vmul.u32 $0x8, v1;
	s26 =	simm.s32 $0x3;
	s16 =	simm.s32 $0x6;
	s17 =	simm.s32 $0x0  }
.LBB2_1:
0x23: {  	s9 =	rddreg [dreg:$0x4];
	s10 =	simm.s32 $0x80  }
0x24: {  	[tilespmem:s3], [sflag:$0x7] =	stream.strided.gather [hbm4b:s9+s10], $0x200, s30, s10, $0x38;
	[tilespmem:$0x18200] =	vst v63  }
0x25: {  	s10 =	simm.s32 $0x7  }
0x26: {  	_ =	swait.ge [sflag:s10], $0x200  }
0x27: {  	[sflag:s10] =	ssyncset.done $0x0  }
0x28: {  	[sflag:s10] =	ssyncadd.s32 $0xFFFFFE00  }
0x29: {  	v3 =	vld.msk [tilespmem:$0x0], $0xff;
	_ =	sdelay $0x4  }
0x2a: {  	v4 =	vshll.u32 v3, $0x3  }
0x2b: {  	v3 =	vand.u32 $0x7, v3;
	v4 =	vand.u32 $0xFFFFFFC0, v4  }
0x2c: {  	v3 =	vor.u32 v3, v4  }
0x2d: {  	v3 =	vperm.xlane v3, v0;
	_ =	sdelay $0x1  }
0x2e: {  	v3 =	vadd.s32 v1, v3;
	_ =	sdelay $0x4  }
0x2f: {  	[tilespmem:s30], [sflag:$0x1] =	stream.indirect_vreg.gather [hbm4b:s1+s3], $0x80, v3, vm0, $0xb8;
	[tilespmem:$0x18200] =	vst v63  }
0x30: {  	_ = 	snop  }
0x31: {  	[tilespmem:s0], [sflag:$0x1] =	stream.indirect_vreg.gather [hbm4b:s5+s3], $0x80, v3, vm0, $0xb8;
	[tilespmem:$0x18200] =	vst v63  }
0x32: {  	_ = 	snop  }
0x33: {  	[tilespmem:s2], [sflag:$0x1] =	stream.indirect_vreg.gather [hbm4b:s7+s3], $0x80, v3, vm0, $0xb8;
	[tilespmem:$0x18200] =	vst v63  }
0x34: {  	_ = 	snop  }
0x35: {  	[tilespmem:s29], [sflag:$0x1] =	stream.indirect_vreg.gather [hbm4b:s8+s3], $0x80, v3, vm0, $0xb8;
	[tilespmem:$0x18200] =	vst v63  }
0x36: {  	v3 =	vld [tilespmem:$0x8];
	_ =	sdelay $0x4  }
0x37: {  	v60 =	vshll.u32 v3, $0x3  }
0x38: {  	v3 =	vand.u32 $0x7, v3;
	v4 =	vand.u32 $0xFFFFFFC0, v60  }
0x39: {  	v3 =	vor.u32 v3, v4  }
0x3a: {  	v4 =	vperm.xlane v3, v0;
	_ =	sdelay $0x1  }
0x3b: {  	v4 =	vadd.s32 v1, v4;
	_ =	sdelay $0x4  }
0x3c: {  	[tilespmem:s4], [sflag:$0x2] =	stream.indirect_vreg.gather [hbm4b:s1+s3], $0x80, v4, vm0, $0xb8;
	[tilespmem:$0x18200] =	vst v63  }
0x3d: {  	s11 =	simm.s32 $0x8A00;
	v3 =	vperm.xlane v3, v2  }
0x3e: {  	[tilespmem:s11], [sflag:$0x2] =	stream.indirect_vreg.gather [hbm4b:s5+s3], $0x80, v4, vm0, $0xb8;
	[tilespmem:$0x18200] =	vst v63  }
0x3f: {  	s18 =	simm.s32 $0x9200;
	v3 =	vadd.s32 v1, v3  }
0x40: {  	[tilespmem:s18], [sflag:$0x2] =	stream.indirect_vreg.gather [hbm4b:s7+s3], $0x80, v4, vm0, $0xb8;
	[tilespmem:$0x18200] =	vst v63  }
0x41: {  	s19 =	simm.s32 $0x9A00  }
0x42: {  	[tilespmem:s19], [sflag:$0x2] =	stream.indirect_vreg.gather [hbm4b:s8+s3], $0x80, v4, vm0, $0xb8;
	[tilespmem:$0x18200] =	vst v63  }
0x43: {  	_ = 	snop  }
0x44: {  	[tilespmem:s12], [sflag:$0x2] =	stream.indirect_vreg.gather [hbm4b:s1+s3], $0x80, v3, vm0, $0xb8;
	[tilespmem:$0x18200] =	vst v63  }
0x45: {  	_ = 	snop  }
0x46: {  	[tilespmem:s13], [sflag:$0x2] =	stream.indirect_vreg.gather [hbm4b:s5+s3], $0x80, v3, vm0, $0xb8;
	[tilespmem:$0x18200] =	vst v63  }
0x47: {  	_ = 	snop  }
0x48: {  	[tilespmem:s14], [sflag:$0x2] =	stream.indirect_vreg.gather [hbm4b:s7+s3], $0x80, v3, vm0, $0xb8;
	[tilespmem:$0x18200] =	vst v63  }
0x49: {  	_ = 	snop  }
0x4a: {  	[tilespmem:s15], [sflag:$0x2] =	stream.indirect_vreg.gather [hbm4b:s8+s3], $0x80, v3, vm0, $0xb8;
	[tilespmem:$0x18200] =	vst v63  }
0x4b: {  	v3 =	vld.msk [tilespmem:$0x18], $0xff;
	_ =	sdelay $0x4  }
0x4c: {  	v61 =	vshll.u32 v3, $0x3  }
0x4d: {  	v3 =	vand.u32 $0x7, v3;
	v4 =	vand.u32 $0xFFFFFFC0, v61  }
0x4e: {  	v3 =	vor.u32 v3, v4  }
0x4f: {  	v3 =	vperm.xlane v3, v0;
	_ =	sdelay $0x1  }
0x50: {  	v3 =	vadd.s32 v1, v3;
	_ =	sdelay $0x3  }
0x51: {  	s25 =	simm.s32 $0xC200  }
0x52: {  	[tilespmem:s25], [sflag:$0x2] =	stream.indirect_vreg.gather [hbm4b:s1+s3], $0x80, v3, vm0, $0xb8;
	[tilespmem:$0x18200] =	vst v63  }
0x53: {  	s10 =	simm.s32 $0xCA00  }
0x54: {  	[tilespmem:s10], [sflag:$0x2] =	stream.indirect_vreg.gather [hbm4b:s5+s3], $0x80, v3, vm0, $0xb8;
	[tilespmem:$0x18200] =	vst v63  }
0x55: {  	s11 =	simm.s32 $0xD200  }
0x56: {  	[tilespmem:s11], [sflag:$0x2] =	stream.indirect_vreg.gather [hbm4b:s7+s3], $0x80, v3, vm0, $0xb8;
	[tilespmem:$0x18200] =	vst v63  }
0x57: {  	s18 =	simm.s32 $0xDA00  }
0x58: {  	[tilespmem:s18], [sflag:$0x2] =	stream.indirect_vreg.gather [hbm4b:s8+s3], $0x80, v3, vm0, $0xb8;
	[tilespmem:$0x18200] =	vst v63  }
0x59: {  	_ =	swait.ge [sflag:s20], $0x2000  }
0x5a: {  	[sflag:s20] =	ssyncset.done $0x0  }
0x5b: {  	[sflag:s20] =	ssyncadd.s32 $0xFFFFE000  }
0x5c: {  	v3 =	vld [tilespmem:$0x20];
	_ =	sdelay $0x4  }
0x5d: {  	v62 =	vshll.u32 v3, $0x3  }
0x5e: {  	v3 =	vand.u32 $0x7, v3;
	v4 =	vand.u32 $0xFFFFFFC0, v62  }
0x5f: {  	v3 =	vor.u32 v3, v4  }
0x60: {  	v4 =	vperm.xlane v3, v0;
	_ =	sdelay $0x1  }
0x61: {  	v4 =	vadd.s32 v1, v4;
	_ =	sdelay $0x4  }
0x62: {  	[tilespmem:s21], [sflag:$0x3] =	stream.indirect_vreg.gather [hbm4b:s1+s3], $0x80, v4, vm0, $0xb8;
	[tilespmem:$0x18200] =	vst v63  }
0x63: {  	v3 =	vperm.xlane v3, v2  }
0x64: {  	[tilespmem:s22], [sflag:$0x3] =	stream.indirect_vreg.gather [hbm4b:s5+s3], $0x80, v4, vm0, $0xb8;
	[tilespmem:$0x18200] =	vst v63  }
0x65: {  	v3 =	vadd.s32 v1, v3  }
0x66: {  	[tilespmem:s23], [sflag:$0x3] =	stream.indirect_vreg.gather [hbm4b:s7+s3], $0x80, v4, vm0, $0xb8;
	[tilespmem:$0x18200] =	vst v63  }
0x67: {  	_ = 	snop  }
0x68: {  	[tilespmem:s24], [sflag:$0x3] =	stream.indirect_vreg.gather [hbm4b:s8+s3], $0x80, v4, vm0, $0xb8;
	[tilespmem:$0x18200] =	vst v63  }
0x69: {  	s19 =	simm.s32 $0x12200  }
0x6a: {  	[tilespmem:s19], [sflag:$0x3] =	stream.indirect_vreg.gather [hbm4b:s1+s3], $0x80, v3, vm0, $0xb8;
	[tilespmem:$0x18200] =	vst v63  }
0x6b: {  	s25 =	simm.s32 $0x12A00  }
0x6c: {  	[tilespmem:s25], [sflag:$0x3] =	stream.indirect_vreg.gather [hbm4b:s5+s3], $0x80, v3, vm0, $0xb8;
	[tilespmem:$0x18200] =	vst v63  }
0x6d: {  	s10 =	simm.s32 $0x13200  }
0x6e: {  	[tilespmem:s10], [sflag:$0x3] =	stream.indirect_vreg.gather [hbm4b:s7+s3], $0x80, v3, vm0, $0xb8;
	[tilespmem:$0x18200] =	vst v63  }
0x6f: {  	s11 =	simm.s32 $0x13A00  }
0x70: {  	[tilespmem:s11], [sflag:$0x3] =	stream.indirect_vreg.gather [hbm4b:s8+s3], $0x80, v3, vm0, $0xb8;
	[tilespmem:$0x18200] =	vst v63  }
0x71: {  	v3 =	vld [tilespmem:$0x30];
	_ =	sdelay $0x4  }
0x72: {  	v63 =	vshll.u32 v3, $0x3  }
0x73: {  	v3 =	vand.u32 $0x7, v3;
	v4 =	vand.u32 $0xFFFFFFC0, v63  }
0x74: {  	v3 =	vor.u32 v3, v4  }
0x75: {  	v4 =	vperm.xlane v3, v0;
	_ =	sdelay $0x1  }
0x76: {  	v4 =	vadd.s32 v1, v4;
	_ =	sdelay $0x3  }
0x77: {  	s18 =	simm.s32 $0x14200  }
0x78: {  	[tilespmem:s18], [sflag:$0x3] =	stream.indirect_vreg.gather [hbm4b:s1+s3], $0x80, v4, vm0, $0xb8;
	[tilespmem:$0x18200] =	vst v63  }
0x79: {  	s19 =	simm.s32 $0x14A00;
	v3 =	vperm.xlane v3, v2  }
0x7a: {  	[tilespmem:s19], [sflag:$0x3] =	stream.indirect_vreg.gather [hbm4b:s5+s3], $0x80, v4, vm0, $0xb8;
	[tilespmem:$0x18200] =	vst v63  }
0x7b: {  	s25 =	simm.s32 $0x15200;
	v3 =	vadd.s32 v1, v3  }
0x7c: {  	[tilespmem:s25], [sflag:$0x3] =	stream.indirect_vreg.gather [hbm4b:s7+s3], $0x80, v4, vm0, $0xb8;
	[tilespmem:$0x18200] =	vst v63  }
0x7d: {  	s10 =	simm.s32 $0x15A00  }
0x7e: {  	[tilespmem:s10], [sflag:$0x3] =	stream.indirect_vreg.gather [hbm4b:s8+s3], $0x80, v4, vm0, $0xb8;
	[tilespmem:$0x18200] =	vst v63  }
0x7f: {  	s11 =	simm.s32 $0x16200  }
0x80: {  	[tilespmem:s11], [sflag:$0x3] =	stream.indirect_vreg.gather [hbm4b:s1+s3], $0x80, v3, vm0, $0xb8;
	[tilespmem:$0x18200] =	vst v63  }
0x81: {  	s18 =	simm.s32 $0x16A00  }
0x82: {  	[tilespmem:s18], [sflag:$0x3] =	stream.indirect_vreg.gather [hbm4b:s5+s3], $0x80, v3, vm0, $0xb8;
	[tilespmem:$0x18200] =	vst v63  }
0x83: {  	s19 =	simm.s32 $0x17200  }
0x84: {  	[tilespmem:s19], [sflag:$0x3] =	stream.indirect_vreg.gather [hbm4b:s7+s3], $0x80, v3, vm0, $0xb8;
	[tilespmem:$0x18200] =	vst v63  }
0x85: {  	s25 =	simm.s32 $0x17A00;
	s18 =	simm.s32 $0x240;
	s19 =	simm.s32 $0x0  }
0x86: {  	[tilespmem:s25], [sflag:$0x3] =	stream.indirect_vreg.gather [hbm4b:s8+s3], $0x80, v3, vm0, $0xb8;
	[tilespmem:$0x18200] =	vst v63  }
.LBB2_2:
0x87: {  	v4 =	vld [tilespmem:s18+$0xFFFFFFC0];
	_ =	sdelay $0x1  }
0x88: {  	v7 =	vld [tilespmem:s18+$0xFFFFFFD0]  }
0x89: {  	v9 =	vld [tilespmem:s18+$0xFFFFFFE0]  }
0x8a: {  	v5 =	vld [tilespmem:s18+$0x0]  }
0x8b: {  	v3 =	vld [tilespmem:s18+$0x10];
	v8 =	vmul.f32 $3.200000000e+01, v4  }
0x8c: {  	v6 =	vld [tilespmem:s18+$0x20]  }
0x8d: {  	v4 =	vld [tilespmem:s18+$0x30];
	[tilespmem:s18+$0xFFFFFFC0] =	vst v8;
	v8 =	vmul.f32 $3.200000000e+01, v7  }
0x8e: {  	s25 =	simm.s32 $0x0;
	s10 =	sadd.s32 $0x400, s18;
	s9 =	smov.u32 s18;
	v9 =	vmul.f32 $3.200000000e+01, v9;
	v7 =	vld [tilespmem:s18+$0xFFFFFFF0]  }
.LBB2_3:
0x8f: {  	v10 =	vld [tilespmem:s10+$0xFFFFFFC0];
	[tilespmem:s9+$0xFFFFFFD0] =	vst v8;
	v5 =	vmul.f32 $3.200000000e+01, v5  }
0x90: {  	s25 =	sadd.s32 $0x8, s25;
	v8 =	vld [tilespmem:s10+$0xFFFFFFD0];
	[tilespmem:s9+$0xFFFFFFE0] =	vst v9;
	v3 =	vmul.f32 $3.200000000e+01, v3  }
0x91: {  	p0 =	slt.u32 s25, $0x38;
	v9 =	vld [tilespmem:s10+$0xFFFFFFE0];
	[tilespmem:s9+$0x0] =	vst v5;
	v6 =	vmul.f32 $3.200000000e+01, v6  }
.Ltmp0:
0x92: {  	v5 =	vld [tilespmem:s10+$0x0];
	[tilespmem:s9+$0x10] =	vst v3;
	v4 =	vmul.f32 $3.200000000e+01, v4;
	(pc) =	sbr.rel @p0 .LBB2_3-.Ltmp0, $4  }
0x93: {  	v3 =	vld [tilespmem:s10+$0x10];
	v7 =	vmul.f32 $3.200000000e+01, v7;
	[tilespmem:s9+$0x20] =	vst v6  }
0x94: {  	v10 =	vmul.f32 $3.200000000e+01, v10;
	v6 =	vld [tilespmem:s10+$0x20];
	[tilespmem:s9+$0x30] =	vst v4  }
0x95: {  	v8 =	vmul.f32 $3.200000000e+01, v8;
	v4 =	vld [tilespmem:s10+$0x30];
	[tilespmem:s9+$0xFFFFFFF0] =	vst v7;
	s9 =	smov.u32 s10  }
0x96: {  	s10 =	sadd.s32 $0x400, s10;
	[tilespmem:s9+$0xFFFFFFC0] =	vst v10;
	v9 =	vmul.f32 $3.200000000e+01, v9;
	v7 =	vld [tilespmem:s9+$0xFFFFFFF0]  }
0x97: {  	[tilespmem:s9+$0xFFFFFFD0] =	vst v8;
	v5 =	vmul.f32 $3.200000000e+01, v5;
	s19 =	sadd.s32 $0x1, s19  }
0x98: {  	[tilespmem:s9+$0xFFFFFFE0] =	vst v9;
	v3 =	vmul.f32 $3.200000000e+01, v3;
	p0 =	sne.s32 s19, $0x8  }
.Ltmp1:
0x99: {  	[tilespmem:s9+$0x0] =	vst v5;
	v62 =	vmul.f32 $3.200000000e+01, v6;
	(pc) =	sbr.rel @p0 .LBB2_2-.Ltmp1, $4  }
0x9a: {  	[tilespmem:s9+$0x10] =	vst v3;
	v3 =	vmul.f32 $3.200000000e+01, v4  }
0x9b: {  	v63 =	vmul.f32 $3.200000000e+01, v7;
	[tilespmem:s9+$0x20] =	vst v62  }
0x9c: {  	[tilespmem:s9+$0x30] =	vst v3  }
0x9d: {  	s18 =	sadd.s32 $0x80, s18;
	[tilespmem:s9+$0xFFFFFFF0] =	vst v63  }
0x9e: {  	s18 =	simm.s32 $0x0;
	s9 =	rddreg [dreg:$0x5]  }
0x9f: {  	[hbm4b:s9+s18] =	stream.linear.scatter [tilespmem:s30], [sflag:$0x4], $0x2000, $0x38;
	[tilespmem:$0x18200] =	vst v63  }
0xa0: {  	_ =	swait.ge [sflag:s31], $0x6000  }
0xa1: {  	[sflag:s31] =	ssyncset.done $0x0  }
0xa2: {  	[sflag:s31] =	ssyncadd.s32 $0xFFFFA000  }
0xa3: {  	_ =	swait.ge [sflag:s6], $0x2000  }
0xa4: {  	[sflag:s6] =	ssyncset.done $0x0  }
0xa5: {  	[sflag:s6] =	ssyncadd.s32 $0xFFFFE000  }
0xa6: {  	v3 =	vld [tilespmem:$0x40];
	_ =	sdelay $0x4  }
0xa7: {  	v4 =	vshll.u32 v3, $0x3  }
0xa8: {  	v3 =	vand.u32 $0x7, v3;
	v4 =	vand.u32 $0xFFFFFFC0, v4  }
0xa9: {  	v3 =	vor.u32 v3, v4  }
0xaa: {  	v4 =	vperm.xlane v3, v0;
	_ =	sdelay $0x1  }
0xab: {  	v4 =	vadd.s32 v1, v4;
	_ =	sdelay $0x4  }
0xac: {  	[tilespmem:s30], [sflag:$0x1] =	stream.indirect_vreg.gather [hbm4b:s1+s18], $0x80, v4, vm0, $0xb8;
	[tilespmem:$0x18200] =	vst v63  }
0xad: {  	v3 =	vperm.xlane v3, v2  }
0xae: {  	[tilespmem:s0], [sflag:$0x1] =	stream.indirect_vreg.gather [hbm4b:s5+s18], $0x80, v4, vm0, $0xb8;
	[tilespmem:$0x18200] =	vst v63  }
0xaf: {  	v3 =	vadd.s32 v1, v3  }
0xb0: {  	[tilespmem:s2], [sflag:$0x1] =	stream.indirect_vreg.gather [hbm4b:s7+s18], $0x80, v4, vm0, $0xb8;
	[tilespmem:$0x18200] =	vst v63  }
0xb1: {  	_ = 	snop  }
0xb2: {  	[tilespmem:s29], [sflag:$0x1] =	stream.indirect_vreg.gather [hbm4b:s8+s18], $0x80, v4, vm0, $0xb8;
	[tilespmem:$0x18200] =	vst v63  }
0xb3: {  	s10 =	simm.s32 $0x2200  }
0xb4: {  	[tilespmem:s10], [sflag:$0x1] =	stream.indirect_vreg.gather [hbm4b:s1+s18], $0x80, v3, vm0, $0xb8;
	[tilespmem:$0x18200] =	vst v63  }
0xb5: {  	s11 =	simm.s32 $0x2A00  }
0xb6: {  	[tilespmem:s11], [sflag:$0x1] =	stream.indirect_vreg.gather [hbm4b:s5+s18], $0x80, v3, vm0, $0xb8;
	[tilespmem:$0x18200] =	vst v63  }
0xb7: {  	s19 =	simm.s32 $0x3200  }
0xb8: {  	[tilespmem:s19], [sflag:$0x1] =	stream.indirect_vreg.gather [hbm4b:s7+s18], $0x80, v3, vm0, $0xb8;
	[tilespmem:$0x18200] =	vst v63  }
0xb9: {  	s25 =	simm.s32 $0x3A00  }
0xba: {  	[tilespmem:s25], [sflag:$0x1] =	stream.indirect_vreg.gather [hbm4b:s8+s18], $0x80, v3, vm0, $0xb8;
	[tilespmem:$0x18200] =	vst v63  }
0xbb: {  	v3 =	vld [tilespmem:$0x50];
	_ =	sdelay $0x4  }
0xbc: {  	v63 =	vshll.u32 v3, $0x3  }
0xbd: {  	v3 =	vand.u32 $0x7, v3;
	v4 =	vand.u32 $0xFFFFFFC0, v63  }
0xbe: {  	v3 =	vor.u32 v3, v4  }
0xbf: {  	v4 =	vperm.xlane v3, v0;
	_ =	sdelay $0x1  }
0xc0: {  	v4 =	vadd.s32 v1, v4;
	_ =	sdelay $0x3  }
0xc1: {  	s10 =	simm.s32 $0x4200  }
0xc2: {  	[tilespmem:s10], [sflag:$0x1] =	stream.indirect_vreg.gather [hbm4b:s1+s18], $0x80, v4, vm0, $0xb8;
	[tilespmem:$0x18200] =	vst v63  }
0xc3: {  	s11 =	simm.s32 $0x4A00;
	v3 =	vperm.xlane v3, v2  }
0xc4: {  	[tilespmem:s11], [sflag:$0x1] =	stream.indirect_vreg.gather [hbm4b:s5+s18], $0x80, v4, vm0, $0xb8;
	[tilespmem:$0x18200] =	vst v63  }
0xc5: {  	s19 =	simm.s32 $0x5200;
	v3 =	vadd.s32 v1, v3  }
0xc6: {  	[tilespmem:s19], [sflag:$0x1] =	stream.indirect_vreg.gather [hbm4b:s7+s18], $0x80, v4, vm0, $0xb8;
	[tilespmem:$0x18200] =	vst v63  }
0xc7: {  	s25 =	simm.s32 $0x5A00  }
0xc8: {  	[tilespmem:s25], [sflag:$0x1] =	stream.indirect_vreg.gather [hbm4b:s8+s18], $0x80, v4, vm0, $0xb8;
	[tilespmem:$0x18200] =	vst v63  }
0xc9: {  	s10 =	simm.s32 $0x6200  }
0xca: {  	[tilespmem:s10], [sflag:$0x1] =	stream.indirect_vreg.gather [hbm4b:s1+s18], $0x80, v3, vm0, $0xb8;
	[tilespmem:$0x18200] =	vst v63  }
0xcb: {  	s11 =	simm.s32 $0x6A00  }
0xcc: {  	[tilespmem:s11], [sflag:$0x1] =	stream.indirect_vreg.gather [hbm4b:s5+s18], $0x80, v3, vm0, $0xb8;
	[tilespmem:$0x18200] =	vst v63  }
0xcd: {  	s19 =	simm.s32 $0x7200  }
0xce: {  	[tilespmem:s19], [sflag:$0x1] =	stream.indirect_vreg.gather [hbm4b:s7+s18], $0x80, v3, vm0, $0xb8;
	[tilespmem:$0x18200] =	vst v63  }
0xcf: {  	s25 =	simm.s32 $0x7A00  }
0xd0: {  	[tilespmem:s25], [sflag:$0x1] =	stream.indirect_vreg.gather [hbm4b:s8+s18], $0x80, v3, vm0, $0xb8;
	[tilespmem:$0x18200] =	vst v63  }
0xd1: {  	s19 =	simm.s32 $0x0;
	s25 =	simm.s32 $0x0  }
.LBB2_6:
0xd2: {  	s9 =	sshll.u32 s19, $0x2;
	s10 =	sand.u32 $0x7, s18  }
0xd3: {  	s9 =	sand.u32 $0xFFFF8000, s9;
	s10 =	sshll.u32 s10, $0x9  }
0xd4: {  	s9 =	sor.u32 s10, s9  }
0xd5: {  	s9 =	sshrl.u32 s9, $0x2  }
0xd6: {  	s9 =	sadd.s32 $0x8240, s9  }
0xd7: {  	v4 =	vld [tilespmem:s9+$0xFFFFFFC0];
	_ =	sdelay $0x1  }
0xd8: {  	v7 =	vld [tilespmem:s9+$0xFFFFFFD0]  }
0xd9: {  	v9 =	vld [tilespmem:s9+$0xFFFFFFE0]  }
0xda: {  	v5 =	vld [tilespmem:s9+$0x0]  }
0xdb: {  	v3 =	vld [tilespmem:s9+$0x10];
	v8 =	vmul.f32 $3.200000000e+01, v4  }
0xdc: {  	v6 =	vld [tilespmem:s9+$0x20]  }
0xdd: {  	v4 =	vld [tilespmem:s9+$0x30];
	[tilespmem:s9+$0xFFFFFFC0] =	vst v8;
	v8 =	vmul.f32 $3.200000000e+01, v7  }
0xde: {  	s10 =	simm.s32 $0x0;
	s11 =	sadd.s32 $0x400, s9;
	v9 =	vmul.f32 $3.200000000e+01, v9;
	v7 =	vld [tilespmem:s9+$0xFFFFFFF0]  }
.LBB2_7:
0xdf: {  	v10 =	vld [tilespmem:s11+$0xFFFFFFC0];
	[tilespmem:s9+$0xFFFFFFD0] =	vst v8;
	v5 =	vmul.f32 $3.200000000e+01, v5  }
0xe0: {  	s10 =	sadd.s32 $0x8, s10;
	v8 =	vld [tilespmem:s11+$0xFFFFFFD0];
	[tilespmem:s9+$0xFFFFFFE0] =	vst v9;
	v3 =	vmul.f32 $3.200000000e+01, v3  }
0xe1: {  	p0 =	slt.u32 s10, $0x38;
	v9 =	vld [tilespmem:s11+$0xFFFFFFE0];
	[tilespmem:s9+$0x0] =	vst v5;
	v6 =	vmul.f32 $3.200000000e+01, v6  }
.Ltmp2:
0xe2: {  	v5 =	vld [tilespmem:s11+$0x0];
	[tilespmem:s9+$0x10] =	vst v3;
	v4 =	vmul.f32 $3.200000000e+01, v4;
	(pc) =	sbr.rel @p0 .LBB2_7-.Ltmp2, $4  }
0xe3: {  	v3 =	vld [tilespmem:s11+$0x10];
	v7 =	vmul.f32 $3.200000000e+01, v7;
	[tilespmem:s9+$0x20] =	vst v6  }
0xe4: {  	v10 =	vmul.f32 $3.200000000e+01, v10;
	v6 =	vld [tilespmem:s11+$0x20];
	[tilespmem:s9+$0x30] =	vst v4  }
0xe5: {  	v8 =	vmul.f32 $3.200000000e+01, v8;
	v4 =	vld [tilespmem:s11+$0x30];
	[tilespmem:s9+$0xFFFFFFF0] =	vst v7;
	s9 =	smov.u32 s11  }
0xe6: {  	s11 =	sadd.s32 $0x400, s11;
	[tilespmem:s9+$0xFFFFFFC0] =	vst v10;
	v9 =	vmul.f32 $3.200000000e+01, v9;
	v7 =	vld [tilespmem:s9+$0xFFFFFFF0]  }
0xe7: {  	[tilespmem:s9+$0xFFFFFFD0] =	vst v8;
	v5 =	vmul.f32 $3.200000000e+01, v5;
	s25 =	sadd.s32 $0x1, s25  }
0xe8: {  	[tilespmem:s9+$0xFFFFFFE0] =	vst v9;
	v3 =	vmul.f32 $3.200000000e+01, v3;
	p0 =	sne.s32 s25, $0x18  }
.Ltmp3:
0xe9: {  	[tilespmem:s9+$0x0] =	vst v5;
	v62 =	vmul.f32 $3.200000000e+01, v6;
	(pc) =	sbr.rel @p0 .LBB2_6-.Ltmp3, $4  }
0xea: {  	[tilespmem:s9+$0x10] =	vst v3;
	v3 =	vmul.f32 $3.200000000e+01, v4  }
0xeb: {  	v63 =	vmul.f32 $3.200000000e+01, v7;
	[tilespmem:s9+$0x20] =	vst v62  }
0xec: {  	[tilespmem:s9+$0x30] =	vst v3  }
0xed: {  	s19 =	sadd.s32 $0x400, s19;
	s18 =	sadd.s32 $0x1, s18;
	[tilespmem:s9+$0xFFFFFFF0] =	vst v63  }
0xee: {  	s18 =	simm.s32 $0x0;
	s9 =	rddreg [dreg:$0x6]  }
0xef: {  	[hbm4b:s9+s18] =	stream.linear.scatter [tilespmem:s4], [sflag:$0x5], $0x6000, $0x38;
	[tilespmem:$0x18200] =	vst v63  }
0xf0: {  	_ =	swait.ge [sflag:s26], $0x8000  }
0xf1: {  	[sflag:s26] =	ssyncset.done $0x0  }
0xf2: {  	[sflag:s26] =	ssyncadd.s32 $0xFFFF8000  }
0xf3: {  	_ =	swait.ge [sflag:s28], $0x6000  }
0xf4: {  	[sflag:s28] =	ssyncset.done $0x0  }
0xf5: {  	[sflag:s28] =	ssyncadd.s32 $0xFFFFA000  }
0xf6: {  	v3 =	vld [tilespmem:$0x60];
	_ =	sdelay $0x4  }
0xf7: {  	v4 =	vshll.u32 v3, $0x3  }
0xf8: {  	v3 =	vand.u32 $0x7, v3;
	v4 =	vand.u32 $0xFFFFFFC0, v4  }
0xf9: {  	v3 =	vor.u32 v3, v4  }
0xfa: {  	v4 =	vperm.xlane v3, v0;
	_ =	sdelay $0x1  }
0xfb: {  	v4 =	vadd.s32 v1, v4;
	_ =	sdelay $0x4  }
0xfc: {  	[tilespmem:s4], [sflag:$0x2] =	stream.indirect_vreg.gather [hbm4b:s1+s18], $0x80, v4, vm0, $0xb8;
	[tilespmem:$0x18200] =	vst v63  }
0xfd: {  	s11 =	simm.s32 $0x8A00;
	v3 =	vperm.xlane v3, v2  }
0xfe: {  	[tilespmem:s11], [sflag:$0x2] =	stream.indirect_vreg.gather [hbm4b:s5+s18], $0x80, v4, vm0, $0xb8;
	[tilespmem:$0x18200] =	vst v63  }
0xff: {  	s19 =	simm.s32 $0x9200;
	v3 =	vadd.s32 v1, v3  }
0x100: {  	[tilespmem:s19], [sflag:$0x2] =	stream.indirect_vreg.gather [hbm4b:s7+s18], $0x80, v4, vm0, $0xb8;
	[tilespmem:$0x18200] =	vst v63  }
0x101: {  	s25 =	simm.s32 $0x9A00  }
0x102: {  	[tilespmem:s25], [sflag:$0x2] =	stream.indirect_vreg.gather [hbm4b:s8+s18], $0x80, v4, vm0, $0xb8;
	[tilespmem:$0x18200] =	vst v63  }
0x103: {  	_ = 	snop  }
0x104: {  	[tilespmem:s12], [sflag:$0x2] =	stream.indirect_vreg.gather [hbm4b:s1+s18], $0x80, v3, vm0, $0xb8;
	[tilespmem:$0x18200] =	vst v63  }
0x105: {  	_ = 	snop  }
0x106: {  	[tilespmem:s13], [sflag:$0x2] =	stream.indirect_vreg.gather [hbm4b:s5+s18], $0x80, v3, vm0, $0xb8;
	[tilespmem:$0x18200] =	vst v63  }
0x107: {  	_ = 	snop  }
0x108: {  	[tilespmem:s14], [sflag:$0x2] =	stream.indirect_vreg.gather [hbm4b:s7+s18], $0x80, v3, vm0, $0xb8;
	[tilespmem:$0x18200] =	vst v63  }
0x109: {  	_ = 	snop  }
0x10a: {  	[tilespmem:s15], [sflag:$0x2] =	stream.indirect_vreg.gather [hbm4b:s8+s18], $0x80, v3, vm0, $0xb8;
	[tilespmem:$0x18200] =	vst v63  }
0x10b: {  	v3 =	vld [tilespmem:$0x70];
	_ =	sdelay $0x4  }
0x10c: {  	v63 =	vshll.u32 v3, $0x3  }
0x10d: {  	v3 =	vand.u32 $0x7, v3;
	v4 =	vand.u32 $0xFFFFFFC0, v63  }
0x10e: {  	v3 =	vor.u32 v3, v4  }
0x10f: {  	v4 =	vperm.xlane v3, v0;
	_ =	sdelay $0x1  }
0x110: {  	v4 =	vadd.s32 v1, v4;
	_ =	sdelay $0x3  }
0x111: {  	s10 =	simm.s32 $0xC200  }
0x112: {  	[tilespmem:s10], [sflag:$0x2] =	stream.indirect_vreg.gather [hbm4b:s1+s18], $0x80, v4, vm0, $0xb8;
	[tilespmem:$0x18200] =	vst v63  }
0x113: {  	s11 =	simm.s32 $0xCA00;
	v3 =	vperm.xlane v3, v2  }
0x114: {  	[tilespmem:s11], [sflag:$0x2] =	stream.indirect_vreg.gather [hbm4b:s5+s18], $0x80, v4, vm0, $0xb8;
	[tilespmem:$0x18200] =	vst v63  }
0x115: {  	s19 =	simm.s32 $0xD200;
	v3 =	vadd.s32 v1, v3  }
0x116: {  	[tilespmem:s19], [sflag:$0x2] =	stream.indirect_vreg.gather [hbm4b:s7+s18], $0x80, v4, vm0, $0xb8;
	[tilespmem:$0x18200] =	vst v63  }
0x117: {  	s25 =	simm.s32 $0xDA00  }
0x118: {  	[tilespmem:s25], [sflag:$0x2] =	stream.indirect_vreg.gather [hbm4b:s8+s18], $0x80, v4, vm0, $0xb8;
	[tilespmem:$0x18200] =	vst v63  }
0x119: {  	s10 =	simm.s32 $0xE200  }
0x11a: {  	[tilespmem:s10], [sflag:$0x2] =	stream.indirect_vreg.gather [hbm4b:s1+s18], $0x80, v3, vm0, $0xb8;
	[tilespmem:$0x18200] =	vst v63  }
0x11b: {  	s11 =	simm.s32 $0xEA00  }
0x11c: {  	[tilespmem:s11], [sflag:$0x2] =	stream.indirect_vreg.gather [hbm4b:s5+s18], $0x80, v3, vm0, $0xb8;
	[tilespmem:$0x18200] =	vst v63  }
0x11d: {  	s19 =	simm.s32 $0xF200  }
0x11e: {  	[tilespmem:s19], [sflag:$0x2] =	stream.indirect_vreg.gather [hbm4b:s7+s18], $0x80, v3, vm0, $0xb8;
	[tilespmem:$0x18200] =	vst v63  }
0x11f: {  	s25 =	simm.s32 $0xFA00  }
0x120: {  	[tilespmem:s25], [sflag:$0x2] =	stream.indirect_vreg.gather [hbm4b:s8+s18], $0x80, v3, vm0, $0xb8;
	[tilespmem:$0x18200] =	vst v63  }
0x121: {  	s19 =	simm.s32 $0x0;
	s25 =	simm.s32 $0x0  }
.LBB2_10:
0x122: {  	s9 =	sshll.u32 s19, $0x2;
	s10 =	sand.u32 $0x7, s18  }
0x123: {  	s9 =	sand.u32 $0xFFFF8000, s9;
	s10 =	sshll.u32 s10, $0x9  }
0x124: {  	s9 =	sor.u32 s10, s9  }
0x125: {  	s9 =	sshrl.u32 s9, $0x2  }
0x126: {  	s9 =	sadd.s32 $0x10240, s9  }
0x127: {  	v4 =	vld [tilespmem:s9+$0xFFFFFFC0];
	_ =	sdelay $0x1  }
0x128: {  	v7 =	vld [tilespmem:s9+$0xFFFFFFD0]  }
0x129: {  	v9 =	vld [tilespmem:s9+$0xFFFFFFE0]  }
0x12a: {  	v5 =	vld [tilespmem:s9+$0x0]  }
0x12b: {  	v3 =	vld [tilespmem:s9+$0x10];
	v8 =	vmul.f32 $3.200000000e+01, v4  }
0x12c: {  	v6 =	vld [tilespmem:s9+$0x20]  }
0x12d: {  	v4 =	vld [tilespmem:s9+$0x30];
	[tilespmem:s9+$0xFFFFFFC0] =	vst v8;
	v8 =	vmul.f32 $3.200000000e+01, v7  }
0x12e: {  	s10 =	simm.s32 $0x0;
	s11 =	sadd.s32 $0x400, s9;
	v9 =	vmul.f32 $3.200000000e+01, v9;
	v7 =	vld [tilespmem:s9+$0xFFFFFFF0]  }
.LBB2_11:
0x12f: {  	v10 =	vld [tilespmem:s11+$0xFFFFFFC0];
	[tilespmem:s9+$0xFFFFFFD0] =	vst v8;
	v5 =	vmul.f32 $3.200000000e+01, v5  }
0x130: {  	s10 =	sadd.s32 $0x8, s10;
	v8 =	vld [tilespmem:s11+$0xFFFFFFD0];
	[tilespmem:s9+$0xFFFFFFE0] =	vst v9;
	v3 =	vmul.f32 $3.200000000e+01, v3  }
0x131: {  	p0 =	slt.u32 s10, $0x38;
	v9 =	vld [tilespmem:s11+$0xFFFFFFE0];
	[tilespmem:s9+$0x0] =	vst v5;
	v6 =	vmul.f32 $3.200000000e+01, v6  }
.Ltmp4:
0x132: {  	v5 =	vld [tilespmem:s11+$0x0];
	[tilespmem:s9+$0x10] =	vst v3;
	v4 =	vmul.f32 $3.200000000e+01, v4;
	(pc) =	sbr.rel @p0 .LBB2_11-.Ltmp4, $4  }
0x133: {  	v3 =	vld [tilespmem:s11+$0x10];
	v7 =	vmul.f32 $3.200000000e+01, v7;
	[tilespmem:s9+$0x20] =	vst v6  }
0x134: {  	v10 =	vmul.f32 $3.200000000e+01, v10;
	v6 =	vld [tilespmem:s11+$0x20];
	[tilespmem:s9+$0x30] =	vst v4  }
0x135: {  	v8 =	vmul.f32 $3.200000000e+01, v8;
	v4 =	vld [tilespmem:s11+$0x30];
	[tilespmem:s9+$0xFFFFFFF0] =	vst v7;
	s9 =	smov.u32 s11  }
0x136: {  	s11 =	sadd.s32 $0x400, s11;
	[tilespmem:s9+$0xFFFFFFC0] =	vst v10;
	v9 =	vmul.f32 $3.200000000e+01, v9;
	v7 =	vld [tilespmem:s9+$0xFFFFFFF0]  }
0x137: {  	[tilespmem:s9+$0xFFFFFFD0] =	vst v8;
	v5 =	vmul.f32 $3.200000000e+01, v5;
	s25 =	sadd.s32 $0x1, s25  }
0x138: {  	[tilespmem:s9+$0xFFFFFFE0] =	vst v9;
	v3 =	vmul.f32 $3.200000000e+01, v3;
	p0 =	sne.s32 s25, $0x20  }
.Ltmp5:
0x139: {  	[tilespmem:s9+$0x0] =	vst v5;
	v62 =	vmul.f32 $3.200000000e+01, v6;
	(pc) =	sbr.rel @p0 .LBB2_10-.Ltmp5, $4  }
0x13a: {  	[tilespmem:s9+$0x10] =	vst v3;
	v3 =	vmul.f32 $3.200000000e+01, v4  }
0x13b: {  	v63 =	vmul.f32 $3.200000000e+01, v7;
	[tilespmem:s9+$0x20] =	vst v62  }
0x13c: {  	[tilespmem:s9+$0x30] =	vst v3  }
0x13d: {  	s19 =	sadd.s32 $0x400, s19;
	s18 =	sadd.s32 $0x1, s18;
	[tilespmem:s9+$0xFFFFFFF0] =	vst v63  }
0x13e: {  	s18 =	simm.s32 $0x0;
	s9 =	rddreg [dreg:$0x7]  }
0x13f: {  	[hbm4b:s9+s18] =	stream.linear.scatter [tilespmem:s21], [sflag:$0x6], $0x8000, $0x38;
	[tilespmem:$0x18200] =	vst v63  }
0x140: {  	_ =	swait.ge [sflag:s20], $0x8000  }
0x141: {  	[sflag:s20] =	ssyncset.done $0x0  }
0x142: {  	[sflag:s20] =	ssyncadd.s32 $0xFFFF8000  }
0x143: {  	_ =	swait.ge [sflag:s16], $0x8000  }
0x144: {  	[sflag:s16] =	ssyncset.done $0x0  }
0x145: {  	[sflag:s16] =	ssyncadd.s32 $0xFFFF8000  }
0x146: {  	v3 =	vld [tilespmem:$0x80];
	_ =	sdelay $0x4  }
0x147: {  	v4 =	vshll.u32 v3, $0x3  }
0x148: {  	v3 =	vand.u32 $0x7, v3;
	v4 =	vand.u32 $0xFFFFFFC0, v4  }
0x149: {  	v3 =	vor.u32 v3, v4  }
0x14a: {  	v4 =	vperm.xlane v3, v0;
	_ =	sdelay $0x1  }
0x14b: {  	v4 =	vadd.s32 v1, v4;
	_ =	sdelay $0x4  }
0x14c: {  	[tilespmem:s21], [sflag:$0x3] =	stream.indirect_vreg.gather [hbm4b:s1+s18], $0x80, v4, vm0, $0xb8;
	[tilespmem:$0x18200] =	vst v63  }
0x14d: {  	v3 =	vperm.xlane v3, v2  }
0x14e: {  	[tilespmem:s22], [sflag:$0x3] =	stream.indirect_vreg.gather [hbm4b:s5+s18], $0x80, v4, vm0, $0xb8;
	[tilespmem:$0x18200] =	vst v63  }
0x14f: {  	v3 =	vadd.s32 v1, v3  }
0x150: {  	[tilespmem:s23], [sflag:$0x3] =	stream.indirect_vreg.gather [hbm4b:s7+s18], $0x80, v4, vm0, $0xb8;
	[tilespmem:$0x18200] =	vst v63  }
0x151: {  	_ = 	snop  }
0x152: {  	[tilespmem:s24], [sflag:$0x3] =	stream.indirect_vreg.gather [hbm4b:s8+s18], $0x80, v4, vm0, $0xb8;
	[tilespmem:$0x18200] =	vst v63  }
0x153: {  	s10 =	simm.s32 $0x12200  }
0x154: {  	[tilespmem:s10], [sflag:$0x3] =	stream.indirect_vreg.gather [hbm4b:s1+s18], $0x80, v3, vm0, $0xb8;
	[tilespmem:$0x18200] =	vst v63  }
0x155: {  	s11 =	simm.s32 $0x12A00  }
0x156: {  	[tilespmem:s11], [sflag:$0x3] =	stream.indirect_vreg.gather [hbm4b:s5+s18], $0x80, v3, vm0, $0xb8;
	[tilespmem:$0x18200] =	vst v63  }
0x157: {  	s19 =	simm.s32 $0x13200  }
0x158: {  	[tilespmem:s19], [sflag:$0x3] =	stream.indirect_vreg.gather [hbm4b:s7+s18], $0x80, v3, vm0, $0xb8;
	[tilespmem:$0x18200] =	vst v63  }
0x159: {  	s25 =	simm.s32 $0x13A00  }
0x15a: {  	[tilespmem:s25], [sflag:$0x3] =	stream.indirect_vreg.gather [hbm4b:s8+s18], $0x80, v3, vm0, $0xb8;
	[tilespmem:$0x18200] =	vst v63  }
0x15b: {  	v3 =	vld [tilespmem:$0x90];
	_ =	sdelay $0x4  }
0x15c: {  	v63 =	vshll.u32 v3, $0x3  }
0x15d: {  	v3 =	vand.u32 $0x7, v3;
	v4 =	vand.u32 $0xFFFFFFC0, v63  }
0x15e: {  	v3 =	vor.u32 v3, v4  }
0x15f: {  	v4 =	vperm.xlane v3, v0;
	_ =	sdelay $0x1  }
0x160: {  	v4 =	vadd.s32 v1, v4;
	_ =	sdelay $0x3  }
0x161: {  	s10 =	simm.s32 $0x14200  }
0x162: {  	[tilespmem:s10], [sflag:$0x3] =	stream.indirect_vreg.gather [hbm4b:s1+s18], $0x80, v4, vm0, $0xb8;
	[tilespmem:$0x18200] =	vst v63  }
0x163: {  	s11 =	simm.s32 $0x14A00;
	v3 =	vperm.xlane v3, v2  }
0x164: {  	[tilespmem:s11], [sflag:$0x3] =	stream.indirect_vreg.gather [hbm4b:s5+s18], $0x80, v4, vm0, $0xb8;
	[tilespmem:$0x18200] =	vst v63  }
0x165: {  	s19 =	simm.s32 $0x15200;
	v3 =	vadd.s32 v1, v3  }
0x166: {  	[tilespmem:s19], [sflag:$0x3] =	stream.indirect_vreg.gather [hbm4b:s7+s18], $0x80, v4, vm0, $0xb8;
	[tilespmem:$0x18200] =	vst v63  }
0x167: {  	s25 =	simm.s32 $0x15A00  }
0x168: {  	[tilespmem:s25], [sflag:$0x3] =	stream.indirect_vreg.gather [hbm4b:s8+s18], $0x80, v4, vm0, $0xb8;
	[tilespmem:$0x18200] =	vst v63  }
0x169: {  	s10 =	simm.s32 $0x16200  }
0x16a: {  	[tilespmem:s10], [sflag:$0x3] =	stream.indirect_vreg.gather [hbm4b:s1+s18], $0x80, v3, vm0, $0xb8;
	[tilespmem:$0x18200] =	vst v63  }
0x16b: {  	s11 =	simm.s32 $0x16A00  }
0x16c: {  	[tilespmem:s11], [sflag:$0x3] =	stream.indirect_vreg.gather [hbm4b:s5+s18], $0x80, v3, vm0, $0xb8;
	[tilespmem:$0x18200] =	vst v63  }
0x16d: {  	s19 =	simm.s32 $0x17200  }
0x16e: {  	[tilespmem:s19], [sflag:$0x3] =	stream.indirect_vreg.gather [hbm4b:s7+s18], $0x80, v3, vm0, $0xb8;
	[tilespmem:$0x18200] =	vst v63  }
0x16f: {  	s25 =	simm.s32 $0x17A00  }
0x170: {  	[tilespmem:s25], [sflag:$0x3] =	stream.indirect_vreg.gather [hbm4b:s8+s18], $0x80, v3, vm0, $0xb8;
	[tilespmem:$0x18200] =	vst v63  }
0x171: {  	s19 =	simm.s32 $0x0;
	s25 =	simm.s32 $0x0  }
.LBB2_14:
0x172: {  	s9 =	sshll.u32 s19, $0x2;
	s10 =	sand.u32 $0x7, s18  }
0x173: {  	s9 =	sand.u32 $0xFFFF8000, s9;
	s10 =	sshll.u32 s10, $0x9  }
0x174: {  	s9 =	sor.u32 s10, s9  }
0x175: {  	s9 =	sshrl.u32 s9, $0x2  }
0x176: {  	s9 =	sadd.s32 $0x240, s9  }
0x177: {  	v4 =	vld [tilespmem:s9+$0xFFFFFFC0];
	_ =	sdelay $0x1  }
0x178: {  	v7 =	vld [tilespmem:s9+$0xFFFFFFD0]  }
0x179: {  	v9 =	vld [tilespmem:s9+$0xFFFFFFE0]  }
0x17a: {  	v5 =	vld [tilespmem:s9+$0x0]  }
0x17b: {  	v3 =	vld [tilespmem:s9+$0x10];
	v8 =	vmul.f32 $3.200000000e+01, v4  }
0x17c: {  	v6 =	vld [tilespmem:s9+$0x20]  }
0x17d: {  	v4 =	vld [tilespmem:s9+$0x30];
	[tilespmem:s9+$0xFFFFFFC0] =	vst v8;
	v8 =	vmul.f32 $3.200000000e+01, v7  }
0x17e: {  	s10 =	simm.s32 $0x0;
	s11 =	sadd.s32 $0x400, s9;
	v9 =	vmul.f32 $3.200000000e+01, v9;
	v7 =	vld [tilespmem:s9+$0xFFFFFFF0]  }
.LBB2_15:
0x17f: {  	v10 =	vld [tilespmem:s11+$0xFFFFFFC0];
	[tilespmem:s9+$0xFFFFFFD0] =	vst v8;
	v5 =	vmul.f32 $3.200000000e+01, v5  }
0x180: {  	s10 =	sadd.s32 $0x8, s10;
	v8 =	vld [tilespmem:s11+$0xFFFFFFD0];
	[tilespmem:s9+$0xFFFFFFE0] =	vst v9;
	v3 =	vmul.f32 $3.200000000e+01, v3  }
0x181: {  	p0 =	slt.u32 s10, $0x38;
	v9 =	vld [tilespmem:s11+$0xFFFFFFE0];
	[tilespmem:s9+$0x0] =	vst v5;
	v6 =	vmul.f32 $3.200000000e+01, v6  }
.Ltmp6:
0x182: {  	v5 =	vld [tilespmem:s11+$0x0];
	[tilespmem:s9+$0x10] =	vst v3;
	v4 =	vmul.f32 $3.200000000e+01, v4;
	(pc) =	sbr.rel @p0 .LBB2_15-.Ltmp6, $4  }
0x183: {  	v3 =	vld [tilespmem:s11+$0x10];
	v7 =	vmul.f32 $3.200000000e+01, v7;
	[tilespmem:s9+$0x20] =	vst v6  }
0x184: {  	v10 =	vmul.f32 $3.200000000e+01, v10;
	v6 =	vld [tilespmem:s11+$0x20];
	[tilespmem:s9+$0x30] =	vst v4  }
0x185: {  	v8 =	vmul.f32 $3.200000000e+01, v8;
	v4 =	vld [tilespmem:s11+$0x30];
	[tilespmem:s9+$0xFFFFFFF0] =	vst v7;
	s9 =	smov.u32 s11  }
0x186: {  	s11 =	sadd.s32 $0x400, s11;
	[tilespmem:s9+$0xFFFFFFC0] =	vst v10;
	v9 =	vmul.f32 $3.200000000e+01, v9;
	v7 =	vld [tilespmem:s9+$0xFFFFFFF0]  }
0x187: {  	[tilespmem:s9+$0xFFFFFFD0] =	vst v8;
	v5 =	vmul.f32 $3.200000000e+01, v5;
	s25 =	sadd.s32 $0x1, s25  }
0x188: {  	[tilespmem:s9+$0xFFFFFFE0] =	vst v9;
	v3 =	vmul.f32 $3.200000000e+01, v3;
	p0 =	sne.s32 s25, $0x20  }
.Ltmp7:
0x189: {  	[tilespmem:s9+$0x0] =	vst v5;
	v62 =	vmul.f32 $3.200000000e+01, v6;
	(pc) =	sbr.rel @p0 .LBB2_14-.Ltmp7, $4  }
0x18a: {  	[tilespmem:s9+$0x10] =	vst v3;
	v3 =	vmul.f32 $3.200000000e+01, v4  }
0x18b: {  	v63 =	vmul.f32 $3.200000000e+01, v7;
	[tilespmem:s9+$0x20] =	vst v62  }
0x18c: {  	[tilespmem:s9+$0x30] =	vst v3  }
0x18d: {  	s19 =	sadd.s32 $0x400, s19;
	s18 =	sadd.s32 $0x1, s18;
	[tilespmem:s9+$0xFFFFFFF0] =	vst v63  }
0x18e: {  	s18 =	simm.s32 $0x0;
	s9 =	rddreg [dreg:$0x8]  }
0x18f: {  	[hbm4b:s9+s18] =	stream.linear.scatter [tilespmem:s30], [sflag:$0x4], $0x8000, $0x38;
	[tilespmem:$0x18200] =	vst v63  }
0x190: {  	_ =	swait.ge [sflag:s31], $0x8000  }
0x191: {  	[sflag:s31] =	ssyncset.done $0x0  }
0x192: {  	[sflag:s31] =	ssyncadd.s32 $0xFFFF8000  }
0x193: {  	_ =	swait.ge [sflag:s6], $0x8000  }
0x194: {  	[sflag:s6] =	ssyncset.done $0x0  }
0x195: {  	[sflag:s6] =	ssyncadd.s32 $0xFFFF8000  }
0x196: {  	v3 =	vld [tilespmem:$0xA0];
	_ =	sdelay $0x4  }
0x197: {  	v4 =	vshll.u32 v3, $0x3  }
0x198: {  	v3 =	vand.u32 $0x7, v3;
	v4 =	vand.u32 $0xFFFFFFC0, v4  }
0x199: {  	v3 =	vor.u32 v3, v4  }
0x19a: {  	v4 =	vperm.xlane v3, v0;
	_ =	sdelay $0x1  }
0x19b: {  	v4 =	vadd.s32 v1, v4;
	_ =	sdelay $0x4  }
0x19c: {  	[tilespmem:s30], [sflag:$0x1] =	stream.indirect_vreg.gather [hbm4b:s1+s18], $0x80, v4, vm0, $0xb8;
	[tilespmem:$0x18200] =	vst v63  }
0x19d: {  	v3 =	vperm.xlane v3, v2  }
0x19e: {  	[tilespmem:s0], [sflag:$0x1] =	stream.indirect_vreg.gather [hbm4b:s5+s18], $0x80, v4, vm0, $0xb8;
	[tilespmem:$0x18200] =	vst v63  }
0x19f: {  	v3 =	vadd.s32 v1, v3  }
0x1a0: {  	[tilespmem:s2], [sflag:$0x1] =	stream.indirect_vreg.gather [hbm4b:s7+s18], $0x80, v4, vm0, $0xb8;
	[tilespmem:$0x18200] =	vst v63  }
0x1a1: {  	_ = 	snop  }
0x1a2: {  	[tilespmem:s29], [sflag:$0x1] =	stream.indirect_vreg.gather [hbm4b:s8+s18], $0x80, v4, vm0, $0xb8;
	[tilespmem:$0x18200] =	vst v63  }
0x1a3: {  	s10 =	simm.s32 $0x2200  }
0x1a4: {  	[tilespmem:s10], [sflag:$0x1] =	stream.indirect_vreg.gather [hbm4b:s1+s18], $0x80, v3, vm0, $0xb8;
	[tilespmem:$0x18200] =	vst v63  }
0x1a5: {  	s11 =	simm.s32 $0x2A00  }
0x1a6: {  	[tilespmem:s11], [sflag:$0x1] =	stream.indirect_vreg.gather [hbm4b:s5+s18], $0x80, v3, vm0, $0xb8;
	[tilespmem:$0x18200] =	vst v63  }
0x1a7: {  	s19 =	simm.s32 $0x3200  }
0x1a8: {  	[tilespmem:s19], [sflag:$0x1] =	stream.indirect_vreg.gather [hbm4b:s7+s18], $0x80, v3, vm0, $0xb8;
	[tilespmem:$0x18200] =	vst v63  }
0x1a9: {  	s25 =	simm.s32 $0x3A00  }
0x1aa: {  	[tilespmem:s25], [sflag:$0x1] =	stream.indirect_vreg.gather [hbm4b:s8+s18], $0x80, v3, vm0, $0xb8;
	[tilespmem:$0x18200] =	vst v63  }
0x1ab: {  	v3 =	vld [tilespmem:$0xB0];
	_ =	sdelay $0x4  }
0x1ac: {  	v63 =	vshll.u32 v3, $0x3  }
0x1ad: {  	v3 =	vand.u32 $0x7, v3;
	v4 =	vand.u32 $0xFFFFFFC0, v63  }
0x1ae: {  	v3 =	vor.u32 v3, v4  }
0x1af: {  	v4 =	vperm.xlane v3, v0;
	_ =	sdelay $0x1  }
0x1b0: {  	v4 =	vadd.s32 v1, v4;
	_ =	sdelay $0x3  }
0x1b1: {  	s10 =	simm.s32 $0x4200  }
0x1b2: {  	[tilespmem:s10], [sflag:$0x1] =	stream.indirect_vreg.gather [hbm4b:s1+s18], $0x80, v4, vm0, $0xb8;
	[tilespmem:$0x18200] =	vst v63  }
0x1b3: {  	s11 =	simm.s32 $0x4A00;
	v3 =	vperm.xlane v3, v2  }
0x1b4: {  	[tilespmem:s11], [sflag:$0x1] =	stream.indirect_vreg.gather [hbm4b:s5+s18], $0x80, v4, vm0, $0xb8;
	[tilespmem:$0x18200] =	vst v63  }
0x1b5: {  	s19 =	simm.s32 $0x5200;
	v3 =	vadd.s32 v1, v3  }
0x1b6: {  	[tilespmem:s19], [sflag:$0x1] =	stream.indirect_vreg.gather [hbm4b:s7+s18], $0x80, v4, vm0, $0xb8;
	[tilespmem:$0x18200] =	vst v63  }
0x1b7: {  	s25 =	simm.s32 $0x5A00  }
0x1b8: {  	[tilespmem:s25], [sflag:$0x1] =	stream.indirect_vreg.gather [hbm4b:s8+s18], $0x80, v4, vm0, $0xb8;
	[tilespmem:$0x18200] =	vst v63  }
0x1b9: {  	s10 =	simm.s32 $0x6200  }
0x1ba: {  	[tilespmem:s10], [sflag:$0x1] =	stream.indirect_vreg.gather [hbm4b:s1+s18], $0x80, v3, vm0, $0xb8;
	[tilespmem:$0x18200] =	vst v63  }
0x1bb: {  	s11 =	simm.s32 $0x6A00  }
0x1bc: {  	[tilespmem:s11], [sflag:$0x1] =	stream.indirect_vreg.gather [hbm4b:s5+s18], $0x80, v3, vm0, $0xb8;
	[tilespmem:$0x18200] =	vst v63  }
0x1bd: {  	s19 =	simm.s32 $0x7200  }
0x1be: {  	[tilespmem:s19], [sflag:$0x1] =	stream.indirect_vreg.gather [hbm4b:s7+s18], $0x80, v3, vm0, $0xb8;
	[tilespmem:$0x18200] =	vst v63  }
0x1bf: {  	s25 =	simm.s32 $0x7A00  }
0x1c0: {  	[tilespmem:s25], [sflag:$0x1] =	stream.indirect_vreg.gather [hbm4b:s8+s18], $0x80, v3, vm0, $0xb8;
	[tilespmem:$0x18200] =	vst v63  }
0x1c1: {  	s19 =	simm.s32 $0x0;
	s25 =	simm.s32 $0x0  }
.LBB2_18:
0x1c2: {  	s9 =	sshll.u32 s19, $0x2;
	s10 =	sand.u32 $0x7, s18  }
0x1c3: {  	s9 =	sand.u32 $0xFFFF8000, s9;
	s10 =	sshll.u32 s10, $0x9  }
0x1c4: {  	s9 =	sor.u32 s10, s9  }
0x1c5: {  	s9 =	sshrl.u32 s9, $0x2  }
0x1c6: {  	s9 =	sadd.s32 $0x8240, s9  }
0x1c7: {  	v4 =	vld [tilespmem:s9+$0xFFFFFFC0];
	_ =	sdelay $0x1  }
0x1c8: {  	v7 =	vld [tilespmem:s9+$0xFFFFFFD0]  }
0x1c9: {  	v9 =	vld [tilespmem:s9+$0xFFFFFFE0]  }
0x1ca: {  	v5 =	vld [tilespmem:s9+$0x0]  }
0x1cb: {  	v3 =	vld [tilespmem:s9+$0x10];
	v8 =	vmul.f32 $3.200000000e+01, v4  }
0x1cc: {  	v6 =	vld [tilespmem:s9+$0x20]  }
0x1cd: {  	v4 =	vld [tilespmem:s9+$0x30];
	[tilespmem:s9+$0xFFFFFFC0] =	vst v8;
	v8 =	vmul.f32 $3.200000000e+01, v7  }
0x1ce: {  	s10 =	simm.s32 $0x0;
	s11 =	sadd.s32 $0x400, s9;
	v9 =	vmul.f32 $3.200000000e+01, v9;
	v7 =	vld [tilespmem:s9+$0xFFFFFFF0]  }
.LBB2_19:
0x1cf: {  	v10 =	vld [tilespmem:s11+$0xFFFFFFC0];
	[tilespmem:s9+$0xFFFFFFD0] =	vst v8;
	v5 =	vmul.f32 $3.200000000e+01, v5  }
0x1d0: {  	s10 =	sadd.s32 $0x8, s10;
	v8 =	vld [tilespmem:s11+$0xFFFFFFD0];
	[tilespmem:s9+$0xFFFFFFE0] =	vst v9;
	v3 =	vmul.f32 $3.200000000e+01, v3  }
0x1d1: {  	p0 =	slt.u32 s10, $0x38;
	v9 =	vld [tilespmem:s11+$0xFFFFFFE0];
	[tilespmem:s9+$0x0] =	vst v5;
	v6 =	vmul.f32 $3.200000000e+01, v6  }
.Ltmp8:
0x1d2: {  	v5 =	vld [tilespmem:s11+$0x0];
	[tilespmem:s9+$0x10] =	vst v3;
	v4 =	vmul.f32 $3.200000000e+01, v4;
	(pc) =	sbr.rel @p0 .LBB2_19-.Ltmp8, $4  }
0x1d3: {  	v3 =	vld [tilespmem:s11+$0x10];
	v7 =	vmul.f32 $3.200000000e+01, v7;
	[tilespmem:s9+$0x20] =	vst v6  }
0x1d4: {  	v10 =	vmul.f32 $3.200000000e+01, v10;
	v6 =	vld [tilespmem:s11+$0x20];
	[tilespmem:s9+$0x30] =	vst v4  }
0x1d5: {  	v8 =	vmul.f32 $3.200000000e+01, v8;
	v4 =	vld [tilespmem:s11+$0x30];
	[tilespmem:s9+$0xFFFFFFF0] =	vst v7;
	s9 =	smov.u32 s11  }
0x1d6: {  	s11 =	sadd.s32 $0x400, s11;
	[tilespmem:s9+$0xFFFFFFC0] =	vst v10;
	v9 =	vmul.f32 $3.200000000e+01, v9;
	v7 =	vld [tilespmem:s9+$0xFFFFFFF0]  }
0x1d7: {  	[tilespmem:s9+$0xFFFFFFD0] =	vst v8;
	v5 =	vmul.f32 $3.200000000e+01, v5;
	s25 =	sadd.s32 $0x1, s25  }
0x1d8: {  	[tilespmem:s9+$0xFFFFFFE0] =	vst v9;
	v3 =	vmul.f32 $3.200000000e+01, v3;
	p0 =	sne.s32 s25, $0x20  }
.Ltmp9:
0x1d9: {  	[tilespmem:s9+$0x0] =	vst v5;
	v62 =	vmul.f32 $3.200000000e+01, v6;
	(pc) =	sbr.rel @p0 .LBB2_18-.Ltmp9, $4  }
0x1da: {  	[tilespmem:s9+$0x10] =	vst v3;
	v3 =	vmul.f32 $3.200000000e+01, v4  }
0x1db: {  	v63 =	vmul.f32 $3.200000000e+01, v7;
	[tilespmem:s9+$0x20] =	vst v62  }
0x1dc: {  	[tilespmem:s9+$0x30] =	vst v3  }
0x1dd: {  	s19 =	sadd.s32 $0x400, s19;
	s18 =	sadd.s32 $0x1, s18;
	[tilespmem:s9+$0xFFFFFFF0] =	vst v63  }
0x1de: {  	s18 =	simm.s32 $0x0;
	s9 =	rddreg [dreg:$0x9]  }
0x1df: {  	[hbm4b:s9+s18] =	stream.linear.scatter [tilespmem:s4], [sflag:$0x5], $0x8000, $0x38;
	[tilespmem:$0x18200] =	vst v63  }
0x1e0: {  	_ =	swait.ge [sflag:s26], $0x8000  }
0x1e1: {  	[sflag:s26] =	ssyncset.done $0x0  }
0x1e2: {  	[sflag:s26] =	ssyncadd.s32 $0xFFFF8000  }
0x1e3: {  	_ =	swait.ge [sflag:s28], $0x8000  }
0x1e4: {  	[sflag:s28] =	ssyncset.done $0x0  }
0x1e5: {  	[sflag:s28] =	ssyncadd.s32 $0xFFFF8000  }
0x1e6: {  	v3 =	vld [tilespmem:$0xC0];
	_ =	sdelay $0x4  }
0x1e7: {  	v4 =	vshll.u32 v3, $0x3  }
0x1e8: {  	v3 =	vand.u32 $0x7, v3;
	v4 =	vand.u32 $0xFFFFFFC0, v4  }
0x1e9: {  	v3 =	vor.u32 v3, v4  }
0x1ea: {  	v4 =	vperm.xlane v3, v0;
	_ =	sdelay $0x1  }
0x1eb: {  	v4 =	vadd.s32 v1, v4;
	_ =	sdelay $0x4  }
0x1ec: {  	[tilespmem:s4], [sflag:$0x2] =	stream.indirect_vreg.gather [hbm4b:s1+s18], $0x80, v4, vm0, $0xb8;
	[tilespmem:$0x18200] =	vst v63  }
0x1ed: {  	s11 =	simm.s32 $0x8A00;
	v3 =	vperm.xlane v3, v2  }
0x1ee: {  	[tilespmem:s11], [sflag:$0x2] =	stream.indirect_vreg.gather [hbm4b:s5+s18], $0x80, v4, vm0, $0xb8;
	[tilespmem:$0x18200] =	vst v63  }
0x1ef: {  	s19 =	simm.s32 $0x9200;
	v3 =	vadd.s32 v1, v3  }
0x1f0: {  	[tilespmem:s19], [sflag:$0x2] =	stream.indirect_vreg.gather [hbm4b:s7+s18], $0x80, v4, vm0, $0xb8;
	[tilespmem:$0x18200] =	vst v63  }
0x1f1: {  	s25 =	simm.s32 $0x9A00  }
0x1f2: {  	[tilespmem:s25], [sflag:$0x2] =	stream.indirect_vreg.gather [hbm4b:s8+s18], $0x80, v4, vm0, $0xb8;
	[tilespmem:$0x18200] =	vst v63  }
0x1f3: {  	_ = 	snop  }
0x1f4: {  	[tilespmem:s12], [sflag:$0x2] =	stream.indirect_vreg.gather [hbm4b:s1+s18], $0x80, v3, vm0, $0xb8;
	[tilespmem:$0x18200] =	vst v63  }
0x1f5: {  	_ = 	snop  }
0x1f6: {  	[tilespmem:s13], [sflag:$0x2] =	stream.indirect_vreg.gather [hbm4b:s5+s18], $0x80, v3, vm0, $0xb8;
	[tilespmem:$0x18200] =	vst v63  }
0x1f7: {  	_ = 	snop  }
0x1f8: {  	[tilespmem:s14], [sflag:$0x2] =	stream.indirect_vreg.gather [hbm4b:s7+s18], $0x80, v3, vm0, $0xb8;
	[tilespmem:$0x18200] =	vst v63  }
0x1f9: {  	_ = 	snop  }
0x1fa: {  	[tilespmem:s15], [sflag:$0x2] =	stream.indirect_vreg.gather [hbm4b:s8+s18], $0x80, v3, vm0, $0xb8;
	[tilespmem:$0x18200] =	vst v63  }
0x1fb: {  	v3 =	vld [tilespmem:$0xD0];
	_ =	sdelay $0x4  }
0x1fc: {  	v63 =	vshll.u32 v3, $0x3  }
0x1fd: {  	v3 =	vand.u32 $0x7, v3;
	v4 =	vand.u32 $0xFFFFFFC0, v63  }
0x1fe: {  	v3 =	vor.u32 v3, v4  }
0x1ff: {  	v4 =	vperm.xlane v3, v0;
	_ =	sdelay $0x1  }
0x200: {  	v4 =	vadd.s32 v1, v4;
	_ =	sdelay $0x3  }
0x201: {  	s10 =	simm.s32 $0xC200  }
0x202: {  	[tilespmem:s10], [sflag:$0x2] =	stream.indirect_vreg.gather [hbm4b:s1+s18], $0x80, v4, vm0, $0xb8;
	[tilespmem:$0x18200] =	vst v63  }
0x203: {  	s11 =	simm.s32 $0xCA00;
	v3 =	vperm.xlane v3, v2  }
0x204: {  	[tilespmem:s11], [sflag:$0x2] =	stream.indirect_vreg.gather [hbm4b:s5+s18], $0x80, v4, vm0, $0xb8;
	[tilespmem:$0x18200] =	vst v63  }
0x205: {  	s19 =	simm.s32 $0xD200;
	v3 =	vadd.s32 v1, v3  }
0x206: {  	[tilespmem:s19], [sflag:$0x2] =	stream.indirect_vreg.gather [hbm4b:s7+s18], $0x80, v4, vm0, $0xb8;
	[tilespmem:$0x18200] =	vst v63  }
0x207: {  	s25 =	simm.s32 $0xDA00  }
0x208: {  	[tilespmem:s25], [sflag:$0x2] =	stream.indirect_vreg.gather [hbm4b:s8+s18], $0x80, v4, vm0, $0xb8;
	[tilespmem:$0x18200] =	vst v63  }
0x209: {  	s10 =	simm.s32 $0xE200  }
0x20a: {  	[tilespmem:s10], [sflag:$0x2] =	stream.indirect_vreg.gather [hbm4b:s1+s18], $0x80, v3, vm0, $0xb8;
	[tilespmem:$0x18200] =	vst v63  }
0x20b: {  	s11 =	simm.s32 $0xEA00  }
0x20c: {  	[tilespmem:s11], [sflag:$0x2] =	stream.indirect_vreg.gather [hbm4b:s5+s18], $0x80, v3, vm0, $0xb8;
	[tilespmem:$0x18200] =	vst v63  }
0x20d: {  	s19 =	simm.s32 $0xF200  }
0x20e: {  	[tilespmem:s19], [sflag:$0x2] =	stream.indirect_vreg.gather [hbm4b:s7+s18], $0x80, v3, vm0, $0xb8;
	[tilespmem:$0x18200] =	vst v63  }
0x20f: {  	s25 =	simm.s32 $0xFA00  }
0x210: {  	[tilespmem:s25], [sflag:$0x2] =	stream.indirect_vreg.gather [hbm4b:s8+s18], $0x80, v3, vm0, $0xb8;
	[tilespmem:$0x18200] =	vst v63  }
0x211: {  	s19 =	simm.s32 $0x0;
	s25 =	simm.s32 $0x0  }
.LBB2_22:
0x212: {  	s9 =	sshll.u32 s19, $0x2;
	s10 =	sand.u32 $0x7, s18  }
0x213: {  	s9 =	sand.u32 $0xFFFF8000, s9;
	s10 =	sshll.u32 s10, $0x9  }
0x214: {  	s9 =	sor.u32 s10, s9  }
0x215: {  	s9 =	sshrl.u32 s9, $0x2  }
0x216: {  	s9 =	sadd.s32 $0x10240, s9  }
0x217: {  	v4 =	vld [tilespmem:s9+$0xFFFFFFC0];
	_ =	sdelay $0x1  }
0x218: {  	v7 =	vld [tilespmem:s9+$0xFFFFFFD0]  }
0x219: {  	v9 =	vld [tilespmem:s9+$0xFFFFFFE0]  }
0x21a: {  	v5 =	vld [tilespmem:s9+$0x0]  }
0x21b: {  	v3 =	vld [tilespmem:s9+$0x10];
	v8 =	vmul.f32 $3.200000000e+01, v4  }
0x21c: {  	v6 =	vld [tilespmem:s9+$0x20]  }
0x21d: {  	v4 =	vld [tilespmem:s9+$0x30];
	[tilespmem:s9+$0xFFFFFFC0] =	vst v8;
	v8 =	vmul.f32 $3.200000000e+01, v7  }
0x21e: {  	s10 =	simm.s32 $0x0;
	s11 =	sadd.s32 $0x400, s9;
	v9 =	vmul.f32 $3.200000000e+01, v9;
	v7 =	vld [tilespmem:s9+$0xFFFFFFF0]  }
.LBB2_23:
0x21f: {  	v10 =	vld [tilespmem:s11+$0xFFFFFFC0];
	[tilespmem:s9+$0xFFFFFFD0] =	vst v8;
	v5 =	vmul.f32 $3.200000000e+01, v5  }
0x220: {  	s10 =	sadd.s32 $0x8, s10;
	v8 =	vld [tilespmem:s11+$0xFFFFFFD0];
	[tilespmem:s9+$0xFFFFFFE0] =	vst v9;
	v3 =	vmul.f32 $3.200000000e+01, v3  }
0x221: {  	p0 =	slt.u32 s10, $0x38;
	v9 =	vld [tilespmem:s11+$0xFFFFFFE0];
	[tilespmem:s9+$0x0] =	vst v5;
	v6 =	vmul.f32 $3.200000000e+01, v6  }
.Ltmp10:
0x222: {  	v5 =	vld [tilespmem:s11+$0x0];
	[tilespmem:s9+$0x10] =	vst v3;
	v4 =	vmul.f32 $3.200000000e+01, v4;
	(pc) =	sbr.rel @p0 .LBB2_23-.Ltmp10, $4  }
0x223: {  	v3 =	vld [tilespmem:s11+$0x10];
	v7 =	vmul.f32 $3.200000000e+01, v7;
	[tilespmem:s9+$0x20] =	vst v6  }
0x224: {  	v10 =	vmul.f32 $3.200000000e+01, v10;
	v6 =	vld [tilespmem:s11+$0x20];
	[tilespmem:s9+$0x30] =	vst v4  }
0x225: {  	v8 =	vmul.f32 $3.200000000e+01, v8;
	v4 =	vld [tilespmem:s11+$0x30];
	[tilespmem:s9+$0xFFFFFFF0] =	vst v7;
	s9 =	smov.u32 s11  }
0x226: {  	s11 =	sadd.s32 $0x400, s11;
	[tilespmem:s9+$0xFFFFFFC0] =	vst v10;
	v9 =	vmul.f32 $3.200000000e+01, v9;
	v7 =	vld [tilespmem:s9+$0xFFFFFFF0]  }
0x227: {  	[tilespmem:s9+$0xFFFFFFD0] =	vst v8;
	v5 =	vmul.f32 $3.200000000e+01, v5;
	s25 =	sadd.s32 $0x1, s25  }
0x228: {  	[tilespmem:s9+$0xFFFFFFE0] =	vst v9;
	v3 =	vmul.f32 $3.200000000e+01, v3;
	p0 =	sne.s32 s25, $0x20  }
.Ltmp11:
0x229: {  	[tilespmem:s9+$0x0] =	vst v5;
	v62 =	vmul.f32 $3.200000000e+01, v6;
	(pc) =	sbr.rel @p0 .LBB2_22-.Ltmp11, $4  }
0x22a: {  	[tilespmem:s9+$0x10] =	vst v3;
	v3 =	vmul.f32 $3.200000000e+01, v4  }
0x22b: {  	v63 =	vmul.f32 $3.200000000e+01, v7;
	[tilespmem:s9+$0x20] =	vst v62  }
0x22c: {  	[tilespmem:s9+$0x30] =	vst v3  }
0x22d: {  	s19 =	sadd.s32 $0x400, s19;
	s18 =	sadd.s32 $0x1, s18;
	[tilespmem:s9+$0xFFFFFFF0] =	vst v63  }
0x22e: {  	s18 =	simm.s32 $0x0;
	s9 =	rddreg [dreg:$0xa]  }
0x22f: {  	[hbm4b:s9+s18] =	stream.linear.scatter [tilespmem:s21], [sflag:$0x6], $0x8000, $0x38;
	[tilespmem:$0x18200] =	vst v63  }
0x230: {  	_ =	swait.ge [sflag:s20], $0x8000  }
0x231: {  	[sflag:s20] =	ssyncset.done $0x0  }
0x232: {  	[sflag:s20] =	ssyncadd.s32 $0xFFFF8000  }
0x233: {  	_ =	swait.ge [sflag:s16], $0x8000  }
0x234: {  	[sflag:s16] =	ssyncset.done $0x0  }
0x235: {  	[sflag:s16] =	ssyncadd.s32 $0xFFFF8000  }
0x236: {  	v3 =	vld [tilespmem:$0xE0];
	_ =	sdelay $0x4  }
0x237: {  	v4 =	vshll.u32 v3, $0x3  }
0x238: {  	v3 =	vand.u32 $0x7, v3;
	v4 =	vand.u32 $0xFFFFFFC0, v4  }
0x239: {  	v3 =	vor.u32 v3, v4  }
0x23a: {  	v4 =	vperm.xlane v3, v0;
	_ =	sdelay $0x1  }
0x23b: {  	v4 =	vadd.s32 v1, v4;
	_ =	sdelay $0x4  }
0x23c: {  	[tilespmem:s21], [sflag:$0x3] =	stream.indirect_vreg.gather [hbm4b:s1+s18], $0x80, v4, vm0, $0xb8;
	[tilespmem:$0x18200] =	vst v63  }
0x23d: {  	v3 =	vperm.xlane v3, v2  }
0x23e: {  	[tilespmem:s22], [sflag:$0x3] =	stream.indirect_vreg.gather [hbm4b:s5+s18], $0x80, v4, vm0, $0xb8;
	[tilespmem:$0x18200] =	vst v63  }
0x23f: {  	v3 =	vadd.s32 v1, v3  }
0x240: {  	[tilespmem:s23], [sflag:$0x3] =	stream.indirect_vreg.gather [hbm4b:s7+s18], $0x80, v4, vm0, $0xb8;
	[tilespmem:$0x18200] =	vst v63  }
0x241: {  	_ = 	snop  }
0x242: {  	[tilespmem:s24], [sflag:$0x3] =	stream.indirect_vreg.gather [hbm4b:s8+s18], $0x80, v4, vm0, $0xb8;
	[tilespmem:$0x18200] =	vst v63  }
0x243: {  	s10 =	simm.s32 $0x12200  }
0x244: {  	[tilespmem:s10], [sflag:$0x3] =	stream.indirect_vreg.gather [hbm4b:s1+s18], $0x80, v3, vm0, $0xb8;
	[tilespmem:$0x18200] =	vst v63  }
0x245: {  	s11 =	simm.s32 $0x12A00  }
0x246: {  	[tilespmem:s11], [sflag:$0x3] =	stream.indirect_vreg.gather [hbm4b:s5+s18], $0x80, v3, vm0, $0xb8;
	[tilespmem:$0x18200] =	vst v63  }
0x247: {  	s19 =	simm.s32 $0x13200  }
0x248: {  	[tilespmem:s19], [sflag:$0x3] =	stream.indirect_vreg.gather [hbm4b:s7+s18], $0x80, v3, vm0, $0xb8;
	[tilespmem:$0x18200] =	vst v63  }
0x249: {  	s25 =	simm.s32 $0x13A00  }
0x24a: {  	[tilespmem:s25], [sflag:$0x3] =	stream.indirect_vreg.gather [hbm4b:s8+s18], $0x80, v3, vm0, $0xb8;
	[tilespmem:$0x18200] =	vst v63  }
0x24b: {  	v3 =	vld [tilespmem:$0xF0];
	_ =	sdelay $0x4  }
0x24c: {  	v63 =	vshll.u32 v3, $0x3  }
0x24d: {  	v3 =	vand.u32 $0x7, v3;
	v4 =	vand.u32 $0xFFFFFFC0, v63  }
0x24e: {  	v3 =	vor.u32 v3, v4  }
0x24f: {  	v4 =	vperm.xlane v3, v0;
	_ =	sdelay $0x1  }
0x250: {  	v4 =	vadd.s32 v1, v4;
	_ =	sdelay $0x3  }
0x251: {  	s10 =	simm.s32 $0x14200  }
0x252: {  	[tilespmem:s10], [sflag:$0x3] =	stream.indirect_vreg.gather [hbm4b:s1+s18], $0x80, v4, vm0, $0xb8;
	[tilespmem:$0x18200] =	vst v63  }
0x253: {  	s11 =	simm.s32 $0x14A00;
	v3 =	vperm.xlane v3, v2  }
0x254: {  	[tilespmem:s11], [sflag:$0x3] =	stream.indirect_vreg.gather [hbm4b:s5+s18], $0x80, v4, vm0, $0xb8;
	[tilespmem:$0x18200] =	vst v63  }
0x255: {  	s19 =	simm.s32 $0x15200;
	v3 =	vadd.s32 v1, v3  }
0x256: {  	[tilespmem:s19], [sflag:$0x3] =	stream.indirect_vreg.gather [hbm4b:s7+s18], $0x80, v4, vm0, $0xb8;
	[tilespmem:$0x18200] =	vst v63  }
0x257: {  	s25 =	simm.s32 $0x15A00  }
0x258: {  	[tilespmem:s25], [sflag:$0x3] =	stream.indirect_vreg.gather [hbm4b:s8+s18], $0x80, v4, vm0, $0xb8;
	[tilespmem:$0x18200] =	vst v63  }
0x259: {  	s10 =	simm.s32 $0x16200  }
0x25a: {  	[tilespmem:s10], [sflag:$0x3] =	stream.indirect_vreg.gather [hbm4b:s1+s18], $0x80, v3, vm0, $0xb8;
	[tilespmem:$0x18200] =	vst v63  }
0x25b: {  	s11 =	simm.s32 $0x16A00  }
0x25c: {  	[tilespmem:s11], [sflag:$0x3] =	stream.indirect_vreg.gather [hbm4b:s5+s18], $0x80, v3, vm0, $0xb8;
	[tilespmem:$0x18200] =	vst v63  }
0x25d: {  	s19 =	simm.s32 $0x17200  }
0x25e: {  	[tilespmem:s19], [sflag:$0x3] =	stream.indirect_vreg.gather [hbm4b:s7+s18], $0x80, v3, vm0, $0xb8;
	[tilespmem:$0x18200] =	vst v63  }
0x25f: {  	s25 =	simm.s32 $0x17A00  }
0x260: {  	[tilespmem:s25], [sflag:$0x3] =	stream.indirect_vreg.gather [hbm4b:s8+s18], $0x80, v3, vm0, $0xb8;
	[tilespmem:$0x18200] =	vst v63  }
0x261: {  	s19 =	simm.s32 $0x0;
	s25 =	simm.s32 $0x0  }
.LBB2_26:
0x262: {  	s9 =	sshll.u32 s19, $0x2;
	s10 =	sand.u32 $0x7, s18  }
0x263: {  	s9 =	sand.u32 $0xFFFF8000, s9;
	s10 =	sshll.u32 s10, $0x9  }
0x264: {  	s9 =	sor.u32 s10, s9  }
0x265: {  	s9 =	sshrl.u32 s9, $0x2  }
0x266: {  	s9 =	sadd.s32 $0x240, s9  }
0x267: {  	v4 =	vld [tilespmem:s9+$0xFFFFFFC0];
	_ =	sdelay $0x1  }
0x268: {  	v7 =	vld [tilespmem:s9+$0xFFFFFFD0]  }
0x269: {  	v9 =	vld [tilespmem:s9+$0xFFFFFFE0]  }
0x26a: {  	v5 =	vld [tilespmem:s9+$0x0]  }
0x26b: {  	v3 =	vld [tilespmem:s9+$0x10];
	v8 =	vmul.f32 $3.200000000e+01, v4  }
0x26c: {  	v6 =	vld [tilespmem:s9+$0x20]  }
0x26d: {  	v4 =	vld [tilespmem:s9+$0x30];
	[tilespmem:s9+$0xFFFFFFC0] =	vst v8;
	v8 =	vmul.f32 $3.200000000e+01, v7  }
0x26e: {  	s10 =	simm.s32 $0x0;
	s11 =	sadd.s32 $0x400, s9;
	v9 =	vmul.f32 $3.200000000e+01, v9;
	v7 =	vld [tilespmem:s9+$0xFFFFFFF0]  }
.LBB2_27:
0x26f: {  	v10 =	vld [tilespmem:s11+$0xFFFFFFC0];
	[tilespmem:s9+$0xFFFFFFD0] =	vst v8;
	v5 =	vmul.f32 $3.200000000e+01, v5  }
0x270: {  	s10 =	sadd.s32 $0x8, s10;
	v8 =	vld [tilespmem:s11+$0xFFFFFFD0];
	[tilespmem:s9+$0xFFFFFFE0] =	vst v9;
	v3 =	vmul.f32 $3.200000000e+01, v3  }
0x271: {  	p0 =	slt.u32 s10, $0x38;
	v9 =	vld [tilespmem:s11+$0xFFFFFFE0];
	[tilespmem:s9+$0x0] =	vst v5;
	v6 =	vmul.f32 $3.200000000e+01, v6  }
.Ltmp12:
0x272: {  	v5 =	vld [tilespmem:s11+$0x0];
	[tilespmem:s9+$0x10] =	vst v3;
	v4 =	vmul.f32 $3.200000000e+01, v4;
	(pc) =	sbr.rel @p0 .LBB2_27-.Ltmp12, $4  }
0x273: {  	v3 =	vld [tilespmem:s11+$0x10];
	v7 =	vmul.f32 $3.200000000e+01, v7;
	[tilespmem:s9+$0x20] =	vst v6  }
0x274: {  	v10 =	vmul.f32 $3.200000000e+01, v10;
	v6 =	vld [tilespmem:s11+$0x20];
	[tilespmem:s9+$0x30] =	vst v4  }
0x275: {  	v8 =	vmul.f32 $3.200000000e+01, v8;
	v4 =	vld [tilespmem:s11+$0x30];
	[tilespmem:s9+$0xFFFFFFF0] =	vst v7;
	s9 =	smov.u32 s11  }
0x276: {  	s11 =	sadd.s32 $0x400, s11;
	[tilespmem:s9+$0xFFFFFFC0] =	vst v10;
	v9 =	vmul.f32 $3.200000000e+01, v9;
	v7 =	vld [tilespmem:s9+$0xFFFFFFF0]  }
0x277: {  	[tilespmem:s9+$0xFFFFFFD0] =	vst v8;
	v5 =	vmul.f32 $3.200000000e+01, v5;
	s25 =	sadd.s32 $0x1, s25  }
0x278: {  	[tilespmem:s9+$0xFFFFFFE0] =	vst v9;
	v3 =	vmul.f32 $3.200000000e+01, v3;
	p0 =	sne.s32 s25, $0x20  }
.Ltmp13:
0x279: {  	[tilespmem:s9+$0x0] =	vst v5;
	v62 =	vmul.f32 $3.200000000e+01, v6;
	(pc) =	sbr.rel @p0 .LBB2_26-.Ltmp13, $4  }
0x27a: {  	[tilespmem:s9+$0x10] =	vst v3;
	v3 =	vmul.f32 $3.200000000e+01, v4  }
0x27b: {  	v63 =	vmul.f32 $3.200000000e+01, v7;
	[tilespmem:s9+$0x20] =	vst v62  }
0x27c: {  	[tilespmem:s9+$0x30] =	vst v3  }
0x27d: {  	s19 =	sadd.s32 $0x400, s19;
	s18 =	sadd.s32 $0x1, s18;
	[tilespmem:s9+$0xFFFFFFF0] =	vst v63  }
0x27e: {  	s18 =	simm.s32 $0x0;
	s9 =	rddreg [dreg:$0xb]  }
0x27f: {  	[hbm4b:s9+s18] =	stream.linear.scatter [tilespmem:s30], [sflag:$0x4], $0x8000, $0x38;
	[tilespmem:$0x18200] =	vst v63  }
0x280: {  	_ =	swait.ge [sflag:s31], $0x8000  }
0x281: {  	[sflag:s31] =	ssyncset.done $0x0  }
0x282: {  	[sflag:s31] =	ssyncadd.s32 $0xFFFF8000  }
0x283: {  	_ =	swait.ge [sflag:s6], $0x8000  }
0x284: {  	[sflag:s6] =	ssyncset.done $0x0  }
0x285: {  	[sflag:s6] =	ssyncadd.s32 $0xFFFF8000  }
0x286: {  	v3 =	vld [tilespmem:$0x100];
	_ =	sdelay $0x4  }
0x287: {  	v4 =	vshll.u32 v3, $0x3  }
0x288: {  	v3 =	vand.u32 $0x7, v3;
	v4 =	vand.u32 $0xFFFFFFC0, v4  }
0x289: {  	v3 =	vor.u32 v3, v4  }
0x28a: {  	v4 =	vperm.xlane v3, v0;
	_ =	sdelay $0x1  }
0x28b: {  	v4 =	vadd.s32 v1, v4;
	_ =	sdelay $0x4  }
0x28c: {  	[tilespmem:s30], [sflag:$0x1] =	stream.indirect_vreg.gather [hbm4b:s1+s18], $0x80, v4, vm0, $0xb8;
	[tilespmem:$0x18200] =	vst v63  }
0x28d: {  	v3 =	vperm.xlane v3, v2  }
0x28e: {  	[tilespmem:s0], [sflag:$0x1] =	stream.indirect_vreg.gather [hbm4b:s5+s18], $0x80, v4, vm0, $0xb8;
	[tilespmem:$0x18200] =	vst v63  }
0x28f: {  	v3 =	vadd.s32 v1, v3  }
0x290: {  	[tilespmem:s2], [sflag:$0x1] =	stream.indirect_vreg.gather [hbm4b:s7+s18], $0x80, v4, vm0, $0xb8;
	[tilespmem:$0x18200] =	vst v63  }
0x291: {  	_ = 	snop  }
0x292: {  	[tilespmem:s29], [sflag:$0x1] =	stream.indirect_vreg.gather [hbm4b:s8+s18], $0x80, v4, vm0, $0xb8;
	[tilespmem:$0x18200] =	vst v63  }
0x293: {  	s10 =	simm.s32 $0x2200  }
0x294: {  	[tilespmem:s10], [sflag:$0x1] =	stream.indirect_vreg.gather [hbm4b:s1+s18], $0x80, v3, vm0, $0xb8;
	[tilespmem:$0x18200] =	vst v63  }
0x295: {  	s11 =	simm.s32 $0x2A00  }
0x296: {  	[tilespmem:s11], [sflag:$0x1] =	stream.indirect_vreg.gather [hbm4b:s5+s18], $0x80, v3, vm0, $0xb8;
	[tilespmem:$0x18200] =	vst v63  }
0x297: {  	s19 =	simm.s32 $0x3200  }
0x298: {  	[tilespmem:s19], [sflag:$0x1] =	stream.indirect_vreg.gather [hbm4b:s7+s18], $0x80, v3, vm0, $0xb8;
	[tilespmem:$0x18200] =	vst v63  }
0x299: {  	s25 =	simm.s32 $0x3A00  }
0x29a: {  	[tilespmem:s25], [sflag:$0x1] =	stream.indirect_vreg.gather [hbm4b:s8+s18], $0x80, v3, vm0, $0xb8;
	[tilespmem:$0x18200] =	vst v63  }
0x29b: {  	v3 =	vld [tilespmem:$0x110];
	_ =	sdelay $0x4  }
0x29c: {  	v63 =	vshll.u32 v3, $0x3  }
0x29d: {  	v3 =	vand.u32 $0x7, v3;
	v4 =	vand.u32 $0xFFFFFFC0, v63  }
0x29e: {  	v3 =	vor.u32 v3, v4  }
0x29f: {  	v4 =	vperm.xlane v3, v0;
	_ =	sdelay $0x1  }
0x2a0: {  	v4 =	vadd.s32 v1, v4;
	_ =	sdelay $0x3  }
0x2a1: {  	s10 =	simm.s32 $0x4200  }
0x2a2: {  	[tilespmem:s10], [sflag:$0x1] =	stream.indirect_vreg.gather [hbm4b:s1+s18], $0x80, v4, vm0, $0xb8;
	[tilespmem:$0x18200] =	vst v63  }
0x2a3: {  	s11 =	simm.s32 $0x4A00;
	v3 =	vperm.xlane v3, v2  }
0x2a4: {  	[tilespmem:s11], [sflag:$0x1] =	stream.indirect_vreg.gather [hbm4b:s5+s18], $0x80, v4, vm0, $0xb8;
	[tilespmem:$0x18200] =	vst v63  }
0x2a5: {  	s19 =	simm.s32 $0x5200;
	v3 =	vadd.s32 v1, v3  }
0x2a6: {  	[tilespmem:s19], [sflag:$0x1] =	stream.indirect_vreg.gather [hbm4b:s7+s18], $0x80, v4, vm0, $0xb8;
	[tilespmem:$0x18200] =	vst v63  }
0x2a7: {  	s25 =	simm.s32 $0x5A00  }
0x2a8: {  	[tilespmem:s25], [sflag:$0x1] =	stream.indirect_vreg.gather [hbm4b:s8+s18], $0x80, v4, vm0, $0xb8;
	[tilespmem:$0x18200] =	vst v63  }
0x2a9: {  	s10 =	simm.s32 $0x6200  }
0x2aa: {  	[tilespmem:s10], [sflag:$0x1] =	stream.indirect_vreg.gather [hbm4b:s1+s18], $0x80, v3, vm0, $0xb8;
	[tilespmem:$0x18200] =	vst v63  }
0x2ab: {  	s11 =	simm.s32 $0x6A00  }
0x2ac: {  	[tilespmem:s11], [sflag:$0x1] =	stream.indirect_vreg.gather [hbm4b:s5+s18], $0x80, v3, vm0, $0xb8;
	[tilespmem:$0x18200] =	vst v63  }
0x2ad: {  	s19 =	simm.s32 $0x7200  }
0x2ae: {  	[tilespmem:s19], [sflag:$0x1] =	stream.indirect_vreg.gather [hbm4b:s7+s18], $0x80, v3, vm0, $0xb8;
	[tilespmem:$0x18200] =	vst v63  }
0x2af: {  	s25 =	simm.s32 $0x7A00  }
0x2b0: {  	[tilespmem:s25], [sflag:$0x1] =	stream.indirect_vreg.gather [hbm4b:s8+s18], $0x80, v3, vm0, $0xb8;
	[tilespmem:$0x18200] =	vst v63  }
0x2b1: {  	s19 =	simm.s32 $0x0;
	s25 =	simm.s32 $0x0  }
.LBB2_30:
0x2b2: {  	s9 =	sshll.u32 s19, $0x2;
	s10 =	sand.u32 $0x7, s18  }
0x2b3: {  	s9 =	sand.u32 $0xFFFF8000, s9;
	s10 =	sshll.u32 s10, $0x9  }
0x2b4: {  	s9 =	sor.u32 s10, s9  }
0x2b5: {  	s9 =	sshrl.u32 s9, $0x2  }
0x2b6: {  	s9 =	sadd.s32 $0x8240, s9  }
0x2b7: {  	v4 =	vld [tilespmem:s9+$0xFFFFFFC0];
	_ =	sdelay $0x1  }
0x2b8: {  	v7 =	vld [tilespmem:s9+$0xFFFFFFD0]  }
0x2b9: {  	v9 =	vld [tilespmem:s9+$0xFFFFFFE0]  }
0x2ba: {  	v5 =	vld [tilespmem:s9+$0x0]  }
0x2bb: {  	v3 =	vld [tilespmem:s9+$0x10];
	v8 =	vmul.f32 $3.200000000e+01, v4  }
0x2bc: {  	v6 =	vld [tilespmem:s9+$0x20]  }
0x2bd: {  	v4 =	vld [tilespmem:s9+$0x30];
	[tilespmem:s9+$0xFFFFFFC0] =	vst v8;
	v8 =	vmul.f32 $3.200000000e+01, v7  }
0x2be: {  	s10 =	simm.s32 $0x0;
	s11 =	sadd.s32 $0x400, s9;
	v9 =	vmul.f32 $3.200000000e+01, v9;
	v7 =	vld [tilespmem:s9+$0xFFFFFFF0]  }
.LBB2_31:
0x2bf: {  	v10 =	vld [tilespmem:s11+$0xFFFFFFC0];
	[tilespmem:s9+$0xFFFFFFD0] =	vst v8;
	v5 =	vmul.f32 $3.200000000e+01, v5  }
0x2c0: {  	s10 =	sadd.s32 $0x8, s10;
	v8 =	vld [tilespmem:s11+$0xFFFFFFD0];
	[tilespmem:s9+$0xFFFFFFE0] =	vst v9;
	v3 =	vmul.f32 $3.200000000e+01, v3  }
0x2c1: {  	p0 =	slt.u32 s10, $0x38;
	v9 =	vld [tilespmem:s11+$0xFFFFFFE0];
	[tilespmem:s9+$0x0] =	vst v5;
	v6 =	vmul.f32 $3.200000000e+01, v6  }
.Ltmp14:
0x2c2: {  	v5 =	vld [tilespmem:s11+$0x0];
	[tilespmem:s9+$0x10] =	vst v3;
	v4 =	vmul.f32 $3.200000000e+01, v4;
	(pc) =	sbr.rel @p0 .LBB2_31-.Ltmp14, $4  }
0x2c3: {  	v3 =	vld [tilespmem:s11+$0x10];
	v7 =	vmul.f32 $3.200000000e+01, v7;
	[tilespmem:s9+$0x20] =	vst v6  }
0x2c4: {  	v10 =	vmul.f32 $3.200000000e+01, v10;
	v6 =	vld [tilespmem:s11+$0x20];
	[tilespmem:s9+$0x30] =	vst v4  }
0x2c5: {  	v8 =	vmul.f32 $3.200000000e+01, v8;
	v4 =	vld [tilespmem:s11+$0x30];
	[tilespmem:s9+$0xFFFFFFF0] =	vst v7;
	s9 =	smov.u32 s11  }
0x2c6: {  	s11 =	sadd.s32 $0x400, s11;
	[tilespmem:s9+$0xFFFFFFC0] =	vst v10;
	v9 =	vmul.f32 $3.200000000e+01, v9;
	v7 =	vld [tilespmem:s9+$0xFFFFFFF0]  }
0x2c7: {  	[tilespmem:s9+$0xFFFFFFD0] =	vst v8;
	v5 =	vmul.f32 $3.200000000e+01, v5;
	s25 =	sadd.s32 $0x1, s25  }
0x2c8: {  	[tilespmem:s9+$0xFFFFFFE0] =	vst v9;
	v3 =	vmul.f32 $3.200000000e+01, v3;
	p0 =	sne.s32 s25, $0x20  }
.Ltmp15:
0x2c9: {  	[tilespmem:s9+$0x0] =	vst v5;
	v62 =	vmul.f32 $3.200000000e+01, v6;
	(pc) =	sbr.rel @p0 .LBB2_30-.Ltmp15, $4  }
0x2ca: {  	[tilespmem:s9+$0x10] =	vst v3;
	v3 =	vmul.f32 $3.200000000e+01, v4  }
0x2cb: {  	v63 =	vmul.f32 $3.200000000e+01, v7;
	[tilespmem:s9+$0x20] =	vst v62  }
0x2cc: {  	[tilespmem:s9+$0x30] =	vst v3  }
0x2cd: {  	s19 =	sadd.s32 $0x400, s19;
	s18 =	sadd.s32 $0x1, s18;
	[tilespmem:s9+$0xFFFFFFF0] =	vst v63  }
0x2ce: {  	s18 =	simm.s32 $0x0;
	s9 =	rddreg [dreg:$0xc]  }
0x2cf: {  	[hbm4b:s9+s18] =	stream.linear.scatter [tilespmem:s4], [sflag:$0x5], $0x8000, $0x38;
	[tilespmem:$0x18200] =	vst v63  }
0x2d0: {  	_ =	swait.ge [sflag:s26], $0x8000  }
0x2d1: {  	[sflag:s26] =	ssyncset.done $0x0  }
0x2d2: {  	[sflag:s26] =	ssyncadd.s32 $0xFFFF8000  }
0x2d3: {  	_ =	swait.ge [sflag:s28], $0x8000  }
0x2d4: {  	[sflag:s28] =	ssyncset.done $0x0  }
0x2d5: {  	[sflag:s28] =	ssyncadd.s32 $0xFFFF8000  }
0x2d6: {  	v3 =	vld [tilespmem:$0x120];
	_ =	sdelay $0x4  }
0x2d7: {  	v4 =	vshll.u32 v3, $0x3  }
0x2d8: {  	v3 =	vand.u32 $0x7, v3;
	v4 =	vand.u32 $0xFFFFFFC0, v4  }
0x2d9: {  	v3 =	vor.u32 v3, v4  }
0x2da: {  	v4 =	vperm.xlane v3, v0;
	_ =	sdelay $0x1  }
0x2db: {  	v4 =	vadd.s32 v1, v4;
	_ =	sdelay $0x4  }
0x2dc: {  	[tilespmem:s4], [sflag:$0x2] =	stream.indirect_vreg.gather [hbm4b:s1+s18], $0x80, v4, vm0, $0xb8;
	[tilespmem:$0x18200] =	vst v63  }
0x2dd: {  	s11 =	simm.s32 $0x8A00;
	v3 =	vperm.xlane v3, v2  }
0x2de: {  	[tilespmem:s11], [sflag:$0x2] =	stream.indirect_vreg.gather [hbm4b:s5+s18], $0x80, v4, vm0, $0xb8;
	[tilespmem:$0x18200] =	vst v63  }
0x2df: {  	s19 =	simm.s32 $0x9200;
	v3 =	vadd.s32 v1, v3  }
0x2e0: {  	[tilespmem:s19], [sflag:$0x2] =	stream.indirect_vreg.gather [hbm4b:s7+s18], $0x80, v4, vm0, $0xb8;
	[tilespmem:$0x18200] =	vst v63  }
0x2e1: {  	s25 =	simm.s32 $0x9A00  }
0x2e2: {  	[tilespmem:s25], [sflag:$0x2] =	stream.indirect_vreg.gather [hbm4b:s8+s18], $0x80, v4, vm0, $0xb8;
	[tilespmem:$0x18200] =	vst v63  }
0x2e3: {  	_ = 	snop  }
0x2e4: {  	[tilespmem:s12], [sflag:$0x2] =	stream.indirect_vreg.gather [hbm4b:s1+s18], $0x80, v3, vm0, $0xb8;
	[tilespmem:$0x18200] =	vst v63  }
0x2e5: {  	_ = 	snop  }
0x2e6: {  	[tilespmem:s13], [sflag:$0x2] =	stream.indirect_vreg.gather [hbm4b:s5+s18], $0x80, v3, vm0, $0xb8;
	[tilespmem:$0x18200] =	vst v63  }
0x2e7: {  	_ = 	snop  }
0x2e8: {  	[tilespmem:s14], [sflag:$0x2] =	stream.indirect_vreg.gather [hbm4b:s7+s18], $0x80, v3, vm0, $0xb8;
	[tilespmem:$0x18200] =	vst v63  }
0x2e9: {  	_ = 	snop  }
0x2ea: {  	[tilespmem:s15], [sflag:$0x2] =	stream.indirect_vreg.gather [hbm4b:s8+s18], $0x80, v3, vm0, $0xb8;
	[tilespmem:$0x18200] =	vst v63  }
0x2eb: {  	v3 =	vld [tilespmem:$0x130];
	_ =	sdelay $0x4  }
0x2ec: {  	v63 =	vshll.u32 v3, $0x3  }
0x2ed: {  	v3 =	vand.u32 $0x7, v3;
	v4 =	vand.u32 $0xFFFFFFC0, v63  }
0x2ee: {  	v3 =	vor.u32 v3, v4  }
0x2ef: {  	v4 =	vperm.xlane v3, v0;
	_ =	sdelay $0x1  }
0x2f0: {  	v4 =	vadd.s32 v1, v4;
	_ =	sdelay $0x3  }
0x2f1: {  	s10 =	simm.s32 $0xC200  }
0x2f2: {  	[tilespmem:s10], [sflag:$0x2] =	stream.indirect_vreg.gather [hbm4b:s1+s18], $0x80, v4, vm0, $0xb8;
	[tilespmem:$0x18200] =	vst v63  }
0x2f3: {  	s11 =	simm.s32 $0xCA00;
	v3 =	vperm.xlane v3, v2  }
0x2f4: {  	[tilespmem:s11], [sflag:$0x2] =	stream.indirect_vreg.gather [hbm4b:s5+s18], $0x80, v4, vm0, $0xb8;
	[tilespmem:$0x18200] =	vst v63  }
0x2f5: {  	s19 =	simm.s32 $0xD200;
	v3 =	vadd.s32 v1, v3  }
0x2f6: {  	[tilespmem:s19], [sflag:$0x2] =	stream.indirect_vreg.gather [hbm4b:s7+s18], $0x80, v4, vm0, $0xb8;
	[tilespmem:$0x18200] =	vst v63  }
0x2f7: {  	s25 =	simm.s32 $0xDA00  }
0x2f8: {  	[tilespmem:s25], [sflag:$0x2] =	stream.indirect_vreg.gather [hbm4b:s8+s18], $0x80, v4, vm0, $0xb8;
	[tilespmem:$0x18200] =	vst v63  }
0x2f9: {  	s10 =	simm.s32 $0xE200  }
0x2fa: {  	[tilespmem:s10], [sflag:$0x2] =	stream.indirect_vreg.gather [hbm4b:s1+s18], $0x80, v3, vm0, $0xb8;
	[tilespmem:$0x18200] =	vst v63  }
0x2fb: {  	s11 =	simm.s32 $0xEA00  }
0x2fc: {  	[tilespmem:s11], [sflag:$0x2] =	stream.indirect_vreg.gather [hbm4b:s5+s18], $0x80, v3, vm0, $0xb8;
	[tilespmem:$0x18200] =	vst v63  }
0x2fd: {  	s19 =	simm.s32 $0xF200  }
0x2fe: {  	[tilespmem:s19], [sflag:$0x2] =	stream.indirect_vreg.gather [hbm4b:s7+s18], $0x80, v3, vm0, $0xb8;
	[tilespmem:$0x18200] =	vst v63  }
0x2ff: {  	s25 =	simm.s32 $0xFA00  }
0x300: {  	[tilespmem:s25], [sflag:$0x2] =	stream.indirect_vreg.gather [hbm4b:s8+s18], $0x80, v3, vm0, $0xb8;
	[tilespmem:$0x18200] =	vst v63  }
0x301: {  	s19 =	simm.s32 $0x0;
	s25 =	simm.s32 $0x0  }
.LBB2_34:
0x302: {  	s9 =	sshll.u32 s19, $0x2;
	s10 =	sand.u32 $0x7, s18  }
0x303: {  	s9 =	sand.u32 $0xFFFF8000, s9;
	s10 =	sshll.u32 s10, $0x9  }
0x304: {  	s9 =	sor.u32 s10, s9  }
0x305: {  	s9 =	sshrl.u32 s9, $0x2  }
0x306: {  	s9 =	sadd.s32 $0x10240, s9  }
0x307: {  	v4 =	vld [tilespmem:s9+$0xFFFFFFC0];
	_ =	sdelay $0x1  }
0x308: {  	v7 =	vld [tilespmem:s9+$0xFFFFFFD0]  }
0x309: {  	v9 =	vld [tilespmem:s9+$0xFFFFFFE0]  }
0x30a: {  	v5 =	vld [tilespmem:s9+$0x0]  }
0x30b: {  	v3 =	vld [tilespmem:s9+$0x10];
	v8 =	vmul.f32 $3.200000000e+01, v4  }
0x30c: {  	v6 =	vld [tilespmem:s9+$0x20]  }
0x30d: {  	v4 =	vld [tilespmem:s9+$0x30];
	[tilespmem:s9+$0xFFFFFFC0] =	vst v8;
	v8 =	vmul.f32 $3.200000000e+01, v7  }
0x30e: {  	s10 =	simm.s32 $0x0;
	s11 =	sadd.s32 $0x400, s9;
	v9 =	vmul.f32 $3.200000000e+01, v9;
	v7 =	vld [tilespmem:s9+$0xFFFFFFF0]  }
.LBB2_35:
0x30f: {  	v10 =	vld [tilespmem:s11+$0xFFFFFFC0];
	[tilespmem:s9+$0xFFFFFFD0] =	vst v8;
	v5 =	vmul.f32 $3.200000000e+01, v5  }
0x310: {  	s10 =	sadd.s32 $0x8, s10;
	v8 =	vld [tilespmem:s11+$0xFFFFFFD0];
	[tilespmem:s9+$0xFFFFFFE0] =	vst v9;
	v3 =	vmul.f32 $3.200000000e+01, v3  }
0x311: {  	p0 =	slt.u32 s10, $0x38;
	v9 =	vld [tilespmem:s11+$0xFFFFFFE0];
	[tilespmem:s9+$0x0] =	vst v5;
	v6 =	vmul.f32 $3.200000000e+01, v6  }
.Ltmp16:
0x312: {  	v5 =	vld [tilespmem:s11+$0x0];
	[tilespmem:s9+$0x10] =	vst v3;
	v4 =	vmul.f32 $3.200000000e+01, v4;
	(pc) =	sbr.rel @p0 .LBB2_35-.Ltmp16, $4  }
0x313: {  	v3 =	vld [tilespmem:s11+$0x10];
	v7 =	vmul.f32 $3.200000000e+01, v7;
	[tilespmem:s9+$0x20] =	vst v6  }
0x314: {  	v10 =	vmul.f32 $3.200000000e+01, v10;
	v6 =	vld [tilespmem:s11+$0x20];
	[tilespmem:s9+$0x30] =	vst v4  }
0x315: {  	v8 =	vmul.f32 $3.200000000e+01, v8;
	v4 =	vld [tilespmem:s11+$0x30];
	[tilespmem:s9+$0xFFFFFFF0] =	vst v7;
	s9 =	smov.u32 s11  }
0x316: {  	s11 =	sadd.s32 $0x400, s11;
	[tilespmem:s9+$0xFFFFFFC0] =	vst v10;
	v9 =	vmul.f32 $3.200000000e+01, v9;
	v7 =	vld [tilespmem:s9+$0xFFFFFFF0]  }
0x317: {  	[tilespmem:s9+$0xFFFFFFD0] =	vst v8;
	v5 =	vmul.f32 $3.200000000e+01, v5;
	s25 =	sadd.s32 $0x1, s25  }
0x318: {  	[tilespmem:s9+$0xFFFFFFE0] =	vst v9;
	v3 =	vmul.f32 $3.200000000e+01, v3;
	p0 =	sne.s32 s25, $0x20  }
.Ltmp17:
0x319: {  	[tilespmem:s9+$0x0] =	vst v5;
	v62 =	vmul.f32 $3.200000000e+01, v6;
	(pc) =	sbr.rel @p0 .LBB2_34-.Ltmp17, $4  }
0x31a: {  	[tilespmem:s9+$0x10] =	vst v3;
	v3 =	vmul.f32 $3.200000000e+01, v4  }
0x31b: {  	v63 =	vmul.f32 $3.200000000e+01, v7;
	[tilespmem:s9+$0x20] =	vst v62  }
0x31c: {  	[tilespmem:s9+$0x30] =	vst v3  }
0x31d: {  	s19 =	sadd.s32 $0x400, s19;
	s18 =	sadd.s32 $0x1, s18;
	[tilespmem:s9+$0xFFFFFFF0] =	vst v63  }
0x31e: {  	s18 =	simm.s32 $0x0;
	s9 =	rddreg [dreg:$0xd]  }
0x31f: {  	[hbm4b:s9+s18] =	stream.linear.scatter [tilespmem:s21], [sflag:$0x6], $0x8000, $0x38;
	[tilespmem:$0x18200] =	vst v63  }
0x320: {  	_ =	swait.ge [sflag:s20], $0x8000  }
0x321: {  	[sflag:s20] =	ssyncset.done $0x0  }
0x322: {  	[sflag:s20] =	ssyncadd.s32 $0xFFFF8000  }
0x323: {  	_ =	swait.ge [sflag:s16], $0x8000  }
0x324: {  	[sflag:s16] =	ssyncset.done $0x0  }
0x325: {  	[sflag:s16] =	ssyncadd.s32 $0xFFFF8000  }
0x326: {  	v3 =	vld [tilespmem:$0x140];
	_ =	sdelay $0x4  }
0x327: {  	v4 =	vshll.u32 v3, $0x3  }
0x328: {  	v3 =	vand.u32 $0x7, v3;
	v4 =	vand.u32 $0xFFFFFFC0, v4  }
0x329: {  	v3 =	vor.u32 v3, v4  }
0x32a: {  	v4 =	vperm.xlane v3, v0;
	_ =	sdelay $0x1  }
0x32b: {  	v4 =	vadd.s32 v1, v4;
	_ =	sdelay $0x4  }
0x32c: {  	[tilespmem:s21], [sflag:$0x3] =	stream.indirect_vreg.gather [hbm4b:s1+s18], $0x80, v4, vm0, $0xb8;
	[tilespmem:$0x18200] =	vst v63  }
0x32d: {  	v3 =	vperm.xlane v3, v2  }
0x32e: {  	[tilespmem:s22], [sflag:$0x3] =	stream.indirect_vreg.gather [hbm4b:s5+s18], $0x80, v4, vm0, $0xb8;
	[tilespmem:$0x18200] =	vst v63  }
0x32f: {  	v3 =	vadd.s32 v1, v3  }
0x330: {  	[tilespmem:s23], [sflag:$0x3] =	stream.indirect_vreg.gather [hbm4b:s7+s18], $0x80, v4, vm0, $0xb8;
	[tilespmem:$0x18200] =	vst v63  }
0x331: {  	_ = 	snop  }
0x332: {  	[tilespmem:s24], [sflag:$0x3] =	stream.indirect_vreg.gather [hbm4b:s8+s18], $0x80, v4, vm0, $0xb8;
	[tilespmem:$0x18200] =	vst v63  }
0x333: {  	s10 =	simm.s32 $0x12200  }
0x334: {  	[tilespmem:s10], [sflag:$0x3] =	stream.indirect_vreg.gather [hbm4b:s1+s18], $0x80, v3, vm0, $0xb8;
	[tilespmem:$0x18200] =	vst v63  }
0x335: {  	s11 =	simm.s32 $0x12A00  }
0x336: {  	[tilespmem:s11], [sflag:$0x3] =	stream.indirect_vreg.gather [hbm4b:s5+s18], $0x80, v3, vm0, $0xb8;
	[tilespmem:$0x18200] =	vst v63  }
0x337: {  	s19 =	simm.s32 $0x13200  }
0x338: {  	[tilespmem:s19], [sflag:$0x3] =	stream.indirect_vreg.gather [hbm4b:s7+s18], $0x80, v3, vm0, $0xb8;
	[tilespmem:$0x18200] =	vst v63  }
0x339: {  	s25 =	simm.s32 $0x13A00  }
0x33a: {  	[tilespmem:s25], [sflag:$0x3] =	stream.indirect_vreg.gather [hbm4b:s8+s18], $0x80, v3, vm0, $0xb8;
	[tilespmem:$0x18200] =	vst v63  }
0x33b: {  	v3 =	vld [tilespmem:$0x150];
	_ =	sdelay $0x4  }
0x33c: {  	v63 =	vshll.u32 v3, $0x3  }
0x33d: {  	v3 =	vand.u32 $0x7, v3;
	v4 =	vand.u32 $0xFFFFFFC0, v63  }
0x33e: {  	v3 =	vor.u32 v3, v4  }
0x33f: {  	v4 =	vperm.xlane v3, v0;
	_ =	sdelay $0x1  }
0x340: {  	v4 =	vadd.s32 v1, v4;
	_ =	sdelay $0x3  }
0x341: {  	s10 =	simm.s32 $0x14200  }
0x342: {  	[tilespmem:s10], [sflag:$0x3] =	stream.indirect_vreg.gather [hbm4b:s1+s18], $0x80, v4, vm0, $0xb8;
	[tilespmem:$0x18200] =	vst v63  }
0x343: {  	s11 =	simm.s32 $0x14A00;
	v3 =	vperm.xlane v3, v2  }
0x344: {  	[tilespmem:s11], [sflag:$0x3] =	stream.indirect_vreg.gather [hbm4b:s5+s18], $0x80, v4, vm0, $0xb8;
	[tilespmem:$0x18200] =	vst v63  }
0x345: {  	s19 =	simm.s32 $0x15200;
	v3 =	vadd.s32 v1, v3  }
0x346: {  	[tilespmem:s19], [sflag:$0x3] =	stream.indirect_vreg.gather [hbm4b:s7+s18], $0x80, v4, vm0, $0xb8;
	[tilespmem:$0x18200] =	vst v63  }
0x347: {  	s25 =	simm.s32 $0x15A00  }
0x348: {  	[tilespmem:s25], [sflag:$0x3] =	stream.indirect_vreg.gather [hbm4b:s8+s18], $0x80, v4, vm0, $0xb8;
	[tilespmem:$0x18200] =	vst v63  }
0x349: {  	s10 =	simm.s32 $0x16200  }
0x34a: {  	[tilespmem:s10], [sflag:$0x3] =	stream.indirect_vreg.gather [hbm4b:s1+s18], $0x80, v3, vm0, $0xb8;
	[tilespmem:$0x18200] =	vst v63  }
0x34b: {  	s11 =	simm.s32 $0x16A00  }
0x34c: {  	[tilespmem:s11], [sflag:$0x3] =	stream.indirect_vreg.gather [hbm4b:s5+s18], $0x80, v3, vm0, $0xb8;
	[tilespmem:$0x18200] =	vst v63  }
0x34d: {  	s19 =	simm.s32 $0x17200  }
0x34e: {  	[tilespmem:s19], [sflag:$0x3] =	stream.indirect_vreg.gather [hbm4b:s7+s18], $0x80, v3, vm0, $0xb8;
	[tilespmem:$0x18200] =	vst v63  }
0x34f: {  	s25 =	simm.s32 $0x17A00  }
0x350: {  	[tilespmem:s25], [sflag:$0x3] =	stream.indirect_vreg.gather [hbm4b:s8+s18], $0x80, v3, vm0, $0xb8;
	[tilespmem:$0x18200] =	vst v63  }
0x351: {  	s19 =	simm.s32 $0x0;
	s25 =	simm.s32 $0x0  }
.LBB2_38:
0x352: {  	s9 =	sshll.u32 s19, $0x2;
	s10 =	sand.u32 $0x7, s18  }
0x353: {  	s9 =	sand.u32 $0xFFFF8000, s9;
	s10 =	sshll.u32 s10, $0x9  }
0x354: {  	s9 =	sor.u32 s10, s9  }
0x355: {  	s9 =	sshrl.u32 s9, $0x2  }
0x356: {  	s9 =	sadd.s32 $0x240, s9  }
0x357: {  	v4 =	vld [tilespmem:s9+$0xFFFFFFC0];
	_ =	sdelay $0x1  }
0x358: {  	v7 =	vld [tilespmem:s9+$0xFFFFFFD0]  }
0x359: {  	v9 =	vld [tilespmem:s9+$0xFFFFFFE0]  }
0x35a: {  	v5 =	vld [tilespmem:s9+$0x0]  }
0x35b: {  	v3 =	vld [tilespmem:s9+$0x10];
	v8 =	vmul.f32 $3.200000000e+01, v4  }
0x35c: {  	v6 =	vld [tilespmem:s9+$0x20]  }
0x35d: {  	v4 =	vld [tilespmem:s9+$0x30];
	[tilespmem:s9+$0xFFFFFFC0] =	vst v8;
	v8 =	vmul.f32 $3.200000000e+01, v7  }
0x35e: {  	s10 =	simm.s32 $0x0;
	s11 =	sadd.s32 $0x400, s9;
	v9 =	vmul.f32 $3.200000000e+01, v9;
	v7 =	vld [tilespmem:s9+$0xFFFFFFF0]  }
.LBB2_39:
0x35f: {  	v10 =	vld [tilespmem:s11+$0xFFFFFFC0];
	[tilespmem:s9+$0xFFFFFFD0] =	vst v8;
	v5 =	vmul.f32 $3.200000000e+01, v5  }
0x360: {  	s10 =	sadd.s32 $0x8, s10;
	v8 =	vld [tilespmem:s11+$0xFFFFFFD0];
	[tilespmem:s9+$0xFFFFFFE0] =	vst v9;
	v3 =	vmul.f32 $3.200000000e+01, v3  }
0x361: {  	p0 =	slt.u32 s10, $0x38;
	v9 =	vld [tilespmem:s11+$0xFFFFFFE0];
	[tilespmem:s9+$0x0] =	vst v5;
	v6 =	vmul.f32 $3.200000000e+01, v6  }
.Ltmp18:
0x362: {  	v5 =	vld [tilespmem:s11+$0x0];
	[tilespmem:s9+$0x10] =	vst v3;
	v4 =	vmul.f32 $3.200000000e+01, v4;
	(pc) =	sbr.rel @p0 .LBB2_39-.Ltmp18, $4  }
0x363: {  	v3 =	vld [tilespmem:s11+$0x10];
	v7 =	vmul.f32 $3.200000000e+01, v7;
	[tilespmem:s9+$0x20] =	vst v6  }
0x364: {  	v10 =	vmul.f32 $3.200000000e+01, v10;
	v6 =	vld [tilespmem:s11+$0x20];
	[tilespmem:s9+$0x30] =	vst v4  }
0x365: {  	v8 =	vmul.f32 $3.200000000e+01, v8;
	v4 =	vld [tilespmem:s11+$0x30];
	[tilespmem:s9+$0xFFFFFFF0] =	vst v7;
	s9 =	smov.u32 s11  }
0x366: {  	s11 =	sadd.s32 $0x400, s11;
	[tilespmem:s9+$0xFFFFFFC0] =	vst v10;
	v9 =	vmul.f32 $3.200000000e+01, v9;
	v7 =	vld [tilespmem:s9+$0xFFFFFFF0]  }
0x367: {  	[tilespmem:s9+$0xFFFFFFD0] =	vst v8;
	v5 =	vmul.f32 $3.200000000e+01, v5;
	s25 =	sadd.s32 $0x1, s25  }
0x368: {  	[tilespmem:s9+$0xFFFFFFE0] =	vst v9;
	v3 =	vmul.f32 $3.200000000e+01, v3;
	p0 =	sne.s32 s25, $0x20  }
.Ltmp19:
0x369: {  	[tilespmem:s9+$0x0] =	vst v5;
	v62 =	vmul.f32 $3.200000000e+01, v6;
	(pc) =	sbr.rel @p0 .LBB2_38-.Ltmp19, $4  }
0x36a: {  	[tilespmem:s9+$0x10] =	vst v3;
	v3 =	vmul.f32 $3.200000000e+01, v4  }
0x36b: {  	v63 =	vmul.f32 $3.200000000e+01, v7;
	[tilespmem:s9+$0x20] =	vst v62  }
0x36c: {  	[tilespmem:s9+$0x30] =	vst v3  }
0x36d: {  	s19 =	sadd.s32 $0x400, s19;
	s18 =	sadd.s32 $0x1, s18;
	[tilespmem:s9+$0xFFFFFFF0] =	vst v63  }
0x36e: {  	s18 =	simm.s32 $0x0;
	s9 =	rddreg [dreg:$0xe]  }
0x36f: {  	[hbm4b:s9+s18] =	stream.linear.scatter [tilespmem:s30], [sflag:$0x4], $0x8000, $0x38;
	[tilespmem:$0x18200] =	vst v63  }
0x370: {  	_ =	swait.ge [sflag:s31], $0x8000  }
0x371: {  	[sflag:s31] =	ssyncset.done $0x0  }
0x372: {  	[sflag:s31] =	ssyncadd.s32 $0xFFFF8000  }
0x373: {  	_ =	swait.ge [sflag:s6], $0x8000  }
0x374: {  	[sflag:s6] =	ssyncset.done $0x0  }
0x375: {  	[sflag:s6] =	ssyncadd.s32 $0xFFFF8000  }
0x376: {  	v3 =	vld [tilespmem:$0x160];
	_ =	sdelay $0x4  }
0x377: {  	v4 =	vshll.u32 v3, $0x3  }
0x378: {  	v3 =	vand.u32 $0x7, v3;
	v4 =	vand.u32 $0xFFFFFFC0, v4  }
0x379: {  	v3 =	vor.u32 v3, v4  }
0x37a: {  	v4 =	vperm.xlane v3, v0;
	_ =	sdelay $0x1  }
0x37b: {  	v4 =	vadd.s32 v1, v4;
	_ =	sdelay $0x4  }
0x37c: {  	[tilespmem:s30], [sflag:$0x1] =	stream.indirect_vreg.gather [hbm4b:s1+s18], $0x80, v4, vm0, $0xb8;
	[tilespmem:$0x18200] =	vst v63  }
0x37d: {  	v3 =	vperm.xlane v3, v2  }
0x37e: {  	[tilespmem:s0], [sflag:$0x1] =	stream.indirect_vreg.gather [hbm4b:s5+s18], $0x80, v4, vm0, $0xb8;
	[tilespmem:$0x18200] =	vst v63  }
0x37f: {  	v3 =	vadd.s32 v1, v3  }
0x380: {  	[tilespmem:s2], [sflag:$0x1] =	stream.indirect_vreg.gather [hbm4b:s7+s18], $0x80, v4, vm0, $0xb8;
	[tilespmem:$0x18200] =	vst v63  }
0x381: {  	_ = 	snop  }
0x382: {  	[tilespmem:s29], [sflag:$0x1] =	stream.indirect_vreg.gather [hbm4b:s8+s18], $0x80, v4, vm0, $0xb8;
	[tilespmem:$0x18200] =	vst v63  }
0x383: {  	s10 =	simm.s32 $0x2200  }
0x384: {  	[tilespmem:s10], [sflag:$0x1] =	stream.indirect_vreg.gather [hbm4b:s1+s18], $0x80, v3, vm0, $0xb8;
	[tilespmem:$0x18200] =	vst v63  }
0x385: {  	s11 =	simm.s32 $0x2A00  }
0x386: {  	[tilespmem:s11], [sflag:$0x1] =	stream.indirect_vreg.gather [hbm4b:s5+s18], $0x80, v3, vm0, $0xb8;
	[tilespmem:$0x18200] =	vst v63  }
0x387: {  	s19 =	simm.s32 $0x3200  }
0x388: {  	[tilespmem:s19], [sflag:$0x1] =	stream.indirect_vreg.gather [hbm4b:s7+s18], $0x80, v3, vm0, $0xb8;
	[tilespmem:$0x18200] =	vst v63  }
0x389: {  	s25 =	simm.s32 $0x3A00  }
0x38a: {  	[tilespmem:s25], [sflag:$0x1] =	stream.indirect_vreg.gather [hbm4b:s8+s18], $0x80, v3, vm0, $0xb8;
	[tilespmem:$0x18200] =	vst v63  }
0x38b: {  	v3 =	vld [tilespmem:$0x170];
	_ =	sdelay $0x4  }
0x38c: {  	v63 =	vshll.u32 v3, $0x3  }
0x38d: {  	v3 =	vand.u32 $0x7, v3;
	v4 =	vand.u32 $0xFFFFFFC0, v63  }
0x38e: {  	v3 =	vor.u32 v3, v4  }
0x38f: {  	v4 =	vperm.xlane v3, v0;
	_ =	sdelay $0x1  }
0x390: {  	v4 =	vadd.s32 v1, v4;
	_ =	sdelay $0x3  }
0x391: {  	s10 =	simm.s32 $0x4200  }
0x392: {  	[tilespmem:s10], [sflag:$0x1] =	stream.indirect_vreg.gather [hbm4b:s1+s18], $0x80, v4, vm0, $0xb8;
	[tilespmem:$0x18200] =	vst v63  }
0x393: {  	s11 =	simm.s32 $0x4A00;
	v3 =	vperm.xlane v3, v2  }
0x394: {  	[tilespmem:s11], [sflag:$0x1] =	stream.indirect_vreg.gather [hbm4b:s5+s18], $0x80, v4, vm0, $0xb8;
	[tilespmem:$0x18200] =	vst v63  }
0x395: {  	s19 =	simm.s32 $0x5200;
	v3 =	vadd.s32 v1, v3  }
0x396: {  	[tilespmem:s19], [sflag:$0x1] =	stream.indirect_vreg.gather [hbm4b:s7+s18], $0x80, v4, vm0, $0xb8;
	[tilespmem:$0x18200] =	vst v63  }
0x397: {  	s25 =	simm.s32 $0x5A00  }
0x398: {  	[tilespmem:s25], [sflag:$0x1] =	stream.indirect_vreg.gather [hbm4b:s8+s18], $0x80, v4, vm0, $0xb8;
	[tilespmem:$0x18200] =	vst v63  }
0x399: {  	s10 =	simm.s32 $0x6200  }
0x39a: {  	[tilespmem:s10], [sflag:$0x1] =	stream.indirect_vreg.gather [hbm4b:s1+s18], $0x80, v3, vm0, $0xb8;
	[tilespmem:$0x18200] =	vst v63  }
0x39b: {  	s11 =	simm.s32 $0x6A00  }
0x39c: {  	[tilespmem:s11], [sflag:$0x1] =	stream.indirect_vreg.gather [hbm4b:s5+s18], $0x80, v3, vm0, $0xb8;
	[tilespmem:$0x18200] =	vst v63  }
0x39d: {  	s19 =	simm.s32 $0x7200  }
0x39e: {  	[tilespmem:s19], [sflag:$0x1] =	stream.indirect_vreg.gather [hbm4b:s7+s18], $0x80, v3, vm0, $0xb8;
	[tilespmem:$0x18200] =	vst v63  }
0x39f: {  	s25 =	simm.s32 $0x7A00  }
0x3a0: {  	[tilespmem:s25], [sflag:$0x1] =	stream.indirect_vreg.gather [hbm4b:s8+s18], $0x80, v3, vm0, $0xb8;
	[tilespmem:$0x18200] =	vst v63  }
0x3a1: {  	s19 =	simm.s32 $0x0;
	s25 =	simm.s32 $0x0  }
.LBB2_42:
0x3a2: {  	s9 =	sshll.u32 s19, $0x2;
	s10 =	sand.u32 $0x7, s18  }
0x3a3: {  	s9 =	sand.u32 $0xFFFF8000, s9;
	s10 =	sshll.u32 s10, $0x9  }
0x3a4: {  	s9 =	sor.u32 s10, s9  }
0x3a5: {  	s9 =	sshrl.u32 s9, $0x2  }
0x3a6: {  	s9 =	sadd.s32 $0x8240, s9  }
0x3a7: {  	v4 =	vld [tilespmem:s9+$0xFFFFFFC0];
	_ =	sdelay $0x1  }
0x3a8: {  	v7 =	vld [tilespmem:s9+$0xFFFFFFD0]  }
0x3a9: {  	v9 =	vld [tilespmem:s9+$0xFFFFFFE0]  }
0x3aa: {  	v5 =	vld [tilespmem:s9+$0x0]  }
0x3ab: {  	v3 =	vld [tilespmem:s9+$0x10];
	v8 =	vmul.f32 $3.200000000e+01, v4  }
0x3ac: {  	v6 =	vld [tilespmem:s9+$0x20]  }
0x3ad: {  	v4 =	vld [tilespmem:s9+$0x30];
	[tilespmem:s9+$0xFFFFFFC0] =	vst v8;
	v8 =	vmul.f32 $3.200000000e+01, v7  }
0x3ae: {  	s10 =	simm.s32 $0x0;
	s11 =	sadd.s32 $0x400, s9;
	v9 =	vmul.f32 $3.200000000e+01, v9;
	v7 =	vld [tilespmem:s9+$0xFFFFFFF0]  }
.LBB2_43:
0x3af: {  	v10 =	vld [tilespmem:s11+$0xFFFFFFC0];
	[tilespmem:s9+$0xFFFFFFD0] =	vst v8;
	v5 =	vmul.f32 $3.200000000e+01, v5  }
0x3b0: {  	s10 =	sadd.s32 $0x8, s10;
	v8 =	vld [tilespmem:s11+$0xFFFFFFD0];
	[tilespmem:s9+$0xFFFFFFE0] =	vst v9;
	v3 =	vmul.f32 $3.200000000e+01, v3  }
0x3b1: {  	p0 =	slt.u32 s10, $0x38;
	v9 =	vld [tilespmem:s11+$0xFFFFFFE0];
	[tilespmem:s9+$0x0] =	vst v5;
	v6 =	vmul.f32 $3.200000000e+01, v6  }
.Ltmp20:
0x3b2: {  	v5 =	vld [tilespmem:s11+$0x0];
	[tilespmem:s9+$0x10] =	vst v3;
	v4 =	vmul.f32 $3.200000000e+01, v4;
	(pc) =	sbr.rel @p0 .LBB2_43-.Ltmp20, $4  }
0x3b3: {  	v3 =	vld [tilespmem:s11+$0x10];
	v7 =	vmul.f32 $3.200000000e+01, v7;
	[tilespmem:s9+$0x20] =	vst v6  }
0x3b4: {  	v10 =	vmul.f32 $3.200000000e+01, v10;
	v6 =	vld [tilespmem:s11+$0x20];
	[tilespmem:s9+$0x30] =	vst v4  }
0x3b5: {  	v8 =	vmul.f32 $3.200000000e+01, v8;
	v4 =	vld [tilespmem:s11+$0x30];
	[tilespmem:s9+$0xFFFFFFF0] =	vst v7;
	s9 =	smov.u32 s11  }
0x3b6: {  	s11 =	sadd.s32 $0x400, s11;
	[tilespmem:s9+$0xFFFFFFC0] =	vst v10;
	v9 =	vmul.f32 $3.200000000e+01, v9;
	v7 =	vld [tilespmem:s9+$0xFFFFFFF0]  }
0x3b7: {  	[tilespmem:s9+$0xFFFFFFD0] =	vst v8;
	v5 =	vmul.f32 $3.200000000e+01, v5;
	s25 =	sadd.s32 $0x1, s25  }
0x3b8: {  	[tilespmem:s9+$0xFFFFFFE0] =	vst v9;
	v3 =	vmul.f32 $3.200000000e+01, v3;
	p0 =	sne.s32 s25, $0x20  }
.Ltmp21:
0x3b9: {  	[tilespmem:s9+$0x0] =	vst v5;
	v62 =	vmul.f32 $3.200000000e+01, v6;
	(pc) =	sbr.rel @p0 .LBB2_42-.Ltmp21, $4  }
0x3ba: {  	[tilespmem:s9+$0x10] =	vst v3;
	v3 =	vmul.f32 $3.200000000e+01, v4  }
0x3bb: {  	v63 =	vmul.f32 $3.200000000e+01, v7;
	[tilespmem:s9+$0x20] =	vst v62  }
0x3bc: {  	[tilespmem:s9+$0x30] =	vst v3  }
0x3bd: {  	s19 =	sadd.s32 $0x400, s19;
	s18 =	sadd.s32 $0x1, s18;
	[tilespmem:s9+$0xFFFFFFF0] =	vst v63  }
0x3be: {  	s18 =	simm.s32 $0x0;
	s9 =	rddreg [dreg:$0xf]  }
0x3bf: {  	[hbm4b:s9+s18] =	stream.linear.scatter [tilespmem:s4], [sflag:$0x5], $0x8000, $0x38;
	[tilespmem:$0x18200] =	vst v63  }
0x3c0: {  	_ =	swait.ge [sflag:s26], $0x8000  }
0x3c1: {  	[sflag:s26] =	ssyncset.done $0x0  }
0x3c2: {  	[sflag:s26] =	ssyncadd.s32 $0xFFFF8000  }
0x3c3: {  	_ =	swait.ge [sflag:s28], $0x8000  }
0x3c4: {  	[sflag:s28] =	ssyncset.done $0x0  }
0x3c5: {  	[sflag:s28] =	ssyncadd.s32 $0xFFFF8000  }
0x3c6: {  	v3 =	vld [tilespmem:$0x180];
	_ =	sdelay $0x4  }
0x3c7: {  	v4 =	vshll.u32 v3, $0x3  }
0x3c8: {  	v3 =	vand.u32 $0x7, v3;
	v4 =	vand.u32 $0xFFFFFFC0, v4  }
0x3c9: {  	v3 =	vor.u32 v3, v4  }
0x3ca: {  	v4 =	vperm.xlane v3, v0;
	_ =	sdelay $0x1  }
0x3cb: {  	v4 =	vadd.s32 v1, v4;
	_ =	sdelay $0x4  }
0x3cc: {  	[tilespmem:s4], [sflag:$0x2] =	stream.indirect_vreg.gather [hbm4b:s1+s18], $0x80, v4, vm0, $0xb8;
	[tilespmem:$0x18200] =	vst v63  }
0x3cd: {  	s11 =	simm.s32 $0x8A00;
	v3 =	vperm.xlane v3, v2  }
0x3ce: {  	[tilespmem:s11], [sflag:$0x2] =	stream.indirect_vreg.gather [hbm4b:s5+s18], $0x80, v4, vm0, $0xb8;
	[tilespmem:$0x18200] =	vst v63  }
0x3cf: {  	s19 =	simm.s32 $0x9200;
	v3 =	vadd.s32 v1, v3  }
0x3d0: {  	[tilespmem:s19], [sflag:$0x2] =	stream.indirect_vreg.gather [hbm4b:s7+s18], $0x80, v4, vm0, $0xb8;
	[tilespmem:$0x18200] =	vst v63  }
0x3d1: {  	s25 =	simm.s32 $0x9A00  }
0x3d2: {  	[tilespmem:s25], [sflag:$0x2] =	stream.indirect_vreg.gather [hbm4b:s8+s18], $0x80, v4, vm0, $0xb8;
	[tilespmem:$0x18200] =	vst v63  }
0x3d3: {  	_ = 	snop  }
0x3d4: {  	[tilespmem:s12], [sflag:$0x2] =	stream.indirect_vreg.gather [hbm4b:s1+s18], $0x80, v3, vm0, $0xb8;
	[tilespmem:$0x18200] =	vst v63  }
0x3d5: {  	_ = 	snop  }
0x3d6: {  	[tilespmem:s13], [sflag:$0x2] =	stream.indirect_vreg.gather [hbm4b:s5+s18], $0x80, v3, vm0, $0xb8;
	[tilespmem:$0x18200] =	vst v63  }
0x3d7: {  	_ = 	snop  }
0x3d8: {  	[tilespmem:s14], [sflag:$0x2] =	stream.indirect_vreg.gather [hbm4b:s7+s18], $0x80, v3, vm0, $0xb8;
	[tilespmem:$0x18200] =	vst v63  }
0x3d9: {  	_ = 	snop  }
0x3da: {  	[tilespmem:s15], [sflag:$0x2] =	stream.indirect_vreg.gather [hbm4b:s8+s18], $0x80, v3, vm0, $0xb8;
	[tilespmem:$0x18200] =	vst v63  }
0x3db: {  	v3 =	vld [tilespmem:$0x190];
	_ =	sdelay $0x4  }
0x3dc: {  	v63 =	vshll.u32 v3, $0x3  }
0x3dd: {  	v3 =	vand.u32 $0x7, v3;
	v4 =	vand.u32 $0xFFFFFFC0, v63  }
0x3de: {  	v3 =	vor.u32 v3, v4  }
0x3df: {  	v4 =	vperm.xlane v3, v0;
	_ =	sdelay $0x1  }
0x3e0: {  	v4 =	vadd.s32 v1, v4;
	_ =	sdelay $0x3  }
0x3e1: {  	s10 =	simm.s32 $0xC200  }
0x3e2: {  	[tilespmem:s10], [sflag:$0x2] =	stream.indirect_vreg.gather [hbm4b:s1+s18], $0x80, v4, vm0, $0xb8;
	[tilespmem:$0x18200] =	vst v63  }
0x3e3: {  	s11 =	simm.s32 $0xCA00;
	v3 =	vperm.xlane v3, v2  }
0x3e4: {  	[tilespmem:s11], [sflag:$0x2] =	stream.indirect_vreg.gather [hbm4b:s5+s18], $0x80, v4, vm0, $0xb8;
	[tilespmem:$0x18200] =	vst v63  }
0x3e5: {  	s19 =	simm.s32 $0xD200;
	v3 =	vadd.s32 v1, v3  }
0x3e6: {  	[tilespmem:s19], [sflag:$0x2] =	stream.indirect_vreg.gather [hbm4b:s7+s18], $0x80, v4, vm0, $0xb8;
	[tilespmem:$0x18200] =	vst v63  }
0x3e7: {  	s25 =	simm.s32 $0xDA00  }
0x3e8: {  	[tilespmem:s25], [sflag:$0x2] =	stream.indirect_vreg.gather [hbm4b:s8+s18], $0x80, v4, vm0, $0xb8;
	[tilespmem:$0x18200] =	vst v63  }
0x3e9: {  	s10 =	simm.s32 $0xE200  }
0x3ea: {  	[tilespmem:s10], [sflag:$0x2] =	stream.indirect_vreg.gather [hbm4b:s1+s18], $0x80, v3, vm0, $0xb8;
	[tilespmem:$0x18200] =	vst v63  }
0x3eb: {  	s11 =	simm.s32 $0xEA00  }
0x3ec: {  	[tilespmem:s11], [sflag:$0x2] =	stream.indirect_vreg.gather [hbm4b:s5+s18], $0x80, v3, vm0, $0xb8;
	[tilespmem:$0x18200] =	vst v63  }
0x3ed: {  	s19 =	simm.s32 $0xF200  }
0x3ee: {  	[tilespmem:s19], [sflag:$0x2] =	stream.indirect_vreg.gather [hbm4b:s7+s18], $0x80, v3, vm0, $0xb8;
	[tilespmem:$0x18200] =	vst v63  }
0x3ef: {  	s25 =	simm.s32 $0xFA00  }
0x3f0: {  	[tilespmem:s25], [sflag:$0x2] =	stream.indirect_vreg.gather [hbm4b:s8+s18], $0x80, v3, vm0, $0xb8;
	[tilespmem:$0x18200] =	vst v63  }
0x3f1: {  	s19 =	simm.s32 $0x0;
	s25 =	simm.s32 $0x0  }
.LBB2_46:
0x3f2: {  	s9 =	sshll.u32 s19, $0x2;
	s10 =	sand.u32 $0x7, s18  }
0x3f3: {  	s9 =	sand.u32 $0xFFFF8000, s9;
	s10 =	sshll.u32 s10, $0x9  }
0x3f4: {  	s9 =	sor.u32 s10, s9  }
0x3f5: {  	s9 =	sshrl.u32 s9, $0x2  }
0x3f6: {  	s9 =	sadd.s32 $0x10240, s9  }
0x3f7: {  	v4 =	vld [tilespmem:s9+$0xFFFFFFC0];
	_ =	sdelay $0x1  }
0x3f8: {  	v7 =	vld [tilespmem:s9+$0xFFFFFFD0]  }
0x3f9: {  	v9 =	vld [tilespmem:s9+$0xFFFFFFE0]  }
0x3fa: {  	v5 =	vld [tilespmem:s9+$0x0]  }
0x3fb: {  	v3 =	vld [tilespmem:s9+$0x10];
	v8 =	vmul.f32 $3.200000000e+01, v4  }
0x3fc: {  	v6 =	vld [tilespmem:s9+$0x20]  }
0x3fd: {  	v4 =	vld [tilespmem:s9+$0x30];
	[tilespmem:s9+$0xFFFFFFC0] =	vst v8;
	v8 =	vmul.f32 $3.200000000e+01, v7  }
0x3fe: {  	s10 =	simm.s32 $0x0;
	s11 =	sadd.s32 $0x400, s9;
	v9 =	vmul.f32 $3.200000000e+01, v9;
	v7 =	vld [tilespmem:s9+$0xFFFFFFF0]  }
.LBB2_47:
0x3ff: {  	v10 =	vld [tilespmem:s11+$0xFFFFFFC0];
	[tilespmem:s9+$0xFFFFFFD0] =	vst v8;
	v5 =	vmul.f32 $3.200000000e+01, v5  }
0x400: {  	s10 =	sadd.s32 $0x8, s10;
	v8 =	vld [tilespmem:s11+$0xFFFFFFD0];
	[tilespmem:s9+$0xFFFFFFE0] =	vst v9;
	v3 =	vmul.f32 $3.200000000e+01, v3  }
0x401: {  	p0 =	slt.u32 s10, $0x38;
	v9 =	vld [tilespmem:s11+$0xFFFFFFE0];
	[tilespmem:s9+$0x0] =	vst v5;
	v6 =	vmul.f32 $3.200000000e+01, v6  }
.Ltmp22:
0x402: {  	v5 =	vld [tilespmem:s11+$0x0];
	[tilespmem:s9+$0x10] =	vst v3;
	v4 =	vmul.f32 $3.200000000e+01, v4;
	(pc) =	sbr.rel @p0 .LBB2_47-.Ltmp22, $4  }
0x403: {  	v3 =	vld [tilespmem:s11+$0x10];
	v7 =	vmul.f32 $3.200000000e+01, v7;
	[tilespmem:s9+$0x20] =	vst v6  }
0x404: {  	v10 =	vmul.f32 $3.200000000e+01, v10;
	v6 =	vld [tilespmem:s11+$0x20];
	[tilespmem:s9+$0x30] =	vst v4  }
0x405: {  	v8 =	vmul.f32 $3.200000000e+01, v8;
	v4 =	vld [tilespmem:s11+$0x30];
	[tilespmem:s9+$0xFFFFFFF0] =	vst v7;
	s9 =	smov.u32 s11  }
0x406: {  	s11 =	sadd.s32 $0x400, s11;
	[tilespmem:s9+$0xFFFFFFC0] =	vst v10;
	v9 =	vmul.f32 $3.200000000e+01, v9;
	v7 =	vld [tilespmem:s9+$0xFFFFFFF0]  }
0x407: {  	[tilespmem:s9+$0xFFFFFFD0] =	vst v8;
	v5 =	vmul.f32 $3.200000000e+01, v5;
	s25 =	sadd.s32 $0x1, s25  }
0x408: {  	[tilespmem:s9+$0xFFFFFFE0] =	vst v9;
	v3 =	vmul.f32 $3.200000000e+01, v3;
	p0 =	sne.s32 s25, $0x20  }
.Ltmp23:
0x409: {  	[tilespmem:s9+$0x0] =	vst v5;
	v62 =	vmul.f32 $3.200000000e+01, v6;
	(pc) =	sbr.rel @p0 .LBB2_46-.Ltmp23, $4  }
0x40a: {  	[tilespmem:s9+$0x10] =	vst v3;
	v3 =	vmul.f32 $3.200000000e+01, v4  }
0x40b: {  	v63 =	vmul.f32 $3.200000000e+01, v7;
	[tilespmem:s9+$0x20] =	vst v62  }
0x40c: {  	[tilespmem:s9+$0x30] =	vst v3  }
0x40d: {  	s19 =	sadd.s32 $0x400, s19;
	s18 =	sadd.s32 $0x1, s18;
	[tilespmem:s9+$0xFFFFFFF0] =	vst v63  }
0x40e: {  	s18 =	simm.s32 $0x0;
	s9 =	rddreg [dreg:$0x10]  }
0x40f: {  	[hbm4b:s9+s18] =	stream.linear.scatter [tilespmem:s21], [sflag:$0x6], $0x8000, $0x38;
	[tilespmem:$0x18200] =	vst v63  }
0x410: {  	_ =	swait.ge [sflag:s20], $0x8000  }
0x411: {  	[sflag:s20] =	ssyncset.done $0x0  }
0x412: {  	[sflag:s20] =	ssyncadd.s32 $0xFFFF8000  }
0x413: {  	_ =	swait.ge [sflag:s16], $0x8000  }
0x414: {  	[sflag:s16] =	ssyncset.done $0x0  }
0x415: {  	[sflag:s16] =	ssyncadd.s32 $0xFFFF8000  }
0x416: {  	v3 =	vld [tilespmem:$0x1A0];
	_ =	sdelay $0x4  }
0x417: {  	v4 =	vshll.u32 v3, $0x3  }
0x418: {  	v3 =	vand.u32 $0x7, v3;
	v4 =	vand.u32 $0xFFFFFFC0, v4  }
0x419: {  	v3 =	vor.u32 v3, v4  }
0x41a: {  	v4 =	vperm.xlane v3, v0;
	_ =	sdelay $0x1  }
0x41b: {  	v4 =	vadd.s32 v1, v4;
	_ =	sdelay $0x4  }
0x41c: {  	[tilespmem:s21], [sflag:$0x3] =	stream.indirect_vreg.gather [hbm4b:s1+s18], $0x80, v4, vm0, $0xb8;
	[tilespmem:$0x18200] =	vst v63  }
0x41d: {  	v3 =	vperm.xlane v3, v2  }
0x41e: {  	[tilespmem:s22], [sflag:$0x3] =	stream.indirect_vreg.gather [hbm4b:s5+s18], $0x80, v4, vm0, $0xb8;
	[tilespmem:$0x18200] =	vst v63  }
0x41f: {  	v3 =	vadd.s32 v1, v3  }
0x420: {  	[tilespmem:s23], [sflag:$0x3] =	stream.indirect_vreg.gather [hbm4b:s7+s18], $0x80, v4, vm0, $0xb8;
	[tilespmem:$0x18200] =	vst v63  }
0x421: {  	_ = 	snop  }
0x422: {  	[tilespmem:s24], [sflag:$0x3] =	stream.indirect_vreg.gather [hbm4b:s8+s18], $0x80, v4, vm0, $0xb8;
	[tilespmem:$0x18200] =	vst v63  }
0x423: {  	s10 =	simm.s32 $0x12200  }
0x424: {  	[tilespmem:s10], [sflag:$0x3] =	stream.indirect_vreg.gather [hbm4b:s1+s18], $0x80, v3, vm0, $0xb8;
	[tilespmem:$0x18200] =	vst v63  }
0x425: {  	s11 =	simm.s32 $0x12A00  }
0x426: {  	[tilespmem:s11], [sflag:$0x3] =	stream.indirect_vreg.gather [hbm4b:s5+s18], $0x80, v3, vm0, $0xb8;
	[tilespmem:$0x18200] =	vst v63  }
0x427: {  	s19 =	simm.s32 $0x13200  }
0x428: {  	[tilespmem:s19], [sflag:$0x3] =	stream.indirect_vreg.gather [hbm4b:s7+s18], $0x80, v3, vm0, $0xb8;
	[tilespmem:$0x18200] =	vst v63  }
0x429: {  	s25 =	simm.s32 $0x13A00  }
0x42a: {  	[tilespmem:s25], [sflag:$0x3] =	stream.indirect_vreg.gather [hbm4b:s8+s18], $0x80, v3, vm0, $0xb8;
	[tilespmem:$0x18200] =	vst v63  }
0x42b: {  	v3 =	vld [tilespmem:$0x1B0];
	_ =	sdelay $0x4  }
0x42c: {  	v63 =	vshll.u32 v3, $0x3  }
0x42d: {  	v3 =	vand.u32 $0x7, v3;
	v4 =	vand.u32 $0xFFFFFFC0, v63  }
0x42e: {  	v3 =	vor.u32 v3, v4  }
0x42f: {  	v4 =	vperm.xlane v3, v0;
	_ =	sdelay $0x1  }
0x430: {  	v4 =	vadd.s32 v1, v4;
	_ =	sdelay $0x3  }
0x431: {  	s10 =	simm.s32 $0x14200  }
0x432: {  	[tilespmem:s10], [sflag:$0x3] =	stream.indirect_vreg.gather [hbm4b:s1+s18], $0x80, v4, vm0, $0xb8;
	[tilespmem:$0x18200] =	vst v63  }
0x433: {  	s11 =	simm.s32 $0x14A00;
	v3 =	vperm.xlane v3, v2  }
0x434: {  	[tilespmem:s11], [sflag:$0x3] =	stream.indirect_vreg.gather [hbm4b:s5+s18], $0x80, v4, vm0, $0xb8;
	[tilespmem:$0x18200] =	vst v63  }
0x435: {  	s19 =	simm.s32 $0x15200;
	v3 =	vadd.s32 v1, v3  }
0x436: {  	[tilespmem:s19], [sflag:$0x3] =	stream.indirect_vreg.gather [hbm4b:s7+s18], $0x80, v4, vm0, $0xb8;
	[tilespmem:$0x18200] =	vst v63  }
0x437: {  	s25 =	simm.s32 $0x15A00  }
0x438: {  	[tilespmem:s25], [sflag:$0x3] =	stream.indirect_vreg.gather [hbm4b:s8+s18], $0x80, v4, vm0, $0xb8;
	[tilespmem:$0x18200] =	vst v63  }
0x439: {  	s10 =	simm.s32 $0x16200  }
0x43a: {  	[tilespmem:s10], [sflag:$0x3] =	stream.indirect_vreg.gather [hbm4b:s1+s18], $0x80, v3, vm0, $0xb8;
	[tilespmem:$0x18200] =	vst v63  }
0x43b: {  	s11 =	simm.s32 $0x16A00  }
0x43c: {  	[tilespmem:s11], [sflag:$0x3] =	stream.indirect_vreg.gather [hbm4b:s5+s18], $0x80, v3, vm0, $0xb8;
	[tilespmem:$0x18200] =	vst v63  }
0x43d: {  	s19 =	simm.s32 $0x17200  }
0x43e: {  	[tilespmem:s19], [sflag:$0x3] =	stream.indirect_vreg.gather [hbm4b:s7+s18], $0x80, v3, vm0, $0xb8;
	[tilespmem:$0x18200] =	vst v63  }
0x43f: {  	s25 =	simm.s32 $0x17A00  }
0x440: {  	[tilespmem:s25], [sflag:$0x3] =	stream.indirect_vreg.gather [hbm4b:s8+s18], $0x80, v3, vm0, $0xb8;
	[tilespmem:$0x18200] =	vst v63  }
0x441: {  	s19 =	simm.s32 $0x0;
	s25 =	simm.s32 $0x0  }
.LBB2_50:
0x442: {  	s9 =	sshll.u32 s19, $0x2;
	s10 =	sand.u32 $0x7, s18  }
0x443: {  	s9 =	sand.u32 $0xFFFF8000, s9;
	s10 =	sshll.u32 s10, $0x9  }
0x444: {  	s9 =	sor.u32 s10, s9  }
0x445: {  	s9 =	sshrl.u32 s9, $0x2  }
0x446: {  	s9 =	sadd.s32 $0x240, s9  }
0x447: {  	v4 =	vld [tilespmem:s9+$0xFFFFFFC0];
	_ =	sdelay $0x1  }
0x448: {  	v7 =	vld [tilespmem:s9+$0xFFFFFFD0]  }
0x449: {  	v9 =	vld [tilespmem:s9+$0xFFFFFFE0]  }
0x44a: {  	v5 =	vld [tilespmem:s9+$0x0]  }
0x44b: {  	v3 =	vld [tilespmem:s9+$0x10];
	v8 =	vmul.f32 $3.200000000e+01, v4  }
0x44c: {  	v6 =	vld [tilespmem:s9+$0x20]  }
0x44d: {  	v4 =	vld [tilespmem:s9+$0x30];
	[tilespmem:s9+$0xFFFFFFC0] =	vst v8;
	v8 =	vmul.f32 $3.200000000e+01, v7  }
0x44e: {  	s10 =	simm.s32 $0x0;
	s11 =	sadd.s32 $0x400, s9;
	v9 =	vmul.f32 $3.200000000e+01, v9;
	v7 =	vld [tilespmem:s9+$0xFFFFFFF0]  }
.LBB2_51:
0x44f: {  	v10 =	vld [tilespmem:s11+$0xFFFFFFC0];
	[tilespmem:s9+$0xFFFFFFD0] =	vst v8;
	v5 =	vmul.f32 $3.200000000e+01, v5  }
0x450: {  	s10 =	sadd.s32 $0x8, s10;
	v8 =	vld [tilespmem:s11+$0xFFFFFFD0];
	[tilespmem:s9+$0xFFFFFFE0] =	vst v9;
	v3 =	vmul.f32 $3.200000000e+01, v3  }
0x451: {  	p0 =	slt.u32 s10, $0x38;
	v9 =	vld [tilespmem:s11+$0xFFFFFFE0];
	[tilespmem:s9+$0x0] =	vst v5;
	v6 =	vmul.f32 $3.200000000e+01, v6  }
.Ltmp24:
0x452: {  	v5 =	vld [tilespmem:s11+$0x0];
	[tilespmem:s9+$0x10] =	vst v3;
	v4 =	vmul.f32 $3.200000000e+01, v4;
	(pc) =	sbr.rel @p0 .LBB2_51-.Ltmp24, $4  }
0x453: {  	v3 =	vld [tilespmem:s11+$0x10];
	v7 =	vmul.f32 $3.200000000e+01, v7;
	[tilespmem:s9+$0x20] =	vst v6  }
0x454: {  	v10 =	vmul.f32 $3.200000000e+01, v10;
	v6 =	vld [tilespmem:s11+$0x20];
	[tilespmem:s9+$0x30] =	vst v4  }
0x455: {  	v8 =	vmul.f32 $3.200000000e+01, v8;
	v4 =	vld [tilespmem:s11+$0x30];
	[tilespmem:s9+$0xFFFFFFF0] =	vst v7;
	s9 =	smov.u32 s11  }
0x456: {  	s11 =	sadd.s32 $0x400, s11;
	[tilespmem:s9+$0xFFFFFFC0] =	vst v10;
	v9 =	vmul.f32 $3.200000000e+01, v9;
	v7 =	vld [tilespmem:s9+$0xFFFFFFF0]  }
0x457: {  	[tilespmem:s9+$0xFFFFFFD0] =	vst v8;
	v5 =	vmul.f32 $3.200000000e+01, v5;
	s25 =	sadd.s32 $0x1, s25  }
0x458: {  	[tilespmem:s9+$0xFFFFFFE0] =	vst v9;
	v3 =	vmul.f32 $3.200000000e+01, v3;
	p0 =	sne.s32 s25, $0x20  }
.Ltmp25:
0x459: {  	[tilespmem:s9+$0x0] =	vst v5;
	v62 =	vmul.f32 $3.200000000e+01, v6;
	(pc) =	sbr.rel @p0 .LBB2_50-.Ltmp25, $4  }
0x45a: {  	[tilespmem:s9+$0x10] =	vst v3;
	v3 =	vmul.f32 $3.200000000e+01, v4  }
0x45b: {  	v63 =	vmul.f32 $3.200000000e+01, v7;
	[tilespmem:s9+$0x20] =	vst v62  }
0x45c: {  	[tilespmem:s9+$0x30] =	vst v3  }
0x45d: {  	s19 =	sadd.s32 $0x400, s19;
	s18 =	sadd.s32 $0x1, s18;
	[tilespmem:s9+$0xFFFFFFF0] =	vst v63  }
0x45e: {  	s18 =	simm.s32 $0x0;
	s9 =	rddreg [dreg:$0x11]  }
0x45f: {  	[hbm4b:s9+s18] =	stream.linear.scatter [tilespmem:s30], [sflag:$0x4], $0x8000, $0x38;
	[tilespmem:$0x18200] =	vst v63  }
0x460: {  	_ =	swait.ge [sflag:s31], $0x8000  }
0x461: {  	[sflag:s31] =	ssyncset.done $0x0  }
0x462: {  	[sflag:s31] =	ssyncadd.s32 $0xFFFF8000  }
0x463: {  	_ =	swait.ge [sflag:s6], $0x8000  }
0x464: {  	[sflag:s6] =	ssyncset.done $0x0  }
0x465: {  	[sflag:s6] =	ssyncadd.s32 $0xFFFF8000  }
0x466: {  	v3 =	vld [tilespmem:$0x1C0];
	_ =	sdelay $0x4  }
0x467: {  	v4 =	vshll.u32 v3, $0x3  }
0x468: {  	v3 =	vand.u32 $0x7, v3;
	v4 =	vand.u32 $0xFFFFFFC0, v4  }
0x469: {  	v3 =	vor.u32 v3, v4  }
0x46a: {  	v4 =	vperm.xlane v3, v0;
	_ =	sdelay $0x1  }
0x46b: {  	v4 =	vadd.s32 v1, v4;
	_ =	sdelay $0x4  }
0x46c: {  	[tilespmem:s30], [sflag:$0x1] =	stream.indirect_vreg.gather [hbm4b:s1+s18], $0x80, v4, vm0, $0xb8;
	[tilespmem:$0x18200] =	vst v63  }
0x46d: {  	v3 =	vperm.xlane v3, v2  }
0x46e: {  	[tilespmem:s0], [sflag:$0x1] =	stream.indirect_vreg.gather [hbm4b:s5+s18], $0x80, v4, vm0, $0xb8;
	[tilespmem:$0x18200] =	vst v63  }
0x46f: {  	v3 =	vadd.s32 v1, v3  }
0x470: {  	[tilespmem:s2], [sflag:$0x1] =	stream.indirect_vreg.gather [hbm4b:s7+s18], $0x80, v4, vm0, $0xb8;
	[tilespmem:$0x18200] =	vst v63  }
0x471: {  	_ = 	snop  }
0x472: {  	[tilespmem:s29], [sflag:$0x1] =	stream.indirect_vreg.gather [hbm4b:s8+s18], $0x80, v4, vm0, $0xb8;
	[tilespmem:$0x18200] =	vst v63  }
0x473: {  	s10 =	simm.s32 $0x2200  }
0x474: {  	[tilespmem:s10], [sflag:$0x1] =	stream.indirect_vreg.gather [hbm4b:s1+s18], $0x80, v3, vm0, $0xb8;
	[tilespmem:$0x18200] =	vst v63  }
0x475: {  	s11 =	simm.s32 $0x2A00  }
0x476: {  	[tilespmem:s11], [sflag:$0x1] =	stream.indirect_vreg.gather [hbm4b:s5+s18], $0x80, v3, vm0, $0xb8;
	[tilespmem:$0x18200] =	vst v63  }
0x477: {  	s19 =	simm.s32 $0x3200  }
0x478: {  	[tilespmem:s19], [sflag:$0x1] =	stream.indirect_vreg.gather [hbm4b:s7+s18], $0x80, v3, vm0, $0xb8;
	[tilespmem:$0x18200] =	vst v63  }
0x479: {  	s25 =	simm.s32 $0x3A00  }
0x47a: {  	[tilespmem:s25], [sflag:$0x1] =	stream.indirect_vreg.gather [hbm4b:s8+s18], $0x80, v3, vm0, $0xb8;
	[tilespmem:$0x18200] =	vst v63  }
0x47b: {  	v3 =	vld [tilespmem:$0x1D0];
	_ =	sdelay $0x4  }
0x47c: {  	v63 =	vshll.u32 v3, $0x3  }
0x47d: {  	v3 =	vand.u32 $0x7, v3;
	v4 =	vand.u32 $0xFFFFFFC0, v63  }
0x47e: {  	v3 =	vor.u32 v3, v4  }
0x47f: {  	v4 =	vperm.xlane v3, v0;
	_ =	sdelay $0x1  }
0x480: {  	v4 =	vadd.s32 v1, v4;
	_ =	sdelay $0x3  }
0x481: {  	s10 =	simm.s32 $0x4200  }
0x482: {  	[tilespmem:s10], [sflag:$0x1] =	stream.indirect_vreg.gather [hbm4b:s1+s18], $0x80, v4, vm0, $0xb8;
	[tilespmem:$0x18200] =	vst v63  }
0x483: {  	s11 =	simm.s32 $0x4A00;
	v3 =	vperm.xlane v3, v2  }
0x484: {  	[tilespmem:s11], [sflag:$0x1] =	stream.indirect_vreg.gather [hbm4b:s5+s18], $0x80, v4, vm0, $0xb8;
	[tilespmem:$0x18200] =	vst v63  }
0x485: {  	s19 =	simm.s32 $0x5200;
	v3 =	vadd.s32 v1, v3  }
0x486: {  	[tilespmem:s19], [sflag:$0x1] =	stream.indirect_vreg.gather [hbm4b:s7+s18], $0x80, v4, vm0, $0xb8;
	[tilespmem:$0x18200] =	vst v63  }
0x487: {  	s25 =	simm.s32 $0x5A00  }
0x488: {  	[tilespmem:s25], [sflag:$0x1] =	stream.indirect_vreg.gather [hbm4b:s8+s18], $0x80, v4, vm0, $0xb8;
	[tilespmem:$0x18200] =	vst v63  }
0x489: {  	s10 =	simm.s32 $0x6200  }
0x48a: {  	[tilespmem:s10], [sflag:$0x1] =	stream.indirect_vreg.gather [hbm4b:s1+s18], $0x80, v3, vm0, $0xb8;
	[tilespmem:$0x18200] =	vst v63  }
0x48b: {  	s11 =	simm.s32 $0x6A00  }
0x48c: {  	[tilespmem:s11], [sflag:$0x1] =	stream.indirect_vreg.gather [hbm4b:s5+s18], $0x80, v3, vm0, $0xb8;
	[tilespmem:$0x18200] =	vst v63  }
0x48d: {  	s19 =	simm.s32 $0x7200  }
0x48e: {  	[tilespmem:s19], [sflag:$0x1] =	stream.indirect_vreg.gather [hbm4b:s7+s18], $0x80, v3, vm0, $0xb8;
	[tilespmem:$0x18200] =	vst v63  }
0x48f: {  	s25 =	simm.s32 $0x7A00  }
0x490: {  	[tilespmem:s25], [sflag:$0x1] =	stream.indirect_vreg.gather [hbm4b:s8+s18], $0x80, v3, vm0, $0xb8;
	[tilespmem:$0x18200] =	vst v63  }
0x491: {  	s19 =	simm.s32 $0x0;
	s25 =	simm.s32 $0x0  }
.LBB2_54:
0x492: {  	s9 =	sshll.u32 s19, $0x2;
	s10 =	sand.u32 $0x7, s18  }
0x493: {  	s9 =	sand.u32 $0xFFFF8000, s9;
	s10 =	sshll.u32 s10, $0x9  }
0x494: {  	s9 =	sor.u32 s10, s9  }
0x495: {  	s9 =	sshrl.u32 s9, $0x2  }
0x496: {  	s9 =	sadd.s32 $0x8240, s9  }
0x497: {  	v4 =	vld [tilespmem:s9+$0xFFFFFFC0];
	_ =	sdelay $0x1  }
0x498: {  	v7 =	vld [tilespmem:s9+$0xFFFFFFD0]  }
0x499: {  	v9 =	vld [tilespmem:s9+$0xFFFFFFE0]  }
0x49a: {  	v5 =	vld [tilespmem:s9+$0x0]  }
0x49b: {  	v3 =	vld [tilespmem:s9+$0x10];
	v8 =	vmul.f32 $3.200000000e+01, v4  }
0x49c: {  	v6 =	vld [tilespmem:s9+$0x20]  }
0x49d: {  	v4 =	vld [tilespmem:s9+$0x30];
	[tilespmem:s9+$0xFFFFFFC0] =	vst v8;
	v8 =	vmul.f32 $3.200000000e+01, v7  }
0x49e: {  	s10 =	simm.s32 $0x0;
	s11 =	sadd.s32 $0x400, s9;
	v9 =	vmul.f32 $3.200000000e+01, v9;
	v7 =	vld [tilespmem:s9+$0xFFFFFFF0]  }
.LBB2_55:
0x49f: {  	v10 =	vld [tilespmem:s11+$0xFFFFFFC0];
	[tilespmem:s9+$0xFFFFFFD0] =	vst v8;
	v5 =	vmul.f32 $3.200000000e+01, v5  }
0x4a0: {  	s10 =	sadd.s32 $0x8, s10;
	v8 =	vld [tilespmem:s11+$0xFFFFFFD0];
	[tilespmem:s9+$0xFFFFFFE0] =	vst v9;
	v3 =	vmul.f32 $3.200000000e+01, v3  }
0x4a1: {  	p0 =	slt.u32 s10, $0x38;
	v9 =	vld [tilespmem:s11+$0xFFFFFFE0];
	[tilespmem:s9+$0x0] =	vst v5;
	v6 =	vmul.f32 $3.200000000e+01, v6  }
.Ltmp26:
0x4a2: {  	v5 =	vld [tilespmem:s11+$0x0];
	[tilespmem:s9+$0x10] =	vst v3;
	v4 =	vmul.f32 $3.200000000e+01, v4;
	(pc) =	sbr.rel @p0 .LBB2_55-.Ltmp26, $4  }
0x4a3: {  	v3 =	vld [tilespmem:s11+$0x10];
	v7 =	vmul.f32 $3.200000000e+01, v7;
	[tilespmem:s9+$0x20] =	vst v6  }
0x4a4: {  	v10 =	vmul.f32 $3.200000000e+01, v10;
	v6 =	vld [tilespmem:s11+$0x20];
	[tilespmem:s9+$0x30] =	vst v4  }
0x4a5: {  	v8 =	vmul.f32 $3.200000000e+01, v8;
	v4 =	vld [tilespmem:s11+$0x30];
	[tilespmem:s9+$0xFFFFFFF0] =	vst v7;
	s9 =	smov.u32 s11  }
0x4a6: {  	s11 =	sadd.s32 $0x400, s11;
	[tilespmem:s9+$0xFFFFFFC0] =	vst v10;
	v9 =	vmul.f32 $3.200000000e+01, v9;
	v7 =	vld [tilespmem:s9+$0xFFFFFFF0]  }
0x4a7: {  	[tilespmem:s9+$0xFFFFFFD0] =	vst v8;
	v5 =	vmul.f32 $3.200000000e+01, v5;
	s25 =	sadd.s32 $0x1, s25  }
0x4a8: {  	[tilespmem:s9+$0xFFFFFFE0] =	vst v9;
	v3 =	vmul.f32 $3.200000000e+01, v3;
	p0 =	sne.s32 s25, $0x20  }
.Ltmp27:
0x4a9: {  	[tilespmem:s9+$0x0] =	vst v5;
	v62 =	vmul.f32 $3.200000000e+01, v6;
	(pc) =	sbr.rel @p0 .LBB2_54-.Ltmp27, $4  }
0x4aa: {  	[tilespmem:s9+$0x10] =	vst v3;
	v3 =	vmul.f32 $3.200000000e+01, v4  }
0x4ab: {  	v63 =	vmul.f32 $3.200000000e+01, v7;
	[tilespmem:s9+$0x20] =	vst v62  }
0x4ac: {  	[tilespmem:s9+$0x30] =	vst v3  }
0x4ad: {  	s19 =	sadd.s32 $0x400, s19;
	s18 =	sadd.s32 $0x1, s18;
	[tilespmem:s9+$0xFFFFFFF0] =	vst v63  }
0x4ae: {  	s18 =	simm.s32 $0x0;
	s9 =	rddreg [dreg:$0x12]  }
0x4af: {  	[hbm4b:s9+s18] =	stream.linear.scatter [tilespmem:s4], [sflag:$0x5], $0x8000, $0x38;
	[tilespmem:$0x18200] =	vst v63  }
0x4b0: {  	_ =	swait.ge [sflag:s26], $0x8000  }
0x4b1: {  	[sflag:s26] =	ssyncset.done $0x0  }
0x4b2: {  	[sflag:s26] =	ssyncadd.s32 $0xFFFF8000  }
0x4b3: {  	_ =	swait.ge [sflag:s28], $0x8000  }
0x4b4: {  	[sflag:s28] =	ssyncset.done $0x0  }
0x4b5: {  	[sflag:s28] =	ssyncadd.s32 $0xFFFF8000  }
0x4b6: {  	v3 =	vld [tilespmem:$0x1E0];
	_ =	sdelay $0x4  }
0x4b7: {  	v4 =	vshll.u32 v3, $0x3  }
0x4b8: {  	v3 =	vand.u32 $0x7, v3;
	v4 =	vand.u32 $0xFFFFFFC0, v4  }
0x4b9: {  	v3 =	vor.u32 v3, v4  }
0x4ba: {  	v4 =	vperm.xlane v3, v0;
	_ =	sdelay $0x1  }
0x4bb: {  	v4 =	vadd.s32 v1, v4;
	_ =	sdelay $0x4  }
0x4bc: {  	[tilespmem:s4], [sflag:$0x2] =	stream.indirect_vreg.gather [hbm4b:s1+s18], $0x80, v4, vm0, $0xb8;
	[tilespmem:$0x18200] =	vst v63  }
0x4bd: {  	s11 =	simm.s32 $0x8A00;
	v3 =	vperm.xlane v3, v2  }
0x4be: {  	[tilespmem:s11], [sflag:$0x2] =	stream.indirect_vreg.gather [hbm4b:s5+s18], $0x80, v4, vm0, $0xb8;
	[tilespmem:$0x18200] =	vst v63  }
0x4bf: {  	s19 =	simm.s32 $0x9200;
	v3 =	vadd.s32 v1, v3  }
0x4c0: {  	[tilespmem:s19], [sflag:$0x2] =	stream.indirect_vreg.gather [hbm4b:s7+s18], $0x80, v4, vm0, $0xb8;
	[tilespmem:$0x18200] =	vst v63  }
0x4c1: {  	s25 =	simm.s32 $0x9A00  }
0x4c2: {  	[tilespmem:s25], [sflag:$0x2] =	stream.indirect_vreg.gather [hbm4b:s8+s18], $0x80, v4, vm0, $0xb8;
	[tilespmem:$0x18200] =	vst v63  }
0x4c3: {  	_ = 	snop  }
0x4c4: {  	[tilespmem:s12], [sflag:$0x2] =	stream.indirect_vreg.gather [hbm4b:s1+s18], $0x80, v3, vm0, $0xb8;
	[tilespmem:$0x18200] =	vst v63  }
0x4c5: {  	_ = 	snop  }
0x4c6: {  	[tilespmem:s13], [sflag:$0x2] =	stream.indirect_vreg.gather [hbm4b:s5+s18], $0x80, v3, vm0, $0xb8;
	[tilespmem:$0x18200] =	vst v63  }
0x4c7: {  	_ = 	snop  }
0x4c8: {  	[tilespmem:s14], [sflag:$0x2] =	stream.indirect_vreg.gather [hbm4b:s7+s18], $0x80, v3, vm0, $0xb8;
	[tilespmem:$0x18200] =	vst v63  }
0x4c9: {  	s19 =	simm.s32 $0x0;
	s25 =	simm.s32 $0x0  }
0x4ca: {  	[tilespmem:s15], [sflag:$0x2] =	stream.indirect_vreg.gather [hbm4b:s8+s18], $0x80, v3, vm0, $0xb8;
	[tilespmem:$0x18200] =	vst v63  }
.LBB2_58:
0x4cb: {  	s9 =	sshll.u32 s19, $0x2;
	s10 =	sand.u32 $0x7, s18  }
0x4cc: {  	s9 =	sand.u32 $0xFFFF8000, s9;
	s10 =	sshll.u32 s10, $0x9  }
0x4cd: {  	s9 =	sor.u32 s10, s9  }
0x4ce: {  	s9 =	sshrl.u32 s9, $0x2  }
0x4cf: {  	s9 =	sadd.s32 $0x10240, s9  }
0x4d0: {  	v4 =	vld [tilespmem:s9+$0xFFFFFFC0];
	_ =	sdelay $0x1  }
0x4d1: {  	v7 =	vld [tilespmem:s9+$0xFFFFFFD0]  }
0x4d2: {  	v9 =	vld [tilespmem:s9+$0xFFFFFFE0]  }
0x4d3: {  	v5 =	vld [tilespmem:s9+$0x0]  }
0x4d4: {  	v3 =	vld [tilespmem:s9+$0x10];
	v8 =	vmul.f32 $3.200000000e+01, v4  }
0x4d5: {  	v6 =	vld [tilespmem:s9+$0x20]  }
0x4d6: {  	v4 =	vld [tilespmem:s9+$0x30];
	[tilespmem:s9+$0xFFFFFFC0] =	vst v8;
	v8 =	vmul.f32 $3.200000000e+01, v7  }
0x4d7: {  	s10 =	simm.s32 $0x0;
	s11 =	sadd.s32 $0x400, s9;
	v9 =	vmul.f32 $3.200000000e+01, v9;
	v7 =	vld [tilespmem:s9+$0xFFFFFFF0]  }
.LBB2_59:
0x4d8: {  	v10 =	vld [tilespmem:s11+$0xFFFFFFC0];
	[tilespmem:s9+$0xFFFFFFD0] =	vst v8;
	v5 =	vmul.f32 $3.200000000e+01, v5  }
0x4d9: {  	s10 =	sadd.s32 $0x8, s10;
	v8 =	vld [tilespmem:s11+$0xFFFFFFD0];
	[tilespmem:s9+$0xFFFFFFE0] =	vst v9;
	v3 =	vmul.f32 $3.200000000e+01, v3  }
0x4da: {  	p0 =	slt.u32 s10, $0x38;
	v9 =	vld [tilespmem:s11+$0xFFFFFFE0];
	[tilespmem:s9+$0x0] =	vst v5;
	v6 =	vmul.f32 $3.200000000e+01, v6  }
.Ltmp28:
0x4db: {  	v5 =	vld [tilespmem:s11+$0x0];
	[tilespmem:s9+$0x10] =	vst v3;
	v4 =	vmul.f32 $3.200000000e+01, v4;
	(pc) =	sbr.rel @p0 .LBB2_59-.Ltmp28, $4  }
0x4dc: {  	v3 =	vld [tilespmem:s11+$0x10];
	v7 =	vmul.f32 $3.200000000e+01, v7;
	[tilespmem:s9+$0x20] =	vst v6  }
0x4dd: {  	v10 =	vmul.f32 $3.200000000e+01, v10;
	v6 =	vld [tilespmem:s11+$0x20];
	[tilespmem:s9+$0x30] =	vst v4  }
0x4de: {  	v8 =	vmul.f32 $3.200000000e+01, v8;
	v4 =	vld [tilespmem:s11+$0x30];
	[tilespmem:s9+$0xFFFFFFF0] =	vst v7;
	s9 =	smov.u32 s11  }
0x4df: {  	s11 =	sadd.s32 $0x400, s11;
	[tilespmem:s9+$0xFFFFFFC0] =	vst v10;
	v9 =	vmul.f32 $3.200000000e+01, v9;
	v7 =	vld [tilespmem:s9+$0xFFFFFFF0]  }
0x4e0: {  	[tilespmem:s9+$0xFFFFFFD0] =	vst v8;
	v5 =	vmul.f32 $3.200000000e+01, v5;
	s25 =	sadd.s32 $0x1, s25  }
0x4e1: {  	[tilespmem:s9+$0xFFFFFFE0] =	vst v9;
	v3 =	vmul.f32 $3.200000000e+01, v3;
	p0 =	sne.s32 s25, $0x20  }
.Ltmp29:
0x4e2: {  	[tilespmem:s9+$0x0] =	vst v5;
	v62 =	vmul.f32 $3.200000000e+01, v6;
	(pc) =	sbr.rel @p0 .LBB2_58-.Ltmp29, $4  }
0x4e3: {  	[tilespmem:s9+$0x10] =	vst v3;
	v3 =	vmul.f32 $3.200000000e+01, v4  }
0x4e4: {  	v63 =	vmul.f32 $3.200000000e+01, v7;
	[tilespmem:s9+$0x20] =	vst v62  }
0x4e5: {  	[tilespmem:s9+$0x30] =	vst v3  }
0x4e6: {  	s19 =	sadd.s32 $0x400, s19;
	s18 =	sadd.s32 $0x1, s18;
	[tilespmem:s9+$0xFFFFFFF0] =	vst v63  }
0x4e7: {  	s18 =	simm.s32 $0x0;
	s9 =	rddreg [dreg:$0x13]  }
0x4e8: {  	[hbm4b:s9+s18] =	stream.linear.scatter [tilespmem:s21], [sflag:$0x6], $0x8000, $0x38;
	[tilespmem:$0x18200] =	vst v63  }
0x4e9: {  	_ =	swait.ge [sflag:s20], $0x8000  }
0x4ea: {  	[sflag:s20] =	ssyncset.done $0x0  }
0x4eb: {  	[sflag:s20] =	ssyncadd.s32 $0xFFFF8000  }
0x4ec: {  	_ =	swait.ge [sflag:s16], $0x8000  }
0x4ed: {  	[sflag:s16] =	ssyncset.done $0x0  }
0x4ee: {  	[sflag:s16] =	ssyncadd.s32 $0xFFFF8000  }
0x4ef: {  	v3 =	vld.msk [tilespmem:$0x1F0], $0xff;
	_ =	sdelay $0x4  }
0x4f0: {  	v4 =	vshll.u32 v3, $0x3  }
0x4f1: {  	v3 =	vand.u32 $0x7, v3;
	v4 =	vand.u32 $0xFFFFFFC0, v4  }
0x4f2: {  	v3 =	vor.u32 v3, v4  }
0x4f3: {  	v3 =	vperm.xlane v3, v0;
	_ =	sdelay $0x1  }
0x4f4: {  	v3 =	vadd.s32 v1, v3;
	_ =	sdelay $0x4  }
0x4f5: {  	[tilespmem:s21], [sflag:$0x3] =	stream.indirect_vreg.gather [hbm4b:s1+s18], $0x80, v3, vm0, $0xb8;
	[tilespmem:$0x18200] =	vst v63  }
0x4f6: {  	_ = 	snop  }
0x4f7: {  	[tilespmem:s22], [sflag:$0x3] =	stream.indirect_vreg.gather [hbm4b:s5+s18], $0x80, v3, vm0, $0xb8;
	[tilespmem:$0x18200] =	vst v63  }
0x4f8: {  	_ = 	snop  }
0x4f9: {  	[tilespmem:s23], [sflag:$0x3] =	stream.indirect_vreg.gather [hbm4b:s7+s18], $0x80, v3, vm0, $0xb8;
	[tilespmem:$0x18200] =	vst v63  }
0x4fa: {  	s19 =	simm.s32 $0x0;
	s25 =	simm.s32 $0x0  }
0x4fb: {  	[tilespmem:s24], [sflag:$0x3] =	stream.indirect_vreg.gather [hbm4b:s8+s18], $0x80, v3, vm0, $0xb8;
	[tilespmem:$0x18200] =	vst v63  }
.LBB2_62:
0x4fc: {  	s9 =	sshll.u32 s19, $0x2;
	s10 =	sand.u32 $0x7, s18  }
0x4fd: {  	s9 =	sand.u32 $0xFFFF8000, s9;
	s10 =	sshll.u32 s10, $0x9  }
0x4fe: {  	s9 =	sor.u32 s10, s9  }
0x4ff: {  	s9 =	sshrl.u32 s9, $0x2  }
0x500: {  	s9 =	sadd.s32 $0x240, s9  }
0x501: {  	v4 =	vld [tilespmem:s9+$0xFFFFFFC0];
	_ =	sdelay $0x1  }
0x502: {  	v7 =	vld [tilespmem:s9+$0xFFFFFFD0]  }
0x503: {  	v9 =	vld [tilespmem:s9+$0xFFFFFFE0]  }
0x504: {  	v5 =	vld [tilespmem:s9+$0x0]  }
0x505: {  	v3 =	vld [tilespmem:s9+$0x10];
	v8 =	vmul.f32 $3.200000000e+01, v4  }
0x506: {  	v6 =	vld [tilespmem:s9+$0x20]  }
0x507: {  	v4 =	vld [tilespmem:s9+$0x30];
	[tilespmem:s9+$0xFFFFFFC0] =	vst v8;
	v8 =	vmul.f32 $3.200000000e+01, v7  }
0x508: {  	s10 =	simm.s32 $0x0;
	s11 =	sadd.s32 $0x400, s9;
	v9 =	vmul.f32 $3.200000000e+01, v9;
	v7 =	vld [tilespmem:s9+$0xFFFFFFF0]  }
.LBB2_63:
0x509: {  	v10 =	vld [tilespmem:s11+$0xFFFFFFC0];
	[tilespmem:s9+$0xFFFFFFD0] =	vst v8;
	v5 =	vmul.f32 $3.200000000e+01, v5  }
0x50a: {  	s10 =	sadd.s32 $0x8, s10;
	v8 =	vld [tilespmem:s11+$0xFFFFFFD0];
	[tilespmem:s9+$0xFFFFFFE0] =	vst v9;
	v3 =	vmul.f32 $3.200000000e+01, v3  }
0x50b: {  	p0 =	slt.u32 s10, $0x38;
	v9 =	vld [tilespmem:s11+$0xFFFFFFE0];
	[tilespmem:s9+$0x0] =	vst v5;
	v6 =	vmul.f32 $3.200000000e+01, v6  }
.Ltmp30:
0x50c: {  	v5 =	vld [tilespmem:s11+$0x0];
	[tilespmem:s9+$0x10] =	vst v3;
	v4 =	vmul.f32 $3.200000000e+01, v4;
	(pc) =	sbr.rel @p0 .LBB2_63-.Ltmp30, $4  }
0x50d: {  	v3 =	vld [tilespmem:s11+$0x10];
	v7 =	vmul.f32 $3.200000000e+01, v7;
	[tilespmem:s9+$0x20] =	vst v6  }
0x50e: {  	v10 =	vmul.f32 $3.200000000e+01, v10;
	v6 =	vld [tilespmem:s11+$0x20];
	[tilespmem:s9+$0x30] =	vst v4  }
0x50f: {  	v8 =	vmul.f32 $3.200000000e+01, v8;
	v4 =	vld [tilespmem:s11+$0x30];
	[tilespmem:s9+$0xFFFFFFF0] =	vst v7;
	s9 =	smov.u32 s11  }
0x510: {  	s11 =	sadd.s32 $0x400, s11;
	[tilespmem:s9+$0xFFFFFFC0] =	vst v10;
	v9 =	vmul.f32 $3.200000000e+01, v9;
	v7 =	vld [tilespmem:s9+$0xFFFFFFF0]  }
0x511: {  	[tilespmem:s9+$0xFFFFFFD0] =	vst v8;
	v5 =	vmul.f32 $3.200000000e+01, v5;
	s25 =	sadd.s32 $0x1, s25  }
0x512: {  	[tilespmem:s9+$0xFFFFFFE0] =	vst v9;
	v3 =	vmul.f32 $3.200000000e+01, v3;
	p0 =	sne.s32 s25, $0x20  }
.Ltmp31:
0x513: {  	[tilespmem:s9+$0x0] =	vst v5;
	v62 =	vmul.f32 $3.200000000e+01, v6;
	(pc) =	sbr.rel @p0 .LBB2_62-.Ltmp31, $4  }
0x514: {  	[tilespmem:s9+$0x10] =	vst v3;
	v3 =	vmul.f32 $3.200000000e+01, v4  }
0x515: {  	v63 =	vmul.f32 $3.200000000e+01, v7;
	[tilespmem:s9+$0x20] =	vst v62  }
0x516: {  	[tilespmem:s9+$0x30] =	vst v3  }
0x517: {  	s19 =	sadd.s32 $0x400, s19;
	s18 =	sadd.s32 $0x1, s18;
	[tilespmem:s9+$0xFFFFFFF0] =	vst v63  }
0x518: {  	s18 =	simm.s32 $0x0;
	s9 =	rddreg [dreg:$0x14]  }
0x519: {  	[hbm4b:s9+s18] =	stream.linear.scatter [tilespmem:s30], [sflag:$0x4], $0x8000, $0x38;
	[tilespmem:$0x18200] =	vst v63  }
0x51a: {  	_ =	swait.ge [sflag:s31], $0x4000  }
0x51b: {  	[sflag:s31] =	ssyncset.done $0x0  }
0x51c: {  	[sflag:s31] =	ssyncadd.s32 $0xFFFFC000  }
0x51d: {  	_ =	swait.ge [sflag:s6], $0x8000  }
0x51e: {  	[sflag:s6] =	ssyncset.done $0x0  }
0x51f: {  	[sflag:s6] =	ssyncadd.s32 $0xFFFF8000  }
0x520: {  	v3 =	vld.msk [tilespmem:$0x1F8], $0xff;
	_ =	sdelay $0x4  }
0x521: {  	v4 =	vshll.u32 v3, $0x3  }
0x522: {  	v3 =	vand.u32 $0x7, v3;
	v4 =	vand.u32 $0xFFFFFFC0, v4  }
0x523: {  	v3 =	vor.u32 v3, v4  }
0x524: {  	v3 =	vperm.xlane v3, v0;
	_ =	sdelay $0x1  }
0x525: {  	v3 =	vadd.s32 v1, v3;
	_ =	sdelay $0x4  }
0x526: {  	[tilespmem:s30], [sflag:$0x1] =	stream.indirect_vreg.gather [hbm4b:s1+s18], $0x80, v3, vm0, $0xb8;
	[tilespmem:$0x18200] =	vst v63  }
0x527: {  	_ = 	snop  }
0x528: {  	[tilespmem:s0], [sflag:$0x1] =	stream.indirect_vreg.gather [hbm4b:s5+s18], $0x80, v3, vm0, $0xb8;
	[tilespmem:$0x18200] =	vst v63  }
0x529: {  	_ = 	snop  }
0x52a: {  	[tilespmem:s2], [sflag:$0x1] =	stream.indirect_vreg.gather [hbm4b:s7+s18], $0x80, v3, vm0, $0xb8;
	[tilespmem:$0x18200] =	vst v63  }
0x52b: {  	s19 =	simm.s32 $0x0;
	s25 =	simm.s32 $0x0  }
0x52c: {  	[tilespmem:s29], [sflag:$0x1] =	stream.indirect_vreg.gather [hbm4b:s8+s18], $0x80, v3, vm0, $0xb8;
	[tilespmem:$0x18200] =	vst v63  }
.LBB2_66:
0x52d: {  	s9 =	sshll.u32 s19, $0x2;
	s10 =	sand.u32 $0x7, s18  }
0x52e: {  	s9 =	sand.u32 $0xFFFF8000, s9;
	s10 =	sshll.u32 s10, $0x9  }
0x52f: {  	s9 =	sor.u32 s10, s9  }
0x530: {  	s9 =	sshrl.u32 s9, $0x2  }
0x531: {  	s9 =	sadd.s32 $0x8240, s9  }
0x532: {  	v4 =	vld [tilespmem:s9+$0xFFFFFFC0];
	_ =	sdelay $0x1  }
0x533: {  	v7 =	vld [tilespmem:s9+$0xFFFFFFD0]  }
0x534: {  	v9 =	vld [tilespmem:s9+$0xFFFFFFE0]  }
0x535: {  	v5 =	vld [tilespmem:s9+$0x0]  }
0x536: {  	v3 =	vld [tilespmem:s9+$0x10];
	v8 =	vmul.f32 $3.200000000e+01, v4  }
0x537: {  	v6 =	vld [tilespmem:s9+$0x20]  }
0x538: {  	v4 =	vld [tilespmem:s9+$0x30];
	[tilespmem:s9+$0xFFFFFFC0] =	vst v8;
	v8 =	vmul.f32 $3.200000000e+01, v7  }
0x539: {  	s10 =	simm.s32 $0x0;
	s11 =	sadd.s32 $0x400, s9;
	v9 =	vmul.f32 $3.200000000e+01, v9;
	v7 =	vld [tilespmem:s9+$0xFFFFFFF0]  }
.LBB2_67:
0x53a: {  	v10 =	vld [tilespmem:s11+$0xFFFFFFC0];
	[tilespmem:s9+$0xFFFFFFD0] =	vst v8;
	v5 =	vmul.f32 $3.200000000e+01, v5  }
0x53b: {  	s10 =	sadd.s32 $0x8, s10;
	v8 =	vld [tilespmem:s11+$0xFFFFFFD0];
	[tilespmem:s9+$0xFFFFFFE0] =	vst v9;
	v3 =	vmul.f32 $3.200000000e+01, v3  }
0x53c: {  	p0 =	slt.u32 s10, $0x38;
	v9 =	vld [tilespmem:s11+$0xFFFFFFE0];
	[tilespmem:s9+$0x0] =	vst v5;
	v6 =	vmul.f32 $3.200000000e+01, v6  }
.Ltmp32:
0x53d: {  	v5 =	vld [tilespmem:s11+$0x0];
	[tilespmem:s9+$0x10] =	vst v3;
	v4 =	vmul.f32 $3.200000000e+01, v4;
	(pc) =	sbr.rel @p0 .LBB2_67-.Ltmp32, $4  }
0x53e: {  	v3 =	vld [tilespmem:s11+$0x10];
	v7 =	vmul.f32 $3.200000000e+01, v7;
	[tilespmem:s9+$0x20] =	vst v6  }
0x53f: {  	v10 =	vmul.f32 $3.200000000e+01, v10;
	v6 =	vld [tilespmem:s11+$0x20];
	[tilespmem:s9+$0x30] =	vst v4  }
0x540: {  	v8 =	vmul.f32 $3.200000000e+01, v8;
	v4 =	vld [tilespmem:s11+$0x30];
	[tilespmem:s9+$0xFFFFFFF0] =	vst v7;
	s9 =	smov.u32 s11  }
0x541: {  	s11 =	sadd.s32 $0x400, s11;
	[tilespmem:s9+$0xFFFFFFC0] =	vst v10;
	v9 =	vmul.f32 $3.200000000e+01, v9;
	v7 =	vld [tilespmem:s9+$0xFFFFFFF0]  }
0x542: {  	[tilespmem:s9+$0xFFFFFFD0] =	vst v8;
	v5 =	vmul.f32 $3.200000000e+01, v5;
	s25 =	sadd.s32 $0x1, s25  }
0x543: {  	[tilespmem:s9+$0xFFFFFFE0] =	vst v9;
	v3 =	vmul.f32 $3.200000000e+01, v3;
	p0 =	sne.s32 s25, $0x10  }
.Ltmp33:
0x544: {  	[tilespmem:s9+$0x0] =	vst v5;
	v62 =	vmul.f32 $3.200000000e+01, v6;
	(pc) =	sbr.rel @p0 .LBB2_66-.Ltmp33, $4  }
0x545: {  	[tilespmem:s9+$0x10] =	vst v3;
	v3 =	vmul.f32 $3.200000000e+01, v4  }
0x546: {  	v63 =	vmul.f32 $3.200000000e+01, v7;
	[tilespmem:s9+$0x20] =	vst v62  }
0x547: {  	[tilespmem:s9+$0x30] =	vst v3  }
0x548: {  	s19 =	sadd.s32 $0x400, s19;
	s18 =	sadd.s32 $0x1, s18;
	[tilespmem:s9+$0xFFFFFFF0] =	vst v63  }
0x549: {  	s18 =	simm.s32 $0x0;
	s9 =	rddreg [dreg:$0x15]  }
0x54a: {  	[hbm4b:s9+s18] =	stream.linear.scatter [tilespmem:s4], [sflag:$0x5], $0x4000, $0x38;
	[tilespmem:$0x18200] =	vst v63  }
0x54b: {  	_ =	swait.ge [sflag:s26], $0x2000  }
0x54c: {  	[sflag:s26] =	ssyncset.done $0x0  }
0x54d: {  	s19 =	simm.s32 $0x10240;
	[sflag:s26] =	ssyncadd.s32 $0xFFFFE000  }
.LBB2_70:
0x54e: {  	v4 =	vld [tilespmem:s19+$0xFFFFFFC0];
	_ =	sdelay $0x1  }
0x54f: {  	v7 =	vld [tilespmem:s19+$0xFFFFFFD0]  }
0x550: {  	v9 =	vld [tilespmem:s19+$0xFFFFFFE0]  }
0x551: {  	v5 =	vld [tilespmem:s19+$0x0]  }
0x552: {  	v3 =	vld [tilespmem:s19+$0x10];
	v8 =	vmul.f32 $3.200000000e+01, v4  }
0x553: {  	v6 =	vld [tilespmem:s19+$0x20]  }
0x554: {  	v4 =	vld [tilespmem:s19+$0x30];
	[tilespmem:s19+$0xFFFFFFC0] =	vst v8;
	v8 =	vmul.f32 $3.200000000e+01, v7  }
0x555: {  	s25 =	simm.s32 $0x0;
	s10 =	sadd.s32 $0x400, s19;
	s9 =	smov.u32 s19;
	v9 =	vmul.f32 $3.200000000e+01, v9;
	v7 =	vld [tilespmem:s19+$0xFFFFFFF0]  }
.LBB2_71:
0x556: {  	v10 =	vld [tilespmem:s10+$0xFFFFFFC0];
	[tilespmem:s9+$0xFFFFFFD0] =	vst v8;
	v5 =	vmul.f32 $3.200000000e+01, v5  }
0x557: {  	s25 =	sadd.s32 $0x8, s25;
	v8 =	vld [tilespmem:s10+$0xFFFFFFD0];
	[tilespmem:s9+$0xFFFFFFE0] =	vst v9;
	v3 =	vmul.f32 $3.200000000e+01, v3  }
0x558: {  	p0 =	slt.u32 s25, $0x38;
	v9 =	vld [tilespmem:s10+$0xFFFFFFE0];
	[tilespmem:s9+$0x0] =	vst v5;
	v6 =	vmul.f32 $3.200000000e+01, v6  }
.Ltmp34:
0x559: {  	v5 =	vld [tilespmem:s10+$0x0];
	[tilespmem:s9+$0x10] =	vst v3;
	v4 =	vmul.f32 $3.200000000e+01, v4;
	(pc) =	sbr.rel @p0 .LBB2_71-.Ltmp34, $4  }
0x55a: {  	v3 =	vld [tilespmem:s10+$0x10];
	v7 =	vmul.f32 $3.200000000e+01, v7;
	[tilespmem:s9+$0x20] =	vst v6  }
0x55b: {  	v10 =	vmul.f32 $3.200000000e+01, v10;
	v6 =	vld [tilespmem:s10+$0x20];
	[tilespmem:s9+$0x30] =	vst v4  }
0x55c: {  	v8 =	vmul.f32 $3.200000000e+01, v8;
	v4 =	vld [tilespmem:s10+$0x30];
	[tilespmem:s9+$0xFFFFFFF0] =	vst v7;
	s9 =	smov.u32 s10  }
0x55d: {  	s10 =	sadd.s32 $0x400, s10;
	[tilespmem:s9+$0xFFFFFFC0] =	vst v10;
	v9 =	vmul.f32 $3.200000000e+01, v9;
	v7 =	vld [tilespmem:s9+$0xFFFFFFF0]  }
0x55e: {  	[tilespmem:s9+$0xFFFFFFD0] =	vst v8;
	v5 =	vmul.f32 $3.200000000e+01, v5;
	s18 =	sadd.s32 $0x1, s18  }
0x55f: {  	[tilespmem:s9+$0xFFFFFFE0] =	vst v9;
	v3 =	vmul.f32 $3.200000000e+01, v3;
	p0 =	sne.s32 s18, $0x8  }
.Ltmp35:
0x560: {  	[tilespmem:s9+$0x0] =	vst v5;
	v62 =	vmul.f32 $3.200000000e+01, v6;
	(pc) =	sbr.rel @p0 .LBB2_70-.Ltmp35, $4  }
0x561: {  	[tilespmem:s9+$0x10] =	vst v3;
	v3 =	vmul.f32 $3.200000000e+01, v4  }
0x562: {  	v63 =	vmul.f32 $3.200000000e+01, v7;
	[tilespmem:s9+$0x20] =	vst v62  }
0x563: {  	[tilespmem:s9+$0x30] =	vst v3  }
0x564: {  	s19 =	sadd.s32 $0x80, s19;
	[tilespmem:s9+$0xFFFFFFF0] =	vst v63  }
0x565: {  	s18 =	simm.s32 $0x0;
	s9 =	rddreg [dreg:$0x17]  }
0x566: {  	[hbm4b:s9+s18] =	stream.linear.scatter [tilespmem:s21], [sflag:$0x6], $0x2000, $0x38;
	[tilespmem:$0x18200] =	vst v63  }
0x567: {  	_ =	swait.ge [sflag:s20], $0x2000  }
0x568: {  	[sflag:s20] =	ssyncset.done $0x0  }
0x569: {  	s19 =	simm.s32 $0x240;
	[sflag:s20] =	ssyncadd.s32 $0xFFFFE000  }
.LBB2_74:
0x56a: {  	v4 =	vld [tilespmem:s19+$0xFFFFFFC0];
	_ =	sdelay $0x1  }
0x56b: {  	v7 =	vld [tilespmem:s19+$0xFFFFFFD0]  }
0x56c: {  	v9 =	vld [tilespmem:s19+$0xFFFFFFE0]  }
0x56d: {  	v5 =	vld [tilespmem:s19+$0x0]  }
0x56e: {  	v3 =	vld [tilespmem:s19+$0x10];
	v8 =	vmul.f32 $3.200000000e+01, v4  }
0x56f: {  	v6 =	vld [tilespmem:s19+$0x20]  }
0x570: {  	v4 =	vld [tilespmem:s19+$0x30];
	[tilespmem:s19+$0xFFFFFFC0] =	vst v8;
	v8 =	vmul.f32 $3.200000000e+01, v7  }
0x571: {  	s25 =	simm.s32 $0x0;
	s10 =	sadd.s32 $0x400, s19;
	s9 =	smov.u32 s19;
	v9 =	vmul.f32 $3.200000000e+01, v9;
	v7 =	vld [tilespmem:s19+$0xFFFFFFF0]  }
.LBB2_75:
0x572: {  	v10 =	vld [tilespmem:s10+$0xFFFFFFC0];
	[tilespmem:s9+$0xFFFFFFD0] =	vst v8;
	v5 =	vmul.f32 $3.200000000e+01, v5  }
0x573: {  	s25 =	sadd.s32 $0x8, s25;
	v8 =	vld [tilespmem:s10+$0xFFFFFFD0];
	[tilespmem:s9+$0xFFFFFFE0] =	vst v9;
	v3 =	vmul.f32 $3.200000000e+01, v3  }
0x574: {  	p0 =	slt.u32 s25, $0x38;
	v9 =	vld [tilespmem:s10+$0xFFFFFFE0];
	[tilespmem:s9+$0x0] =	vst v5;
	v6 =	vmul.f32 $3.200000000e+01, v6  }
.Ltmp36:
0x575: {  	v5 =	vld [tilespmem:s10+$0x0];
	[tilespmem:s9+$0x10] =	vst v3;
	v4 =	vmul.f32 $3.200000000e+01, v4;
	(pc) =	sbr.rel @p0 .LBB2_75-.Ltmp36, $4  }
0x576: {  	v3 =	vld [tilespmem:s10+$0x10];
	v7 =	vmul.f32 $3.200000000e+01, v7;
	[tilespmem:s9+$0x20] =	vst v6  }
0x577: {  	v10 =	vmul.f32 $3.200000000e+01, v10;
	v6 =	vld [tilespmem:s10+$0x20];
	[tilespmem:s9+$0x30] =	vst v4  }
0x578: {  	v8 =	vmul.f32 $3.200000000e+01, v8;
	v4 =	vld [tilespmem:s10+$0x30];
	[tilespmem:s9+$0xFFFFFFF0] =	vst v7;
	s9 =	smov.u32 s10  }
0x579: {  	s10 =	sadd.s32 $0x400, s10;
	[tilespmem:s9+$0xFFFFFFC0] =	vst v10;
	v9 =	vmul.f32 $3.200000000e+01, v9;
	v7 =	vld [tilespmem:s9+$0xFFFFFFF0]  }
0x57a: {  	[tilespmem:s9+$0xFFFFFFD0] =	vst v8;
	v5 =	vmul.f32 $3.200000000e+01, v5;
	s18 =	sadd.s32 $0x1, s18  }
0x57b: {  	[tilespmem:s9+$0xFFFFFFE0] =	vst v9;
	v3 =	vmul.f32 $3.200000000e+01, v3;
	p0 =	sne.s32 s18, $0x8  }
.Ltmp37:
0x57c: {  	[tilespmem:s9+$0x0] =	vst v5;
	v62 =	vmul.f32 $3.200000000e+01, v6;
	(pc) =	sbr.rel @p0 .LBB2_74-.Ltmp37, $4  }
0x57d: {  	[tilespmem:s9+$0x10] =	vst v3;
	v3 =	vmul.f32 $3.200000000e+01, v4  }
0x57e: {  	v63 =	vmul.f32 $3.200000000e+01, v7;
	[tilespmem:s9+$0x20] =	vst v62  }
0x57f: {  	[tilespmem:s9+$0x30] =	vst v3  }
0x580: {  	s19 =	sadd.s32 $0x80, s19;
	[tilespmem:s9+$0xFFFFFFF0] =	vst v63  }
0x581: {  	s9 =	rddreg [dreg:$0x18]  }
0x582: {  	[hbm4b:s9+s3] =	stream.linear.scatter [tilespmem:s30], [sflag:$0x4], $0x2000, $0x38;
	[tilespmem:$0x18200] =	vst v63  }
0x583: {  	_ =	swait.ge [sflag:s28], $0x4000  }
0x584: {  	[sflag:s28] =	ssyncset.done $0x0  }
0x585: {  	[sflag:s28] =	ssyncadd.s32 $0xFFFFC000  }
0x586: {  	_ =	swait.ge [sflag:s16], $0x2000  }
0x587: {  	[sflag:s16] =	ssyncset.done $0x0  }
0x588: {  	[sflag:s16] =	ssyncadd.s32 $0xFFFFE000  }
0x589: {  	_ =	swait.ge [sflag:s6], $0x2000  }
0x58a: {  	s17 =	sadd.s32 $0x1, s17;
	s25 =	rddreg [dreg:$0x16]  }
0x58b: {  	p0 =	sne.s32 s17, s25  }
.Ltmp38:
0x58c: {  	_ = 	snop;
	(pc) =	sbr.rel @p0 .LBB2_1-.Ltmp38, $3  }
0x58d: {  	_ =	sdelay $0x1  }
0x58e: {  	[sflag:s6] =	ssyncset.done $0x0  }
0x58f: {  	[sflag:s6] =	ssyncadd.s32 $0xFFFFE000  }
0x590: {  	_ =	sfence.sel $0x180000  }
0x591: {  	[bflag:$0x0] =	sbarrier.arrive $0xFFFF  }
0x592: {  	_ =	strace $0x90000047  }
0x593: {  	s0 =	stileid.u32;
	[bflag:$0x2] =	sbarrier.arrive $0xFFFF  }
0x594: {  	p0 =	sne.s32 s0, $0x0;
	s0 =	rddreg [dreg:$0x3]  }
0x595: {  	s0 =	sadd.s32 @!p0 $0x100000, s0  }
0x596: {  	[sflag:s0] =	ssyncadd.tile.s32 @!p0 $0x1;
	_ =	shalt  }
.Lfunc_end2:
_tile_overlayer_lowered:
.L_overlay_start_2:
0x597: {  	(tag) =	ssettag $0x2  }
0x598: {  	s0 =	rddreg [dreg:$0x0];
	s2 =	stileid.u32  }
0x599: {  	s1 =	rddreg [dreg:$0x1];
	p0 =	sne.s32 s2, $0x0  }
0x59a: {  	s3 =	rddreg [dreg:$0x2];
	[bflag:$0x3] =	sbarrier.arrive $0xFFFF;
	s2 =	simm.s32 @!p0 $0x1C07  }
0x59b: {  	[timem:s3], [sflag:s2] =	dma.local @!p0 [hbm:s0], s1  }
0x59c: {  	s0 =	simm.s32 @!p0 $0x7  }
0x59d: {  	_ =	swait.ge @!p0 [sflag:s0], s1  }
0x59e: {  	s1 =	ssub.s32 @!p0 $0x0, s1;
	[sflag:s0] =	ssyncset.done @!p0 $0x0  }
0x59f: {  	[sflag:s0] =	ssyncadd.s32 @!p0 s1  }
0x5a0: {  	[bflag:$0x3] =	sbarrier.arrive $0xFFFF  }
0x5a1: {  	_ =	shalt  }

</sc_bundles>
